<compile_context>
chip_gen: v7x
topology: tpu7x:2x2x1
jax: 0.10.2.dev20260603
libtpu: 0.0.44.dev20260713+nightly
codegen_flags: <defaults>
</compile_context>

<pallas_src>
import math

import numpy as np
import jax
import jax.numpy as jnp
from jax import lax
from jax.experimental import pallas as pl
from jax.experimental.pallas import tpu as pltpu
from jax.experimental.pallas import tpu_sc as plsc

_N = 50000
_E = 800000
_DI = 32
_DA = 32
_DE = 4
_NB = 10
_DR = 64
_DO = 64
_DM = 128

_BN = 1000
_BE = 6400
_C = 1280
_NCHUNK = _E // _C
_ROWS = _E // 128
_NH = 25000
_TR = 512
_SPR = 25600
_ZR = 1600


def _p1_body(x_ref, a_ref, dg_ref, wl_ref, wm_ref, ael_ref, aem_ref,
             sl_ref, sm_ref, nf_ref, nm_ref):
    x = x_ref[...]
    a = a_ref[...]
    r = lax.rsqrt(dg_ref[...])
    gl = jnp.dot(x, wl_ref[...], preferred_element_type=jnp.float32)
    gm = jnp.dot(x, wm_ref[...], preferred_element_type=jnp.float32)
    al = jnp.dot(a, ael_ref[...], preferred_element_type=jnp.float32)
    am = jnp.dot(a, aem_ref[...], preferred_element_type=jnp.float32)
    nf_ref[...] = jnp.dot(gl * al, sl_ref[...],
                          preferred_element_type=jnp.float32) * r
    nm_ref[...] = jnp.dot(gm * am, sm_ref[...],
                          preferred_element_type=jnp.float32)


def _p2_body(nf_hbm, src_hbm, out_hbm, nf_sh, idx_ref, rows_ref, sem):
    c = lax.axis_index("c")
    s = lax.axis_index("s")
    wid = s * 2 + c
    @pl.when(s < 15)
    def _():
        pltpu.sync_copy(nf_hbm.at[pl.ds(s * 3128, 3128)],
                        nf_sh.at[pl.ds(s * 3128, 3128)])

    @pl.when(s == 15)
    def _():
        pltpu.sync_copy(nf_hbm.at[pl.ds(15 * 3128, _N - 15 * 3128)],
                        nf_sh.at[pl.ds(15 * 3128, _N - 15 * 3128)])

    plsc.subcore_barrier()
    nchunks = (_NCHUNK - wid + 31) // 32

    def chunk(k, carry):
        cid = wid + k * 32
        r0 = cid * 10
        e0 = cid * _C
        pltpu.sync_copy(src_hbm.at[pl.ds(r0, 10)], idx_ref)
        d = pltpu.async_copy(nf_sh.at[idx_ref.at[0]], rows_ref.at[0], sem)
        for q in range(10):
            dn = None
            if q < 9:
                dn = pltpu.async_copy(nf_sh.at[idx_ref.at[q + 1]],
                                      rows_ref.at[(q + 1) % 2], sem)
            d.wait()
            pltpu.sync_copy(rows_ref.at[q % 2],
                            out_hbm.at[pl.ds(e0 + q * 128, 128), pl.ds(0, _DI)])
            d = dn
        return carry

    lax.fori_loop(0, nchunks, chunk, 0)


def _p3_body(el_ref, ea_ref, sf_ref, w1_ref, b1_ref, w2_ref, b2_ref,
             w3_ref, b3_ref, rm_ref, tm_ref, ef_ref):
    tdot = lambda a, b: lax.dot_general(
        a, b, (((0,), (0,)), ((), ())), preferred_element_type=jnp.float32)
    h = tdot(el_ref[...], w1_ref[...]) + b1_ref[...]
    h = h * jax.nn.sigmoid(h)
    h = jnp.dot(h, w2_ref[...], preferred_element_type=jnp.float32) + b2_ref[...]
    h = h * jax.nn.sigmoid(h)
    ew = jnp.dot(h, w3_ref[...], preferred_element_type=jnp.float32) + b3_ref[...]
    se = jnp.dot(sf_ref[...][:, :_DI], rm_ref[...],
                 preferred_element_type=jnp.float32)
    at = tdot(ea_ref[...], tm_ref[...])
    ef_ref[...] = se * at * ew


def _p4_body(ef_hbm, dst_hbm, z_hbm, out_hbm, acc_sh, ef_ref, idx_ref, sem, sem2):
    c = lax.axis_index("c")
    s = lax.axis_index("s")
    nchunks = (_NCHUNK - s + 15) // 16
    for p in range(2):
        col0 = 64 * p + 32 * c
        pltpu.sync_copy(z_hbm, acc_sh.at[pl.ds(s * 3128, 3128)])
        plsc.subcore_barrier()

        def chunk(k, carry):
            cid = s + k * 16
            r0 = cid * 10
            e0 = cid * _C
            pltpu.sync_copy(dst_hbm.at[pl.ds(r0, 10)], idx_ref)
            load = lambda q: pltpu.async_copy(
                ef_hbm.at[pl.ds(e0 + q * 128, 128), pl.ds(col0, 32)],
                ef_ref.at[q % 4], sem)
            lds = [load(q) for q in range(3)] + [None] * 7
            scs = [None] * 10
            for q in range(10):
                if q + 3 <= 9:
                    if q >= 1:
                        scs[q - 1].wait()
                    lds[q + 3] = load(q + 3)
                lds[q].wait()
                scs[q] = pltpu.async_copy(
                    ef_ref.at[q % 4], acc_sh.at[idx_ref.at[q]], sem2, add=True)
            for q in range(6, 10):
                scs[q].wait()
            return carry

        lax.fori_loop(0, nchunks, chunk, 0)
        plsc.subcore_barrier()

        @pl.when(s < 15)
        def _():
            pltpu.sync_copy(acc_sh.at[pl.ds(s * 3128, 3128)],
                            out_hbm.at[c, p, pl.ds(s * 3128, 3128)])

        @pl.when(s == 15)
        def _():
            pltpu.sync_copy(acc_sh.at[pl.ds(15 * 3128, _N - 15 * 3128)],
                            out_hbm.at[c, p, pl.ds(15 * 3128, _N - 15 * 3128)])


def _p5_body(q0_ref, q1_ref, q2_ref, q3_ref, a_ref, nm_ref, dg_ref,
             wo_ref, aem_ref, sm_ref, o_ref):
    r = lax.rsqrt(dg_ref[...])
    agg = jnp.concatenate(
        [q0_ref[...], q1_ref[...], q2_ref[...], q3_ref[...]], axis=1) * r
    g = jnp.dot(agg, wo_ref[...], preferred_element_type=jnp.float32)
    am = jnp.dot(a_ref[...], aem_ref[...], preferred_element_type=jnp.float32)
    o_ref[...] = nm_ref[...] + jnp.dot(
        g * am, sm_ref[...], preferred_element_type=jnp.float32)


def kernel(node_input, node_attr, node_deg, edge_src, edge_dst, edge_attr,
           edge_length_embedded, W_lin_in, W_mask, W1, b1, W2, b2, W3, b3, W_out):
    f32 = jnp.float32
    c_s, c_x = math.sin(math.pi / 8), math.cos(math.pi / 8)

    wl = W_lin_in.reshape(_DI, _DA * _DI) * (1.0 / 32.0)
    wm = W_mask.reshape(_DI, _DA * _DO) * (c_s / 32.0)
    wo = W_out.reshape(_DM, _DA * _DO) * (c_x / 64.0)
    w3 = W3 * 0.5
    b3s = (b3 * 0.5).reshape(1, _DM)
    b1r = b1.reshape(1, _DR)
    b2r = b2.reshape(1, _DR)

    rm_np = np.zeros((_DI, _DM), np.float32)
    tm_np = np.zeros((_DE, _DM), np.float32)
    for i in range(_DI):
        rm_np[i, 4 * i:4 * i + 4] = 1.0
    for cc in range(_DE):
        tm_np[cc, cc::4] = 1.0
    ael_np = np.zeros((_DA, _DA * _DI), np.float32)
    aem_np = np.zeros((_DA, _DA * _DO), np.float32)
    for j in range(_DA):
        ael_np[j, j * _DI:(j + 1) * _DI] = 1.0
        aem_np[j, j * _DO:(j + 1) * _DO] = 1.0
    sl_np = np.tile(np.eye(_DI, dtype=np.float32), (_DA, 1))
    sm_np = np.tile(np.eye(_DO, dtype=np.float32), (_DA, 1))
    rm, tm = jnp.asarray(rm_np), jnp.asarray(tm_np)
    ael, aem = jnp.asarray(ael_np), jnp.asarray(aem_np)
    sl, sm = jnp.asarray(sl_np), jnp.asarray(sm_np)

    grid_n = _N // _BN
    nspec = lambda w: pl.BlockSpec((_BN, w), lambda i: (i, 0))
    full = lambda *shp: pl.BlockSpec(shp, lambda i: tuple(0 for _ in shp))

    nf, nm = pl.pallas_call(
        _p1_body,
        grid=(grid_n,),
        in_specs=[nspec(_DI), nspec(_DA), nspec(1),
                  full(_DI, _DA * _DI), full(_DI, _DA * _DO),
                  full(_DA, _DA * _DI), full(_DA, _DA * _DO),
                  full(_DA * _DI, _DI), full(_DA * _DO, _DO)],
        out_specs=[nspec(_DI), nspec(_DO)],
        out_shape=[jax.ShapeDtypeStruct((_N, _DI), f32),
                   jax.ShapeDtypeStruct((_N, _DO), f32)],
    )(node_input, node_attr, node_deg, wl, wm, ael, aem, sl, sm)

    mesh = plsc.VectorSubcoreMesh(core_axis_name="c", subcore_axis_name="s")
    sc_params = pltpu.CompilerParams(use_tc_tiling_on_sc=False)
    src2d = edge_src.reshape(_ROWS, 128)
    src_feat = pl.kernel(
        _p2_body,
        out_type=jax.ShapeDtypeStruct((_E, 128), f32),
        mesh=mesh,
        compiler_params=sc_params,
        scratch_types=[pltpu.VMEM_SHARED((_N, _DI), f32),
                       pltpu.VMEM((10, 128), jnp.int32),
                       pltpu.VMEM((2, 128, _DI), f32),
                       pltpu.SemaphoreType.DMA],
    )(nf, src2d)

    grid_e = _E // _BE
    espec = lambda w: pl.BlockSpec((_BE, w), lambda i: (i, 0))
    tspec = lambda h: pl.BlockSpec((h, _BE), lambda i: (0, i))
    ef = pl.pallas_call(
        _p3_body,
        grid=(grid_e,),
        in_specs=[tspec(_NB), tspec(_DE), espec(128),
                  full(_NB, _DR), full(1, _DR), full(_DR, _DR), full(1, _DR),
                  full(_DR, _DM), full(1, _DM), full(_DI, _DM), full(_DE, _DM)],
        out_specs=[pl.BlockSpec((_BE, _DM), lambda i: (i, 0))],
        out_shape=[jax.ShapeDtypeStruct((_E, _DM), f32)],
        compiler_params=pltpu.CompilerParams(fuse_transposed_lhs_in_matmul=True),
    )(edge_length_embedded.T, edge_attr.T, src_feat,
      W1, b1r, W2, b2r, w3, b3s, rm, tm)[0]

    dst2d = edge_dst.reshape(_ROWS, 128)
    zrows = jnp.zeros((3128, 32), f32)
    agg4 = pl.kernel(
        _p4_body,
        out_type=jax.ShapeDtypeStruct((2, 2, _N, 32), f32),
        mesh=plsc.VectorSubcoreMesh(core_axis_name="c", subcore_axis_name="s"),
        compiler_params=sc_params,
        scratch_types=[pltpu.VMEM_SHARED((16 * 3128, 32), f32),
                       pltpu.VMEM((4, 128, 32), f32),
                       pltpu.VMEM((10, 128), jnp.int32),
                       pltpu.SemaphoreType.DMA,
                       pltpu.SemaphoreType.DMA],
    )(ef, dst2d, zrows)

    q0, q1, q2, q3 = agg4[0, 0], agg4[1, 0], agg4[0, 1], agg4[1, 1]

    out = pl.pallas_call(
        _p5_body,
        grid=(grid_n,),
        in_specs=[nspec(32), nspec(32), nspec(32), nspec(32),
                  nspec(_DA), nspec(_DO), nspec(1),
                  full(_DM, _DA * _DO),
                  full(_DA, _DA * _DO), full(_DA * _DO, _DO)],
        out_specs=[nspec(_DO)],
        out_shape=[jax.ShapeDtypeStruct((_N, _DO), f32)],
    )(q0, q1, q2, q3, node_attr, nm, node_deg, wo, aem, sm)[0]
    return out

# --- scband reference (transcript-rebuilt; emitter-appended) ---
"""Pipeline reference for scband-graph-network-k-mvn-53996328845316 (READ-ONLY COPY).

The authoritative reference and input builder live on the scoring server;
editing this copy changes nothing except your own understanding.
"""

import jax, jax.numpy as jnp
import numpy as np
import math

N_NODES = 50000
N_EDGES = 800000
D_IN = 32
D_ATTR = 32
D_EDGE = 4
N_BASIS = 10
RADIAL = 64
D_OUT = 64
D_MID = D_IN * D_EDGE  # 128, 'uvu' tensor product mid irreps (scalar approximation)


def setup_inputs(seed: int = 0) -> dict:
    key = jax.random.key(seed)
    ks = jax.random.split(key, 16)
    inp = {}
    inp["node_input"] = jax.random.normal(ks[0], (N_NODES, D_IN), dtype=jnp.float32)
    inp["node_attr"] = jax.random.normal(ks[1], (N_NODES, D_ATTR), dtype=jnp.float32)
    inp["node_deg"] = jnp.ones((N_NODES, 1), dtype=jnp.float32)
    inp["edge_src"] = jax.random.randint(ks[2], (N_EDGES,), 0, N_NODES, dtype=jnp.int64 if jax.config.jax_enable_x64 else jnp.int32)
    inp["edge_dst"] = jax.random.randint(ks[3], (N_EDGES,), 0, N_NODES, dtype=jnp.int64 if jax.config.jax_enable_x64 else jnp.int32)
    inp["edge_attr"] = jax.random.normal(ks[4], (N_EDGES, D_EDGE), dtype=jnp.float32)
    inp["edge_length_embedded"] = jax.random.uniform(ks[5], (N_EDGES, N_BASIS), dtype=jnp.float32)
    # learned params
    inp["W_lin_in"] = jax.random.normal(ks[6], (D_IN, D_ATTR, D_IN), dtype=jnp.float32) * 0.05
    inp["W_mask"] = jax.random.normal(ks[7], (D_IN, D_ATTR, D_OUT), dtype=jnp.float32) * 0.05
    inp["W1"] = jax.random.normal(ks[8], (N_BASIS, RADIAL), dtype=jnp.float32) * (1.0 / math.sqrt(N_BASIS))
    inp["b1"] = jnp.zeros((RADIAL,), dtype=jnp.float32)
    inp["W2"] = jax.random.normal(ks[9], (RADIAL, RADIAL), dtype=jnp.float32) * (1.0 / math.sqrt(RADIAL))
    inp["b2"] = jnp.zeros((RADIAL,), dtype=jnp.float32)
    inp["W3"] = jax.random.normal(ks[10], (RADIAL, D_MID), dtype=jnp.float32) * (1.0 / math.sqrt(RADIAL))
    inp["b3"] = jnp.zeros((D_MID,), dtype=jnp.float32)
    inp["W_out"] = jax.random.normal(ks[11], (D_MID, D_ATTR, D_OUT), dtype=jnp.float32) * 0.05
    return inp


def _fctp(x, a, W):
    # FullyConnectedTensorProduct restricted to scalar (0e) irreps == normalized bilinear map
    d1, d2 = W.shape[0], W.shape[1]
    return jnp.einsum('ni,nj,ijk->nk', x, a, W) / jnp.sqrt(float(d1 * d2))


def reference(node_input, node_attr, node_deg, edge_src, edge_dst, edge_attr,
              edge_length_embedded, W_lin_in, W_mask, W1, b1, W2, b2, W3, b3, W_out):
    n = node_input.shape[0]
    E = edge_src.shape[0]
    # linear_input: FCTP(node_input, node_attr) then degree normalization
    node_features = _fctp(node_input, node_attr, W_lin_in)
    node_features = node_features / jnp.sqrt(node_deg)
    # linear_mask
    node_mask = _fctp(node_input, node_attr, W_mask)
    # edge2weight: FullyConnectedNet([10, 64, 64, weight_numel], silu)
    h = jax.nn.silu(edge_length_embedded @ W1 + b1)
    h = jax.nn.silu(h @ W2 + b2)
    edge_weight = h @ W3 + b3  # [E, D_MID]
    # tensor_edge ('uvu', shared_weights=False): per-edge weighted outer product (scalar approx)
    ew = edge_weight.reshape(E, D_IN, D_EDGE)
    src_feat = node_features[edge_src]  # gather [E, D_IN]
    edge_features = (src_feat[:, :, None] * edge_attr[:, None, :] * ew).reshape(E, D_MID) / jnp.sqrt(float(D_EDGE))
    # scatter-add over destination nodes
    agg = jax.ops.segment_sum(edge_features, edge_dst, num_segments=n)
    agg = agg / jnp.sqrt(node_deg)
    # linear_output
    node_output = _fctp(agg, node_attr, W_out)
    c_s, c_x = math.sin(math.pi / 8), math.cos(math.pi / 8)
    return c_s * node_mask + c_x * node_output

if __name__ == "__main__":
    import jax
    _d = setup_inputs()
    print(jax.jit(kernel)(*tuple(_d.values())))

</pallas_src>

<mosaic_0001>
#map = affine_map<(d0, d1) -> (0, 0)>
#map1 = affine_map<(d0, d1) -> (0, 0, 0, 0)>
module attributes {stable_mosaic.version = 14 : i64} {
  func.func @_p4_body(%arg0: i32, %arg1: i32, %arg2: memref<800000x128xf32, #tpu.memory_space<hbm>>, %arg3: memref<6250x128xi32, #tpu.memory_space<hbm>>, %arg4: memref<3128x32xf32, #tpu.memory_space<hbm>>, %arg5: memref<2x2x50000x32xf32, #tpu.memory_space<hbm>>, %arg6: memref<50048x32xf32, #tpu.memory_space<vmem_shared>>, %arg7: memref<4x128x32xf32, #tpu.memory_space<vmem>>, %arg8: memref<10x128xi32, #tpu.memory_space<vmem>>, %arg9: memref<!tpu.dma_semaphore, #tpu.memory_space<semaphore_mem>>, %arg10: memref<!tpu.dma_semaphore, #tpu.memory_space<semaphore_mem>>) attributes {dimension_semantics = [#tpu.dimension_semantics<core_parallel>, #tpu.dimension_semantics<subcore_parallel>], iteration_bounds = array<i64: 2, 16>, scalar_prefetch = 0 : i64, scratch_operands = 5 : i64, tpu.core_type = #tpu.core_type<sc_vector_subcore>, window_params = [{transform_indices = #map}, {transform_indices = #map}, {transform_indices = #map}, {transform_indices = #map1}]} {
    %sub3A = arith.constant 625 : i32
    %sub3A_0 = arith.subi %sub3A, %arg1 : i32
    %add3A = arith.constant 15 : i32
    %add3A_1 = arith.addi %sub3A_0, %add3A : i32
    %jit3A = arith.constant 16 : i32
    %div3A = arith.divsi %add3A_1, %jit3A : i32
    %sign3A = arith.constant 0 : i32
    %sign3A_2 = arith.cmpi sgt, %add3A_1, %sign3A : i32
    %sign3A_3 = arith.extui %sign3A_2 : i1 to i32
    %sign3A_4 = arith.constant 0 : i32
    %sign3A_5 = arith.cmpi slt, %add3A_1, %sign3A_4 : i32
    %sign3A_6 = arith.extui %sign3A_5 : i1 to i32
    %sign3A_7 = arith.subi %sign3A_3, %sign3A_6 : i32
    %sign3A_8 = arith.constant 0 : i32
    %sign3A_9 = arith.cmpi sgt, %jit3A, %sign3A_8 : i32
    %sign3A_10 = arith.extui %sign3A_9 : i1 to i32
    %sign3A_11 = arith.constant 0 : i32
    %sign3A_12 = arith.cmpi slt, %jit3A, %sign3A_11 : i32
    %sign3A_13 = arith.extui %sign3A_12 : i1 to i32
    %sign3A_14 = arith.subi %sign3A_10, %sign3A_13 : i32
    %ne3A = arith.cmpi ne, %sign3A_7, %sign3A_14 : i32
    %rem3A = arith.remsi %add3A_1, %jit3A : i32
    %ne3A_15 = arith.constant 0 : i32
    %ne3A_16 = arith.cmpi ne, %rem3A, %ne3A_15 : i32
    %and3A = arith.andi %ne3A, %ne3A_16 : i1
    %sub3A_17 = arith.constant 1 : i32
    %sub3A_18 = arith.subi %div3A, %sub3A_17 : i32
    %select_n3A = arith.select %and3A, %sub3A_18, %div3A : i32
    %mul3A = arith.constant 32 : i32
    %mul3A_19 = arith.muli %mul3A, %arg0 : i32
    %add3A_20 = arith.constant 0 : i32
    %add3A_21 = arith.addi %add3A_20, %mul3A_19 : i32
    %mul3A_22 = arith.constant 3128 : i32
    %mul3A_23 = arith.muli %arg1, %mul3A_22 : i32
    "tpu.region"() ({
      %run_scoped3A = tpu.sem_alloc : memref<!tpu.dma_semaphore, #tpu.memory_space<semaphore_mem>>
      %dma_start3A = arith.constant 0 : i32
      %dma_start3A_68 = tpu.memref_slice %arg6[%mul3A_23, %dma_start3A] : memref<50048x32xf32, #tpu.memory_space<vmem_shared>> -> memref<3128x32xf32, #tpu.memory_space<vmem_shared>>
      tpu.enqueue_dma source(%arg4 : memref<3128x32xf32, #tpu.memory_space<hbm>>) target(%dma_start3A_68 : memref<3128x32xf32, #tpu.memory_space<vmem_shared>>) target_semaphore(%run_scoped3A : memref<!tpu.dma_semaphore, #tpu.memory_space<semaphore_mem>>)
      %dma_wait3A = arith.constant 0 : i32
      %dma_wait3A_69 = tpu.memref_slice %arg6[%mul3A_23, %dma_wait3A] : memref<50048x32xf32, #tpu.memory_space<vmem_shared>> -> memref<3128x32xf32, #tpu.memory_space<vmem_shared>>
      tpu.wait_dma2 semaphore(%run_scoped3A : memref<!tpu.dma_semaphore, #tpu.memory_space<semaphore_mem>>) src(%arg4 : memref<3128x32xf32, #tpu.memory_space<hbm>>) dst(%dma_wait3A_69 : memref<3128x32xf32, #tpu.memory_space<vmem_shared>>)
      tpu.yield
    }) : () -> ()
    %barrier3A = arith.constant 0 : index
    tpu.barrier barrier_id(%barrier3A)
    %while3A = arith.constant 0 : i32
    %while3A_24 = arith.constant 0 : i32
    %while3A_25 = arith.subi %select_n3A, %while3A_24 : i32
    %while3A_26 = arith.addi %while3A_24, %while3A_25 : i32
    %while3A_27 = arith.constant 1 : i32
    %while3A_28 = arith.divsi %while3A_25, %while3A_27 : i32
    %while3A_29 = arith.muli %while3A_28, %while3A_27 : i32
    %while3A_30 = arith.addi %while3A_24, %while3A_29 : i32
    %while3A_31 = arith.constant 1 : i32
    scf.for %while3A_68 = %while3A_24 to %while3A_30 step %while3A_31  : i32 {
      %mul3A_69 = arith.constant 16 : i32
      %mul3A_70 = arith.muli %while3A_68, %mul3A_69 : i32
      %add3A_71 = arith.addi %arg1, %mul3A_70 : i32
      %mul3A_72 = arith.constant 10 : i32
      %mul3A_73 = arith.muli %add3A_71, %mul3A_72 : i32
      %mul3A_74 = arith.constant 1280 : i32
      %mul3A_75 = arith.muli %add3A_71, %mul3A_74 : i32
      "tpu.region"() ({
        %run_scoped3A = tpu.sem_alloc : memref<!tpu.dma_semaphore, #tpu.memory_space<semaphore_mem>>
        %dma_start3A_554 = arith.constant 0 : i32
        %dma_start3A_555 = tpu.memref_slice %arg3[%mul3A_73, %dma_start3A_554] : memref<6250x128xi32, #tpu.memory_space<hbm>> -> memref<10x128xi32, #tpu.memory_space<hbm>>
        %dma_start3A_556 = arith.constant 0 : i32
        %dma_start3A_557 = tpu.memref_slice %arg3[%mul3A_73, %dma_start3A_556] : memref<6250x128xi32, #tpu.memory_space<hbm>> -> memref<10x128xi32, #tpu.memory_space<hbm>>
        tpu.enqueue_dma source(%dma_start3A_557 : memref<10x128xi32, #tpu.memory_space<hbm>>) target(%arg8 : memref<10x128xi32, #tpu.memory_space<vmem>>) target_semaphore(%run_scoped3A : memref<!tpu.dma_semaphore, #tpu.memory_space<semaphore_mem>>)
        %dma_wait3A_558 = arith.constant 0 : i32
        %dma_wait3A_559 = tpu.memref_slice %arg3[%mul3A_73, %dma_wait3A_558] : memref<6250x128xi32, #tpu.memory_space<hbm>> -> memref<10x128xi32, #tpu.memory_space<hbm>>
        %dma_wait3A_560 = arith.constant 0 : i32
        %dma_wait3A_561 = tpu.memref_slice %arg3[%mul3A_73, %dma_wait3A_560] : memref<6250x128xi32, #tpu.memory_space<hbm>> -> memref<10x128xi32, #tpu.memory_space<hbm>>
        tpu.wait_dma2 semaphore(%run_scoped3A : memref<!tpu.dma_semaphore, #tpu.memory_space<semaphore_mem>>) src(%dma_wait3A_561 : memref<10x128xi32, #tpu.memory_space<hbm>>) dst(%arg8 : memref<10x128xi32, #tpu.memory_space<vmem>>)
        tpu.yield
      }) : () -> ()
      %add3A_76 = arith.constant 0 : i32
      %add3A_77 = arith.addi %mul3A_75, %add3A_76 : i32
      %dma_start3A = arith.constant 0 : i32
      %dma_start3A_78 = arith.constant 0 : i32
      %dma_start3A_79 = arith.constant 0 : i32
      %dma_start3A_80 = tpu.memref_slice %arg7[%dma_start3A, %dma_start3A_78, %dma_start3A_79] : memref<4x128x32xf32, #tpu.memory_space<vmem>> -> memref<1x128x32xf32, #tpu.memory_space<vmem>>
      %dma_start3A_81 = tpu.memref_squeeze %dma_start3A_80 : memref<1x128x32xf32, #tpu.memory_space<vmem>> -> memref<128x32xf32, #tpu.memory_space<vmem>>
      %dma_start3A_82 = tpu.memref_slice %arg2[%add3A_77, %add3A_21] : memref<800000x128xf32, #tpu.memory_space<hbm>> -> memref<128x32xf32, #tpu.memory_space<hbm>>
      %dma_start3A_83 = arith.constant 0 : i32
      %dma_start3A_84 = arith.constant 0 : i32
      %dma_start3A_85 = tpu.memref_slice %arg7[%dma_start3A, %dma_start3A_83, %dma_start3A_84] : memref<4x128x32xf32, #tpu.memory_space<vmem>> -> memref<1x128x32xf32, #tpu.memory_space<vmem>>
      %dma_start3A_86 = tpu.memref_squeeze %dma_start3A_85 : memref<1x128x32xf32, #tpu.memory_space<vmem>> -> memref<128x32xf32, #tpu.memory_space<vmem>>
      %dma_start3A_87 = tpu.memref_slice %arg2[%add3A_77, %add3A_21] : memref<800000x128xf32, #tpu.memory_space<hbm>> -> memref<128x32xf32, #tpu.memory_space<hbm>>
      tpu.enqueue_dma source(%dma_start3A_87 : memref<128x32xf32, #tpu.memory_space<hbm>>) target(%dma_start3A_86 : memref<128x32xf32, #tpu.memory_space<vmem>>) target_semaphore(%arg9 : memref<!tpu.dma_semaphore, #tpu.memory_space<semaphore_mem>>)
      %add3A_88 = arith.constant 128 : i32
      %add3A_89 = arith.addi %mul3A_75, %add3A_88 : i32
      %dma_start3A_90 = arith.constant 1 : i32
      %dma_start3A_91 = arith.constant 0 : i32
      %dma_start3A_92 = arith.constant 0 : i32
      %dma_start3A_93 = tpu.memref_slice %arg7[%dma_start3A_90, %dma_start3A_91, %dma_start3A_92] : memref<4x128x32xf32, #tpu.memory_space<vmem>> -> memref<1x128x32xf32, #tpu.memory_space<vmem>>
      %dma_start3A_94 = tpu.memref_squeeze %dma_start3A_93 : memref<1x128x32xf32, #tpu.memory_space<vmem>> -> memref<128x32xf32, #tpu.memory_space<vmem>>
      %dma_start3A_95 = tpu.memref_slice %arg2[%add3A_89, %add3A_21] : memref<800000x128xf32, #tpu.memory_space<hbm>> -> memref<128x32xf32, #tpu.memory_space<hbm>>
      %dma_start3A_96 = arith.constant 0 : i32
      %dma_start3A_97 = arith.constant 0 : i32
      %dma_start3A_98 = tpu.memref_slice %arg7[%dma_start3A_90, %dma_start3A_96, %dma_start3A_97] : memref<4x128x32xf32, #tpu.memory_space<vmem>> -> memref<1x128x32xf32, #tpu.memory_space<vmem>>
      %dma_start3A_99 = tpu.memref_squeeze %dma_start3A_98 : memref<1x128x32xf32, #tpu.memory_space<vmem>> -> memref<128x32xf32, #tpu.memory_space<vmem>>
      %dma_start3A_100 = tpu.memref_slice %arg2[%add3A_89, %add3A_21] : memref<800000x128xf32, #tpu.memory_space<hbm>> -> memref<128x32xf32, #tpu.memory_space<hbm>>
      tpu.enqueue_dma source(%dma_start3A_100 : memref<128x32xf32, #tpu.memory_space<hbm>>) target(%dma_start3A_99 : memref<128x32xf32, #tpu.memory_space<vmem>>) target_semaphore(%arg9 : memref<!tpu.dma_semaphore, #tpu.memory_space<semaphore_mem>>)
      %add3A_101 = arith.constant 256 : i32
      %add3A_102 = arith.addi %mul3A_75, %add3A_101 : i32
      %dma_start3A_103 = arith.constant 2 : i32
      %dma_start3A_104 = arith.constant 0 : i32
      %dma_start3A_105 = arith.constant 0 : i32
      %dma_start3A_106 = tpu.memref_slice %arg7[%dma_start3A_103, %dma_start3A_104, %dma_start3A_105] : memref<4x128x32xf32, #tpu.memory_space<vmem>> -> memref<1x128x32xf32, #tpu.memory_space<vmem>>
      %dma_start3A_107 = tpu.memref_squeeze %dma_start3A_106 : memref<1x128x32xf32, #tpu.memory_space<vmem>> -> memref<128x32xf32, #tpu.memory_space<vmem>>
      %dma_start3A_108 = tpu.memref_slice %arg2[%add3A_102, %add3A_21] : memref<800000x128xf32, #tpu.memory_space<hbm>> -> memref<128x32xf32, #tpu.memory_space<hbm>>
      %dma_start3A_109 = arith.constant 0 : i32
      %dma_start3A_110 = arith.constant 0 : i32
      %dma_start3A_111 = tpu.memref_slice %arg7[%dma_start3A_103, %dma_start3A_109, %dma_start3A_110] : memref<4x128x32xf32, #tpu.memory_space<vmem>> -> memref<1x128x32xf32, #tpu.memory_space<vmem>>
      %dma_start3A_112 = tpu.memref_squeeze %dma_start3A_111 : memref<1x128x32xf32, #tpu.memory_space<vmem>> -> memref<128x32xf32, #tpu.memory_space<vmem>>
      %dma_start3A_113 = tpu.memref_slice %arg2[%add3A_102, %add3A_21] : memref<800000x128xf32, #tpu.memory_space<hbm>> -> memref<128x32xf32, #tpu.memory_space<hbm>>
      tpu.enqueue_dma source(%dma_start3A_113 : memref<128x32xf32, #tpu.memory_space<hbm>>) target(%dma_start3A_112 : memref<128x32xf32, #tpu.memory_space<vmem>>) target_semaphore(%arg9 : memref<!tpu.dma_semaphore, #tpu.memory_space<semaphore_mem>>)
      %add3A_114 = arith.constant 384 : i32
      %add3A_115 = arith.addi %mul3A_75, %add3A_114 : i32
      %dma_start3A_116 = arith.constant 3 : i32
      %dma_start3A_117 = arith.constant 0 : i32
      %dma_start3A_118 = arith.constant 0 : i32
      %dma_start3A_119 = tpu.memref_slice %arg7[%dma_start3A_116, %dma_start3A_117, %dma_start3A_118] : memref<4x128x32xf32, #tpu.memory_space<vmem>> -> memref<1x128x32xf32, #tpu.memory_space<vmem>>
      %dma_start3A_120 = tpu.memref_squeeze %dma_start3A_119 : memref<1x128x32xf32, #tpu.memory_space<vmem>> -> memref<128x32xf32, #tpu.memory_space<vmem>>
      %dma_start3A_121 = tpu.memref_slice %arg2[%add3A_115, %add3A_21] : memref<800000x128xf32, #tpu.memory_space<hbm>> -> memref<128x32xf32, #tpu.memory_space<hbm>>
      %dma_start3A_122 = arith.constant 0 : i32
      %dma_start3A_123 = arith.constant 0 : i32
      %dma_start3A_124 = tpu.memref_slice %arg7[%dma_start3A_116, %dma_start3A_122, %dma_start3A_123] : memref<4x128x32xf32, #tpu.memory_space<vmem>> -> memref<1x128x32xf32, #tpu.memory_space<vmem>>
      %dma_start3A_125 = tpu.memref_squeeze %dma_start3A_124 : memref<1x128x32xf32, #tpu.memory_space<vmem>> -> memref<128x32xf32, #tpu.memory_space<vmem>>
      %dma_start3A_126 = tpu.memref_slice %arg2[%add3A_115, %add3A_21] : memref<800000x128xf32, #tpu.memory_space<hbm>> -> memref<128x32xf32, #tpu.memory_space<hbm>>
      tpu.enqueue_dma source(%dma_start3A_126 : memref<128x32xf32, #tpu.memory_space<hbm>>) target(%dma_start3A_125 : memref<128x32xf32, #tpu.memory_space<vmem>>) target_semaphore(%arg9 : memref<!tpu.dma_semaphore, #tpu.memory_space<semaphore_mem>>)
      %dma_wait3A = arith.constant 0 : i32
      %dma_wait3A_127 = arith.constant 0 : i32
      %dma_wait3A_128 = arith.constant 0 : i32
      %dma_wait3A_129 = tpu.memref_slice %arg7[%dma_wait3A, %dma_wait3A_127, %dma_wait3A_128] : memref<4x128x32xf32, #tpu.memory_space<vmem>> -> memref<1x128x32xf32, #tpu.memory_space<vmem>>
      %dma_wait3A_130 = tpu.memref_squeeze %dma_wait3A_129 : memref<1x128x32xf32, #tpu.memory_space<vmem>> -> memref<128x32xf32, #tpu.memory_space<vmem>>
      %dma_wait3A_131 = tpu.memref_slice %arg2[%add3A_77, %add3A_21] : memref<800000x128xf32, #tpu.memory_space<hbm>> -> memref<128x32xf32, #tpu.memory_space<hbm>>
      %dma_wait3A_132 = arith.constant 0 : i32
      %dma_wait3A_133 = arith.constant 0 : i32
      %dma_wait3A_134 = tpu.memref_slice %arg7[%dma_wait3A, %dma_wait3A_132, %dma_wait3A_133] : memref<4x128x32xf32, #tpu.memory_space<vmem>> -> memref<1x128x32xf32, #tpu.memory_space<vmem>>
      %dma_wait3A_135 = tpu.memref_squeeze %dma_wait3A_134 : memref<1x128x32xf32, #tpu.memory_space<vmem>> -> memref<128x32xf32, #tpu.memory_space<vmem>>
      %dma_wait3A_136 = tpu.memref_slice %arg2[%add3A_77, %add3A_21] : memref<800000x128xf32, #tpu.memory_space<hbm>> -> memref<128x32xf32, #tpu.memory_space<hbm>>
      tpu.wait_dma2 semaphore(%arg9 : memref<!tpu.dma_semaphore, #tpu.memory_space<semaphore_mem>>) src(%dma_wait3A_136 : memref<128x32xf32, #tpu.memory_space<hbm>>) dst(%dma_wait3A_135 : memref<128x32xf32, #tpu.memory_space<vmem>>)
      %dma_start3A_137 = arith.constant 0 : i32
      %dma_start3A_138 = arith.constant 0 : i32
      %dma_start3A_139 = arith.constant 0 : i32
      %dma_start3A_140 = arith.constant 0 : i32
      %dma_start3A_141 = tpu.memref_slice %arg7[%dma_start3A_137, %dma_start3A_139, %dma_start3A_140] : memref<4x128x32xf32, #tpu.memory_space<vmem>> -> memref<1x128x32xf32, #tpu.memory_space<vmem>>
      %dma_start3A_142 = tpu.memref_squeeze %dma_start3A_141 : memref<1x128x32xf32, #tpu.memory_space<vmem>> -> memref<128x32xf32, #tpu.memory_space<vmem>>
      %dma_start3A_143 = arith.constant 0 : i32
      %dma_start3A_144 = tpu.memref_slice %arg8[%dma_start3A_138, %dma_start3A_143] : memref<10x128xi32, #tpu.memory_space<vmem>> -> memref<1x128xi32, #tpu.memory_space<vmem>>
      %dma_start3A_145 = tpu.memref_squeeze %dma_start3A_144 : memref<1x128xi32, #tpu.memory_space<vmem>> -> memref<128xi32, #tpu.memory_space<vmem>>
      %dma_start3A_146 = arith.constant 0 : i32
      %dma_start3A_147 = arith.constant 0 : i32
      %dma_start3A_148 = tpu.memref_slice %arg6[%dma_start3A_146, %dma_start3A_147] : memref<50048x32xf32, #tpu.memory_space<vmem_shared>> -> memref<50048x32xf32, #tpu.memory_space<vmem_shared>>
      tpu.enqueue_indirect_dma source(%dma_start3A_142 : memref<128x32xf32, #tpu.memory_space<vmem>>) target(%dma_start3A_148 : memref<50048x32xf32, #tpu.memory_space<vmem_shared>>) offsets(%dma_start3A_145 : memref<128xi32, #tpu.memory_space<vmem>>) semaphore(%arg10 : memref<!tpu.dma_semaphore, #tpu.memory_space<semaphore_mem>>) {add = true}
      %dma_wait3A_149 = arith.constant 0 : i32
      %dma_wait3A_150 = arith.constant 0 : i32
      %dma_wait3A_151 = arith.constant 0 : i32
      %dma_wait3A_152 = arith.constant 0 : i32
      %dma_wait3A_153 = tpu.memref_slice %arg7[%dma_wait3A_149, %dma_wait3A_151, %dma_wait3A_152] : memref<4x128x32xf32, #tpu.memory_space<vmem>> -> memref<1x128x32xf32, #tpu.memory_space<vmem>>
      %dma_wait3A_154 = tpu.memref_squeeze %dma_wait3A_153 : memref<1x128x32xf32, #tpu.memory_space<vmem>> -> memref<128x32xf32, #tpu.memory_space<vmem>>
      %dma_wait3A_155 = arith.constant 0 : i32
      %dma_wait3A_156 = tpu.memref_slice %arg8[%dma_wait3A_150, %dma_wait3A_155] : memref<10x128xi32, #tpu.memory_space<vmem>> -> memref<1x128xi32, #tpu.memory_space<vmem>>
      %dma_wait3A_157 = tpu.memref_squeeze %dma_wait3A_156 : memref<1x128xi32, #tpu.memory_space<vmem>> -> memref<128xi32, #tpu.memory_space<vmem>>
      %dma_wait3A_158 = arith.constant 0 : i32
      %dma_wait3A_159 = arith.constant 0 : i32
      %dma_wait3A_160 = tpu.memref_slice %arg6[%dma_wait3A_158, %dma_wait3A_159] : memref<50048x32xf32, #tpu.memory_space<vmem_shared>> -> memref<50048x32xf32, #tpu.memory_space<vmem_shared>>
      tpu.wait_indirect_dma semaphore(%arg10 : memref<!tpu.dma_semaphore, #tpu.memory_space<semaphore_mem>>) src(%dma_wait3A_154 : memref<128x32xf32, #tpu.memory_space<vmem>>) dst(%dma_wait3A_160 : memref<50048x32xf32, #tpu.memory_space<vmem_shared>>)
      %add3A_161 = arith.constant 512 : i32
      %add3A_162 = arith.addi %mul3A_75, %add3A_161 : i32
      %dma_start3A_163 = arith.constant 0 : i32
      %dma_start3A_164 = arith.constant 0 : i32
      %dma_start3A_165 = arith.constant 0 : i32
      %dma_start3A_166 = tpu.memref_slice %arg7[%dma_start3A_163, %dma_start3A_164, %dma_start3A_165] : memref<4x128x32xf32, #tpu.memory_space<vmem>> -> memref<1x128x32xf32, #tpu.memory_space<vmem>>
      %dma_start3A_167 = tpu.memref_squeeze %dma_start3A_166 : memref<1x128x32xf32, #tpu.memory_space<vmem>> -> memref<128x32xf32, #tpu.memory_space<vmem>>
      %dma_start3A_168 = tpu.memref_slice %arg2[%add3A_162, %add3A_21] : memref<800000x128xf32, #tpu.memory_space<hbm>> -> memref<128x32xf32, #tpu.memory_space<hbm>>
      %dma_start3A_169 = arith.constant 0 : i32
      %dma_start3A_170 = arith.constant 0 : i32
      %dma_start3A_171 = tpu.memref_slice %arg7[%dma_start3A_163, %dma_start3A_169, %dma_start3A_170] : memref<4x128x32xf32, #tpu.memory_space<vmem>> -> memref<1x128x32xf32, #tpu.memory_space<vmem>>
      %dma_start3A_172 = tpu.memref_squeeze %dma_start3A_171 : memref<1x128x32xf32, #tpu.memory_space<vmem>> -> memref<128x32xf32, #tpu.memory_space<vmem>>
      %dma_start3A_173 = tpu.memref_slice %arg2[%add3A_162, %add3A_21] : memref<800000x128xf32, #tpu.memory_space<hbm>> -> memref<128x32xf32, #tpu.memory_space<hbm>>
      tpu.enqueue_dma source(%dma_start3A_173 : memref<128x32xf32, #tpu.memory_space<hbm>>) target(%dma_start3A_172 : memref<128x32xf32, #tpu.memory_space<vmem>>) target_semaphore(%arg9 : memref<!tpu.dma_semaphore, #tpu.memory_space<semaphore_mem>>)
      %dma_wait3A_174 = arith.constant 1 : i32
      %dma_wait3A_175 = arith.constant 0 : i32
      %dma_wait3A_176 = arith.constant 0 : i32
      %dma_wait3A_177 = tpu.memref_slice %arg7[%dma_wait3A_174, %dma_wait3A_175, %dma_wait3A_176] : memref<4x128x32xf32, #tpu.memory_space<vmem>> -> memref<1x128x32xf32, #tpu.memory_space<vmem>>
      %dma_wait3A_178 = tpu.memref_squeeze %dma_wait3A_177 : memref<1x128x32xf32, #tpu.memory_space<vmem>> -> memref<128x32xf32, #tpu.memory_space<vmem>>
      %dma_wait3A_179 = tpu.memref_slice %arg2[%add3A_89, %add3A_21] : memref<800000x128xf32, #tpu.memory_space<hbm>> -> memref<128x32xf32, #tpu.memory_space<hbm>>
      %dma_wait3A_180 = arith.constant 0 : i32
      %dma_wait3A_181 = arith.constant 0 : i32
      %dma_wait3A_182 = tpu.memref_slice %arg7[%dma_wait3A_174, %dma_wait3A_180, %dma_wait3A_181] : memref<4x128x32xf32, #tpu.memory_space<vmem>> -> memref<1x128x32xf32, #tpu.memory_space<vmem>>
      %dma_wait3A_183 = tpu.memref_squeeze %dma_wait3A_182 : memref<1x128x32xf32, #tpu.memory_space<vmem>> -> memref<128x32xf32, #tpu.memory_space<vmem>>
      %dma_wait3A_184 = tpu.memref_slice %arg2[%add3A_89, %add3A_21] : memref<800000x128xf32, #tpu.memory_space<hbm>> -> memref<128x32xf32, #tpu.memory_space<hbm>>
      tpu.wait_dma2 semaphore(%arg9 : memref<!tpu.dma_semaphore, #tpu.memory_space<semaphore_mem>>) src(%dma_wait3A_184 : memref<128x32xf32, #tpu.memory_space<hbm>>) dst(%dma_wait3A_183 : memref<128x32xf32, #tpu.memory_space<vmem>>)
      %dma_start3A_185 = arith.constant 1 : i32
      %dma_start3A_186 = arith.constant 1 : i32
      %dma_start3A_187 = arith.constant 0 : i32
      %dma_start3A_188 = arith.constant 0 : i32
      %dma_start3A_189 = tpu.memref_slice %arg7[%dma_start3A_185, %dma_start3A_187, %dma_start3A_188] : memref<4x128x32xf32, #tpu.memory_space<vmem>> -> memref<1x128x32xf32, #tpu.memory_space<vmem>>
      %dma_start3A_190 = tpu.memref_squeeze %dma_start3A_189 : memref<1x128x32xf32, #tpu.memory_space<vmem>> -> memref<128x32xf32, #tpu.memory_space<vmem>>
      %dma_start3A_191 = arith.constant 0 : i32
      %dma_start3A_192 = tpu.memref_slice %arg8[%dma_start3A_186, %dma_start3A_191] : memref<10x128xi32, #tpu.memory_space<vmem>> -> memref<1x128xi32, #tpu.memory_space<vmem>>
      %dma_start3A_193 = tpu.memref_squeeze %dma_start3A_192 : memref<1x128xi32, #tpu.memory_space<vmem>> -> memref<128xi32, #tpu.memory_space<vmem>>
      %dma_start3A_194 = arith.constant 0 : i32
      %dma_start3A_195 = arith.constant 0 : i32
      %dma_start3A_196 = tpu.memref_slice %arg6[%dma_start3A_194, %dma_start3A_195] : memref<50048x32xf32, #tpu.memory_space<vmem_shared>> -> memref<50048x32xf32, #tpu.memory_space<vmem_shared>>
      tpu.enqueue_indirect_dma source(%dma_start3A_190 : memref<128x32xf32, #tpu.memory_space<vmem>>) target(%dma_start3A_196 : memref<50048x32xf32, #tpu.memory_space<vmem_shared>>) offsets(%dma_start3A_193 : memref<128xi32, #tpu.memory_space<vmem>>) semaphore(%arg10 : memref<!tpu.dma_semaphore, #tpu.memory_space<semaphore_mem>>) {add = true}
      %dma_wait3A_197 = arith.constant 1 : i32
      %dma_wait3A_198 = arith.constant 1 : i32
      %dma_wait3A_199 = arith.constant 0 : i32
      %dma_wait3A_200 = arith.constant 0 : i32
      %dma_wait3A_201 = tpu.memref_slice %arg7[%dma_wait3A_197, %dma_wait3A_199, %dma_wait3A_200] : memref<4x128x32xf32, #tpu.memory_space<vmem>> -> memref<1x128x32xf32, #tpu.memory_space<vmem>>
      %dma_wait3A_202 = tpu.memref_squeeze %dma_wait3A_201 : memref<1x128x32xf32, #tpu.memory_space<vmem>> -> memref<128x32xf32, #tpu.memory_space<vmem>>
      %dma_wait3A_203 = arith.constant 0 : i32
      %dma_wait3A_204 = tpu.memref_slice %arg8[%dma_wait3A_198, %dma_wait3A_203] : memref<10x128xi32, #tpu.memory_space<vmem>> -> memref<1x128xi32, #tpu.memory_space<vmem>>
      %dma_wait3A_205 = tpu.memref_squeeze %dma_wait3A_204 : memref<1x128xi32, #tpu.memory_space<vmem>> -> memref<128xi32, #tpu.memory_space<vmem>>
      %dma_wait3A_206 = arith.constant 0 : i32
      %dma_wait3A_207 = arith.constant 0 : i32
      %dma_wait3A_208 = tpu.memref_slice %arg6[%dma_wait3A_206, %dma_wait3A_207] : memref<50048x32xf32, #tpu.memory_space<vmem_shared>> -> memref<50048x32xf32, #tpu.memory_space<vmem_shared>>
      tpu.wait_indirect_dma semaphore(%arg10 : memref<!tpu.dma_semaphore, #tpu.memory_space<semaphore_mem>>) src(%dma_wait3A_202 : memref<128x32xf32, #tpu.memory_space<vmem>>) dst(%dma_wait3A_208 : memref<50048x32xf32, #tpu.memory_space<vmem_shared>>)
      %add3A_209 = arith.constant 640 : i32
      %add3A_210 = arith.addi %mul3A_75, %add3A_209 : i32
      %dma_start3A_211 = arith.constant 1 : i32
      %dma_start3A_212 = arith.constant 0 : i32
      %dma_start3A_213 = arith.constant 0 : i32
      %dma_start3A_214 = tpu.memref_slice %arg7[%dma_start3A_211, %dma_start3A_212, %dma_start3A_213] : memref<4x128x32xf32, #tpu.memory_space<vmem>> -> memref<1x128x32xf32, #tpu.memory_space<vmem>>
      %dma_start3A_215 = tpu.memref_squeeze %dma_start3A_214 : memref<1x128x32xf32, #tpu.memory_space<vmem>> -> memref<128x32xf32, #tpu.memory_space<vmem>>
      %dma_start3A_216 = tpu.memref_slice %arg2[%add3A_210, %add3A_21] : memref<800000x128xf32, #tpu.memory_space<hbm>> -> memref<128x32xf32, #tpu.memory_space<hbm>>
      %dma_start3A_217 = arith.constant 0 : i32
      %dma_start3A_218 = arith.constant 0 : i32
      %dma_start3A_219 = tpu.memref_slice %arg7[%dma_start3A_211, %dma_start3A_217, %dma_start3A_218] : memref<4x128x32xf32, #tpu.memory_space<vmem>> -> memref<1x128x32xf32, #tpu.memory_space<vmem>>
      %dma_start3A_220 = tpu.memref_squeeze %dma_start3A_219 : memref<1x128x32xf32, #tpu.memory_space<vmem>> -> memref<128x32xf32, #tpu.memory_space<vmem>>
      %dma_start3A_221 = tpu.memref_slice %arg2[%add3A_210, %add3A_21] : memref<800000x128xf32, #tpu.memory_space<hbm>> -> memref<128x32xf32, #tpu.memory_space<hbm>>
      tpu.enqueue_dma source(%dma_start3A_221 : memref<128x32xf32, #tpu.memory_space<hbm>>) target(%dma_start3A_220 : memref<128x32xf32, #tpu.memory_space<vmem>>) target_semaphore(%arg9 : memref<!tpu.dma_semaphore, #tpu.memory_space<semaphore_mem>>)
      %dma_wait3A_222 = arith.constant 2 : i32
      %dma_wait3A_223 = arith.constant 0 : i32
      %dma_wait3A_224 = arith.constant 0 : i32
      %dma_wait3A_225 = tpu.memref_slice %arg7[%dma_wait3A_222, %dma_wait3A_223, %dma_wait3A_224] : memref<4x128x32xf32, #tpu.memory_space<vmem>> -> memref<1x128x32xf32, #tpu.memory_space<vmem>>
      %dma_wait3A_226 = tpu.memref_squeeze %dma_wait3A_225 : memref<1x128x32xf32, #tpu.memory_space<vmem>> -> memref<128x32xf32, #tpu.memory_space<vmem>>
      %dma_wait3A_227 = tpu.memref_slice %arg2[%add3A_102, %add3A_21] : memref<800000x128xf32, #tpu.memory_space<hbm>> -> memref<128x32xf32, #tpu.memory_space<hbm>>
      %dma_wait3A_228 = arith.constant 0 : i32
      %dma_wait3A_229 = arith.constant 0 : i32
      %dma_wait3A_230 = tpu.memref_slice %arg7[%dma_wait3A_222, %dma_wait3A_228, %dma_wait3A_229] : memref<4x128x32xf32, #tpu.memory_space<vmem>> -> memref<1x128x32xf32, #tpu.memory_space<vmem>>
      %dma_wait3A_231 = tpu.memref_squeeze %dma_wait3A_230 : memref<1x128x32xf32, #tpu.memory_space<vmem>> -> memref<128x32xf32, #tpu.memory_space<vmem>>
      %dma_wait3A_232 = tpu.memref_slice %arg2[%add3A_102, %add3A_21] : memref<800000x128xf32, #tpu.memory_space<hbm>> -> memref<128x32xf32, #tpu.memory_space<hbm>>
      tpu.wait_dma2 semaphore(%arg9 : memref<!tpu.dma_semaphore, #tpu.memory_space<semaphore_mem>>) src(%dma_wait3A_232 : memref<128x32xf32, #tpu.memory_space<hbm>>) dst(%dma_wait3A_231 : memref<128x32xf32, #tpu.memory_space<vmem>>)
      %dma_start3A_233 = arith.constant 2 : i32
      %dma_start3A_234 = arith.constant 2 : i32
      %dma_start3A_235 = arith.constant 0 : i32
      %dma_start3A_236 = arith.constant 0 : i32
      %dma_start3A_237 = tpu.memref_slice %arg7[%dma_start3A_233, %dma_start3A_235, %dma_start3A_236] : memref<4x128x32xf32, #tpu.memory_space<vmem>> -> memref<1x128x32xf32, #tpu.memory_space<vmem>>
      %dma_start3A_238 = tpu.memref_squeeze %dma_start3A_237 : memref<1x128x32xf32, #tpu.memory_space<vmem>> -> memref<128x32xf32, #tpu.memory_space<vmem>>
      %dma_start3A_239 = arith.constant 0 : i32
      %dma_start3A_240 = tpu.memref_slice %arg8[%dma_start3A_234, %dma_start3A_239] : memref<10x128xi32, #tpu.memory_space<vmem>> -> memref<1x128xi32, #tpu.memory_space<vmem>>
      %dma_start3A_241 = tpu.memref_squeeze %dma_start3A_240 : memref<1x128xi32, #tpu.memory_space<vmem>> -> memref<128xi32, #tpu.memory_space<vmem>>
      %dma_start3A_242 = arith.constant 0 : i32
      %dma_start3A_243 = arith.constant 0 : i32
      %dma_start3A_244 = tpu.memref_slice %arg6[%dma_start3A_242, %dma_start3A_243] : memref<50048x32xf32, #tpu.memory_space<vmem_shared>> -> memref<50048x32xf32, #tpu.memory_space<vmem_shared>>
      tpu.enqueue_indirect_dma source(%dma_start3A_238 : memref<128x32xf32, #tpu.memory_space<vmem>>) target(%dma_start3A_244 : memref<50048x32xf32, #tpu.memory_space<vmem_shared>>) offsets(%dma_start3A_241 : memref<128xi32, #tpu.memory_space<vmem>>) semaphore(%arg10 : memref<!tpu.dma_semaphore, #tpu.memory_space<semaphore_mem>>) {add = true}
      %dma_wait3A_245 = arith.constant 2 : i32
      %dma_wait3A_246 = arith.constant 2 : i32
      %dma_wait3A_247 = arith.constant 0 : i32
      %dma_wait3A_248 = arith.constant 0 : i32
      %dma_wait3A_249 = tpu.memref_slice %arg7[%dma_wait3A_245, %dma_wait3A_247, %dma_wait3A_248] : memref<4x128x32xf32, #tpu.memory_space<vmem>> -> memref<1x128x32xf32, #tpu.memory_space<vmem>>
      %dma_wait3A_250 = tpu.memref_squeeze %dma_wait3A_249 : memref<1x128x32xf32, #tpu.memory_space<vmem>> -> memref<128x32xf32, #tpu.memory_space<vmem>>
      %dma_wait3A_251 = arith.constant 0 : i32
      %dma_wait3A_252 = tpu.memref_slice %arg8[%dma_wait3A_246, %dma_wait3A_251] : memref<10x128xi32, #tpu.memory_space<vmem>> -> memref<1x128xi32, #tpu.memory_space<vmem>>
      %dma_wait3A_253 = tpu.memref_squeeze %dma_wait3A_252 : memref<1x128xi32, #tpu.memory_space<vmem>> -> memref<128xi32, #tpu.memory_space<vmem>>
      %dma_wait3A_254 = arith.constant 0 : i32
      %dma_wait3A_255 = arith.constant 0 : i32
      %dma_wait3A_256 = tpu.memref_slice %arg6[%dma_wait3A_254, %dma_wait3A_255] : memref<50048x32xf32, #tpu.memory_space<vmem_shared>> -> memref<50048x32xf32, #tpu.memory_space<vmem_shared>>
      tpu.wait_indirect_dma semaphore(%arg10 : memref<!tpu.dma_semaphore, #tpu.memory_space<semaphore_mem>>) src(%dma_wait3A_250 : memref<128x32xf32, #tpu.memory_space<vmem>>) dst(%dma_wait3A_256 : memref<50048x32xf32, #tpu.memory_space<vmem_shared>>)
      %add3A_257 = arith.constant 768 : i32
      %add3A_258 = arith.addi %mul3A_75, %add3A_257 : i32
      %dma_start3A_259 = arith.constant 2 : i32
      %dma_start3A_260 = arith.constant 0 : i32
      %dma_start3A_261 = arith.constant 0 : i32
      %dma_start3A_262 = tpu.memref_slice %arg7[%dma_start3A_259, %dma_start3A_260, %dma_start3A_261] : memref<4x128x32xf32, #tpu.memory_space<vmem>> -> memref<1x128x32xf32, #tpu.memory_space<vmem>>
      %dma_start3A_263 = tpu.memref_squeeze %dma_start3A_262 : memref<1x128x32xf32, #tpu.memory_space<vmem>> -> memref<128x32xf32, #tpu.memory_space<vmem>>
      %dma_start3A_264 = tpu.memref_slice %arg2[%add3A_258, %add3A_21] : memref<800000x128xf32, #tpu.memory_space<hbm>> -> memref<128x32xf32, #tpu.memory_space<hbm>>
      %dma_start3A_265 = arith.constant 0 : i32
      %dma_start3A_266 = arith.constant 0 : i32
      %dma_start3A_267 = tpu.memref_slice %arg7[%dma_start3A_259, %dma_start3A_265, %dma_start3A_266] : memref<4x128x32xf32, #tpu.memory_space<vmem>> -> memref<1x128x32xf32, #tpu.memory_space<vmem>>
      %dma_start3A_268 = tpu.memref_squeeze %dma_start3A_267 : memref<1x128x32xf32, #tpu.memory_space<vmem>> -> memref<128x32xf32, #tpu.memory_space<vmem>>
      %dma_start3A_269 = tpu.memref_slice %arg2[%add3A_258, %add3A_21] : memref<800000x128xf32, #tpu.memory_space<hbm>> -> memref<128x32xf32, #tpu.memory_space<hbm>>
      tpu.enqueue_dma source(%dma_start3A_269 : memref<128x32xf32, #tpu.memory_space<hbm>>) target(%dma_start3A_268 : memref<128x32xf32, #tpu.memory_space<vmem>>) target_semaphore(%arg9 : memref<!tpu.dma_semaphore, #tpu.memory_space<semaphore_mem>>)
      %dma_wait3A_270 = arith.constant 3 : i32
      %dma_wait3A_271 = arith.constant 0 : i32
      %dma_wait3A_272 = arith.constant 0 : i32
      %dma_wait3A_273 = tpu.memref_slice %arg7[%dma_wait3A_270, %dma_wait3A_271, %dma_wait3A_272] : memref<4x128x32xf32, #tpu.memory_space<vmem>> -> memref<1x128x32xf32, #tpu.memory_space<vmem>>
      %dma_wait3A_274 = tpu.memref_squeeze %dma_wait3A_273 : memref<1x128x32xf32, #tpu.memory_space<vmem>> -> memref<128x32xf32, #tpu.memory_space<vmem>>
      %dma_wait3A_275 = tpu.memref_slice %arg2[%add3A_115, %add3A_21] : memref<800000x128xf32, #tpu.memory_space<hbm>> -> memref<128x32xf32, #tpu.memory_space<hbm>>
      %dma_wait3A_276 = arith.constant 0 : i32
      %dma_wait3A_277 = arith.constant 0 : i32
      %dma_wait3A_278 = tpu.memref_slice %arg7[%dma_wait3A_270, %dma_wait3A_276, %dma_wait3A_277] : memref<4x128x32xf32, #tpu.memory_space<vmem>> -> memref<1x128x32xf32, #tpu.memory_space<vmem>>
      %dma_wait3A_279 = tpu.memref_squeeze %dma_wait3A_278 : memref<1x128x32xf32, #tpu.memory_space<vmem>> -> memref<128x32xf32, #tpu.memory_space<vmem>>
      %dma_wait3A_280 = tpu.memref_slice %arg2[%add3A_115, %add3A_21] : memref<800000x128xf32, #tpu.memory_space<hbm>> -> memref<128x32xf32, #tpu.memory_space<hbm>>
      tpu.wait_dma2 semaphore(%arg9 : memref<!tpu.dma_semaphore, #tpu.memory_space<semaphore_mem>>) src(%dma_wait3A_280 : memref<128x32xf32, #tpu.memory_space<hbm>>) dst(%dma_wait3A_279 : memref<128x32xf32, #tpu.memory_space<vmem>>)
      %dma_start3A_281 = arith.constant 3 : i32
      %dma_start3A_282 = arith.constant 3 : i32
      %dma_start3A_283 = arith.constant 0 : i32
      %dma_start3A_284 = arith.constant 0 : i32
      %dma_start3A_285 = tpu.memref_slice %arg7[%dma_start3A_281, %dma_start3A_283, %dma_start3A_284] : memref<4x128x32xf32, #tpu.memory_space<vmem>> -> memref<1x128x32xf32, #tpu.memory_space<vmem>>
      %dma_start3A_286 = tpu.memref_squeeze %dma_start3A_285 : memref<1x128x32xf32, #tpu.memory_space<vmem>> -> memref<128x32xf32, #tpu.memory_space<vmem>>
      %dma_start3A_287 = arith.constant 0 : i32
      %dma_start3A_288 = tpu.memref_slice %arg8[%dma_start3A_282, %dma_start3A_287] : memref<10x128xi32, #tpu.memory_space<vmem>> -> memref<1x128xi32, #tpu.memory_space<vmem>>
      %dma_start3A_289 = tpu.memref_squeeze %dma_start3A_288 : memref<1x128xi32, #tpu.memory_space<vmem>> -> memref<128xi32, #tpu.memory_space<vmem>>
      %dma_start3A_290 = arith.constant 0 : i32
      %dma_start3A_291 = arith.constant 0 : i32
      %dma_start3A_292 = tpu.memref_slice %arg6[%dma_start3A_290, %dma_start3A_291] : memref<50048x32xf32, #tpu.memory_space<vmem_shared>> -> memref<50048x32xf32, #tpu.memory_space<vmem_shared>>
      tpu.enqueue_indirect_dma source(%dma_start3A_286 : memref<128x32xf32, #tpu.memory_space<vmem>>) target(%dma_start3A_292 : memref<50048x32xf32, #tpu.memory_space<vmem_shared>>) offsets(%dma_start3A_289 : memref<128xi32, #tpu.memory_space<vmem>>) semaphore(%arg10 : memref<!tpu.dma_semaphore, #tpu.memory_space<semaphore_mem>>) {add = true}
      %dma_wait3A_293 = arith.constant 3 : i32
      %dma_wait3A_294 = arith.constant 3 : i32
      %dma_wait3A_295 = arith.constant 0 : i32
      %dma_wait3A_296 = arith.constant 0 : i32
      %dma_wait3A_297 = tpu.memref_slice %arg7[%dma_wait3A_293, %dma_wait3A_295, %dma_wait3A_296] : memref<4x128x32xf32, #tpu.memory_space<vmem>> -> memref<1x128x32xf32, #tpu.memory_space<vmem>>
      %dma_wait3A_298 = tpu.memref_squeeze %dma_wait3A_297 : memref<1x128x32xf32, #tpu.memory_space<vmem>> -> memref<128x32xf32, #tpu.memory_space<vmem>>
      %dma_wait3A_299 = arith.constant 0 : i32
      %dma_wait3A_300 = tpu.memref_slice %arg8[%dma_wait3A_294, %dma_wait3A_299] : memref<10x128xi32, #tpu.memory_space<vmem>> -> memref<1x128xi32, #tpu.memory_space<vmem>>
      %dma_wait3A_301 = tpu.memref_squeeze %dma_wait3A_300 : memref<1x128xi32, #tpu.memory_space<vmem>> -> memref<128xi32, #tpu.memory_space<vmem>>
      %dma_wait3A_302 = arith.constant 0 : i32
      %dma_wait3A_303 = arith.constant 0 : i32
      %dma_wait3A_304 = tpu.memref_slice %arg6[%dma_wait3A_302, %dma_wait3A_303] : memref<50048x32xf32, #tpu.memory_space<vmem_shared>> -> memref<50048x32xf32, #tpu.memory_space<vmem_shared>>
      tpu.wait_indirect_dma semaphore(%arg10 : memref<!tpu.dma_semaphore, #tpu.memory_space<semaphore_mem>>) src(%dma_wait3A_298 : memref<128x32xf32, #tpu.memory_space<vmem>>) dst(%dma_wait3A_304 : memref<50048x32xf32, #tpu.memory_space<vmem_shared>>)
      %add3A_305 = arith.constant 896 : i32
      %add3A_306 = arith.addi %mul3A_75, %add3A_305 : i32
      %dma_start3A_307 = arith.constant 3 : i32
      %dma_start3A_308 = arith.constant 0 : i32
      %dma_start3A_309 = arith.constant 0 : i32
      %dma_start3A_310 = tpu.memref_slice %arg7[%dma_start3A_307, %dma_start3A_308, %dma_start3A_309] : memref<4x128x32xf32, #tpu.memory_space<vmem>> -> memref<1x128x32xf32, #tpu.memory_space<vmem>>
      %dma_start3A_311 = tpu.memref_squeeze %dma_start3A_310 : memref<1x128x32xf32, #tpu.memory_space<vmem>> -> memref<128x32xf32, #tpu.memory_space<vmem>>
      %dma_start3A_312 = tpu.memref_slice %arg2[%add3A_306, %add3A_21] : memref<800000x128xf32, #tpu.memory_space<hbm>> -> memref<128x32xf32, #tpu.memory_space<hbm>>
      %dma_start3A_313 = arith.constant 0 : i32
      %dma_start3A_314 = arith.constant 0 : i32
      %dma_start3A_315 = tpu.memref_slice %arg7[%dma_start3A_307, %dma_start3A_313, %dma_start3A_314] : memref<4x128x32xf32, #tpu.memory_space<vmem>> -> memref<1x128x32xf32, #tpu.memory_space<vmem>>
      %dma_start3A_316 = tpu.memref_squeeze %dma_start3A_315 : memref<1x128x32xf32, #tpu.memory_space<vmem>> -> memref<128x32xf32, #tpu.memory_space<vmem>>
      %dma_start3A_317 = tpu.memref_slice %arg2[%add3A_306, %add3A_21] : memref<800000x128xf32, #tpu.memory_space<hbm>> -> memref<128x32xf32, #tpu.memory_space<hbm>>
      tpu.enqueue_dma source(%dma_start3A_317 : memref<128x32xf32, #tpu.memory_space<hbm>>) target(%dma_start3A_316 : memref<128x32xf32, #tpu.memory_space<vmem>>) target_semaphore(%arg9 : memref<!tpu.dma_semaphore, #tpu.memory_space<semaphore_mem>>)
      %dma_wait3A_318 = arith.constant 0 : i32
      %dma_wait3A_319 = arith.constant 0 : i32
      %dma_wait3A_320 = arith.constant 0 : i32
      %dma_wait3A_321 = tpu.memref_slice %arg7[%dma_wait3A_318, %dma_wait3A_319, %dma_wait3A_320] : memref<4x128x32xf32, #tpu.memory_space<vmem>> -> memref<1x128x32xf32, #tpu.memory_space<vmem>>
      %dma_wait3A_322 = tpu.memref_squeeze %dma_wait3A_321 : memref<1x128x32xf32, #tpu.memory_space<vmem>> -> memref<128x32xf32, #tpu.memory_space<vmem>>
      %dma_wait3A_323 = tpu.memref_slice %arg2[%add3A_162, %add3A_21] : memref<800000x128xf32, #tpu.memory_space<hbm>> -> memref<128x32xf32, #tpu.memory_space<hbm>>
      %dma_wait3A_324 = arith.constant 0 : i32
      %dma_wait3A_325 = arith.constant 0 : i32
      %dma_wait3A_326 = tpu.memref_slice %arg7[%dma_wait3A_318, %dma_wait3A_324, %dma_wait3A_325] : memref<4x128x32xf32, #tpu.memory_space<vmem>> -> memref<1x128x32xf32, #tpu.memory_space<vmem>>
      %dma_wait3A_327 = tpu.memref_squeeze %dma_wait3A_326 : memref<1x128x32xf32, #tpu.memory_space<vmem>> -> memref<128x32xf32, #tpu.memory_space<vmem>>
      %dma_wait3A_328 = tpu.memref_slice %arg2[%add3A_162, %add3A_21] : memref<800000x128xf32, #tpu.memory_space<hbm>> -> memref<128x32xf32, #tpu.memory_space<hbm>>
      tpu.wait_dma2 semaphore(%arg9 : memref<!tpu.dma_semaphore, #tpu.memory_space<semaphore_mem>>) src(%dma_wait3A_328 : memref<128x32xf32, #tpu.memory_space<hbm>>) dst(%dma_wait3A_327 : memref<128x32xf32, #tpu.memory_space<vmem>>)
      %dma_start3A_329 = arith.constant 0 : i32
      %dma_start3A_330 = arith.constant 4 : i32
      %dma_start3A_331 = arith.constant 0 : i32
      %dma_start3A_332 = arith.constant 0 : i32
      %dma_start3A_333 = tpu.memref_slice %arg7[%dma_start3A_329, %dma_start3A_331, %dma_start3A_332] : memref<4x128x32xf32, #tpu.memory_space<vmem>> -> memref<1x128x32xf32, #tpu.memory_space<vmem>>
      %dma_start3A_334 = tpu.memref_squeeze %dma_start3A_333 : memref<1x128x32xf32, #tpu.memory_space<vmem>> -> memref<128x32xf32, #tpu.memory_space<vmem>>
      %dma_start3A_335 = arith.constant 0 : i32
      %dma_start3A_336 = tpu.memref_slice %arg8[%dma_start3A_330, %dma_start3A_335] : memref<10x128xi32, #tpu.memory_space<vmem>> -> memref<1x128xi32, #tpu.memory_space<vmem>>
      %dma_start3A_337 = tpu.memref_squeeze %dma_start3A_336 : memref<1x128xi32, #tpu.memory_space<vmem>> -> memref<128xi32, #tpu.memory_space<vmem>>
      %dma_start3A_338 = arith.constant 0 : i32
      %dma_start3A_339 = arith.constant 0 : i32
      %dma_start3A_340 = tpu.memref_slice %arg6[%dma_start3A_338, %dma_start3A_339] : memref<50048x32xf32, #tpu.memory_space<vmem_shared>> -> memref<50048x32xf32, #tpu.memory_space<vmem_shared>>
      tpu.enqueue_indirect_dma source(%dma_start3A_334 : memref<128x32xf32, #tpu.memory_space<vmem>>) target(%dma_start3A_340 : memref<50048x32xf32, #tpu.memory_space<vmem_shared>>) offsets(%dma_start3A_337 : memref<128xi32, #tpu.memory_space<vmem>>) semaphore(%arg10 : memref<!tpu.dma_semaphore, #tpu.memory_space<semaphore_mem>>) {add = true}
      %dma_wait3A_341 = arith.constant 0 : i32
      %dma_wait3A_342 = arith.constant 4 : i32
      %dma_wait3A_343 = arith.constant 0 : i32
      %dma_wait3A_344 = arith.constant 0 : i32
      %dma_wait3A_345 = tpu.memref_slice %arg7[%dma_wait3A_341, %dma_wait3A_343, %dma_wait3A_344] : memref<4x128x32xf32, #tpu.memory_space<vmem>> -> memref<1x128x32xf32, #tpu.memory_space<vmem>>
      %dma_wait3A_346 = tpu.memref_squeeze %dma_wait3A_345 : memref<1x128x32xf32, #tpu.memory_space<vmem>> -> memref<128x32xf32, #tpu.memory_space<vmem>>
      %dma_wait3A_347 = arith.constant 0 : i32
      %dma_wait3A_348 = tpu.memref_slice %arg8[%dma_wait3A_342, %dma_wait3A_347] : memref<10x128xi32, #tpu.memory_space<vmem>> -> memref<1x128xi32, #tpu.memory_space<vmem>>
      %dma_wait3A_349 = tpu.memref_squeeze %dma_wait3A_348 : memref<1x128xi32, #tpu.memory_space<vmem>> -> memref<128xi32, #tpu.memory_space<vmem>>
      %dma_wait3A_350 = arith.constant 0 : i32
      %dma_wait3A_351 = arith.constant 0 : i32
      %dma_wait3A_352 = tpu.memref_slice %arg6[%dma_wait3A_350, %dma_wait3A_351] : memref<50048x32xf32, #tpu.memory_space<vmem_shared>> -> memref<50048x32xf32, #tpu.memory_space<vmem_shared>>
      tpu.wait_indirect_dma semaphore(%arg10 : memref<!tpu.dma_semaphore, #tpu.memory_space<semaphore_mem>>) src(%dma_wait3A_346 : memref<128x32xf32, #tpu.memory_space<vmem>>) dst(%dma_wait3A_352 : memref<50048x32xf32, #tpu.memory_space<vmem_shared>>)
      %add3A_353 = arith.constant 1024 : i32
      %add3A_354 = arith.addi %mul3A_75, %add3A_353 : i32
      %dma_start3A_355 = arith.constant 0 : i32
      %dma_start3A_356 = arith.constant 0 : i32
      %dma_start3A_357 = arith.constant 0 : i32
      %dma_start3A_358 = tpu.memref_slice %arg7[%dma_start3A_355, %dma_start3A_356, %dma_start3A_357] : memref<4x128x32xf32, #tpu.memory_space<vmem>> -> memref<1x128x32xf32, #tpu.memory_space<vmem>>
      %dma_start3A_359 = tpu.memref_squeeze %dma_start3A_358 : memref<1x128x32xf32, #tpu.memory_space<vmem>> -> memref<128x32xf32, #tpu.memory_space<vmem>>
      %dma_start3A_360 = tpu.memref_slice %arg2[%add3A_354, %add3A_21] : memref<800000x128xf32, #tpu.memory_space<hbm>> -> memref<128x32xf32, #tpu.memory_space<hbm>>
      %dma_start3A_361 = arith.constant 0 : i32
      %dma_start3A_362 = arith.constant 0 : i32
      %dma_start3A_363 = tpu.memref_slice %arg7[%dma_start3A_355, %dma_start3A_361, %dma_start3A_362] : memref<4x128x32xf32, #tpu.memory_space<vmem>> -> memref<1x128x32xf32, #tpu.memory_space<vmem>>
      %dma_start3A_364 = tpu.memref_squeeze %dma_start3A_363 : memref<1x128x32xf32, #tpu.memory_space<vmem>> -> memref<128x32xf32, #tpu.memory_space<vmem>>
      %dma_start3A_365 = tpu.memref_slice %arg2[%add3A_354, %add3A_21] : memref<800000x128xf32, #tpu.memory_space<hbm>> -> memref<128x32xf32, #tpu.memory_space<hbm>>
      tpu.enqueue_dma source(%dma_start3A_365 : memref<128x32xf32, #tpu.memory_space<hbm>>) target(%dma_start3A_364 : memref<128x32xf32, #tpu.memory_space<vmem>>) target_semaphore(%arg9 : memref<!tpu.dma_semaphore, #tpu.memory_space<semaphore_mem>>)
      %dma_wait3A_366 = arith.constant 1 : i32
      %dma_wait3A_367 = arith.constant 0 : i32
      %dma_wait3A_368 = arith.constant 0 : i32
      %dma_wait3A_369 = tpu.memref_slice %arg7[%dma_wait3A_366, %dma_wait3A_367, %dma_wait3A_368] : memref<4x128x32xf32, #tpu.memory_space<vmem>> -> memref<1x128x32xf32, #tpu.memory_space<vmem>>
      %dma_wait3A_370 = tpu.memref_squeeze %dma_wait3A_369 : memref<1x128x32xf32, #tpu.memory_space<vmem>> -> memref<128x32xf32, #tpu.memory_space<vmem>>
      %dma_wait3A_371 = tpu.memref_slice %arg2[%add3A_210, %add3A_21] : memref<800000x128xf32, #tpu.memory_space<hbm>> -> memref<128x32xf32, #tpu.memory_space<hbm>>
      %dma_wait3A_372 = arith.constant 0 : i32
      %dma_wait3A_373 = arith.constant 0 : i32
      %dma_wait3A_374 = tpu.memref_slice %arg7[%dma_wait3A_366, %dma_wait3A_372, %dma_wait3A_373] : memref<4x128x32xf32, #tpu.memory_space<vmem>> -> memref<1x128x32xf32, #tpu.memory_space<vmem>>
      %dma_wait3A_375 = tpu.memref_squeeze %dma_wait3A_374 : memref<1x128x32xf32, #tpu.memory_space<vmem>> -> memref<128x32xf32, #tpu.memory_space<vmem>>
      %dma_wait3A_376 = tpu.memref_slice %arg2[%add3A_210, %add3A_21] : memref<800000x128xf32, #tpu.memory_space<hbm>> -> memref<128x32xf32, #tpu.memory_space<hbm>>
      tpu.wait_dma2 semaphore(%arg9 : memref<!tpu.dma_semaphore, #tpu.memory_space<semaphore_mem>>) src(%dma_wait3A_376 : memref<128x32xf32, #tpu.memory_space<hbm>>) dst(%dma_wait3A_375 : memref<128x32xf32, #tpu.memory_space<vmem>>)
      %dma_start3A_377 = arith.constant 1 : i32
      %dma_start3A_378 = arith.constant 5 : i32
      %dma_start3A_379 = arith.constant 0 : i32
      %dma_start3A_380 = arith.constant 0 : i32
      %dma_start3A_381 = tpu.memref_slice %arg7[%dma_start3A_377, %dma_start3A_379, %dma_start3A_380] : memref<4x128x32xf32, #tpu.memory_space<vmem>> -> memref<1x128x32xf32, #tpu.memory_space<vmem>>
      %dma_start3A_382 = tpu.memref_squeeze %dma_start3A_381 : memref<1x128x32xf32, #tpu.memory_space<vmem>> -> memref<128x32xf32, #tpu.memory_space<vmem>>
      %dma_start3A_383 = arith.constant 0 : i32
      %dma_start3A_384 = tpu.memref_slice %arg8[%dma_start3A_378, %dma_start3A_383] : memref<10x128xi32, #tpu.memory_space<vmem>> -> memref<1x128xi32, #tpu.memory_space<vmem>>
      %dma_start3A_385 = tpu.memref_squeeze %dma_start3A_384 : memref<1x128xi32, #tpu.memory_space<vmem>> -> memref<128xi32, #tpu.memory_space<vmem>>
      %dma_start3A_386 = arith.constant 0 : i32
      %dma_start3A_387 = arith.constant 0 : i32
      %dma_start3A_388 = tpu.memref_slice %arg6[%dma_start3A_386, %dma_start3A_387] : memref<50048x32xf32, #tpu.memory_space<vmem_shared>> -> memref<50048x32xf32, #tpu.memory_space<vmem_shared>>
      tpu.enqueue_indirect_dma source(%dma_start3A_382 : memref<128x32xf32, #tpu.memory_space<vmem>>) target(%dma_start3A_388 : memref<50048x32xf32, #tpu.memory_space<vmem_shared>>) offsets(%dma_start3A_385 : memref<128xi32, #tpu.memory_space<vmem>>) semaphore(%arg10 : memref<!tpu.dma_semaphore, #tpu.memory_space<semaphore_mem>>) {add = true}
      %dma_wait3A_389 = arith.constant 1 : i32
      %dma_wait3A_390 = arith.constant 5 : i32
      %dma_wait3A_391 = arith.constant 0 : i32
      %dma_wait3A_392 = arith.constant 0 : i32
      %dma_wait3A_393 = tpu.memref_slice %arg7[%dma_wait3A_389, %dma_wait3A_391, %dma_wait3A_392] : memref<4x128x32xf32, #tpu.memory_space<vmem>> -> memref<1x128x32xf32, #tpu.memory_space<vmem>>
      %dma_wait3A_394 = tpu.memref_squeeze %dma_wait3A_393 : memref<1x128x32xf32, #tpu.memory_space<vmem>> -> memref<128x32xf32, #tpu.memory_space<vmem>>
      %dma_wait3A_395 = arith.constant 0 : i32
      %dma_wait3A_396 = tpu.memref_slice %arg8[%dma_wait3A_390, %dma_wait3A_395] : memref<10x128xi32, #tpu.memory_space<vmem>> -> memref<1x128xi32, #tpu.memory_space<vmem>>
      %dma_wait3A_397 = tpu.memref_squeeze %dma_wait3A_396 : memref<1x128xi32, #tpu.memory_space<vmem>> -> memref<128xi32, #tpu.memory_space<vmem>>
      %dma_wait3A_398 = arith.constant 0 : i32
      %dma_wait3A_399 = arith.constant 0 : i32
      %dma_wait3A_400 = tpu.memref_slice %arg6[%dma_wait3A_398, %dma_wait3A_399] : memref<50048x32xf32, #tpu.memory_space<vmem_shared>> -> memref<50048x32xf32, #tpu.memory_space<vmem_shared>>
      tpu.wait_indirect_dma semaphore(%arg10 : memref<!tpu.dma_semaphore, #tpu.memory_space<semaphore_mem>>) src(%dma_wait3A_394 : memref<128x32xf32, #tpu.memory_space<vmem>>) dst(%dma_wait3A_400 : memref<50048x32xf32, #tpu.memory_space<vmem_shared>>)
      %add3A_401 = arith.constant 1152 : i32
      %add3A_402 = arith.addi %mul3A_75, %add3A_401 : i32
      %dma_start3A_403 = arith.constant 1 : i32
      %dma_start3A_404 = arith.constant 0 : i32
      %dma_start3A_405 = arith.constant 0 : i32
      %dma_start3A_406 = tpu.memref_slice %arg7[%dma_start3A_403, %dma_start3A_404, %dma_start3A_405] : memref<4x128x32xf32, #tpu.memory_space<vmem>> -> memref<1x128x32xf32, #tpu.memory_space<vmem>>
      %dma_start3A_407 = tpu.memref_squeeze %dma_start3A_406 : memref<1x128x32xf32, #tpu.memory_space<vmem>> -> memref<128x32xf32, #tpu.memory_space<vmem>>
      %dma_start3A_408 = tpu.memref_slice %arg2[%add3A_402, %add3A_21] : memref<800000x128xf32, #tpu.memory_space<hbm>> -> memref<128x32xf32, #tpu.memory_space<hbm>>
      %dma_start3A_409 = arith.constant 0 : i32
      %dma_start3A_410 = arith.constant 0 : i32
      %dma_start3A_411 = tpu.memref_slice %arg7[%dma_start3A_403, %dma_start3A_409, %dma_start3A_410] : memref<4x128x32xf32, #tpu.memory_space<vmem>> -> memref<1x128x32xf32, #tpu.memory_space<vmem>>
      %dma_start3A_412 = tpu.memref_squeeze %dma_start3A_411 : memref<1x128x32xf32, #tpu.memory_space<vmem>> -> memref<128x32xf32, #tpu.memory_space<vmem>>
      %dma_start3A_413 = tpu.memref_slice %arg2[%add3A_402, %add3A_21] : memref<800000x128xf32, #tpu.memory_space<hbm>> -> memref<128x32xf32, #tpu.memory_space<hbm>>
      tpu.enqueue_dma source(%dma_start3A_413 : memref<128x32xf32, #tpu.memory_space<hbm>>) target(%dma_start3A_412 : memref<128x32xf32, #tpu.memory_space<vmem>>) target_semaphore(%arg9 : memref<!tpu.dma_semaphore, #tpu.memory_space<semaphore_mem>>)
      %dma_wait3A_414 = arith.constant 2 : i32
      %dma_wait3A_415 = arith.constant 0 : i32
      %dma_wait3A_416 = arith.constant 0 : i32
      %dma_wait3A_417 = tpu.memref_slice %arg7[%dma_wait3A_414, %dma_wait3A_415, %dma_wait3A_416] : memref<4x128x32xf32, #tpu.memory_space<vmem>> -> memref<1x128x32xf32, #tpu.memory_space<vmem>>
      %dma_wait3A_418 = tpu.memref_squeeze %dma_wait3A_417 : memref<1x128x32xf32, #tpu.memory_space<vmem>> -> memref<128x32xf32, #tpu.memory_space<vmem>>
      %dma_wait3A_419 = tpu.memref_slice %arg2[%add3A_258, %add3A_21] : memref<800000x128xf32, #tpu.memory_space<hbm>> -> memref<128x32xf32, #tpu.memory_space<hbm>>
      %dma_wait3A_420 = arith.constant 0 : i32
      %dma_wait3A_421 = arith.constant 0 : i32
      %dma_wait3A_422 = tpu.memref_slice %arg7[%dma_wait3A_414, %dma_wait3A_420, %dma_wait3A_421] : memref<4x128x32xf32, #tpu.memory_space<vmem>> -> memref<1x128x32xf32, #tpu.memory_space<vmem>>
      %dma_wait3A_423 = tpu.memref_squeeze %dma_wait3A_422 : memref<1x128x32xf32, #tpu.memory_space<vmem>> -> memref<128x32xf32, #tpu.memory_space<vmem>>
      %dma_wait3A_424 = tpu.memref_slice %arg2[%add3A_258, %add3A_21] : memref<800000x128xf32, #tpu.memory_space<hbm>> -> memref<128x32xf32, #tpu.memory_space<hbm>>
      tpu.wait_dma2 semaphore(%arg9 : memref<!tpu.dma_semaphore, #tpu.memory_space<semaphore_mem>>) src(%dma_wait3A_424 : memref<128x32xf32, #tpu.memory_space<hbm>>) dst(%dma_wait3A_423 : memref<128x32xf32, #tpu.memory_space<vmem>>)
      %dma_start3A_425 = arith.constant 2 : i32
      %dma_start3A_426 = arith.constant 6 : i32
      %dma_start3A_427 = arith.constant 0 : i32
      %dma_start3A_428 = arith.constant 0 : i32
      %dma_start3A_429 = tpu.memref_slice %arg7[%dma_start3A_425, %dma_start3A_427, %dma_start3A_428] : memref<4x128x32xf32, #tpu.memory_space<vmem>> -> memref<1x128x32xf32, #tpu.memory_space<vmem>>
      %dma_start3A_430 = tpu.memref_squeeze %dma_start3A_429 : memref<1x128x32xf32, #tpu.memory_space<vmem>> -> memref<128x32xf32, #tpu.memory_space<vmem>>
      %dma_start3A_431 = arith.constant 0 : i32
      %dma_start3A_432 = tpu.memref_slice %arg8[%dma_start3A_426, %dma_start3A_431] : memref<10x128xi32, #tpu.memory_space<vmem>> -> memref<1x128xi32, #tpu.memory_space<vmem>>
      %dma_start3A_433 = tpu.memref_squeeze %dma_start3A_432 : memref<1x128xi32, #tpu.memory_space<vmem>> -> memref<128xi32, #tpu.memory_space<vmem>>
      %dma_start3A_434 = arith.constant 0 : i32
      %dma_start3A_435 = arith.constant 0 : i32
      %dma_start3A_436 = tpu.memref_slice %arg6[%dma_start3A_434, %dma_start3A_435] : memref<50048x32xf32, #tpu.memory_space<vmem_shared>> -> memref<50048x32xf32, #tpu.memory_space<vmem_shared>>
      tpu.enqueue_indirect_dma source(%dma_start3A_430 : memref<128x32xf32, #tpu.memory_space<vmem>>) target(%dma_start3A_436 : memref<50048x32xf32, #tpu.memory_space<vmem_shared>>) offsets(%dma_start3A_433 : memref<128xi32, #tpu.memory_space<vmem>>) semaphore(%arg10 : memref<!tpu.dma_semaphore, #tpu.memory_space<semaphore_mem>>) {add = true}
      %dma_wait3A_437 = arith.constant 3 : i32
      %dma_wait3A_438 = arith.constant 0 : i32
      %dma_wait3A_439 = arith.constant 0 : i32
      %dma_wait3A_440 = tpu.memref_slice %arg7[%dma_wait3A_437, %dma_wait3A_438, %dma_wait3A_439] : memref<4x128x32xf32, #tpu.memory_space<vmem>> -> memref<1x128x32xf32, #tpu.memory_space<vmem>>
      %dma_wait3A_441 = tpu.memref_squeeze %dma_wait3A_440 : memref<1x128x32xf32, #tpu.memory_space<vmem>> -> memref<128x32xf32, #tpu.memory_space<vmem>>
      %dma_wait3A_442 = tpu.memref_slice %arg2[%add3A_306, %add3A_21] : memref<800000x128xf32, #tpu.memory_space<hbm>> -> memref<128x32xf32, #tpu.memory_space<hbm>>
      %dma_wait3A_443 = arith.constant 0 : i32
      %dma_wait3A_444 = arith.constant 0 : i32
      %dma_wait3A_445 = tpu.memref_slice %arg7[%dma_wait3A_437, %dma_wait3A_443, %dma_wait3A_444] : memref<4x128x32xf32, #tpu.memory_space<vmem>> -> memref<1x128x32xf32, #tpu.memory_space<vmem>>
      %dma_wait3A_446 = tpu.memref_squeeze %dma_wait3A_445 : memref<1x128x32xf32, #tpu.memory_space<vmem>> -> memref<128x32xf32, #tpu.memory_space<vmem>>
      %dma_wait3A_447 = tpu.memref_slice %arg2[%add3A_306, %add3A_21] : memref<800000x128xf32, #tpu.memory_space<hbm>> -> memref<128x32xf32, #tpu.memory_space<hbm>>
      tpu.wait_dma2 semaphore(%arg9 : memref<!tpu.dma_semaphore, #tpu.memory_space<semaphore_mem>>) src(%dma_wait3A_447 : memref<128x32xf32, #tpu.memory_space<hbm>>) dst(%dma_wait3A_446 : memref<128x32xf32, #tpu.memory_space<vmem>>)
      %dma_start3A_448 = arith.constant 3 : i32
      %dma_start3A_449 = arith.constant 7 : i32
      %dma_start3A_450 = arith.constant 0 : i32
      %dma_start3A_451 = arith.constant 0 : i32
      %dma_start3A_452 = tpu.memref_slice %arg7[%dma_start3A_448, %dma_start3A_450, %dma_start3A_451] : memref<4x128x32xf32, #tpu.memory_space<vmem>> -> memref<1x128x32xf32, #tpu.memory_space<vmem>>
      %dma_start3A_453 = tpu.memref_squeeze %dma_start3A_452 : memref<1x128x32xf32, #tpu.memory_space<vmem>> -> memref<128x32xf32, #tpu.memory_space<vmem>>
      %dma_start3A_454 = arith.constant 0 : i32
      %dma_start3A_455 = tpu.memref_slice %arg8[%dma_start3A_449, %dma_start3A_454] : memref<10x128xi32, #tpu.memory_space<vmem>> -> memref<1x128xi32, #tpu.memory_space<vmem>>
      %dma_start3A_456 = tpu.memref_squeeze %dma_start3A_455 : memref<1x128xi32, #tpu.memory_space<vmem>> -> memref<128xi32, #tpu.memory_space<vmem>>
      %dma_start3A_457 = arith.constant 0 : i32
      %dma_start3A_458 = arith.constant 0 : i32
      %dma_start3A_459 = tpu.memref_slice %arg6[%dma_start3A_457, %dma_start3A_458] : memref<50048x32xf32, #tpu.memory_space<vmem_shared>> -> memref<50048x32xf32, #tpu.memory_space<vmem_shared>>
      tpu.enqueue_indirect_dma source(%dma_start3A_453 : memref<128x32xf32, #tpu.memory_space<vmem>>) target(%dma_start3A_459 : memref<50048x32xf32, #tpu.memory_space<vmem_shared>>) offsets(%dma_start3A_456 : memref<128xi32, #tpu.memory_space<vmem>>) semaphore(%arg10 : memref<!tpu.dma_semaphore, #tpu.memory_space<semaphore_mem>>) {add = true}
      %dma_wait3A_460 = arith.constant 0 : i32
      %dma_wait3A_461 = arith.constant 0 : i32
      %dma_wait3A_462 = arith.constant 0 : i32
      %dma_wait3A_463 = tpu.memref_slice %arg7[%dma_wait3A_460, %dma_wait3A_461, %dma_wait3A_462] : memref<4x128x32xf32, #tpu.memory_space<vmem>> -> memref<1x128x32xf32, #tpu.memory_space<vmem>>
      %dma_wait3A_464 = tpu.memref_squeeze %dma_wait3A_463 : memref<1x128x32xf32, #tpu.memory_space<vmem>> -> memref<128x32xf32, #tpu.memory_space<vmem>>
      %dma_wait3A_465 = tpu.memref_slice %arg2[%add3A_354, %add3A_21] : memref<800000x128xf32, #tpu.memory_space<hbm>> -> memref<128x32xf32, #tpu.memory_space<hbm>>
      %dma_wait3A_466 = arith.constant 0 : i32
      %dma_wait3A_467 = arith.constant 0 : i32
      %dma_wait3A_468 = tpu.memref_slice %arg7[%dma_wait3A_460, %dma_wait3A_466, %dma_wait3A_467] : memref<4x128x32xf32, #tpu.memory_space<vmem>> -> memref<1x128x32xf32, #tpu.memory_space<vmem>>
      %dma_wait3A_469 = tpu.memref_squeeze %dma_wait3A_468 : memref<1x128x32xf32, #tpu.memory_space<vmem>> -> memref<128x32xf32, #tpu.memory_space<vmem>>
      %dma_wait3A_470 = tpu.memref_slice %arg2[%add3A_354, %add3A_21] : memref<800000x128xf32, #tpu.memory_space<hbm>> -> memref<128x32xf32, #tpu.memory_space<hbm>>
      tpu.wait_dma2 semaphore(%arg9 : memref<!tpu.dma_semaphore, #tpu.memory_space<semaphore_mem>>) src(%dma_wait3A_470 : memref<128x32xf32, #tpu.memory_space<hbm>>) dst(%dma_wait3A_469 : memref<128x32xf32, #tpu.memory_space<vmem>>)
      %dma_start3A_471 = arith.constant 0 : i32
      %dma_start3A_472 = arith.constant 8 : i32
      %dma_start3A_473 = arith.constant 0 : i32
      %dma_start3A_474 = arith.constant 0 : i32
      %dma_start3A_475 = tpu.memref_slice %arg7[%dma_start3A_471, %dma_start3A_473, %dma_start3A_474] : memref<4x128x32xf32, #tpu.memory_space<vmem>> -> memref<1x128x32xf32, #tpu.memory_space<vmem>>
      %dma_start3A_476 = tpu.memref_squeeze %dma_start3A_475 : memref<1x128x32xf32, #tpu.memory_space<vmem>> -> memref<128x32xf32, #tpu.memory_space<vmem>>
      %dma_start3A_477 = arith.constant 0 : i32
      %dma_start3A_478 = tpu.memref_slice %arg8[%dma_start3A_472, %dma_start3A_477] : memref<10x128xi32, #tpu.memory_space<vmem>> -> memref<1x128xi32, #tpu.memory_space<vmem>>
      %dma_start3A_479 = tpu.memref_squeeze %dma_start3A_478 : memref<1x128xi32, #tpu.memory_space<vmem>> -> memref<128xi32, #tpu.memory_space<vmem>>
      %dma_start3A_480 = arith.constant 0 : i32
      %dma_start3A_481 = arith.constant 0 : i32
      %dma_start3A_482 = tpu.memref_slice %arg6[%dma_start3A_480, %dma_start3A_481] : memref<50048x32xf32, #tpu.memory_space<vmem_shared>> -> memref<50048x32xf32, #tpu.memory_space<vmem_shared>>
      tpu.enqueue_indirect_dma source(%dma_start3A_476 : memref<128x32xf32, #tpu.memory_space<vmem>>) target(%dma_start3A_482 : memref<50048x32xf32, #tpu.memory_space<vmem_shared>>) offsets(%dma_start3A_479 : memref<128xi32, #tpu.memory_space<vmem>>) semaphore(%arg10 : memref<!tpu.dma_semaphore, #tpu.memory_space<semaphore_mem>>) {add = true}
      %dma_wait3A_483 = arith.constant 1 : i32
      %dma_wait3A_484 = arith.constant 0 : i32
      %dma_wait3A_485 = arith.constant 0 : i32
      %dma_wait3A_486 = tpu.memref_slice %arg7[%dma_wait3A_483, %dma_wait3A_484, %dma_wait3A_485] : memref<4x128x32xf32, #tpu.memory_space<vmem>> -> memref<1x128x32xf32, #tpu.memory_space<vmem>>
      %dma_wait3A_487 = tpu.memref_squeeze %dma_wait3A_486 : memref<1x128x32xf32, #tpu.memory_space<vmem>> -> memref<128x32xf32, #tpu.memory_space<vmem>>
      %dma_wait3A_488 = tpu.memref_slice %arg2[%add3A_402, %add3A_21] : memref<800000x128xf32, #tpu.memory_space<hbm>> -> memref<128x32xf32, #tpu.memory_space<hbm>>
      %dma_wait3A_489 = arith.constant 0 : i32
      %dma_wait3A_490 = arith.constant 0 : i32
      %dma_wait3A_491 = tpu.memref_slice %arg7[%dma_wait3A_483, %dma_wait3A_489, %dma_wait3A_490] : memref<4x128x32xf32, #tpu.memory_space<vmem>> -> memref<1x128x32xf32, #tpu.memory_space<vmem>>
      %dma_wait3A_492 = tpu.memref_squeeze %dma_wait3A_491 : memref<1x128x32xf32, #tpu.memory_space<vmem>> -> memref<128x32xf32, #tpu.memory_space<vmem>>
      %dma_wait3A_493 = tpu.memref_slice %arg2[%add3A_402, %add3A_21] : memref<800000x128xf32, #tpu.memory_space<hbm>> -> memref<128x32xf32, #tpu.memory_space<hbm>>
      tpu.wait_dma2 semaphore(%arg9 : memref<!tpu.dma_semaphore, #tpu.memory_space<semaphore_mem>>) src(%dma_wait3A_493 : memref<128x32xf32, #tpu.memory_space<hbm>>) dst(%dma_wait3A_492 : memref<128x32xf32, #tpu.memory_space<vmem>>)
      %dma_start3A_494 = arith.constant 1 : i32
      %dma_start3A_495 = arith.constant 9 : i32
      %dma_start3A_496 = arith.constant 0 : i32
      %dma_start3A_497 = arith.constant 0 : i32
      %dma_start3A_498 = tpu.memref_slice %arg7[%dma_start3A_494, %dma_start3A_496, %dma_start3A_497] : memref<4x128x32xf32, #tpu.memory_space<vmem>> -> memref<1x128x32xf32, #tpu.memory_space<vmem>>
      %dma_start3A_499 = tpu.memref_squeeze %dma_start3A_498 : memref<1x128x32xf32, #tpu.memory_space<vmem>> -> memref<128x32xf32, #tpu.memory_space<vmem>>
      %dma_start3A_500 = arith.constant 0 : i32
      %dma_start3A_501 = tpu.memref_slice %arg8[%dma_start3A_495, %dma_start3A_500] : memref<10x128xi32, #tpu.memory_space<vmem>> -> memref<1x128xi32, #tpu.memory_space<vmem>>
      %dma_start3A_502 = tpu.memref_squeeze %dma_start3A_501 : memref<1x128xi32, #tpu.memory_space<vmem>> -> memref<128xi32, #tpu.memory_space<vmem>>
      %dma_start3A_503 = arith.constant 0 : i32
      %dma_start3A_504 = arith.constant 0 : i32
      %dma_start3A_505 = tpu.memref_slice %arg6[%dma_start3A_503, %dma_start3A_504] : memref<50048x32xf32, #tpu.memory_space<vmem_shared>> -> memref<50048x32xf32, #tpu.memory_space<vmem_shared>>
      tpu.enqueue_indirect_dma source(%dma_start3A_499 : memref<128x32xf32, #tpu.memory_space<vmem>>) target(%dma_start3A_505 : memref<50048x32xf32, #tpu.memory_space<vmem_shared>>) offsets(%dma_start3A_502 : memref<128xi32, #tpu.memory_space<vmem>>) semaphore(%arg10 : memref<!tpu.dma_semaphore, #tpu.memory_space<semaphore_mem>>) {add = true}
      %dma_wait3A_506 = arith.constant 2 : i32
      %dma_wait3A_507 = arith.constant 6 : i32
      %dma_wait3A_508 = arith.constant 0 : i32
      %dma_wait3A_509 = arith.constant 0 : i32
      %dma_wait3A_510 = tpu.memref_slice %arg7[%dma_wait3A_506, %dma_wait3A_508, %dma_wait3A_509] : memref<4x128x32xf32, #tpu.memory_space<vmem>> -> memref<1x128x32xf32, #tpu.memory_space<vmem>>
      %dma_wait3A_511 = tpu.memref_squeeze %dma_wait3A_510 : memref<1x128x32xf32, #tpu.memory_space<vmem>> -> memref<128x32xf32, #tpu.memory_space<vmem>>
      %dma_wait3A_512 = arith.constant 0 : i32
      %dma_wait3A_513 = tpu.memref_slice %arg8[%dma_wait3A_507, %dma_wait3A_512] : memref<10x128xi32, #tpu.memory_space<vmem>> -> memref<1x128xi32, #tpu.memory_space<vmem>>
      %dma_wait3A_514 = tpu.memref_squeeze %dma_wait3A_513 : memref<1x128xi32, #tpu.memory_space<vmem>> -> memref<128xi32, #tpu.memory_space<vmem>>
      %dma_wait3A_515 = arith.constant 0 : i32
      %dma_wait3A_516 = arith.constant 0 : i32
      %dma_wait3A_517 = tpu.memref_slice %arg6[%dma_wait3A_515, %dma_wait3A_516] : memref<50048x32xf32, #tpu.memory_space<vmem_shared>> -> memref<50048x32xf32, #tpu.memory_space<vmem_shared>>
      tpu.wait_indirect_dma semaphore(%arg10 : memref<!tpu.dma_semaphore, #tpu.memory_space<semaphore_mem>>) src(%dma_wait3A_511 : memref<128x32xf32, #tpu.memory_space<vmem>>) dst(%dma_wait3A_517 : memref<50048x32xf32, #tpu.memory_space<vmem_shared>>)
      %dma_wait3A_518 = arith.constant 3 : i32
      %dma_wait3A_519 = arith.constant 7 : i32
      %dma_wait3A_520 = arith.constant 0 : i32
      %dma_wait3A_521 = arith.constant 0 : i32
      %dma_wait3A_522 = tpu.memref_slice %arg7[%dma_wait3A_518, %dma_wait3A_520, %dma_wait3A_521] : memref<4x128x32xf32, #tpu.memory_space<vmem>> -> memref<1x128x32xf32, #tpu.memory_space<vmem>>
      %dma_wait3A_523 = tpu.memref_squeeze %dma_wait3A_522 : memref<1x128x32xf32, #tpu.memory_space<vmem>> -> memref<128x32xf32, #tpu.memory_space<vmem>>
      %dma_wait3A_524 = arith.constant 0 : i32
      %dma_wait3A_525 = tpu.memref_slice %arg8[%dma_wait3A_519, %dma_wait3A_524] : memref<10x128xi32, #tpu.memory_space<vmem>> -> memref<1x128xi32, #tpu.memory_space<vmem>>
      %dma_wait3A_526 = tpu.memref_squeeze %dma_wait3A_525 : memref<1x128xi32, #tpu.memory_space<vmem>> -> memref<128xi32, #tpu.memory_space<vmem>>
      %dma_wait3A_527 = arith.constant 0 : i32
      %dma_wait3A_528 = arith.constant 0 : i32
      %dma_wait3A_529 = tpu.memref_slice %arg6[%dma_wait3A_527, %dma_wait3A_528] : memref<50048x32xf32, #tpu.memory_space<vmem_shared>> -> memref<50048x32xf32, #tpu.memory_space<vmem_shared>>
      tpu.wait_indirect_dma semaphore(%arg10 : memref<!tpu.dma_semaphore, #tpu.memory_space<semaphore_mem>>) src(%dma_wait3A_523 : memref<128x32xf32, #tpu.memory_space<vmem>>) dst(%dma_wait3A_529 : memref<50048x32xf32, #tpu.memory_space<vmem_shared>>)
      %dma_wait3A_530 = arith.constant 0 : i32
      %dma_wait3A_531 = arith.constant 8 : i32
      %dma_wait3A_532 = arith.constant 0 : i32
      %dma_wait3A_533 = arith.constant 0 : i32
      %dma_wait3A_534 = tpu.memref_slice %arg7[%dma_wait3A_530, %dma_wait3A_532, %dma_wait3A_533] : memref<4x128x32xf32, #tpu.memory_space<vmem>> -> memref<1x128x32xf32, #tpu.memory_space<vmem>>
      %dma_wait3A_535 = tpu.memref_squeeze %dma_wait3A_534 : memref<1x128x32xf32, #tpu.memory_space<vmem>> -> memref<128x32xf32, #tpu.memory_space<vmem>>
      %dma_wait3A_536 = arith.constant 0 : i32
      %dma_wait3A_537 = tpu.memref_slice %arg8[%dma_wait3A_531, %dma_wait3A_536] : memref<10x128xi32, #tpu.memory_space<vmem>> -> memref<1x128xi32, #tpu.memory_space<vmem>>
      %dma_wait3A_538 = tpu.memref_squeeze %dma_wait3A_537 : memref<1x128xi32, #tpu.memory_space<vmem>> -> memref<128xi32, #tpu.memory_space<vmem>>
      %dma_wait3A_539 = arith.constant 0 : i32
      %dma_wait3A_540 = arith.constant 0 : i32
      %dma_wait3A_541 = tpu.memref_slice %arg6[%dma_wait3A_539, %dma_wait3A_540] : memref<50048x32xf32, #tpu.memory_space<vmem_shared>> -> memref<50048x32xf32, #tpu.memory_space<vmem_shared>>
      tpu.wait_indirect_dma semaphore(%arg10 : memref<!tpu.dma_semaphore, #tpu.memory_space<semaphore_mem>>) src(%dma_wait3A_535 : memref<128x32xf32, #tpu.memory_space<vmem>>) dst(%dma_wait3A_541 : memref<50048x32xf32, #tpu.memory_space<vmem_shared>>)
      %dma_wait3A_542 = arith.constant 1 : i32
      %dma_wait3A_543 = arith.constant 9 : i32
      %dma_wait3A_544 = arith.constant 0 : i32
      %dma_wait3A_545 = arith.constant 0 : i32
      %dma_wait3A_546 = tpu.memref_slice %arg7[%dma_wait3A_542, %dma_wait3A_544, %dma_wait3A_545] : memref<4x128x32xf32, #tpu.memory_space<vmem>> -> memref<1x128x32xf32, #tpu.memory_space<vmem>>
      %dma_wait3A_547 = tpu.memref_squeeze %dma_wait3A_546 : memref<1x128x32xf32, #tpu.memory_space<vmem>> -> memref<128x32xf32, #tpu.memory_space<vmem>>
      %dma_wait3A_548 = arith.constant 0 : i32
      %dma_wait3A_549 = tpu.memref_slice %arg8[%dma_wait3A_543, %dma_wait3A_548] : memref<10x128xi32, #tpu.memory_space<vmem>> -> memref<1x128xi32, #tpu.memory_space<vmem>>
      %dma_wait3A_550 = tpu.memref_squeeze %dma_wait3A_549 : memref<1x128xi32, #tpu.memory_space<vmem>> -> memref<128xi32, #tpu.memory_space<vmem>>
      %dma_wait3A_551 = arith.constant 0 : i32
      %dma_wait3A_552 = arith.constant 0 : i32
      %dma_wait3A_553 = tpu.memref_slice %arg6[%dma_wait3A_551, %dma_wait3A_552] : memref<50048x32xf32, #tpu.memory_space<vmem_shared>> -> memref<50048x32xf32, #tpu.memory_space<vmem_shared>>
      tpu.wait_indirect_dma semaphore(%arg10 : memref<!tpu.dma_semaphore, #tpu.memory_space<semaphore_mem>>) src(%dma_wait3A_547 : memref<128x32xf32, #tpu.memory_space<vmem>>) dst(%dma_wait3A_553 : memref<50048x32xf32, #tpu.memory_space<vmem_shared>>)
    }
    %while3A_32 = arith.constant 1 : i32
    scf.for %while3A_68 = %while3A_30 to %while3A_26 step %while3A_32  : i32 {
      %mul3A_69 = arith.constant 16 : i32
      %mul3A_70 = arith.muli %while3A_68, %mul3A_69 : i32
      %add3A_71 = arith.addi %arg1, %mul3A_70 : i32
      %mul3A_72 = arith.constant 10 : i32
      %mul3A_73 = arith.muli %add3A_71, %mul3A_72 : i32
      %mul3A_74 = arith.constant 1280 : i32
      %mul3A_75 = arith.muli %add3A_71, %mul3A_74 : i32
      "tpu.region"() ({
        %run_scoped3A = tpu.sem_alloc : memref<!tpu.dma_semaphore, #tpu.memory_space<semaphore_mem>>
        %dma_start3A_554 = arith.constant 0 : i32
        %dma_start3A_555 = tpu.memref_slice %arg3[%mul3A_73, %dma_start3A_554] : memref<6250x128xi32, #tpu.memory_space<hbm>> -> memref<10x128xi32, #tpu.memory_space<hbm>>
        %dma_start3A_556 = arith.constant 0 : i32
        %dma_start3A_557 = tpu.memref_slice %arg3[%mul3A_73, %dma_start3A_556] : memref<6250x128xi32, #tpu.memory_space<hbm>> -> memref<10x128xi32, #tpu.memory_space<hbm>>
        tpu.enqueue_dma source(%dma_start3A_557 : memref<10x128xi32, #tpu.memory_space<hbm>>) target(%arg8 : memref<10x128xi32, #tpu.memory_space<vmem>>) target_semaphore(%run_scoped3A : memref<!tpu.dma_semaphore, #tpu.memory_space<semaphore_mem>>)
        %dma_wait3A_558 = arith.constant 0 : i32
        %dma_wait3A_559 = tpu.memref_slice %arg3[%mul3A_73, %dma_wait3A_558] : memref<6250x128xi32, #tpu.memory_space<hbm>> -> memref<10x128xi32, #tpu.memory_space<hbm>>
        %dma_wait3A_560 = arith.constant 0 : i32
        %dma_wait3A_561 = tpu.memref_slice %arg3[%mul3A_73, %dma_wait3A_560] : memref<6250x128xi32, #tpu.memory_space<hbm>> -> memref<10x128xi32, #tpu.memory_space<hbm>>
        tpu.wait_dma2 semaphore(%run_scoped3A : memref<!tpu.dma_semaphore, #tpu.memory_space<semaphore_mem>>) src(%dma_wait3A_561 : memref<10x128xi32, #tpu.memory_space<hbm>>) dst(%arg8 : memref<10x128xi32, #tpu.memory_space<vmem>>)
        tpu.yield
      }) : () -> ()
      %add3A_76 = arith.constant 0 : i32
      %add3A_77 = arith.addi %mul3A_75, %add3A_76 : i32
      %dma_start3A = arith.constant 0 : i32
      %dma_start3A_78 = arith.constant 0 : i32
      %dma_start3A_79 = arith.constant 0 : i32
      %dma_start3A_80 = tpu.memref_slice %arg7[%dma_start3A, %dma_start3A_78, %dma_start3A_79] : memref<4x128x32xf32, #tpu.memory_space<vmem>> -> memref<1x128x32xf32, #tpu.memory_space<vmem>>
      %dma_start3A_81 = tpu.memref_squeeze %dma_start3A_80 : memref<1x128x32xf32, #tpu.memory_space<vmem>> -> memref<128x32xf32, #tpu.memory_space<vmem>>
      %dma_start3A_82 = tpu.memref_slice %arg2[%add3A_77, %add3A_21] : memref<800000x128xf32, #tpu.memory_space<hbm>> -> memref<128x32xf32, #tpu.memory_space<hbm>>
      %dma_start3A_83 = arith.constant 0 : i32
      %dma_start3A_84 = arith.constant 0 : i32
      %dma_start3A_85 = tpu.memref_slice %arg7[%dma_start3A, %dma_start3A_83, %dma_start3A_84] : memref<4x128x32xf32, #tpu.memory_space<vmem>> -> memref<1x128x32xf32, #tpu.memory_space<vmem>>
      %dma_start3A_86 = tpu.memref_squeeze %dma_start3A_85 : memref<1x128x32xf32, #tpu.memory_space<vmem>> -> memref<128x32xf32, #tpu.memory_space<vmem>>
      %dma_start3A_87 = tpu.memref_slice %arg2[%add3A_77, %add3A_21] : memref<800000x128xf32, #tpu.memory_space<hbm>> -> memref<128x32xf32, #tpu.memory_space<hbm>>
      tpu.enqueue_dma source(%dma_start3A_87 : memref<128x32xf32, #tpu.memory_space<hbm>>) target(%dma_start3A_86 : memref<128x32xf32, #tpu.memory_space<vmem>>) target_semaphore(%arg9 : memref<!tpu.dma_semaphore, #tpu.memory_space<semaphore_mem>>)
      %add3A_88 = arith.constant 128 : i32
      %add3A_89 = arith.addi %mul3A_75, %add3A_88 : i32
      %dma_start3A_90 = arith.constant 1 : i32
      %dma_start3A_91 = arith.constant 0 : i32
      %dma_start3A_92 = arith.constant 0 : i32
      %dma_start3A_93 = tpu.memref_slice %arg7[%dma_start3A_90, %dma_start3A_91, %dma_start3A_92] : memref<4x128x32xf32, #tpu.memory_space<vmem>> -> memref<1x128x32xf32, #tpu.memory_space<vmem>>
      %dma_start3A_94 = tpu.memref_squeeze %dma_start3A_93 : memref<1x128x32xf32, #tpu.memory_space<vmem>> -> memref<128x32xf32, #tpu.memory_space<vmem>>
      %dma_start3A_95 = tpu.memref_slice %arg2[%add3A_89, %add3A_21] : memref<800000x128xf32, #tpu.memory_space<hbm>> -> memref<128x32xf32, #tpu.memory_space<hbm>>
      %dma_start3A_96 = arith.constant 0 : i32
      %dma_start3A_97 = arith.constant 0 : i32
      %dma_start3A_98 = tpu.memref_slice %arg7[%dma_start3A_90, %dma_start3A_96, %dma_start3A_97] : memref<4x128x32xf32, #tpu.memory_space<vmem>> -> memref<1x128x32xf32, #tpu.memory_space<vmem>>
      %dma_start3A_99 = tpu.memref_squeeze %dma_start3A_98 : memref<1x128x32xf32, #tpu.memory_space<vmem>> -> memref<128x32xf32, #tpu.memory_space<vmem>>
      %dma_start3A_100 = tpu.memref_slice %arg2[%add3A_89, %add3A_21] : memref<800000x128xf32, #tpu.memory_space<hbm>> -> memref<128x32xf32, #tpu.memory_space<hbm>>
      tpu.enqueue_dma source(%dma_start3A_100 : memref<128x32xf32, #tpu.memory_space<hbm>>) target(%dma_start3A_99 : memref<128x32xf32, #tpu.memory_space<vmem>>) target_semaphore(%arg9 : memref<!tpu.dma_semaphore, #tpu.memory_space<semaphore_mem>>)
      %add3A_101 = arith.constant 256 : i32
      %add3A_102 = arith.addi %mul3A_75, %add3A_101 : i32
      %dma_start3A_103 = arith.constant 2 : i32
      %dma_start3A_104 = arith.constant 0 : i32
      %dma_start3A_105 = arith.constant 0 : i32
      %dma_start3A_106 = tpu.memref_slice %arg7[%dma_start3A_103, %dma_start3A_104, %dma_start3A_105] : memref<4x128x32xf32, #tpu.memory_space<vmem>> -> memref<1x128x32xf32, #tpu.memory_space<vmem>>
      %dma_start3A_107 = tpu.memref_squeeze %dma_start3A_106 : memref<1x128x32xf32, #tpu.memory_space<vmem>> -> memref<128x32xf32, #tpu.memory_space<vmem>>
      %dma_start3A_108 = tpu.memref_slice %arg2[%add3A_102, %add3A_21] : memref<800000x128xf32, #tpu.memory_space<hbm>> -> memref<128x32xf32, #tpu.memory_space<hbm>>
      %dma_start3A_109 = arith.constant 0 : i32
      %dma_start3A_110 = arith.constant 0 : i32
      %dma_start3A_111 = tpu.memref_slice %arg7[%dma_start3A_103, %dma_start3A_109, %dma_start3A_110] : memref<4x128x32xf32, #tpu.memory_space<vmem>> -> memref<1x128x32xf32, #tpu.memory_space<vmem>>
      %dma_start3A_112 = tpu.memref_squeeze %dma_start3A_111 : memref<1x128x32xf32, #tpu.memory_space<vmem>> -> memref<128x32xf32, #tpu.memory_space<vmem>>
      %dma_start3A_113 = tpu.memref_slice %arg2[%add3A_102, %add3A_21] : memref<800000x128xf32, #tpu.memory_space<hbm>> -> memref<128x32xf32, #tpu.memory_space<hbm>>
      tpu.enqueue_dma source(%dma_start3A_113 : memref<128x32xf32, #tpu.memory_space<hbm>>) target(%dma_start3A_112 : memref<128x32xf32, #tpu.memory_space<vmem>>) target_semaphore(%arg9 : memref<!tpu.dma_semaphore, #tpu.memory_space<semaphore_mem>>)
      %add3A_114 = arith.constant 384 : i32
      %add3A_115 = arith.addi %mul3A_75, %add3A_114 : i32
      %dma_start3A_116 = arith.constant 3 : i32
      %dma_start3A_117 = arith.constant 0 : i32
      %dma_start3A_118 = arith.constant 0 : i32
      %dma_start3A_119 = tpu.memref_slice %arg7[%dma_start3A_116, %dma_start3A_117, %dma_start3A_118] : memref<4x128x32xf32, #tpu.memory_space<vmem>> -> memref<1x128x32xf32, #tpu.memory_space<vmem>>
      %dma_start3A_120 = tpu.memref_squeeze %dma_start3A_119 : memref<1x128x32xf32, #tpu.memory_space<vmem>> -> memref<128x32xf32, #tpu.memory_space<vmem>>
      %dma_start3A_121 = tpu.memref_slice %arg2[%add3A_115, %add3A_21] : memref<800000x128xf32, #tpu.memory_space<hbm>> -> memref<128x32xf32, #tpu.memory_space<hbm>>
      %dma_start3A_122 = arith.constant 0 : i32
      %dma_start3A_123 = arith.constant 0 : i32
      %dma_start3A_124 = tpu.memref_slice %arg7[%dma_start3A_116, %dma_start3A_122, %dma_start3A_123] : memref<4x128x32xf32, #tpu.memory_space<vmem>> -> memref<1x128x32xf32, #tpu.memory_space<vmem>>
      %dma_start3A_125 = tpu.memref_squeeze %dma_start3A_124 : memref<1x128x32xf32, #tpu.memory_space<vmem>> -> memref<128x32xf32, #tpu.memory_space<vmem>>
      %dma_start3A_126 = tpu.memref_slice %arg2[%add3A_115, %add3A_21] : memref<800000x128xf32, #tpu.memory_space<hbm>> -> memref<128x32xf32, #tpu.memory_space<hbm>>
      tpu.enqueue_dma source(%dma_start3A_126 : memref<128x32xf32, #tpu.memory_space<hbm>>) target(%dma_start3A_125 : memref<128x32xf32, #tpu.memory_space<vmem>>) target_semaphore(%arg9 : memref<!tpu.dma_semaphore, #tpu.memory_space<semaphore_mem>>)
      %dma_wait3A = arith.constant 0 : i32
      %dma_wait3A_127 = arith.constant 0 : i32
      %dma_wait3A_128 = arith.constant 0 : i32
      %dma_wait3A_129 = tpu.memref_slice %arg7[%dma_wait3A, %dma_wait3A_127, %dma_wait3A_128] : memref<4x128x32xf32, #tpu.memory_space<vmem>> -> memref<1x128x32xf32, #tpu.memory_space<vmem>>
      %dma_wait3A_130 = tpu.memref_squeeze %dma_wait3A_129 : memref<1x128x32xf32, #tpu.memory_space<vmem>> -> memref<128x32xf32, #tpu.memory_space<vmem>>
      %dma_wait3A_131 = tpu.memref_slice %arg2[%add3A_77, %add3A_21] : memref<800000x128xf32, #tpu.memory_space<hbm>> -> memref<128x32xf32, #tpu.memory_space<hbm>>
      %dma_wait3A_132 = arith.constant 0 : i32
      %dma_wait3A_133 = arith.constant 0 : i32
      %dma_wait3A_134 = tpu.memref_slice %arg7[%dma_wait3A, %dma_wait3A_132, %dma_wait3A_133] : memref<4x128x32xf32, #tpu.memory_space<vmem>> -> memref<1x128x32xf32, #tpu.memory_space<vmem>>
      %dma_wait3A_135 = tpu.memref_squeeze %dma_wait3A_134 : memref<1x128x32xf32, #tpu.memory_space<vmem>> -> memref<128x32xf32, #tpu.memory_space<vmem>>
      %dma_wait3A_136 = tpu.memref_slice %arg2[%add3A_77, %add3A_21] : memref<800000x128xf32, #tpu.memory_space<hbm>> -> memref<128x32xf32, #tpu.memory_space<hbm>>
      tpu.wait_dma2 semaphore(%arg9 : memref<!tpu.dma_semaphore, #tpu.memory_space<semaphore_mem>>) src(%dma_wait3A_136 : memref<128x32xf32, #tpu.memory_space<hbm>>) dst(%dma_wait3A_135 : memref<128x32xf32, #tpu.memory_space<vmem>>)
      %dma_start3A_137 = arith.constant 0 : i32
      %dma_start3A_138 = arith.constant 0 : i32
      %dma_start3A_139 = arith.constant 0 : i32
      %dma_start3A_140 = arith.constant 0 : i32
      %dma_start3A_141 = tpu.memref_slice %arg7[%dma_start3A_137, %dma_start3A_139, %dma_start3A_140] : memref<4x128x32xf32, #tpu.memory_space<vmem>> -> memref<1x128x32xf32, #tpu.memory_space<vmem>>
      %dma_start3A_142 = tpu.memref_squeeze %dma_start3A_141 : memref<1x128x32xf32, #tpu.memory_space<vmem>> -> memref<128x32xf32, #tpu.memory_space<vmem>>
      %dma_start3A_143 = arith.constant 0 : i32
      %dma_start3A_144 = tpu.memref_slice %arg8[%dma_start3A_138, %dma_start3A_143] : memref<10x128xi32, #tpu.memory_space<vmem>> -> memref<1x128xi32, #tpu.memory_space<vmem>>
      %dma_start3A_145 = tpu.memref_squeeze %dma_start3A_144 : memref<1x128xi32, #tpu.memory_space<vmem>> -> memref<128xi32, #tpu.memory_space<vmem>>
      %dma_start3A_146 = arith.constant 0 : i32
      %dma_start3A_147 = arith.constant 0 : i32
      %dma_start3A_148 = tpu.memref_slice %arg6[%dma_start3A_146, %dma_start3A_147] : memref<50048x32xf32, #tpu.memory_space<vmem_shared>> -> memref<50048x32xf32, #tpu.memory_space<vmem_shared>>
      tpu.enqueue_indirect_dma source(%dma_start3A_142 : memref<128x32xf32, #tpu.memory_space<vmem>>) target(%dma_start3A_148 : memref<50048x32xf32, #tpu.memory_space<vmem_shared>>) offsets(%dma_start3A_145 : memref<128xi32, #tpu.memory_space<vmem>>) semaphore(%arg10 : memref<!tpu.dma_semaphore, #tpu.memory_space<semaphore_mem>>) {add = true}
      %dma_wait3A_149 = arith.constant 0 : i32
      %dma_wait3A_150 = arith.constant 0 : i32
      %dma_wait3A_151 = arith.constant 0 : i32
      %dma_wait3A_152 = arith.constant 0 : i32
      %dma_wait3A_153 = tpu.memref_slice %arg7[%dma_wait3A_149, %dma_wait3A_151, %dma_wait3A_152] : memref<4x128x32xf32, #tpu.memory_space<vmem>> -> memref<1x128x32xf32, #tpu.memory_space<vmem>>
      %dma_wait3A_154 = tpu.memref_squeeze %dma_wait3A_153 : memref<1x128x32xf32, #tpu.memory_space<vmem>> -> memref<128x32xf32, #tpu.memory_space<vmem>>
      %dma_wait3A_155 = arith.constant 0 : i32
      %dma_wait3A_156 = tpu.memref_slice %arg8[%dma_wait3A_150, %dma_wait3A_155] : memref<10x128xi32, #tpu.memory_space<vmem>> -> memref<1x128xi32, #tpu.memory_space<vmem>>
      %dma_wait3A_157 = tpu.memref_squeeze %dma_wait3A_156 : memref<1x128xi32, #tpu.memory_space<vmem>> -> memref<128xi32, #tpu.memory_space<vmem>>
      %dma_wait3A_158 = arith.constant 0 : i32
      %dma_wait3A_159 = arith.constant 0 : i32
      %dma_wait3A_160 = tpu.memref_slice %arg6[%dma_wait3A_158, %dma_wait3A_159] : memref<50048x32xf32, #tpu.memory_space<vmem_shared>> -> memref<50048x32xf32, #tpu.memory_space<vmem_shared>>
      tpu.wait_indirect_dma semaphore(%arg10 : memref<!tpu.dma_semaphore, #tpu.memory_space<semaphore_mem>>) src(%dma_wait3A_154 : memref<128x32xf32, #tpu.memory_space<vmem>>) dst(%dma_wait3A_160 : memref<50048x32xf32, #tpu.memory_space<vmem_shared>>)
      %add3A_161 = arith.constant 512 : i32
      %add3A_162 = arith.addi %mul3A_75, %add3A_161 : i32
      %dma_start3A_163 = arith.constant 0 : i32
      %dma_start3A_164 = arith.constant 0 : i32
      %dma_start3A_165 = arith.constant 0 : i32
      %dma_start3A_166 = tpu.memref_slice %arg7[%dma_start3A_163, %dma_start3A_164, %dma_start3A_165] : memref<4x128x32xf32, #tpu.memory_space<vmem>> -> memref<1x128x32xf32, #tpu.memory_space<vmem>>
      %dma_start3A_167 = tpu.memref_squeeze %dma_start3A_166 : memref<1x128x32xf32, #tpu.memory_space<vmem>> -> memref<128x32xf32, #tpu.memory_space<vmem>>
      %dma_start3A_168 = tpu.memref_slice %arg2[%add3A_162, %add3A_21] : memref<800000x128xf32, #tpu.memory_space<hbm>> -> memref<128x32xf32, #tpu.memory_space<hbm>>
      %dma_start3A_169 = arith.constant 0 : i32
      %dma_start3A_170 = arith.constant 0 : i32
      %dma_start3A_171 = tpu.memref_slice %arg7[%dma_start3A_163, %dma_start3A_169, %dma_start3A_170] : memref<4x128x32xf32, #tpu.memory_space<vmem>> -> memref<1x128x32xf32, #tpu.memory_space<vmem>>
      %dma_start3A_172 = tpu.memref_squeeze %dma_start3A_171 : memref<1x128x32xf32, #tpu.memory_space<vmem>> -> memref<128x32xf32, #tpu.memory_space<vmem>>
      %dma_start3A_173 = tpu.memref_slice %arg2[%add3A_162, %add3A_21] : memref<800000x128xf32, #tpu.memory_space<hbm>> -> memref<128x32xf32, #tpu.memory_space<hbm>>
      tpu.enqueue_dma source(%dma_start3A_173 : memref<128x32xf32, #tpu.memory_space<hbm>>) target(%dma_start3A_172 : memref<128x32xf32, #tpu.memory_space<vmem>>) target_semaphore(%arg9 : memref<!tpu.dma_semaphore, #tpu.memory_space<semaphore_mem>>)
      %dma_wait3A_174 = arith.constant 1 : i32
      %dma_wait3A_175 = arith.constant 0 : i32
      %dma_wait3A_176 = arith.constant 0 : i32
      %dma_wait3A_177 = tpu.memref_slice %arg7[%dma_wait3A_174, %dma_wait3A_175, %dma_wait3A_176] : memref<4x128x32xf32, #tpu.memory_space<vmem>> -> memref<1x128x32xf32, #tpu.memory_space<vmem>>
      %dma_wait3A_178 = tpu.memref_squeeze %dma_wait3A_177 : memref<1x128x32xf32, #tpu.memory_space<vmem>> -> memref<128x32xf32, #tpu.memory_space<vmem>>
      %dma_wait3A_179 = tpu.memref_slice %arg2[%add3A_89, %add3A_21] : memref<800000x128xf32, #tpu.memory_space<hbm>> -> memref<128x32xf32, #tpu.memory_space<hbm>>
      %dma_wait3A_180 = arith.constant 0 : i32
      %dma_wait3A_181 = arith.constant 0 : i32
      %dma_wait3A_182 = tpu.memref_slice %arg7[%dma_wait3A_174, %dma_wait3A_180, %dma_wait3A_181] : memref<4x128x32xf32, #tpu.memory_space<vmem>> -> memref<1x128x32xf32, #tpu.memory_space<vmem>>
      %dma_wait3A_183 = tpu.memref_squeeze %dma_wait3A_182 : memref<1x128x32xf32, #tpu.memory_space<vmem>> -> memref<128x32xf32, #tpu.memory_space<vmem>>
      %dma_wait3A_184 = tpu.memref_slice %arg2[%add3A_89, %add3A_21] : memref<800000x128xf32, #tpu.memory_space<hbm>> -> memref<128x32xf32, #tpu.memory_space<hbm>>
      tpu.wait_dma2 semaphore(%arg9 : memref<!tpu.dma_semaphore, #tpu.memory_space<semaphore_mem>>) src(%dma_wait3A_184 : memref<128x32xf32, #tpu.memory_space<hbm>>) dst(%dma_wait3A_183 : memref<128x32xf32, #tpu.memory_space<vmem>>)
      %dma_start3A_185 = arith.constant 1 : i32
      %dma_start3A_186 = arith.constant 1 : i32
      %dma_start3A_187 = arith.constant 0 : i32
      %dma_start3A_188 = arith.constant 0 : i32
      %dma_start3A_189 = tpu.memref_slice %arg7[%dma_start3A_185, %dma_start3A_187, %dma_start3A_188] : memref<4x128x32xf32, #tpu.memory_space<vmem>> -> memref<1x128x32xf32, #tpu.memory_space<vmem>>
      %dma_start3A_190 = tpu.memref_squeeze %dma_start3A_189 : memref<1x128x32xf32, #tpu.memory_space<vmem>> -> memref<128x32xf32, #tpu.memory_space<vmem>>
      %dma_start3A_191 = arith.constant 0 : i32
      %dma_start3A_192 = tpu.memref_slice %arg8[%dma_start3A_186, %dma_start3A_191] : memref<10x128xi32, #tpu.memory_space<vmem>> -> memref<1x128xi32, #tpu.memory_space<vmem>>
      %dma_start3A_193 = tpu.memref_squeeze %dma_start3A_192 : memref<1x128xi32, #tpu.memory_space<vmem>> -> memref<128xi32, #tpu.memory_space<vmem>>
      %dma_start3A_194 = arith.constant 0 : i32
      %dma_start3A_195 = arith.constant 0 : i32
      %dma_start3A_196 = tpu.memref_slice %arg6[%dma_start3A_194, %dma_start3A_195] : memref<50048x32xf32, #tpu.memory_space<vmem_shared>> -> memref<50048x32xf32, #tpu.memory_space<vmem_shared>>
      tpu.enqueue_indirect_dma source(%dma_start3A_190 : memref<128x32xf32, #tpu.memory_space<vmem>>) target(%dma_start3A_196 : memref<50048x32xf32, #tpu.memory_space<vmem_shared>>) offsets(%dma_start3A_193 : memref<128xi32, #tpu.memory_space<vmem>>) semaphore(%arg10 : memref<!tpu.dma_semaphore, #tpu.memory_space<semaphore_mem>>) {add = true}
      %dma_wait3A_197 = arith.constant 1 : i32
      %dma_wait3A_198 = arith.constant 1 : i32
      %dma_wait3A_199 = arith.constant 0 : i32
      %dma_wait3A_200 = arith.constant 0 : i32
      %dma_wait3A_201 = tpu.memref_slice %arg7[%dma_wait3A_197, %dma_wait3A_199, %dma_wait3A_200] : memref<4x128x32xf32, #tpu.memory_space<vmem>> -> memref<1x128x32xf32, #tpu.memory_space<vmem>>
      %dma_wait3A_202 = tpu.memref_squeeze %dma_wait3A_201 : memref<1x128x32xf32, #tpu.memory_space<vmem>> -> memref<128x32xf32, #tpu.memory_space<vmem>>
      %dma_wait3A_203 = arith.constant 0 : i32
      %dma_wait3A_204 = tpu.memref_slice %arg8[%dma_wait3A_198, %dma_wait3A_203] : memref<10x128xi32, #tpu.memory_space<vmem>> -> memref<1x128xi32, #tpu.memory_space<vmem>>
      %dma_wait3A_205 = tpu.memref_squeeze %dma_wait3A_204 : memref<1x128xi32, #tpu.memory_space<vmem>> -> memref<128xi32, #tpu.memory_space<vmem>>
      %dma_wait3A_206 = arith.constant 0 : i32
      %dma_wait3A_207 = arith.constant 0 : i32
      %dma_wait3A_208 = tpu.memref_slice %arg6[%dma_wait3A_206, %dma_wait3A_207] : memref<50048x32xf32, #tpu.memory_space<vmem_shared>> -> memref<50048x32xf32, #tpu.memory_space<vmem_shared>>
      tpu.wait_indirect_dma semaphore(%arg10 : memref<!tpu.dma_semaphore, #tpu.memory_space<semaphore_mem>>) src(%dma_wait3A_202 : memref<128x32xf32, #tpu.memory_space<vmem>>) dst(%dma_wait3A_208 : memref<50048x32xf32, #tpu.memory_space<vmem_shared>>)
      %add3A_209 = arith.constant 640 : i32
      %add3A_210 = arith.addi %mul3A_75, %add3A_209 : i32
      %dma_start3A_211 = arith.constant 1 : i32
      %dma_start3A_212 = arith.constant 0 : i32
      %dma_start3A_213 = arith.constant 0 : i32
      %dma_start3A_214 = tpu.memref_slice %arg7[%dma_start3A_211, %dma_start3A_212, %dma_start3A_213] : memref<4x128x32xf32, #tpu.memory_space<vmem>> -> memref<1x128x32xf32, #tpu.memory_space<vmem>>
      %dma_start3A_215 = tpu.memref_squeeze %dma_start3A_214 : memref<1x128x32xf32, #tpu.memory_space<vmem>> -> memref<128x32xf32, #tpu.memory_space<vmem>>
      %dma_start3A_216 = tpu.memref_slice %arg2[%add3A_210, %add3A_21] : memref<800000x128xf32, #tpu.memory_space<hbm>> -> memref<128x32xf32, #tpu.memory_space<hbm>>
      %dma_start3A_217 = arith.constant 0 : i32
      %dma_start3A_218 = arith.constant 0 : i32
      %dma_start3A_219 = tpu.memref_slice %arg7[%dma_start3A_211, %dma_start3A_217, %dma_start3A_218] : memref<4x128x32xf32, #tpu.memory_space<vmem>> -> memref<1x128x32xf32, #tpu.memory_space<vmem>>
      %dma_start3A_220 = tpu.memref_squeeze %dma_start3A_219 : memref<1x128x32xf32, #tpu.memory_space<vmem>> -> memref<128x32xf32, #tpu.memory_space<vmem>>
      %dma_start3A_221 = tpu.memref_slice %arg2[%add3A_210, %add3A_21] : memref<800000x128xf32, #tpu.memory_space<hbm>> -> memref<128x32xf32, #tpu.memory_space<hbm>>
      tpu.enqueue_dma source(%dma_start3A_221 : memref<128x32xf32, #tpu.memory_space<hbm>>) target(%dma_start3A_220 : memref<128x32xf32, #tpu.memory_space<vmem>>) target_semaphore(%arg9 : memref<!tpu.dma_semaphore, #tpu.memory_space<semaphore_mem>>)
      %dma_wait3A_222 = arith.constant 2 : i32
      %dma_wait3A_223 = arith.constant 0 : i32
      %dma_wait3A_224 = arith.constant 0 : i32
      %dma_wait3A_225 = tpu.memref_slice %arg7[%dma_wait3A_222, %dma_wait3A_223, %dma_wait3A_224] : memref<4x128x32xf32, #tpu.memory_space<vmem>> -> memref<1x128x32xf32, #tpu.memory_space<vmem>>
      %dma_wait3A_226 = tpu.memref_squeeze %dma_wait3A_225 : memref<1x128x32xf32, #tpu.memory_space<vmem>> -> memref<128x32xf32, #tpu.memory_space<vmem>>
      %dma_wait3A_227 = tpu.memref_slice %arg2[%add3A_102, %add3A_21] : memref<800000x128xf32, #tpu.memory_space<hbm>> -> memref<128x32xf32, #tpu.memory_space<hbm>>
      %dma_wait3A_228 = arith.constant 0 : i32
      %dma_wait3A_229 = arith.constant 0 : i32
      %dma_wait3A_230 = tpu.memref_slice %arg7[%dma_wait3A_222, %dma_wait3A_228, %dma_wait3A_229] : memref<4x128x32xf32, #tpu.memory_space<vmem>> -> memref<1x128x32xf32, #tpu.memory_space<vmem>>
      %dma_wait3A_231 = tpu.memref_squeeze %dma_wait3A_230 : memref<1x128x32xf32, #tpu.memory_space<vmem>> -> memref<128x32xf32, #tpu.memory_space<vmem>>
      %dma_wait3A_232 = tpu.memref_slice %arg2[%add3A_102, %add3A_21] : memref<800000x128xf32, #tpu.memory_space<hbm>> -> memref<128x32xf32, #tpu.memory_space<hbm>>
      tpu.wait_dma2 semaphore(%arg9 : memref<!tpu.dma_semaphore, #tpu.memory_space<semaphore_mem>>) src(%dma_wait3A_232 : memref<128x32xf32, #tpu.memory_space<hbm>>) dst(%dma_wait3A_231 : memref<128x32xf32, #tpu.memory_space<vmem>>)
      %dma_start3A_233 = arith.constant 2 : i32
      %dma_start3A_234 = arith.constant 2 : i32
      %dma_start3A_235 = arith.constant 0 : i32
      %dma_start3A_236 = arith.constant 0 : i32
      %dma_start3A_237 = tpu.memref_slice %arg7[%dma_start3A_233, %dma_start3A_235, %dma_start3A_236] : memref<4x128x32xf32, #tpu.memory_space<vmem>> -> memref<1x128x32xf32, #tpu.memory_space<vmem>>
      %dma_start3A_238 = tpu.memref_squeeze %dma_start3A_237 : memref<1x128x32xf32, #tpu.memory_space<vmem>> -> memref<128x32xf32, #tpu.memory_space<vmem>>
      %dma_start3A_239 = arith.constant 0 : i32
      %dma_start3A_240 = tpu.memref_slice %arg8[%dma_start3A_234, %dma_start3A_239] : memref<10x128xi32, #tpu.memory_space<vmem>> -> memref<1x128xi32, #tpu.memory_space<vmem>>
      %dma_start3A_241 = tpu.memref_squeeze %dma_start3A_240 : memref<1x128xi32, #tpu.memory_space<vmem>> -> memref<128xi32, #tpu.memory_space<vmem>>
      %dma_start3A_242 = arith.constant 0 : i32
      %dma_start3A_243 = arith.constant 0 : i32
      %dma_start3A_244 = tpu.memref_slice %arg6[%dma_start3A_242, %dma_start3A_243] : memref<50048x32xf32, #tpu.memory_space<vmem_shared>> -> memref<50048x32xf32, #tpu.memory_space<vmem_shared>>
      tpu.enqueue_indirect_dma source(%dma_start3A_238 : memref<128x32xf32, #tpu.memory_space<vmem>>) target(%dma_start3A_244 : memref<50048x32xf32, #tpu.memory_space<vmem_shared>>) offsets(%dma_start3A_241 : memref<128xi32, #tpu.memory_space<vmem>>) semaphore(%arg10 : memref<!tpu.dma_semaphore, #tpu.memory_space<semaphore_mem>>) {add = true}
      %dma_wait3A_245 = arith.constant 2 : i32
      %dma_wait3A_246 = arith.constant 2 : i32
      %dma_wait3A_247 = arith.constant 0 : i32
      %dma_wait3A_248 = arith.constant 0 : i32
      %dma_wait3A_249 = tpu.memref_slice %arg7[%dma_wait3A_245, %dma_wait3A_247, %dma_wait3A_248] : memref<4x128x32xf32, #tpu.memory_space<vmem>> -> memref<1x128x32xf32, #tpu.memory_space<vmem>>
      %dma_wait3A_250 = tpu.memref_squeeze %dma_wait3A_249 : memref<1x128x32xf32, #tpu.memory_space<vmem>> -> memref<128x32xf32, #tpu.memory_space<vmem>>
      %dma_wait3A_251 = arith.constant 0 : i32
      %dma_wait3A_252 = tpu.memref_slice %arg8[%dma_wait3A_246, %dma_wait3A_251] : memref<10x128xi32, #tpu.memory_space<vmem>> -> memref<1x128xi32, #tpu.memory_space<vmem>>
      %dma_wait3A_253 = tpu.memref_squeeze %dma_wait3A_252 : memref<1x128xi32, #tpu.memory_space<vmem>> -> memref<128xi32, #tpu.memory_space<vmem>>
      %dma_wait3A_254 = arith.constant 0 : i32
      %dma_wait3A_255 = arith.constant 0 : i32
      %dma_wait3A_256 = tpu.memref_slice %arg6[%dma_wait3A_254, %dma_wait3A_255] : memref<50048x32xf32, #tpu.memory_space<vmem_shared>> -> memref<50048x32xf32, #tpu.memory_space<vmem_shared>>
      tpu.wait_indirect_dma semaphore(%arg10 : memref<!tpu.dma_semaphore, #tpu.memory_space<semaphore_mem>>) src(%dma_wait3A_250 : memref<128x32xf32, #tpu.memory_space<vmem>>) dst(%dma_wait3A_256 : memref<50048x32xf32, #tpu.memory_space<vmem_shared>>)
      %add3A_257 = arith.constant 768 : i32
      %add3A_258 = arith.addi %mul3A_75, %add3A_257 : i32
      %dma_start3A_259 = arith.constant 2 : i32
      %dma_start3A_260 = arith.constant 0 : i32
      %dma_start3A_261 = arith.constant 0 : i32
      %dma_start3A_262 = tpu.memref_slice %arg7[%dma_start3A_259, %dma_start3A_260, %dma_start3A_261] : memref<4x128x32xf32, #tpu.memory_space<vmem>> -> memref<1x128x32xf32, #tpu.memory_space<vmem>>
      %dma_start3A_263 = tpu.memref_squeeze %dma_start3A_262 : memref<1x128x32xf32, #tpu.memory_space<vmem>> -> memref<128x32xf32, #tpu.memory_space<vmem>>
      %dma_start3A_264 = tpu.memref_slice %arg2[%add3A_258, %add3A_21] : memref<800000x128xf32, #tpu.memory_space<hbm>> -> memref<128x32xf32, #tpu.memory_space<hbm>>
      %dma_start3A_265 = arith.constant 0 : i32
      %dma_start3A_266 = arith.constant 0 : i32
      %dma_start3A_267 = tpu.memref_slice %arg7[%dma_start3A_259, %dma_start3A_265, %dma_start3A_266] : memref<4x128x32xf32, #tpu.memory_space<vmem>> -> memref<1x128x32xf32, #tpu.memory_space<vmem>>
      %dma_start3A_268 = tpu.memref_squeeze %dma_start3A_267 : memref<1x128x32xf32, #tpu.memory_space<vmem>> -> memref<128x32xf32, #tpu.memory_space<vmem>>
      %dma_start3A_269 = tpu.memref_slice %arg2[%add3A_258, %add3A_21] : memref<800000x128xf32, #tpu.memory_space<hbm>> -> memref<128x32xf32, #tpu.memory_space<hbm>>
      tpu.enqueue_dma source(%dma_start3A_269 : memref<128x32xf32, #tpu.memory_space<hbm>>) target(%dma_start3A_268 : memref<128x32xf32, #tpu.memory_space<vmem>>) target_semaphore(%arg9 : memref<!tpu.dma_semaphore, #tpu.memory_space<semaphore_mem>>)
      %dma_wait3A_270 = arith.constant 3 : i32
      %dma_wait3A_271 = arith.constant 0 : i32
      %dma_wait3A_272 = arith.constant 0 : i32
      %dma_wait3A_273 = tpu.memref_slice %arg7[%dma_wait3A_270, %dma_wait3A_271, %dma_wait3A_272] : memref<4x128x32xf32, #tpu.memory_space<vmem>> -> memref<1x128x32xf32, #tpu.memory_space<vmem>>
      %dma_wait3A_274 = tpu.memref_squeeze %dma_wait3A_273 : memref<1x128x32xf32, #tpu.memory_space<vmem>> -> memref<128x32xf32, #tpu.memory_space<vmem>>
      %dma_wait3A_275 = tpu.memref_slice %arg2[%add3A_115, %add3A_21] : memref<800000x128xf32, #tpu.memory_space<hbm>> -> memref<128x32xf32, #tpu.memory_space<hbm>>
      %dma_wait3A_276 = arith.constant 0 : i32
      %dma_wait3A_277 = arith.constant 0 : i32
      %dma_wait3A_278 = tpu.memref_slice %arg7[%dma_wait3A_270, %dma_wait3A_276, %dma_wait3A_277] : memref<4x128x32xf32, #tpu.memory_space<vmem>> -> memref<1x128x32xf32, #tpu.memory_space<vmem>>
      %dma_wait3A_279 = tpu.memref_squeeze %dma_wait3A_278 : memref<1x128x32xf32, #tpu.memory_space<vmem>> -> memref<128x32xf32, #tpu.memory_space<vmem>>
      %dma_wait3A_280 = tpu.memref_slice %arg2[%add3A_115, %add3A_21] : memref<800000x128xf32, #tpu.memory_space<hbm>> -> memref<128x32xf32, #tpu.memory_space<hbm>>
      tpu.wait_dma2 semaphore(%arg9 : memref<!tpu.dma_semaphore, #tpu.memory_space<semaphore_mem>>) src(%dma_wait3A_280 : memref<128x32xf32, #tpu.memory_space<hbm>>) dst(%dma_wait3A_279 : memref<128x32xf32, #tpu.memory_space<vmem>>)
      %dma_start3A_281 = arith.constant 3 : i32
      %dma_start3A_282 = arith.constant 3 : i32
      %dma_start3A_283 = arith.constant 0 : i32
      %dma_start3A_284 = arith.constant 0 : i32
      %dma_start3A_285 = tpu.memref_slice %arg7[%dma_start3A_281, %dma_start3A_283, %dma_start3A_284] : memref<4x128x32xf32, #tpu.memory_space<vmem>> -> memref<1x128x32xf32, #tpu.memory_space<vmem>>
      %dma_start3A_286 = tpu.memref_squeeze %dma_start3A_285 : memref<1x128x32xf32, #tpu.memory_space<vmem>> -> memref<128x32xf32, #tpu.memory_space<vmem>>
      %dma_start3A_287 = arith.constant 0 : i32
      %dma_start3A_288 = tpu.memref_slice %arg8[%dma_start3A_282, %dma_start3A_287] : memref<10x128xi32, #tpu.memory_space<vmem>> -> memref<1x128xi32, #tpu.memory_space<vmem>>
      %dma_start3A_289 = tpu.memref_squeeze %dma_start3A_288 : memref<1x128xi32, #tpu.memory_space<vmem>> -> memref<128xi32, #tpu.memory_space<vmem>>
      %dma_start3A_290 = arith.constant 0 : i32
      %dma_start3A_291 = arith.constant 0 : i32
      %dma_start3A_292 = tpu.memref_slice %arg6[%dma_start3A_290, %dma_start3A_291] : memref<50048x32xf32, #tpu.memory_space<vmem_shared>> -> memref<50048x32xf32, #tpu.memory_space<vmem_shared>>
      tpu.enqueue_indirect_dma source(%dma_start3A_286 : memref<128x32xf32, #tpu.memory_space<vmem>>) target(%dma_start3A_292 : memref<50048x32xf32, #tpu.memory_space<vmem_shared>>) offsets(%dma_start3A_289 : memref<128xi32, #tpu.memory_space<vmem>>) semaphore(%arg10 : memref<!tpu.dma_semaphore, #tpu.memory_space<semaphore_mem>>) {add = true}
      %dma_wait3A_293 = arith.constant 3 : i32
      %dma_wait3A_294 = arith.constant 3 : i32
      %dma_wait3A_295 = arith.constant 0 : i32
      %dma_wait3A_296 = arith.constant 0 : i32
      %dma_wait3A_297 = tpu.memref_slice %arg7[%dma_wait3A_293, %dma_wait3A_295, %dma_wait3A_296] : memref<4x128x32xf32, #tpu.memory_space<vmem>> -> memref<1x128x32xf32, #tpu.memory_space<vmem>>
      %dma_wait3A_298 = tpu.memref_squeeze %dma_wait3A_297 : memref<1x128x32xf32, #tpu.memory_space<vmem>> -> memref<128x32xf32, #tpu.memory_space<vmem>>
      %dma_wait3A_299 = arith.constant 0 : i32
      %dma_wait3A_300 = tpu.memref_slice %arg8[%dma_wait3A_294, %dma_wait3A_299] : memref<10x128xi32, #tpu.memory_space<vmem>> -> memref<1x128xi32, #tpu.memory_space<vmem>>
      %dma_wait3A_301 = tpu.memref_squeeze %dma_wait3A_300 : memref<1x128xi32, #tpu.memory_space<vmem>> -> memref<128xi32, #tpu.memory_space<vmem>>
      %dma_wait3A_302 = arith.constant 0 : i32
      %dma_wait3A_303 = arith.constant 0 : i32
      %dma_wait3A_304 = tpu.memref_slice %arg6[%dma_wait3A_302, %dma_wait3A_303] : memref<50048x32xf32, #tpu.memory_space<vmem_shared>> -> memref<50048x32xf32, #tpu.memory_space<vmem_shared>>
      tpu.wait_indirect_dma semaphore(%arg10 : memref<!tpu.dma_semaphore, #tpu.memory_space<semaphore_mem>>) src(%dma_wait3A_298 : memref<128x32xf32, #tpu.memory_space<vmem>>) dst(%dma_wait3A_304 : memref<50048x32xf32, #tpu.memory_space<vmem_shared>>)
      %add3A_305 = arith.constant 896 : i32
      %add3A_306 = arith.addi %mul3A_75, %add3A_305 : i32
      %dma_start3A_307 = arith.constant 3 : i32
      %dma_start3A_308 = arith.constant 0 : i32
      %dma_start3A_309 = arith.constant 0 : i32
      %dma_start3A_310 = tpu.memref_slice %arg7[%dma_start3A_307, %dma_start3A_308, %dma_start3A_309] : memref<4x128x32xf32, #tpu.memory_space<vmem>> -> memref<1x128x32xf32, #tpu.memory_space<vmem>>
      %dma_start3A_311 = tpu.memref_squeeze %dma_start3A_310 : memref<1x128x32xf32, #tpu.memory_space<vmem>> -> memref<128x32xf32, #tpu.memory_space<vmem>>
      %dma_start3A_312 = tpu.memref_slice %arg2[%add3A_306, %add3A_21] : memref<800000x128xf32, #tpu.memory_space<hbm>> -> memref<128x32xf32, #tpu.memory_space<hbm>>
      %dma_start3A_313 = arith.constant 0 : i32
      %dma_start3A_314 = arith.constant 0 : i32
      %dma_start3A_315 = tpu.memref_slice %arg7[%dma_start3A_307, %dma_start3A_313, %dma_start3A_314] : memref<4x128x32xf32, #tpu.memory_space<vmem>> -> memref<1x128x32xf32, #tpu.memory_space<vmem>>
      %dma_start3A_316 = tpu.memref_squeeze %dma_start3A_315 : memref<1x128x32xf32, #tpu.memory_space<vmem>> -> memref<128x32xf32, #tpu.memory_space<vmem>>
      %dma_start3A_317 = tpu.memref_slice %arg2[%add3A_306, %add3A_21] : memref<800000x128xf32, #tpu.memory_space<hbm>> -> memref<128x32xf32, #tpu.memory_space<hbm>>
      tpu.enqueue_dma source(%dma_start3A_317 : memref<128x32xf32, #tpu.memory_space<hbm>>) target(%dma_start3A_316 : memref<128x32xf32, #tpu.memory_space<vmem>>) target_semaphore(%arg9 : memref<!tpu.dma_semaphore, #tpu.memory_space<semaphore_mem>>)
      %dma_wait3A_318 = arith.constant 0 : i32
      %dma_wait3A_319 = arith.constant 0 : i32
      %dma_wait3A_320 = arith.constant 0 : i32
      %dma_wait3A_321 = tpu.memref_slice %arg7[%dma_wait3A_318, %dma_wait3A_319, %dma_wait3A_320] : memref<4x128x32xf32, #tpu.memory_space<vmem>> -> memref<1x128x32xf32, #tpu.memory_space<vmem>>
      %dma_wait3A_322 = tpu.memref_squeeze %dma_wait3A_321 : memref<1x128x32xf32, #tpu.memory_space<vmem>> -> memref<128x32xf32, #tpu.memory_space<vmem>>
      %dma_wait3A_323 = tpu.memref_slice %arg2[%add3A_162, %add3A_21] : memref<800000x128xf32, #tpu.memory_space<hbm>> -> memref<128x32xf32, #tpu.memory_space<hbm>>
      %dma_wait3A_324 = arith.constant 0 : i32
      %dma_wait3A_325 = arith.constant 0 : i32
      %dma_wait3A_326 = tpu.memref_slice %arg7[%dma_wait3A_318, %dma_wait3A_324, %dma_wait3A_325] : memref<4x128x32xf32, #tpu.memory_space<vmem>> -> memref<1x128x32xf32, #tpu.memory_space<vmem>>
      %dma_wait3A_327 = tpu.memref_squeeze %dma_wait3A_326 : memref<1x128x32xf32, #tpu.memory_space<vmem>> -> memref<128x32xf32, #tpu.memory_space<vmem>>
      %dma_wait3A_328 = tpu.memref_slice %arg2[%add3A_162, %add3A_21] : memref<800000x128xf32, #tpu.memory_space<hbm>> -> memref<128x32xf32, #tpu.memory_space<hbm>>
      tpu.wait_dma2 semaphore(%arg9 : memref<!tpu.dma_semaphore, #tpu.memory_space<semaphore_mem>>) src(%dma_wait3A_328 : memref<128x32xf32, #tpu.memory_space<hbm>>) dst(%dma_wait3A_327 : memref<128x32xf32, #tpu.memory_space<vmem>>)
      %dma_start3A_329 = arith.constant 0 : i32
      %dma_start3A_330 = arith.constant 4 : i32
      %dma_start3A_331 = arith.constant 0 : i32
      %dma_start3A_332 = arith.constant 0 : i32
      %dma_start3A_333 = tpu.memref_slice %arg7[%dma_start3A_329, %dma_start3A_331, %dma_start3A_332] : memref<4x128x32xf32, #tpu.memory_space<vmem>> -> memref<1x128x32xf32, #tpu.memory_space<vmem>>
      %dma_start3A_334 = tpu.memref_squeeze %dma_start3A_333 : memref<1x128x32xf32, #tpu.memory_space<vmem>> -> memref<128x32xf32, #tpu.memory_space<vmem>>
      %dma_start3A_335 = arith.constant 0 : i32
      %dma_start3A_336 = tpu.memref_slice %arg8[%dma_start3A_330, %dma_start3A_335] : memref<10x128xi32, #tpu.memory_space<vmem>> -> memref<1x128xi32, #tpu.memory_space<vmem>>
      %dma_start3A_337 = tpu.memref_squeeze %dma_start3A_336 : memref<1x128xi32, #tpu.memory_space<vmem>> -> memref<128xi32, #tpu.memory_space<vmem>>
      %dma_start3A_338 = arith.constant 0 : i32
      %dma_start3A_339 = arith.constant 0 : i32
      %dma_start3A_340 = tpu.memref_slice %arg6[%dma_start3A_338, %dma_start3A_339] : memref<50048x32xf32, #tpu.memory_space<vmem_shared>> -> memref<50048x32xf32, #tpu.memory_space<vmem_shared>>
      tpu.enqueue_indirect_dma source(%dma_start3A_334 : memref<128x32xf32, #tpu.memory_space<vmem>>) target(%dma_start3A_340 : memref<50048x32xf32, #tpu.memory_space<vmem_shared>>) offsets(%dma_start3A_337 : memref<128xi32, #tpu.memory_space<vmem>>) semaphore(%arg10 : memref<!tpu.dma_semaphore, #tpu.memory_space<semaphore_mem>>) {add = true}
      %dma_wait3A_341 = arith.constant 0 : i32
      %dma_wait3A_342 = arith.constant 4 : i32
      %dma_wait3A_343 = arith.constant 0 : i32
      %dma_wait3A_344 = arith.constant 0 : i32
      %dma_wait3A_345 = tpu.memref_slice %arg7[%dma_wait3A_341, %dma_wait3A_343, %dma_wait3A_344] : memref<4x128x32xf32, #tpu.memory_space<vmem>> -> memref<1x128x32xf32, #tpu.memory_space<vmem>>
      %dma_wait3A_346 = tpu.memref_squeeze %dma_wait3A_345 : memref<1x128x32xf32, #tpu.memory_space<vmem>> -> memref<128x32xf32, #tpu.memory_space<vmem>>
      %dma_wait3A_347 = arith.constant 0 : i32
      %dma_wait3A_348 = tpu.memref_slice %arg8[%dma_wait3A_342, %dma_wait3A_347] : memref<10x128xi32, #tpu.memory_space<vmem>> -> memref<1x128xi32, #tpu.memory_space<vmem>>
      %dma_wait3A_349 = tpu.memref_squeeze %dma_wait3A_348 : memref<1x128xi32, #tpu.memory_space<vmem>> -> memref<128xi32, #tpu.memory_space<vmem>>
      %dma_wait3A_350 = arith.constant 0 : i32
      %dma_wait3A_351 = arith.constant 0 : i32
      %dma_wait3A_352 = tpu.memref_slice %arg6[%dma_wait3A_350, %dma_wait3A_351] : memref<50048x32xf32, #tpu.memory_space<vmem_shared>> -> memref<50048x32xf32, #tpu.memory_space<vmem_shared>>
      tpu.wait_indirect_dma semaphore(%arg10 : memref<!tpu.dma_semaphore, #tpu.memory_space<semaphore_mem>>) src(%dma_wait3A_346 : memref<128x32xf32, #tpu.memory_space<vmem>>) dst(%dma_wait3A_352 : memref<50048x32xf32, #tpu.memory_space<vmem_shared>>)
      %add3A_353 = arith.constant 1024 : i32
      %add3A_354 = arith.addi %mul3A_75, %add3A_353 : i32
      %dma_start3A_355 = arith.constant 0 : i32
      %dma_start3A_356 = arith.constant 0 : i32
      %dma_start3A_357 = arith.constant 0 : i32
      %dma_start3A_358 = tpu.memref_slice %arg7[%dma_start3A_355, %dma_start3A_356, %dma_start3A_357] : memref<4x128x32xf32, #tpu.memory_space<vmem>> -> memref<1x128x32xf32, #tpu.memory_space<vmem>>
      %dma_start3A_359 = tpu.memref_squeeze %dma_start3A_358 : memref<1x128x32xf32, #tpu.memory_space<vmem>> -> memref<128x32xf32, #tpu.memory_space<vmem>>
      %dma_start3A_360 = tpu.memref_slice %arg2[%add3A_354, %add3A_21] : memref<800000x128xf32, #tpu.memory_space<hbm>> -> memref<128x32xf32, #tpu.memory_space<hbm>>
      %dma_start3A_361 = arith.constant 0 : i32
      %dma_start3A_362 = arith.constant 0 : i32
      %dma_start3A_363 = tpu.memref_slice %arg7[%dma_start3A_355, %dma_start3A_361, %dma_start3A_362] : memref<4x128x32xf32, #tpu.memory_space<vmem>> -> memref<1x128x32xf32, #tpu.memory_space<vmem>>
      %dma_start3A_364 = tpu.memref_squeeze %dma_start3A_363 : memref<1x128x32xf32, #tpu.memory_space<vmem>> -> memref<128x32xf32, #tpu.memory_space<vmem>>
      %dma_start3A_365 = tpu.memref_slice %arg2[%add3A_354, %add3A_21] : memref<800000x128xf32, #tpu.memory_space<hbm>> -> memref<128x32xf32, #tpu.memory_space<hbm>>
      tpu.enqueue_dma source(%dma_start3A_365 : memref<128x32xf32, #tpu.memory_space<hbm>>) target(%dma_start3A_364 : memref<128x32xf32, #tpu.memory_space<vmem>>) target_semaphore(%arg9 : memref<!tpu.dma_semaphore, #tpu.memory_space<semaphore_mem>>)
      %dma_wait3A_366 = arith.constant 1 : i32
      %dma_wait3A_367 = arith.constant 0 : i32
      %dma_wait3A_368 = arith.constant 0 : i32
      %dma_wait3A_369 = tpu.memref_slice %arg7[%dma_wait3A_366, %dma_wait3A_367, %dma_wait3A_368] : memref<4x128x32xf32, #tpu.memory_space<vmem>> -> memref<1x128x32xf32, #tpu.memory_space<vmem>>
      %dma_wait3A_370 = tpu.memref_squeeze %dma_wait3A_369 : memref<1x128x32xf32, #tpu.memory_space<vmem>> -> memref<128x32xf32, #tpu.memory_space<vmem>>
      %dma_wait3A_371 = tpu.memref_slice %arg2[%add3A_210, %add3A_21] : memref<800000x128xf32, #tpu.memory_space<hbm>> -> memref<128x32xf32, #tpu.memory_space<hbm>>
      %dma_wait3A_372 = arith.constant 0 : i32
      %dma_wait3A_373 = arith.constant 0 : i32
      %dma_wait3A_374 = tpu.memref_slice %arg7[%dma_wait3A_366, %dma_wait3A_372, %dma_wait3A_373] : memref<4x128x32xf32, #tpu.memory_space<vmem>> -> memref<1x128x32xf32, #tpu.memory_space<vmem>>
      %dma_wait3A_375 = tpu.memref_squeeze %dma_wait3A_374 : memref<1x128x32xf32, #tpu.memory_space<vmem>> -> memref<128x32xf32, #tpu.memory_space<vmem>>
      %dma_wait3A_376 = tpu.memref_slice %arg2[%add3A_210, %add3A_21] : memref<800000x128xf32, #tpu.memory_space<hbm>> -> memref<128x32xf32, #tpu.memory_space<hbm>>
      tpu.wait_dma2 semaphore(%arg9 : memref<!tpu.dma_semaphore, #tpu.memory_space<semaphore_mem>>) src(%dma_wait3A_376 : memref<128x32xf32, #tpu.memory_space<hbm>>) dst(%dma_wait3A_375 : memref<128x32xf32, #tpu.memory_space<vmem>>)
      %dma_start3A_377 = arith.constant 1 : i32
      %dma_start3A_378 = arith.constant 5 : i32
      %dma_start3A_379 = arith.constant 0 : i32
      %dma_start3A_380 = arith.constant 0 : i32
      %dma_start3A_381 = tpu.memref_slice %arg7[%dma_start3A_377, %dma_start3A_379, %dma_start3A_380] : memref<4x128x32xf32, #tpu.memory_space<vmem>> -> memref<1x128x32xf32, #tpu.memory_space<vmem>>
      %dma_start3A_382 = tpu.memref_squeeze %dma_start3A_381 : memref<1x128x32xf32, #tpu.memory_space<vmem>> -> memref<128x32xf32, #tpu.memory_space<vmem>>
      %dma_start3A_383 = arith.constant 0 : i32
      %dma_start3A_384 = tpu.memref_slice %arg8[%dma_start3A_378, %dma_start3A_383] : memref<10x128xi32, #tpu.memory_space<vmem>> -> memref<1x128xi32, #tpu.memory_space<vmem>>
      %dma_start3A_385 = tpu.memref_squeeze %dma_start3A_384 : memref<1x128xi32, #tpu.memory_space<vmem>> -> memref<128xi32, #tpu.memory_space<vmem>>
      %dma_start3A_386 = arith.constant 0 : i32
      %dma_start3A_387 = arith.constant 0 : i32
      %dma_start3A_388 = tpu.memref_slice %arg6[%dma_start3A_386, %dma_start3A_387] : memref<50048x32xf32, #tpu.memory_space<vmem_shared>> -> memref<50048x32xf32, #tpu.memory_space<vmem_shared>>
      tpu.enqueue_indirect_dma source(%dma_start3A_382 : memref<128x32xf32, #tpu.memory_space<vmem>>) target(%dma_start3A_388 : memref<50048x32xf32, #tpu.memory_space<vmem_shared>>) offsets(%dma_start3A_385 : memref<128xi32, #tpu.memory_space<vmem>>) semaphore(%arg10 : memref<!tpu.dma_semaphore, #tpu.memory_space<semaphore_mem>>) {add = true}
      %dma_wait3A_389 = arith.constant 1 : i32
      %dma_wait3A_390 = arith.constant 5 : i32
      %dma_wait3A_391 = arith.constant 0 : i32
      %dma_wait3A_392 = arith.constant 0 : i32
      %dma_wait3A_393 = tpu.memref_slice %arg7[%dma_wait3A_389, %dma_wait3A_391, %dma_wait3A_392] : memref<4x128x32xf32, #tpu.memory_space<vmem>> -> memref<1x128x32xf32, #tpu.memory_space<vmem>>
      %dma_wait3A_394 = tpu.memref_squeeze %dma_wait3A_393 : memref<1x128x32xf32, #tpu.memory_space<vmem>> -> memref<128x32xf32, #tpu.memory_space<vmem>>
      %dma_wait3A_395 = arith.constant 0 : i32
      %dma_wait3A_396 = tpu.memref_slice %arg8[%dma_wait3A_390, %dma_wait3A_395] : memref<10x128xi32, #tpu.memory_space<vmem>> -> memref<1x128xi32, #tpu.memory_space<vmem>>
      %dma_wait3A_397 = tpu.memref_squeeze %dma_wait3A_396 : memref<1x128xi32, #tpu.memory_space<vmem>> -> memref<128xi32, #tpu.memory_space<vmem>>
      %dma_wait3A_398 = arith.constant 0 : i32
      %dma_wait3A_399 = arith.constant 0 : i32
      %dma_wait3A_400 = tpu.memref_slice %arg6[%dma_wait3A_398, %dma_wait3A_399] : memref<50048x32xf32, #tpu.memory_space<vmem_shared>> -> memref<50048x32xf32, #tpu.memory_space<vmem_shared>>
      tpu.wait_indirect_dma semaphore(%arg10 : memref<!tpu.dma_semaphore, #tpu.memory_space<semaphore_mem>>) src(%dma_wait3A_394 : memref<128x32xf32, #tpu.memory_space<vmem>>) dst(%dma_wait3A_400 : memref<50048x32xf32, #tpu.memory_space<vmem_shared>>)
      %add3A_401 = arith.constant 1152 : i32
      %add3A_402 = arith.addi %mul3A_75, %add3A_401 : i32
      %dma_start3A_403 = arith.constant 1 : i32
      %dma_start3A_404 = arith.constant 0 : i32
      %dma_start3A_405 = arith.constant 0 : i32
      %dma_start3A_406 = tpu.memref_slice %arg7[%dma_start3A_403, %dma_start3A_404, %dma_start3A_405] : memref<4x128x32xf32, #tpu.memory_space<vmem>> -> memref<1x128x32xf32, #tpu.memory_space<vmem>>
      %dma_start3A_407 = tpu.memref_squeeze %dma_start3A_406 : memref<1x128x32xf32, #tpu.memory_space<vmem>> -> memref<128x32xf32, #tpu.memory_space<vmem>>
      %dma_start3A_408 = tpu.memref_slice %arg2[%add3A_402, %add3A_21] : memref<800000x128xf32, #tpu.memory_space<hbm>> -> memref<128x32xf32, #tpu.memory_space<hbm>>
      %dma_start3A_409 = arith.constant 0 : i32
      %dma_start3A_410 = arith.constant 0 : i32
      %dma_start3A_411 = tpu.memref_slice %arg7[%dma_start3A_403, %dma_start3A_409, %dma_start3A_410] : memref<4x128x32xf32, #tpu.memory_space<vmem>> -> memref<1x128x32xf32, #tpu.memory_space<vmem>>
      %dma_start3A_412 = tpu.memref_squeeze %dma_start3A_411 : memref<1x128x32xf32, #tpu.memory_space<vmem>> -> memref<128x32xf32, #tpu.memory_space<vmem>>
      %dma_start3A_413 = tpu.memref_slice %arg2[%add3A_402, %add3A_21] : memref<800000x128xf32, #tpu.memory_space<hbm>> -> memref<128x32xf32, #tpu.memory_space<hbm>>
      tpu.enqueue_dma source(%dma_start3A_413 : memref<128x32xf32, #tpu.memory_space<hbm>>) target(%dma_start3A_412 : memref<128x32xf32, #tpu.memory_space<vmem>>) target_semaphore(%arg9 : memref<!tpu.dma_semaphore, #tpu.memory_space<semaphore_mem>>)
      %dma_wait3A_414 = arith.constant 2 : i32
      %dma_wait3A_415 = arith.constant 0 : i32
      %dma_wait3A_416 = arith.constant 0 : i32
      %dma_wait3A_417 = tpu.memref_slice %arg7[%dma_wait3A_414, %dma_wait3A_415, %dma_wait3A_416] : memref<4x128x32xf32, #tpu.memory_space<vmem>> -> memref<1x128x32xf32, #tpu.memory_space<vmem>>
      %dma_wait3A_418 = tpu.memref_squeeze %dma_wait3A_417 : memref<1x128x32xf32, #tpu.memory_space<vmem>> -> memref<128x32xf32, #tpu.memory_space<vmem>>
      %dma_wait3A_419 = tpu.memref_slice %arg2[%add3A_258, %add3A_21] : memref<800000x128xf32, #tpu.memory_space<hbm>> -> memref<128x32xf32, #tpu.memory_space<hbm>>
      %dma_wait3A_420 = arith.constant 0 : i32
      %dma_wait3A_421 = arith.constant 0 : i32
      %dma_wait3A_422 = tpu.memref_slice %arg7[%dma_wait3A_414, %dma_wait3A_420, %dma_wait3A_421] : memref<4x128x32xf32, #tpu.memory_space<vmem>> -> memref<1x128x32xf32, #tpu.memory_space<vmem>>
      %dma_wait3A_423 = tpu.memref_squeeze %dma_wait3A_422 : memref<1x128x32xf32, #tpu.memory_space<vmem>> -> memref<128x32xf32, #tpu.memory_space<vmem>>
      %dma_wait3A_424 = tpu.memref_slice %arg2[%add3A_258, %add3A_21] : memref<800000x128xf32, #tpu.memory_space<hbm>> -> memref<128x32xf32, #tpu.memory_space<hbm>>
      tpu.wait_dma2 semaphore(%arg9 : memref<!tpu.dma_semaphore, #tpu.memory_space<semaphore_mem>>) src(%dma_wait3A_424 : memref<128x32xf32, #tpu.memory_space<hbm>>) dst(%dma_wait3A_423 : memref<128x32xf32, #tpu.memory_space<vmem>>)
      %dma_start3A_425 = arith.constant 2 : i32
      %dma_start3A_426 = arith.constant 6 : i32
      %dma_start3A_427 = arith.constant 0 : i32
      %dma_start3A_428 = arith.constant 0 : i32
      %dma_start3A_429 = tpu.memref_slice %arg7[%dma_start3A_425, %dma_start3A_427, %dma_start3A_428] : memref<4x128x32xf32, #tpu.memory_space<vmem>> -> memref<1x128x32xf32, #tpu.memory_space<vmem>>
      %dma_start3A_430 = tpu.memref_squeeze %dma_start3A_429 : memref<1x128x32xf32, #tpu.memory_space<vmem>> -> memref<128x32xf32, #tpu.memory_space<vmem>>
      %dma_start3A_431 = arith.constant 0 : i32
      %dma_start3A_432 = tpu.memref_slice %arg8[%dma_start3A_426, %dma_start3A_431] : memref<10x128xi32, #tpu.memory_space<vmem>> -> memref<1x128xi32, #tpu.memory_space<vmem>>
      %dma_start3A_433 = tpu.memref_squeeze %dma_start3A_432 : memref<1x128xi32, #tpu.memory_space<vmem>> -> memref<128xi32, #tpu.memory_space<vmem>>
      %dma_start3A_434 = arith.constant 0 : i32
      %dma_start3A_435 = arith.constant 0 : i32
      %dma_start3A_436 = tpu.memref_slice %arg6[%dma_start3A_434, %dma_start3A_435] : memref<50048x32xf32, #tpu.memory_space<vmem_shared>> -> memref<50048x32xf32, #tpu.memory_space<vmem_shared>>
      tpu.enqueue_indirect_dma source(%dma_start3A_430 : memref<128x32xf32, #tpu.memory_space<vmem>>) target(%dma_start3A_436 : memref<50048x32xf32, #tpu.memory_space<vmem_shared>>) offsets(%dma_start3A_433 : memref<128xi32, #tpu.memory_space<vmem>>) semaphore(%arg10 : memref<!tpu.dma_semaphore, #tpu.memory_space<semaphore_mem>>) {add = true}
      %dma_wait3A_437 = arith.constant 3 : i32
      %dma_wait3A_438 = arith.constant 0 : i32
      %dma_wait3A_439 = arith.constant 0 : i32
      %dma_wait3A_440 = tpu.memref_slice %arg7[%dma_wait3A_437, %dma_wait3A_438, %dma_wait3A_439] : memref<4x128x32xf32, #tpu.memory_space<vmem>> -> memref<1x128x32xf32, #tpu.memory_space<vmem>>
      %dma_wait3A_441 = tpu.memref_squeeze %dma_wait3A_440 : memref<1x128x32xf32, #tpu.memory_space<vmem>> -> memref<128x32xf32, #tpu.memory_space<vmem>>
      %dma_wait3A_442 = tpu.memref_slice %arg2[%add3A_306, %add3A_21] : memref<800000x128xf32, #tpu.memory_space<hbm>> -> memref<128x32xf32, #tpu.memory_space<hbm>>
      %dma_wait3A_443 = arith.constant 0 : i32
      %dma_wait3A_444 = arith.constant 0 : i32
      %dma_wait3A_445 = tpu.memref_slice %arg7[%dma_wait3A_437, %dma_wait3A_443, %dma_wait3A_444] : memref<4x128x32xf32, #tpu.memory_space<vmem>> -> memref<1x128x32xf32, #tpu.memory_space<vmem>>
      %dma_wait3A_446 = tpu.memref_squeeze %dma_wait3A_445 : memref<1x128x32xf32, #tpu.memory_space<vmem>> -> memref<128x32xf32, #tpu.memory_space<vmem>>
      %dma_wait3A_447 = tpu.memref_slice %arg2[%add3A_306, %add3A_21] : memref<800000x128xf32, #tpu.memory_space<hbm>> -> memref<128x32xf32, #tpu.memory_space<hbm>>
      tpu.wait_dma2 semaphore(%arg9 : memref<!tpu.dma_semaphore, #tpu.memory_space<semaphore_mem>>) src(%dma_wait3A_447 : memref<128x32xf32, #tpu.memory_space<hbm>>) dst(%dma_wait3A_446 : memref<128x32xf32, #tpu.memory_space<vmem>>)
      %dma_start3A_448 = arith.constant 3 : i32
      %dma_start3A_449 = arith.constant 7 : i32
      %dma_start3A_450 = arith.constant 0 : i32
      %dma_start3A_451 = arith.constant 0 : i32
      %dma_start3A_452 = tpu.memref_slice %arg7[%dma_start3A_448, %dma_start3A_450, %dma_start3A_451] : memref<4x128x32xf32, #tpu.memory_space<vmem>> -> memref<1x128x32xf32, #tpu.memory_space<vmem>>
      %dma_start3A_453 = tpu.memref_squeeze %dma_start3A_452 : memref<1x128x32xf32, #tpu.memory_space<vmem>> -> memref<128x32xf32, #tpu.memory_space<vmem>>
      %dma_start3A_454 = arith.constant 0 : i32
      %dma_start3A_455 = tpu.memref_slice %arg8[%dma_start3A_449, %dma_start3A_454] : memref<10x128xi32, #tpu.memory_space<vmem>> -> memref<1x128xi32, #tpu.memory_space<vmem>>
      %dma_start3A_456 = tpu.memref_squeeze %dma_start3A_455 : memref<1x128xi32, #tpu.memory_space<vmem>> -> memref<128xi32, #tpu.memory_space<vmem>>
      %dma_start3A_457 = arith.constant 0 : i32
      %dma_start3A_458 = arith.constant 0 : i32
      %dma_start3A_459 = tpu.memref_slice %arg6[%dma_start3A_457, %dma_start3A_458] : memref<50048x32xf32, #tpu.memory_space<vmem_shared>> -> memref<50048x32xf32, #tpu.memory_space<vmem_shared>>
      tpu.enqueue_indirect_dma source(%dma_start3A_453 : memref<128x32xf32, #tpu.memory_space<vmem>>) target(%dma_start3A_459 : memref<50048x32xf32, #tpu.memory_space<vmem_shared>>) offsets(%dma_start3A_456 : memref<128xi32, #tpu.memory_space<vmem>>) semaphore(%arg10 : memref<!tpu.dma_semaphore, #tpu.memory_space<semaphore_mem>>) {add = true}
      %dma_wait3A_460 = arith.constant 0 : i32
      %dma_wait3A_461 = arith.constant 0 : i32
      %dma_wait3A_462 = arith.constant 0 : i32
      %dma_wait3A_463 = tpu.memref_slice %arg7[%dma_wait3A_460, %dma_wait3A_461, %dma_wait3A_462] : memref<4x128x32xf32, #tpu.memory_space<vmem>> -> memref<1x128x32xf32, #tpu.memory_space<vmem>>
      %dma_wait3A_464 = tpu.memref_squeeze %dma_wait3A_463 : memref<1x128x32xf32, #tpu.memory_space<vmem>> -> memref<128x32xf32, #tpu.memory_space<vmem>>
      %dma_wait3A_465 = tpu.memref_slice %arg2[%add3A_354, %add3A_21] : memref<800000x128xf32, #tpu.memory_space<hbm>> -> memref<128x32xf32, #tpu.memory_space<hbm>>
      %dma_wait3A_466 = arith.constant 0 : i32
      %dma_wait3A_467 = arith.constant 0 : i32
      %dma_wait3A_468 = tpu.memref_slice %arg7[%dma_wait3A_460, %dma_wait3A_466, %dma_wait3A_467] : memref<4x128x32xf32, #tpu.memory_space<vmem>> -> memref<1x128x32xf32, #tpu.memory_space<vmem>>
      %dma_wait3A_469 = tpu.memref_squeeze %dma_wait3A_468 : memref<1x128x32xf32, #tpu.memory_space<vmem>> -> memref<128x32xf32, #tpu.memory_space<vmem>>
      %dma_wait3A_470 = tpu.memref_slice %arg2[%add3A_354, %add3A_21] : memref<800000x128xf32, #tpu.memory_space<hbm>> -> memref<128x32xf32, #tpu.memory_space<hbm>>
      tpu.wait_dma2 semaphore(%arg9 : memref<!tpu.dma_semaphore, #tpu.memory_space<semaphore_mem>>) src(%dma_wait3A_470 : memref<128x32xf32, #tpu.memory_space<hbm>>) dst(%dma_wait3A_469 : memref<128x32xf32, #tpu.memory_space<vmem>>)
      %dma_start3A_471 = arith.constant 0 : i32
      %dma_start3A_472 = arith.constant 8 : i32
      %dma_start3A_473 = arith.constant 0 : i32
      %dma_start3A_474 = arith.constant 0 : i32
      %dma_start3A_475 = tpu.memref_slice %arg7[%dma_start3A_471, %dma_start3A_473, %dma_start3A_474] : memref<4x128x32xf32, #tpu.memory_space<vmem>> -> memref<1x128x32xf32, #tpu.memory_space<vmem>>
      %dma_start3A_476 = tpu.memref_squeeze %dma_start3A_475 : memref<1x128x32xf32, #tpu.memory_space<vmem>> -> memref<128x32xf32, #tpu.memory_space<vmem>>
      %dma_start3A_477 = arith.constant 0 : i32
      %dma_start3A_478 = tpu.memref_slice %arg8[%dma_start3A_472, %dma_start3A_477] : memref<10x128xi32, #tpu.memory_space<vmem>> -> memref<1x128xi32, #tpu.memory_space<vmem>>
      %dma_start3A_479 = tpu.memref_squeeze %dma_start3A_478 : memref<1x128xi32, #tpu.memory_space<vmem>> -> memref<128xi32, #tpu.memory_space<vmem>>
      %dma_start3A_480 = arith.constant 0 : i32
      %dma_start3A_481 = arith.constant 0 : i32
      %dma_start3A_482 = tpu.memref_slice %arg6[%dma_start3A_480, %dma_start3A_481] : memref<50048x32xf32, #tpu.memory_space<vmem_shared>> -> memref<50048x32xf32, #tpu.memory_space<vmem_shared>>
      tpu.enqueue_indirect_dma source(%dma_start3A_476 : memref<128x32xf32, #tpu.memory_space<vmem>>) target(%dma_start3A_482 : memref<50048x32xf32, #tpu.memory_space<vmem_shared>>) offsets(%dma_start3A_479 : memref<128xi32, #tpu.memory_space<vmem>>) semaphore(%arg10 : memref<!tpu.dma_semaphore, #tpu.memory_space<semaphore_mem>>) {add = true}
      %dma_wait3A_483 = arith.constant 1 : i32
      %dma_wait3A_484 = arith.constant 0 : i32
      %dma_wait3A_485 = arith.constant 0 : i32
      %dma_wait3A_486 = tpu.memref_slice %arg7[%dma_wait3A_483, %dma_wait3A_484, %dma_wait3A_485] : memref<4x128x32xf32, #tpu.memory_space<vmem>> -> memref<1x128x32xf32, #tpu.memory_space<vmem>>
      %dma_wait3A_487 = tpu.memref_squeeze %dma_wait3A_486 : memref<1x128x32xf32, #tpu.memory_space<vmem>> -> memref<128x32xf32, #tpu.memory_space<vmem>>
      %dma_wait3A_488 = tpu.memref_slice %arg2[%add3A_402, %add3A_21] : memref<800000x128xf32, #tpu.memory_space<hbm>> -> memref<128x32xf32, #tpu.memory_space<hbm>>
      %dma_wait3A_489 = arith.constant 0 : i32
      %dma_wait3A_490 = arith.constant 0 : i32
      %dma_wait3A_491 = tpu.memref_slice %arg7[%dma_wait3A_483, %dma_wait3A_489, %dma_wait3A_490] : memref<4x128x32xf32, #tpu.memory_space<vmem>> -> memref<1x128x32xf32, #tpu.memory_space<vmem>>
      %dma_wait3A_492 = tpu.memref_squeeze %dma_wait3A_491 : memref<1x128x32xf32, #tpu.memory_space<vmem>> -> memref<128x32xf32, #tpu.memory_space<vmem>>
      %dma_wait3A_493 = tpu.memref_slice %arg2[%add3A_402, %add3A_21] : memref<800000x128xf32, #tpu.memory_space<hbm>> -> memref<128x32xf32, #tpu.memory_space<hbm>>
      tpu.wait_dma2 semaphore(%arg9 : memref<!tpu.dma_semaphore, #tpu.memory_space<semaphore_mem>>) src(%dma_wait3A_493 : memref<128x32xf32, #tpu.memory_space<hbm>>) dst(%dma_wait3A_492 : memref<128x32xf32, #tpu.memory_space<vmem>>)
      %dma_start3A_494 = arith.constant 1 : i32
      %dma_start3A_495 = arith.constant 9 : i32
      %dma_start3A_496 = arith.constant 0 : i32
      %dma_start3A_497 = arith.constant 0 : i32
      %dma_start3A_498 = tpu.memref_slice %arg7[%dma_start3A_494, %dma_start3A_496, %dma_start3A_497] : memref<4x128x32xf32, #tpu.memory_space<vmem>> -> memref<1x128x32xf32, #tpu.memory_space<vmem>>
      %dma_start3A_499 = tpu.memref_squeeze %dma_start3A_498 : memref<1x128x32xf32, #tpu.memory_space<vmem>> -> memref<128x32xf32, #tpu.memory_space<vmem>>
      %dma_start3A_500 = arith.constant 0 : i32
      %dma_start3A_501 = tpu.memref_slice %arg8[%dma_start3A_495, %dma_start3A_500] : memref<10x128xi32, #tpu.memory_space<vmem>> -> memref<1x128xi32, #tpu.memory_space<vmem>>
      %dma_start3A_502 = tpu.memref_squeeze %dma_start3A_501 : memref<1x128xi32, #tpu.memory_space<vmem>> -> memref<128xi32, #tpu.memory_space<vmem>>
      %dma_start3A_503 = arith.constant 0 : i32
      %dma_start3A_504 = arith.constant 0 : i32
      %dma_start3A_505 = tpu.memref_slice %arg6[%dma_start3A_503, %dma_start3A_504] : memref<50048x32xf32, #tpu.memory_space<vmem_shared>> -> memref<50048x32xf32, #tpu.memory_space<vmem_shared>>
      tpu.enqueue_indirect_dma source(%dma_start3A_499 : memref<128x32xf32, #tpu.memory_space<vmem>>) target(%dma_start3A_505 : memref<50048x32xf32, #tpu.memory_space<vmem_shared>>) offsets(%dma_start3A_502 : memref<128xi32, #tpu.memory_space<vmem>>) semaphore(%arg10 : memref<!tpu.dma_semaphore, #tpu.memory_space<semaphore_mem>>) {add = true}
      %dma_wait3A_506 = arith.constant 2 : i32
      %dma_wait3A_507 = arith.constant 6 : i32
      %dma_wait3A_508 = arith.constant 0 : i32
      %dma_wait3A_509 = arith.constant 0 : i32
      %dma_wait3A_510 = tpu.memref_slice %arg7[%dma_wait3A_506, %dma_wait3A_508, %dma_wait3A_509] : memref<4x128x32xf32, #tpu.memory_space<vmem>> -> memref<1x128x32xf32, #tpu.memory_space<vmem>>
      %dma_wait3A_511 = tpu.memref_squeeze %dma_wait3A_510 : memref<1x128x32xf32, #tpu.memory_space<vmem>> -> memref<128x32xf32, #tpu.memory_space<vmem>>
      %dma_wait3A_512 = arith.constant 0 : i32
      %dma_wait3A_513 = tpu.memref_slice %arg8[%dma_wait3A_507, %dma_wait3A_512] : memref<10x128xi32, #tpu.memory_space<vmem>> -> memref<1x128xi32, #tpu.memory_space<vmem>>
      %dma_wait3A_514 = tpu.memref_squeeze %dma_wait3A_513 : memref<1x128xi32, #tpu.memory_space<vmem>> -> memref<128xi32, #tpu.memory_space<vmem>>
      %dma_wait3A_515 = arith.constant 0 : i32
      %dma_wait3A_516 = arith.constant 0 : i32
      %dma_wait3A_517 = tpu.memref_slice %arg6[%dma_wait3A_515, %dma_wait3A_516] : memref<50048x32xf32, #tpu.memory_space<vmem_shared>> -> memref<50048x32xf32, #tpu.memory_space<vmem_shared>>
      tpu.wait_indirect_dma semaphore(%arg10 : memref<!tpu.dma_semaphore, #tpu.memory_space<semaphore_mem>>) src(%dma_wait3A_511 : memref<128x32xf32, #tpu.memory_space<vmem>>) dst(%dma_wait3A_517 : memref<50048x32xf32, #tpu.memory_space<vmem_shared>>)
      %dma_wait3A_518 = arith.constant 3 : i32
      %dma_wait3A_519 = arith.constant 7 : i32
      %dma_wait3A_520 = arith.constant 0 : i32
      %dma_wait3A_521 = arith.constant 0 : i32
      %dma_wait3A_522 = tpu.memref_slice %arg7[%dma_wait3A_518, %dma_wait3A_520, %dma_wait3A_521] : memref<4x128x32xf32, #tpu.memory_space<vmem>> -> memref<1x128x32xf32, #tpu.memory_space<vmem>>
      %dma_wait3A_523 = tpu.memref_squeeze %dma_wait3A_522 : memref<1x128x32xf32, #tpu.memory_space<vmem>> -> memref<128x32xf32, #tpu.memory_space<vmem>>
      %dma_wait3A_524 = arith.constant 0 : i32
      %dma_wait3A_525 = tpu.memref_slice %arg8[%dma_wait3A_519, %dma_wait3A_524] : memref<10x128xi32, #tpu.memory_space<vmem>> -> memref<1x128xi32, #tpu.memory_space<vmem>>
      %dma_wait3A_526 = tpu.memref_squeeze %dma_wait3A_525 : memref<1x128xi32, #tpu.memory_space<vmem>> -> memref<128xi32, #tpu.memory_space<vmem>>
      %dma_wait3A_527 = arith.constant 0 : i32
      %dma_wait3A_528 = arith.constant 0 : i32
      %dma_wait3A_529 = tpu.memref_slice %arg6[%dma_wait3A_527, %dma_wait3A_528] : memref<50048x32xf32, #tpu.memory_space<vmem_shared>> -> memref<50048x32xf32, #tpu.memory_space<vmem_shared>>
      tpu.wait_indirect_dma semaphore(%arg10 : memref<!tpu.dma_semaphore, #tpu.memory_space<semaphore_mem>>) src(%dma_wait3A_523 : memref<128x32xf32, #tpu.memory_space<vmem>>) dst(%dma_wait3A_529 : memref<50048x32xf32, #tpu.memory_space<vmem_shared>>)
      %dma_wait3A_530 = arith.constant 0 : i32
      %dma_wait3A_531 = arith.constant 8 : i32
      %dma_wait3A_532 = arith.constant 0 : i32
      %dma_wait3A_533 = arith.constant 0 : i32
      %dma_wait3A_534 = tpu.memref_slice %arg7[%dma_wait3A_530, %dma_wait3A_532, %dma_wait3A_533] : memref<4x128x32xf32, #tpu.memory_space<vmem>> -> memref<1x128x32xf32, #tpu.memory_space<vmem>>
      %dma_wait3A_535 = tpu.memref_squeeze %dma_wait3A_534 : memref<1x128x32xf32, #tpu.memory_space<vmem>> -> memref<128x32xf32, #tpu.memory_space<vmem>>
      %dma_wait3A_536 = arith.constant 0 : i32
      %dma_wait3A_537 = tpu.memref_slice %arg8[%dma_wait3A_531, %dma_wait3A_536] : memref<10x128xi32, #tpu.memory_space<vmem>> -> memref<1x128xi32, #tpu.memory_space<vmem>>
      %dma_wait3A_538 = tpu.memref_squeeze %dma_wait3A_537 : memref<1x128xi32, #tpu.memory_space<vmem>> -> memref<128xi32, #tpu.memory_space<vmem>>
      %dma_wait3A_539 = arith.constant 0 : i32
      %dma_wait3A_540 = arith.constant 0 : i32
      %dma_wait3A_541 = tpu.memref_slice %arg6[%dma_wait3A_539, %dma_wait3A_540] : memref<50048x32xf32, #tpu.memory_space<vmem_shared>> -> memref<50048x32xf32, #tpu.memory_space<vmem_shared>>
      tpu.wait_indirect_dma semaphore(%arg10 : memref<!tpu.dma_semaphore, #tpu.memory_space<semaphore_mem>>) src(%dma_wait3A_535 : memref<128x32xf32, #tpu.memory_space<vmem>>) dst(%dma_wait3A_541 : memref<50048x32xf32, #tpu.memory_space<vmem_shared>>)
      %dma_wait3A_542 = arith.constant 1 : i32
      %dma_wait3A_543 = arith.constant 9 : i32
      %dma_wait3A_544 = arith.constant 0 : i32
      %dma_wait3A_545 = arith.constant 0 : i32
      %dma_wait3A_546 = tpu.memref_slice %arg7[%dma_wait3A_542, %dma_wait3A_544, %dma_wait3A_545] : memref<4x128x32xf32, #tpu.memory_space<vmem>> -> memref<1x128x32xf32, #tpu.memory_space<vmem>>
      %dma_wait3A_547 = tpu.memref_squeeze %dma_wait3A_546 : memref<1x128x32xf32, #tpu.memory_space<vmem>> -> memref<128x32xf32, #tpu.memory_space<vmem>>
      %dma_wait3A_548 = arith.constant 0 : i32
      %dma_wait3A_549 = tpu.memref_slice %arg8[%dma_wait3A_543, %dma_wait3A_548] : memref<10x128xi32, #tpu.memory_space<vmem>> -> memref<1x128xi32, #tpu.memory_space<vmem>>
      %dma_wait3A_550 = tpu.memref_squeeze %dma_wait3A_549 : memref<1x128xi32, #tpu.memory_space<vmem>> -> memref<128xi32, #tpu.memory_space<vmem>>
      %dma_wait3A_551 = arith.constant 0 : i32
      %dma_wait3A_552 = arith.constant 0 : i32
      %dma_wait3A_553 = tpu.memref_slice %arg6[%dma_wait3A_551, %dma_wait3A_552] : memref<50048x32xf32, #tpu.memory_space<vmem_shared>> -> memref<50048x32xf32, #tpu.memory_space<vmem_shared>>
      tpu.wait_indirect_dma semaphore(%arg10 : memref<!tpu.dma_semaphore, #tpu.memory_space<semaphore_mem>>) src(%dma_wait3A_547 : memref<128x32xf32, #tpu.memory_space<vmem>>) dst(%dma_wait3A_553 : memref<50048x32xf32, #tpu.memory_space<vmem_shared>>)
    }
    %barrier3A_33 = arith.constant 0 : index
    tpu.barrier barrier_id(%barrier3A_33)
    %lt3A = arith.constant 15 : i32
    %lt3A_34 = arith.cmpi slt, %arg1, %lt3A : i32
    %convert_element_type3A = arith.extui %lt3A_34 : i1 to i32
    %cond3A = arith.constant 0 : i32
    %cond3A_35 = arith.cmpi ne, %convert_element_type3A, %cond3A : i32
    scf.if %cond3A_35 {
      %mul3A_68 = arith.constant 3128 : i32
      %mul3A_69 = arith.muli %arg1, %mul3A_68 : i32
      %mul3A_70 = arith.constant 3128 : i32
      %mul3A_71 = arith.muli %arg1, %mul3A_70 : i32
      %run_scoped3A = arith.constant 0 : i32
      "tpu.region"() ({
        %run_scoped3A_72 = tpu.sem_alloc : memref<!tpu.dma_semaphore, #tpu.memory_space<semaphore_mem>>
        %dma_start3A = arith.constant 0 : i32
        %dma_start3A_73 = tpu.memref_slice %arg5[%arg0, %run_scoped3A, %mul3A_71, %dma_start3A] : memref<2x2x50000x32xf32, #tpu.memory_space<hbm>> -> memref<1x1x3128x32xf32, #tpu.memory_space<hbm>>
        %dma_start3A_74 = tpu.memref_squeeze %dma_start3A_73 : memref<1x1x3128x32xf32, #tpu.memory_space<hbm>> -> memref<3128x32xf32, #tpu.memory_space<hbm>>
        %dma_start3A_75 = arith.constant 0 : i32
        %dma_start3A_76 = tpu.memref_slice %arg6[%mul3A_69, %dma_start3A_75] : memref<50048x32xf32, #tpu.memory_space<vmem_shared>> -> memref<3128x32xf32, #tpu.memory_space<vmem_shared>>
        tpu.enqueue_dma source(%dma_start3A_76 : memref<3128x32xf32, #tpu.memory_space<vmem_shared>>) target(%dma_start3A_74 : memref<3128x32xf32, #tpu.memory_space<hbm>>) target_semaphore(%run_scoped3A_72 : memref<!tpu.dma_semaphore, #tpu.memory_space<semaphore_mem>>)
        %dma_wait3A = arith.constant 0 : i32
        %dma_wait3A_77 = tpu.memref_slice %arg5[%arg0, %run_scoped3A, %mul3A_71, %dma_wait3A] : memref<2x2x50000x32xf32, #tpu.memory_space<hbm>> -> memref<1x1x3128x32xf32, #tpu.memory_space<hbm>>
        %dma_wait3A_78 = tpu.memref_squeeze %dma_wait3A_77 : memref<1x1x3128x32xf32, #tpu.memory_space<hbm>> -> memref<3128x32xf32, #tpu.memory_space<hbm>>
        %dma_wait3A_79 = arith.constant 0 : i32
        %dma_wait3A_80 = tpu.memref_slice %arg6[%mul3A_69, %dma_wait3A_79] : memref<50048x32xf32, #tpu.memory_space<vmem_shared>> -> memref<3128x32xf32, #tpu.memory_space<vmem_shared>>
        tpu.wait_dma2 semaphore(%run_scoped3A_72 : memref<!tpu.dma_semaphore, #tpu.memory_space<semaphore_mem>>) src(%dma_wait3A_80 : memref<3128x32xf32, #tpu.memory_space<vmem_shared>>) dst(%dma_wait3A_78 : memref<3128x32xf32, #tpu.memory_space<hbm>>)
        tpu.yield
      }) : () -> ()
    } else {
    }
    %eq3A = arith.constant 15 : i32
    %eq3A_36 = arith.cmpi eq, %arg1, %eq3A : i32
    %convert_element_type3A_37 = arith.extui %eq3A_36 : i1 to i32
    %cond3A_38 = arith.constant 0 : i32
    %cond3A_39 = arith.cmpi ne, %convert_element_type3A_37, %cond3A_38 : i32
    scf.if %cond3A_39 {
      %run_scoped3A = arith.constant 0 : i32
      "tpu.region"() ({
        %run_scoped3A_68 = tpu.sem_alloc : memref<!tpu.dma_semaphore, #tpu.memory_space<semaphore_mem>>
        %dma_start3A = arith.constant 46920 : i32
        %dma_start3A_69 = arith.constant 0 : i32
        %dma_start3A_70 = tpu.memref_slice %arg5[%arg0, %run_scoped3A, %dma_start3A, %dma_start3A_69] : memref<2x2x50000x32xf32, #tpu.memory_space<hbm>> -> memref<1x1x3080x32xf32, #tpu.memory_space<hbm>>
        %dma_start3A_71 = tpu.memref_squeeze %dma_start3A_70 : memref<1x1x3080x32xf32, #tpu.memory_space<hbm>> -> memref<3080x32xf32, #tpu.memory_space<hbm>>
        %dma_start3A_72 = arith.constant 46920 : i32
        %dma_start3A_73 = arith.constant 0 : i32
        %dma_start3A_74 = tpu.memref_slice %arg6[%dma_start3A_72, %dma_start3A_73] : memref<50048x32xf32, #tpu.memory_space<vmem_shared>> -> memref<3080x32xf32, #tpu.memory_space<vmem_shared>>
        tpu.enqueue_dma source(%dma_start3A_74 : memref<3080x32xf32, #tpu.memory_space<vmem_shared>>) target(%dma_start3A_71 : memref<3080x32xf32, #tpu.memory_space<hbm>>) target_semaphore(%run_scoped3A_68 : memref<!tpu.dma_semaphore, #tpu.memory_space<semaphore_mem>>)
        %dma_wait3A = arith.constant 46920 : i32
        %dma_wait3A_75 = arith.constant 0 : i32
        %dma_wait3A_76 = tpu.memref_slice %arg5[%arg0, %run_scoped3A, %dma_wait3A, %dma_wait3A_75] : memref<2x2x50000x32xf32, #tpu.memory_space<hbm>> -> memref<1x1x3080x32xf32, #tpu.memory_space<hbm>>
        %dma_wait3A_77 = tpu.memref_squeeze %dma_wait3A_76 : memref<1x1x3080x32xf32, #tpu.memory_space<hbm>> -> memref<3080x32xf32, #tpu.memory_space<hbm>>
        %dma_wait3A_78 = arith.constant 46920 : i32
        %dma_wait3A_79 = arith.constant 0 : i32
        %dma_wait3A_80 = tpu.memref_slice %arg6[%dma_wait3A_78, %dma_wait3A_79] : memref<50048x32xf32, #tpu.memory_space<vmem_shared>> -> memref<3080x32xf32, #tpu.memory_space<vmem_shared>>
        tpu.wait_dma2 semaphore(%run_scoped3A_68 : memref<!tpu.dma_semaphore, #tpu.memory_space<semaphore_mem>>) src(%dma_wait3A_80 : memref<3080x32xf32, #tpu.memory_space<vmem_shared>>) dst(%dma_wait3A_77 : memref<3080x32xf32, #tpu.memory_space<hbm>>)
        tpu.yield
      }) : () -> ()
    } else {
    }
    %mul3A_40 = arith.constant 32 : i32
    %mul3A_41 = arith.muli %mul3A_40, %arg0 : i32
    %add3A_42 = arith.constant 64 : i32
    %add3A_43 = arith.addi %add3A_42, %mul3A_41 : i32
    %mul3A_44 = arith.constant 3128 : i32
    %mul3A_45 = arith.muli %arg1, %mul3A_44 : i32
    "tpu.region"() ({
      %run_scoped3A = tpu.sem_alloc : memref<!tpu.dma_semaphore, #tpu.memory_space<semaphore_mem>>
      %dma_start3A = arith.constant 0 : i32
      %dma_start3A_68 = tpu.memref_slice %arg6[%mul3A_45, %dma_start3A] : memref<50048x32xf32, #tpu.memory_space<vmem_shared>> -> memref<3128x32xf32, #tpu.memory_space<vmem_shared>>
      tpu.enqueue_dma source(%arg4 : memref<3128x32xf32, #tpu.memory_space<hbm>>) target(%dma_start3A_68 : memref<3128x32xf32, #tpu.memory_space<vmem_shared>>) target_semaphore(%run_scoped3A : memref<!tpu.dma_semaphore, #tpu.memory_space<semaphore_mem>>)
      %dma_wait3A = arith.constant 0 : i32
      %dma_wait3A_69 = tpu.memref_slice %arg6[%mul3A_45, %dma_wait3A] : memref<50048x32xf32, #tpu.memory_space<vmem_shared>> -> memref<3128x32xf32, #tpu.memory_space<vmem_shared>>
      tpu.wait_dma2 semaphore(%run_scoped3A : memref<!tpu.dma_semaphore, #tpu.memory_space<semaphore_mem>>) src(%arg4 : memref<3128x32xf32, #tpu.memory_space<hbm>>) dst(%dma_wait3A_69 : memref<3128x32xf32, #tpu.memory_space<vmem_shared>>)
      tpu.yield
    }) : () -> ()
    %barrier3A_46 = arith.constant 0 : index
    tpu.barrier barrier_id(%barrier3A_46)
    %while3A_47 = arith.constant 0 : i32
    %while3A_48 = arith.constant 0 : i32
    %while3A_49 = arith.subi %select_n3A, %while3A_48 : i32
    %while3A_50 = arith.addi %while3A_48, %while3A_49 : i32
    %while3A_51 = arith.constant 1 : i32
    %while3A_52 = arith.divsi %while3A_49, %while3A_51 : i32
    %while3A_53 = arith.muli %while3A_52, %while3A_51 : i32
    %while3A_54 = arith.addi %while3A_48, %while3A_53 : i32
    %while3A_55 = arith.constant 1 : i32
    scf.for %while3A_68 = %while3A_48 to %while3A_54 step %while3A_55  : i32 {
      %mul3A_69 = arith.constant 16 : i32
      %mul3A_70 = arith.muli %while3A_68, %mul3A_69 : i32
      %add3A_71 = arith.addi %arg1, %mul3A_70 : i32
      %mul3A_72 = arith.constant 10 : i32
      %mul3A_73 = arith.muli %add3A_71, %mul3A_72 : i32
      %mul3A_74 = arith.constant 1280 : i32
      %mul3A_75 = arith.muli %add3A_71, %mul3A_74 : i32
      "tpu.region"() ({
        %run_scoped3A = tpu.sem_alloc : memref<!tpu.dma_semaphore, #tpu.memory_space<semaphore_mem>>
        %dma_start3A_554 = arith.constant 0 : i32
        %dma_start3A_555 = tpu.memref_slice %arg3[%mul3A_73, %dma_start3A_554] : memref<6250x128xi32, #tpu.memory_space<hbm>> -> memref<10x128xi32, #tpu.memory_space<hbm>>
        %dma_start3A_556 = arith.constant 0 : i32
        %dma_start3A_557 = tpu.memref_slice %arg3[%mul3A_73, %dma_start3A_556] : memref<6250x128xi32, #tpu.memory_space<hbm>> -> memref<10x128xi32, #tpu.memory_space<hbm>>
        tpu.enqueue_dma source(%dma_start3A_557 : memref<10x128xi32, #tpu.memory_space<hbm>>) target(%arg8 : memref<10x128xi32, #tpu.memory_space<vmem>>) target_semaphore(%run_scoped3A : memref<!tpu.dma_semaphore, #tpu.memory_space<semaphore_mem>>)
        %dma_wait3A_558 = arith.constant 0 : i32
        %dma_wait3A_559 = tpu.memref_slice %arg3[%mul3A_73, %dma_wait3A_558] : memref<6250x128xi32, #tpu.memory_space<hbm>> -> memref<10x128xi32, #tpu.memory_space<hbm>>
        %dma_wait3A_560 = arith.constant 0 : i32
        %dma_wait3A_561 = tpu.memref_slice %arg3[%mul3A_73, %dma_wait3A_560] : memref<6250x128xi32, #tpu.memory_space<hbm>> -> memref<10x128xi32, #tpu.memory_space<hbm>>
        tpu.wait_dma2 semaphore(%run_scoped3A : memref<!tpu.dma_semaphore, #tpu.memory_space<semaphore_mem>>) src(%dma_wait3A_561 : memref<10x128xi32, #tpu.memory_space<hbm>>) dst(%arg8 : memref<10x128xi32, #tpu.memory_space<vmem>>)
        tpu.yield
      }) : () -> ()
      %add3A_76 = arith.constant 0 : i32
      %add3A_77 = arith.addi %mul3A_75, %add3A_76 : i32
      %dma_start3A = arith.constant 0 : i32
      %dma_start3A_78 = arith.constant 0 : i32
      %dma_start3A_79 = arith.constant 0 : i32
      %dma_start3A_80 = tpu.memref_slice %arg7[%dma_start3A, %dma_start3A_78, %dma_start3A_79] : memref<4x128x32xf32, #tpu.memory_space<vmem>> -> memref<1x128x32xf32, #tpu.memory_space<vmem>>
      %dma_start3A_81 = tpu.memref_squeeze %dma_start3A_80 : memref<1x128x32xf32, #tpu.memory_space<vmem>> -> memref<128x32xf32, #tpu.memory_space<vmem>>
      %dma_start3A_82 = tpu.memref_slice %arg2[%add3A_77, %add3A_43] : memref<800000x128xf32, #tpu.memory_space<hbm>> -> memref<128x32xf32, #tpu.memory_space<hbm>>
      %dma_start3A_83 = arith.constant 0 : i32
      %dma_start3A_84 = arith.constant 0 : i32
      %dma_start3A_85 = tpu.memref_slice %arg7[%dma_start3A, %dma_start3A_83, %dma_start3A_84] : memref<4x128x32xf32, #tpu.memory_space<vmem>> -> memref<1x128x32xf32, #tpu.memory_space<vmem>>
      %dma_start3A_86 = tpu.memref_squeeze %dma_start3A_85 : memref<1x128x32xf32, #tpu.memory_space<vmem>> -> memref<128x32xf32, #tpu.memory_space<vmem>>
      %dma_start3A_87 = tpu.memref_slice %arg2[%add3A_77, %add3A_43] : memref<800000x128xf32, #tpu.memory_space<hbm>> -> memref<128x32xf32, #tpu.memory_space<hbm>>
      tpu.enqueue_dma source(%dma_start3A_87 : memref<128x32xf32, #tpu.memory_space<hbm>>) target(%dma_start3A_86 : memref<128x32xf32, #tpu.memory_space<vmem>>) target_semaphore(%arg9 : memref<!tpu.dma_semaphore, #tpu.memory_space<semaphore_mem>>)
      %add3A_88 = arith.constant 128 : i32
      %add3A_89 = arith.addi %mul3A_75, %add3A_88 : i32
      %dma_start3A_90 = arith.constant 1 : i32
      %dma_start3A_91 = arith.constant 0 : i32
      %dma_start3A_92 = arith.constant 0 : i32
      %dma_start3A_93 = tpu.memref_slice %arg7[%dma_start3A_90, %dma_start3A_91, %dma_start3A_92] : memref<4x128x32xf32, #tpu.memory_space<vmem>> -> memref<1x128x32xf32, #tpu.memory_space<vmem>>
      %dma_start3A_94 = tpu.memref_squeeze %dma_start3A_93 : memref<1x128x32xf32, #tpu.memory_space<vmem>> -> memref<128x32xf32, #tpu.memory_space<vmem>>
      %dma_start3A_95 = tpu.memref_slice %arg2[%add3A_89, %add3A_43] : memref<800000x128xf32, #tpu.memory_space<hbm>> -> memref<128x32xf32, #tpu.memory_space<hbm>>
      %dma_start3A_96 = arith.constant 0 : i32
      %dma_start3A_97 = arith.constant 0 : i32
      %dma_start3A_98 = tpu.memref_slice %arg7[%dma_start3A_90, %dma_start3A_96, %dma_start3A_97] : memref<4x128x32xf32, #tpu.memory_space<vmem>> -> memref<1x128x32xf32, #tpu.memory_space<vmem>>
      %dma_start3A_99 = tpu.memref_squeeze %dma_start3A_98 : memref<1x128x32xf32, #tpu.memory_space<vmem>> -> memref<128x32xf32, #tpu.memory_space<vmem>>
      %dma_start3A_100 = tpu.memref_slice %arg2[%add3A_89, %add3A_43] : memref<800000x128xf32, #tpu.memory_space<hbm>> -> memref<128x32xf32, #tpu.memory_space<hbm>>
      tpu.enqueue_dma source(%dma_start3A_100 : memref<128x32xf32, #tpu.memory_space<hbm>>) target(%dma_start3A_99 : memref<128x32xf32, #tpu.memory_space<vmem>>) target_semaphore(%arg9 : memref<!tpu.dma_semaphore, #tpu.memory_space<semaphore_mem>>)
      %add3A_101 = arith.constant 256 : i32
      %add3A_102 = arith.addi %mul3A_75, %add3A_101 : i32
      %dma_start3A_103 = arith.constant 2 : i32
      %dma_start3A_104 = arith.constant 0 : i32
      %dma_start3A_105 = arith.constant 0 : i32
      %dma_start3A_106 = tpu.memref_slice %arg7[%dma_start3A_103, %dma_start3A_104, %dma_start3A_105] : memref<4x128x32xf32, #tpu.memory_space<vmem>> -> memref<1x128x32xf32, #tpu.memory_space<vmem>>
      %dma_start3A_107 = tpu.memref_squeeze %dma_start3A_106 : memref<1x128x32xf32, #tpu.memory_space<vmem>> -> memref<128x32xf32, #tpu.memory_space<vmem>>
      %dma_start3A_108 = tpu.memref_slice %arg2[%add3A_102, %add3A_43] : memref<800000x128xf32, #tpu.memory_space<hbm>> -> memref<128x32xf32, #tpu.memory_space<hbm>>
      %dma_start3A_109 = arith.constant 0 : i32
      %dma_start3A_110 = arith.constant 0 : i32
      %dma_start3A_111 = tpu.memref_slice %arg7[%dma_start3A_103, %dma_start3A_109, %dma_start3A_110] : memref<4x128x32xf32, #tpu.memory_space<vmem>> -> memref<1x128x32xf32, #tpu.memory_space<vmem>>
      %dma_start3A_112 = tpu.memref_squeeze %dma_start3A_111 : memref<1x128x32xf32, #tpu.memory_space<vmem>> -> memref<128x32xf32, #tpu.memory_space<vmem>>
      %dma_start3A_113 = tpu.memref_slice %arg2[%add3A_102, %add3A_43] : memref<800000x128xf32, #tpu.memory_space<hbm>> -> memref<128x32xf32, #tpu.memory_space<hbm>>
      tpu.enqueue_dma source(%dma_start3A_113 : memref<128x32xf32, #tpu.memory_space<hbm>>) target(%dma_start3A_112 : memref<128x32xf32, #tpu.memory_space<vmem>>) target_semaphore(%arg9 : memref<!tpu.dma_semaphore, #tpu.memory_space<semaphore_mem>>)
      %add3A_114 = arith.constant 384 : i32
      %add3A_115 = arith.addi %mul3A_75, %add3A_114 : i32
      %dma_start3A_116 = arith.constant 3 : i32
      %dma_start3A_117 = arith.constant 0 : i32
      %dma_start3A_118 = arith.constant 0 : i32
      %dma_start3A_119 = tpu.memref_slice %arg7[%dma_start3A_116, %dma_start3A_117, %dma_start3A_118] : memref<4x128x32xf32, #tpu.memory_space<vmem>> -> memref<1x128x32xf32, #tpu.memory_space<vmem>>
      %dma_start3A_120 = tpu.memref_squeeze %dma_start3A_119 : memref<1x128x32xf32, #tpu.memory_space<vmem>> -> memref<128x32xf32, #tpu.memory_space<vmem>>
      %dma_start3A_121 = tpu.memref_slice %arg2[%add3A_115, %add3A_43] : memref<800000x128xf32, #tpu.memory_space<hbm>> -> memref<128x32xf32, #tpu.memory_space<hbm>>
      %dma_start3A_122 = arith.constant 0 : i32
      %dma_start3A_123 = arith.constant 0 : i32
      %dma_start3A_124 = tpu.memref_slice %arg7[%dma_start3A_116, %dma_start3A_122, %dma_start3A_123] : memref<4x128x32xf32, #tpu.memory_space<vmem>> -> memref<1x128x32xf32, #tpu.memory_space<vmem>>
      %dma_start3A_125 = tpu.memref_squeeze %dma_start3A_124 : memref<1x128x32xf32, #tpu.memory_space<vmem>> -> memref<128x32xf32, #tpu.memory_space<vmem>>
      %dma_start3A_126 = tpu.memref_slice %arg2[%add3A_115, %add3A_43] : memref<800000x128xf32, #tpu.memory_space<hbm>> -> memref<128x32xf32, #tpu.memory_space<hbm>>
      tpu.enqueue_dma source(%dma_start3A_126 : memref<128x32xf32, #tpu.memory_space<hbm>>) target(%dma_start3A_125 : memref<128x32xf32, #tpu.memory_space<vmem>>) target_semaphore(%arg9 : memref<!tpu.dma_semaphore, #tpu.memory_space<semaphore_mem>>)
      %dma_wait3A = arith.constant 0 : i32
      %dma_wait3A_127 = arith.constant 0 : i32
      %dma_wait3A_128 = arith.constant 0 : i32
      %dma_wait3A_129 = tpu.memref_slice %arg7[%dma_wait3A, %dma_wait3A_127, %dma_wait3A_128] : memref<4x128x32xf32, #tpu.memory_space<vmem>> -> memref<1x128x32xf32, #tpu.memory_space<vmem>>
      %dma_wait3A_130 = tpu.memref_squeeze %dma_wait3A_129 : memref<1x128x32xf32, #tpu.memory_space<vmem>> -> memref<128x32xf32, #tpu.memory_space<vmem>>
      %dma_wait3A_131 = tpu.memref_slice %arg2[%add3A_77, %add3A_43] : memref<800000x128xf32, #tpu.memory_space<hbm>> -> memref<128x32xf32, #tpu.memory_space<hbm>>
      %dma_wait3A_132 = arith.constant 0 : i32
      %dma_wait3A_133 = arith.constant 0 : i32
      %dma_wait3A_134 = tpu.memref_slice %arg7[%dma_wait3A, %dma_wait3A_132, %dma_wait3A_133] : memref<4x128x32xf32, #tpu.memory_space<vmem>> -> memref<1x128x32xf32, #tpu.memory_space<vmem>>
      %dma_wait3A_135 = tpu.memref_squeeze %dma_wait3A_134 : memref<1x128x32xf32, #tpu.memory_space<vmem>> -> memref<128x32xf32, #tpu.memory_space<vmem>>
      %dma_wait3A_136 = tpu.memref_slice %arg2[%add3A_77, %add3A_43] : memref<800000x128xf32, #tpu.memory_space<hbm>> -> memref<128x32xf32, #tpu.memory_space<hbm>>
      tpu.wait_dma2 semaphore(%arg9 : memref<!tpu.dma_semaphore, #tpu.memory_space<semaphore_mem>>) src(%dma_wait3A_136 : memref<128x32xf32, #tpu.memory_space<hbm>>) dst(%dma_wait3A_135 : memref<128x32xf32, #tpu.memory_space<vmem>>)
      %dma_start3A_137 = arith.constant 0 : i32
      %dma_start3A_138 = arith.constant 0 : i32
      %dma_start3A_139 = arith.constant 0 : i32
      %dma_start3A_140 = arith.constant 0 : i32
      %dma_start3A_141 = tpu.memref_slice %arg7[%dma_start3A_137, %dma_start3A_139, %dma_start3A_140] : memref<4x128x32xf32, #tpu.memory_space<vmem>> -> memref<1x128x32xf32, #tpu.memory_space<vmem>>
      %dma_start3A_142 = tpu.memref_squeeze %dma_start3A_141 : memref<1x128x32xf32, #tpu.memory_space<vmem>> -> memref<128x32xf32, #tpu.memory_space<vmem>>
      %dma_start3A_143 = arith.constant 0 : i32
      %dma_start3A_144 = tpu.memref_slice %arg8[%dma_start3A_138, %dma_start3A_143] : memref<10x128xi32, #tpu.memory_space<vmem>> -> memref<1x128xi32, #tpu.memory_space<vmem>>
      %dma_start3A_145 = tpu.memref_squeeze %dma_start3A_144 : memref<1x128xi32, #tpu.memory_space<vmem>> -> memref<128xi32, #tpu.memory_space<vmem>>
      %dma_start3A_146 = arith.constant 0 : i32
      %dma_start3A_147 = arith.constant 0 : i32
      %dma_start3A_148 = tpu.memref_slice %arg6[%dma_start3A_146, %dma_start3A_147] : memref<50048x32xf32, #tpu.memory_space<vmem_shared>> -> memref<50048x32xf32, #tpu.memory_space<vmem_shared>>
      tpu.enqueue_indirect_dma source(%dma_start3A_142 : memref<128x32xf32, #tpu.memory_space<vmem>>) target(%dma_start3A_148 : memref<50048x32xf32, #tpu.memory_space<vmem_shared>>) offsets(%dma_start3A_145 : memref<128xi32, #tpu.memory_space<vmem>>) semaphore(%arg10 : memref<!tpu.dma_semaphore, #tpu.memory_space<semaphore_mem>>) {add = true}
      %dma_wait3A_149 = arith.constant 0 : i32
      %dma_wait3A_150 = arith.constant 0 : i32
      %dma_wait3A_151 = arith.constant 0 : i32
      %dma_wait3A_152 = arith.constant 0 : i32
      %dma_wait3A_153 = tpu.memref_slice %arg7[%dma_wait3A_149, %dma_wait3A_151, %dma_wait3A_152] : memref<4x128x32xf32, #tpu.memory_space<vmem>> -> memref<1x128x32xf32, #tpu.memory_space<vmem>>
      %dma_wait3A_154 = tpu.memref_squeeze %dma_wait3A_153 : memref<1x128x32xf32, #tpu.memory_space<vmem>> -> memref<128x32xf32, #tpu.memory_space<vmem>>
      %dma_wait3A_155 = arith.constant 0 : i32
      %dma_wait3A_156 = tpu.memref_slice %arg8[%dma_wait3A_150, %dma_wait3A_155] : memref<10x128xi32, #tpu.memory_space<vmem>> -> memref<1x128xi32, #tpu.memory_space<vmem>>
      %dma_wait3A_157 = tpu.memref_squeeze %dma_wait3A_156 : memref<1x128xi32, #tpu.memory_space<vmem>> -> memref<128xi32, #tpu.memory_space<vmem>>
      %dma_wait3A_158 = arith.constant 0 : i32
      %dma_wait3A_159 = arith.constant 0 : i32
      %dma_wait3A_160 = tpu.memref_slice %arg6[%dma_wait3A_158, %dma_wait3A_159] : memref<50048x32xf32, #tpu.memory_space<vmem_shared>> -> memref<50048x32xf32, #tpu.memory_space<vmem_shared>>
      tpu.wait_indirect_dma semaphore(%arg10 : memref<!tpu.dma_semaphore, #tpu.memory_space<semaphore_mem>>) src(%dma_wait3A_154 : memref<128x32xf32, #tpu.memory_space<vmem>>) dst(%dma_wait3A_160 : memref<50048x32xf32, #tpu.memory_space<vmem_shared>>)
      %add3A_161 = arith.constant 512 : i32
      %add3A_162 = arith.addi %mul3A_75, %add3A_161 : i32
      %dma_start3A_163 = arith.constant 0 : i32
      %dma_start3A_164 = arith.constant 0 : i32
      %dma_start3A_165 = arith.constant 0 : i32
      %dma_start3A_166 = tpu.memref_slice %arg7[%dma_start3A_163, %dma_start3A_164, %dma_start3A_165] : memref<4x128x32xf32, #tpu.memory_space<vmem>> -> memref<1x128x32xf32, #tpu.memory_space<vmem>>
      %dma_start3A_167 = tpu.memref_squeeze %dma_start3A_166 : memref<1x128x32xf32, #tpu.memory_space<vmem>> -> memref<128x32xf32, #tpu.memory_space<vmem>>
      %dma_start3A_168 = tpu.memref_slice %arg2[%add3A_162, %add3A_43] : memref<800000x128xf32, #tpu.memory_space<hbm>> -> memref<128x32xf32, #tpu.memory_space<hbm>>
      %dma_start3A_169 = arith.constant 0 : i32
      %dma_start3A_170 = arith.constant 0 : i32
      %dma_start3A_171 = tpu.memref_slice %arg7[%dma_start3A_163, %dma_start3A_169, %dma_start3A_170] : memref<4x128x32xf32, #tpu.memory_space<vmem>> -> memref<1x128x32xf32, #tpu.memory_space<vmem>>
      %dma_start3A_172 = tpu.memref_squeeze %dma_start3A_171 : memref<1x128x32xf32, #tpu.memory_space<vmem>> -> memref<128x32xf32, #tpu.memory_space<vmem>>
      %dma_start3A_173 = tpu.memref_slice %arg2[%add3A_162, %add3A_43] : memref<800000x128xf32, #tpu.memory_space<hbm>> -> memref<128x32xf32, #tpu.memory_space<hbm>>
      tpu.enqueue_dma source(%dma_start3A_173 : memref<128x32xf32, #tpu.memory_space<hbm>>) target(%dma_start3A_172 : memref<128x32xf32, #tpu.memory_space<vmem>>) target_semaphore(%arg9 : memref<!tpu.dma_semaphore, #tpu.memory_space<semaphore_mem>>)
      %dma_wait3A_174 = arith.constant 1 : i32
      %dma_wait3A_175 = arith.constant 0 : i32
      %dma_wait3A_176 = arith.constant 0 : i32
      %dma_wait3A_177 = tpu.memref_slice %arg7[%dma_wait3A_174, %dma_wait3A_175, %dma_wait3A_176] : memref<4x128x32xf32, #tpu.memory_space<vmem>> -> memref<1x128x32xf32, #tpu.memory_space<vmem>>
      %dma_wait3A_178 = tpu.memref_squeeze %dma_wait3A_177 : memref<1x128x32xf32, #tpu.memory_space<vmem>> -> memref<128x32xf32, #tpu.memory_space<vmem>>
      %dma_wait3A_179 = tpu.memref_slice %arg2[%add3A_89, %add3A_43] : memref<800000x128xf32, #tpu.memory_space<hbm>> -> memref<128x32xf32, #tpu.memory_space<hbm>>
      %dma_wait3A_180 = arith.constant 0 : i32
      %dma_wait3A_181 = arith.constant 0 : i32
      %dma_wait3A_182 = tpu.memref_slice %arg7[%dma_wait3A_174, %dma_wait3A_180, %dma_wait3A_181] : memref<4x128x32xf32, #tpu.memory_space<vmem>> -> memref<1x128x32xf32, #tpu.memory_space<vmem>>
      %dma_wait3A_183 = tpu.memref_squeeze %dma_wait3A_182 : memref<1x128x32xf32, #tpu.memory_space<vmem>> -> memref<128x32xf32, #tpu.memory_space<vmem>>
      %dma_wait3A_184 = tpu.memref_slice %arg2[%add3A_89, %add3A_43] : memref<800000x128xf32, #tpu.memory_space<hbm>> -> memref<128x32xf32, #tpu.memory_space<hbm>>
      tpu.wait_dma2 semaphore(%arg9 : memref<!tpu.dma_semaphore, #tpu.memory_space<semaphore_mem>>) src(%dma_wait3A_184 : memref<128x32xf32, #tpu.memory_space<hbm>>) dst(%dma_wait3A_183 : memref<128x32xf32, #tpu.memory_space<vmem>>)
      %dma_start3A_185 = arith.constant 1 : i32
      %dma_start3A_186 = arith.constant 1 : i32
      %dma_start3A_187 = arith.constant 0 : i32
      %dma_start3A_188 = arith.constant 0 : i32
      %dma_start3A_189 = tpu.memref_slice %arg7[%dma_start3A_185, %dma_start3A_187, %dma_start3A_188] : memref<4x128x32xf32, #tpu.memory_space<vmem>> -> memref<1x128x32xf32, #tpu.memory_space<vmem>>
      %dma_start3A_190 = tpu.memref_squeeze %dma_start3A_189 : memref<1x128x32xf32, #tpu.memory_space<vmem>> -> memref<128x32xf32, #tpu.memory_space<vmem>>
      %dma_start3A_191 = arith.constant 0 : i32
      %dma_start3A_192 = tpu.memref_slice %arg8[%dma_start3A_186, %dma_start3A_191] : memref<10x128xi32, #tpu.memory_space<vmem>> -> memref<1x128xi32, #tpu.memory_space<vmem>>
      %dma_start3A_193 = tpu.memref_squeeze %dma_start3A_192 : memref<1x128xi32, #tpu.memory_space<vmem>> -> memref<128xi32, #tpu.memory_space<vmem>>
      %dma_start3A_194 = arith.constant 0 : i32
      %dma_start3A_195 = arith.constant 0 : i32
      %dma_start3A_196 = tpu.memref_slice %arg6[%dma_start3A_194, %dma_start3A_195] : memref<50048x32xf32, #tpu.memory_space<vmem_shared>> -> memref<50048x32xf32, #tpu.memory_space<vmem_shared>>
      tpu.enqueue_indirect_dma source(%dma_start3A_190 : memref<128x32xf32, #tpu.memory_space<vmem>>) target(%dma_start3A_196 : memref<50048x32xf32, #tpu.memory_space<vmem_shared>>) offsets(%dma_start3A_193 : memref<128xi32, #tpu.memory_space<vmem>>) semaphore(%arg10 : memref<!tpu.dma_semaphore, #tpu.memory_space<semaphore_mem>>) {add = true}
      %dma_wait3A_197 = arith.constant 1 : i32
      %dma_wait3A_198 = arith.constant 1 : i32
      %dma_wait3A_199 = arith.constant 0 : i32
      %dma_wait3A_200 = arith.constant 0 : i32
      %dma_wait3A_201 = tpu.memref_slice %arg7[%dma_wait3A_197, %dma_wait3A_199, %dma_wait3A_200] : memref<4x128x32xf32, #tpu.memory_space<vmem>> -> memref<1x128x32xf32, #tpu.memory_space<vmem>>
      %dma_wait3A_202 = tpu.memref_squeeze %dma_wait3A_201 : memref<1x128x32xf32, #tpu.memory_space<vmem>> -> memref<128x32xf32, #tpu.memory_space<vmem>>
      %dma_wait3A_203 = arith.constant 0 : i32
      %dma_wait3A_204 = tpu.memref_slice %arg8[%dma_wait3A_198, %dma_wait3A_203] : memref<10x128xi32, #tpu.memory_space<vmem>> -> memref<1x128xi32, #tpu.memory_space<vmem>>
      %dma_wait3A_205 = tpu.memref_squeeze %dma_wait3A_204 : memref<1x128xi32, #tpu.memory_space<vmem>> -> memref<128xi32, #tpu.memory_space<vmem>>
      %dma_wait3A_206 = arith.constant 0 : i32
      %dma_wait3A_207 = arith.constant 0 : i32
      %dma_wait3A_208 = tpu.memref_slice %arg6[%dma_wait3A_206, %dma_wait3A_207] : memref<50048x32xf32, #tpu.memory_space<vmem_shared>> -> memref<50048x32xf32, #tpu.memory_space<vmem_shared>>
      tpu.wait_indirect_dma semaphore(%arg10 : memref<!tpu.dma_semaphore, #tpu.memory_space<semaphore_mem>>) src(%dma_wait3A_202 : memref<128x32xf32, #tpu.memory_space<vmem>>) dst(%dma_wait3A_208 : memref<50048x32xf32, #tpu.memory_space<vmem_shared>>)
      %add3A_209 = arith.constant 640 : i32
      %add3A_210 = arith.addi %mul3A_75, %add3A_209 : i32
      %dma_start3A_211 = arith.constant 1 : i32
      %dma_start3A_212 = arith.constant 0 : i32
      %dma_start3A_213 = arith.constant 0 : i32
      %dma_start3A_214 = tpu.memref_slice %arg7[%dma_start3A_211, %dma_start3A_212, %dma_start3A_213] : memref<4x128x32xf32, #tpu.memory_space<vmem>> -> memref<1x128x32xf32, #tpu.memory_space<vmem>>
      %dma_start3A_215 = tpu.memref_squeeze %dma_start3A_214 : memref<1x128x32xf32, #tpu.memory_space<vmem>> -> memref<128x32xf32, #tpu.memory_space<vmem>>
      %dma_start3A_216 = tpu.memref_slice %arg2[%add3A_210, %add3A_43] : memref<800000x128xf32, #tpu.memory_space<hbm>> -> memref<128x32xf32, #tpu.memory_space<hbm>>
      %dma_start3A_217 = arith.constant 0 : i32
      %dma_start3A_218 = arith.constant 0 : i32
      %dma_start3A_219 = tpu.memref_slice %arg7[%dma_start3A_211, %dma_start3A_217, %dma_start3A_218] : memref<4x128x32xf32, #tpu.memory_space<vmem>> -> memref<1x128x32xf32, #tpu.memory_space<vmem>>
      %dma_start3A_220 = tpu.memref_squeeze %dma_start3A_219 : memref<1x128x32xf32, #tpu.memory_space<vmem>> -> memref<128x32xf32, #tpu.memory_space<vmem>>
      %dma_start3A_221 = tpu.memref_slice %arg2[%add3A_210, %add3A_43] : memref<800000x128xf32, #tpu.memory_space<hbm>> -> memref<128x32xf32, #tpu.memory_space<hbm>>
      tpu.enqueue_dma source(%dma_start3A_221 : memref<128x32xf32, #tpu.memory_space<hbm>>) target(%dma_start3A_220 : memref<128x32xf32, #tpu.memory_space<vmem>>) target_semaphore(%arg9 : memref<!tpu.dma_semaphore, #tpu.memory_space<semaphore_mem>>)
      %dma_wait3A_222 = arith.constant 2 : i32
      %dma_wait3A_223 = arith.constant 0 : i32
      %dma_wait3A_224 = arith.constant 0 : i32
      %dma_wait3A_225 = tpu.memref_slice %arg7[%dma_wait3A_222, %dma_wait3A_223, %dma_wait3A_224] : memref<4x128x32xf32, #tpu.memory_space<vmem>> -> memref<1x128x32xf32, #tpu.memory_space<vmem>>
      %dma_wait3A_226 = tpu.memref_squeeze %dma_wait3A_225 : memref<1x128x32xf32, #tpu.memory_space<vmem>> -> memref<128x32xf32, #tpu.memory_space<vmem>>
      %dma_wait3A_227 = tpu.memref_slice %arg2[%add3A_102, %add3A_43] : memref<800000x128xf32, #tpu.memory_space<hbm>> -> memref<128x32xf32, #tpu.memory_space<hbm>>
      %dma_wait3A_228 = arith.constant 0 : i32
      %dma_wait3A_229 = arith.constant 0 : i32
      %dma_wait3A_230 = tpu.memref_slice %arg7[%dma_wait3A_222, %dma_wait3A_228, %dma_wait3A_229] : memref<4x128x32xf32, #tpu.memory_space<vmem>> -> memref<1x128x32xf32, #tpu.memory_space<vmem>>
      %dma_wait3A_231 = tpu.memref_squeeze %dma_wait3A_230 : memref<1x128x32xf32, #tpu.memory_space<vmem>> -> memref<128x32xf32, #tpu.memory_space<vmem>>
      %dma_wait3A_232 = tpu.memref_slice %arg2[%add3A_102, %add3A_43] : memref<800000x128xf32, #tpu.memory_space<hbm>> -> memref<128x32xf32, #tpu.memory_space<hbm>>
      tpu.wait_dma2 semaphore(%arg9 : memref<!tpu.dma_semaphore, #tpu.memory_space<semaphore_mem>>) src(%dma_wait3A_232 : memref<128x32xf32, #tpu.memory_space<hbm>>) dst(%dma_wait3A_231 : memref<128x32xf32, #tpu.memory_space<vmem>>)
      %dma_start3A_233 = arith.constant 2 : i32
      %dma_start3A_234 = arith.constant 2 : i32
      %dma_start3A_235 = arith.constant 0 : i32
      %dma_start3A_236 = arith.constant 0 : i32
      %dma_start3A_237 = tpu.memref_slice %arg7[%dma_start3A_233, %dma_start3A_235, %dma_start3A_236] : memref<4x128x32xf32, #tpu.memory_space<vmem>> -> memref<1x128x32xf32, #tpu.memory_space<vmem>>
      %dma_start3A_238 = tpu.memref_squeeze %dma_start3A_237 : memref<1x128x32xf32, #tpu.memory_space<vmem>> -> memref<128x32xf32, #tpu.memory_space<vmem>>
      %dma_start3A_239 = arith.constant 0 : i32
      %dma_start3A_240 = tpu.memref_slice %arg8[%dma_start3A_234, %dma_start3A_239] : memref<10x128xi32, #tpu.memory_space<vmem>> -> memref<1x128xi32, #tpu.memory_space<vmem>>
      %dma_start3A_241 = tpu.memref_squeeze %dma_start3A_240 : memref<1x128xi32, #tpu.memory_space<vmem>> -> memref<128xi32, #tpu.memory_space<vmem>>
      %dma_start3A_242 = arith.constant 0 : i32
      %dma_start3A_243 = arith.constant 0 : i32
      %dma_start3A_244 = tpu.memref_slice %arg6[%dma_start3A_242, %dma_start3A_243] : memref<50048x32xf32, #tpu.memory_space<vmem_shared>> -> memref<50048x32xf32, #tpu.memory_space<vmem_shared>>
      tpu.enqueue_indirect_dma source(%dma_start3A_238 : memref<128x32xf32, #tpu.memory_space<vmem>>) target(%dma_start3A_244 : memref<50048x32xf32, #tpu.memory_space<vmem_shared>>) offsets(%dma_start3A_241 : memref<128xi32, #tpu.memory_space<vmem>>) semaphore(%arg10 : memref<!tpu.dma_semaphore, #tpu.memory_space<semaphore_mem>>) {add = true}
      %dma_wait3A_245 = arith.constant 2 : i32
      %dma_wait3A_246 = arith.constant 2 : i32
      %dma_wait3A_247 = arith.constant 0 : i32
      %dma_wait3A_248 = arith.constant 0 : i32
      %dma_wait3A_249 = tpu.memref_slice %arg7[%dma_wait3A_245, %dma_wait3A_247, %dma_wait3A_248] : memref<4x128x32xf32, #tpu.memory_space<vmem>> -> memref<1x128x32xf32, #tpu.memory_space<vmem>>
      %dma_wait3A_250 = tpu.memref_squeeze %dma_wait3A_249 : memref<1x128x32xf32, #tpu.memory_space<vmem>> -> memref<128x32xf32, #tpu.memory_space<vmem>>
      %dma_wait3A_251 = arith.constant 0 : i32
      %dma_wait3A_252 = tpu.memref_slice %arg8[%dma_wait3A_246, %dma_wait3A_251] : memref<10x128xi32, #tpu.memory_space<vmem>> -> memref<1x128xi32, #tpu.memory_space<vmem>>
      %dma_wait3A_253 = tpu.memref_squeeze %dma_wait3A_252 : memref<1x128xi32, #tpu.memory_space<vmem>> -> memref<128xi32, #tpu.memory_space<vmem>>
      %dma_wait3A_254 = arith.constant 0 : i32
      %dma_wait3A_255 = arith.constant 0 : i32
      %dma_wait3A_256 = tpu.memref_slice %arg6[%dma_wait3A_254, %dma_wait3A_255] : memref<50048x32xf32, #tpu.memory_space<vmem_shared>> -> memref<50048x32xf32, #tpu.memory_space<vmem_shared>>
      tpu.wait_indirect_dma semaphore(%arg10 : memref<!tpu.dma_semaphore, #tpu.memory_space<semaphore_mem>>) src(%dma_wait3A_250 : memref<128x32xf32, #tpu.memory_space<vmem>>) dst(%dma_wait3A_256 : memref<50048x32xf32, #tpu.memory_space<vmem_shared>>)
      %add3A_257 = arith.constant 768 : i32
      %add3A_258 = arith.addi %mul3A_75, %add3A_257 : i32
      %dma_start3A_259 = arith.constant 2 : i32
      %dma_start3A_260 = arith.constant 0 : i32
      %dma_start3A_261 = arith.constant 0 : i32
      %dma_start3A_262 = tpu.memref_slice %arg7[%dma_start3A_259, %dma_start3A_260, %dma_start3A_261] : memref<4x128x32xf32, #tpu.memory_space<vmem>> -> memref<1x128x32xf32, #tpu.memory_space<vmem>>
      %dma_start3A_263 = tpu.memref_squeeze %dma_start3A_262 : memref<1x128x32xf32, #tpu.memory_space<vmem>> -> memref<128x32xf32, #tpu.memory_space<vmem>>
      %dma_start3A_264 = tpu.memref_slice %arg2[%add3A_258, %add3A_43] : memref<800000x128xf32, #tpu.memory_space<hbm>> -> memref<128x32xf32, #tpu.memory_space<hbm>>
      %dma_start3A_265 = arith.constant 0 : i32
      %dma_start3A_266 = arith.constant 0 : i32
      %dma_start3A_267 = tpu.memref_slice %arg7[%dma_start3A_259, %dma_start3A_265, %dma_start3A_266] : memref<4x128x32xf32, #tpu.memory_space<vmem>> -> memref<1x128x32xf32, #tpu.memory_space<vmem>>
      %dma_start3A_268 = tpu.memref_squeeze %dma_start3A_267 : memref<1x128x32xf32, #tpu.memory_space<vmem>> -> memref<128x32xf32, #tpu.memory_space<vmem>>
      %dma_start3A_269 = tpu.memref_slice %arg2[%add3A_258, %add3A_43] : memref<800000x128xf32, #tpu.memory_space<hbm>> -> memref<128x32xf32, #tpu.memory_space<hbm>>
      tpu.enqueue_dma source(%dma_start3A_269 : memref<128x32xf32, #tpu.memory_space<hbm>>) target(%dma_start3A_268 : memref<128x32xf32, #tpu.memory_space<vmem>>) target_semaphore(%arg9 : memref<!tpu.dma_semaphore, #tpu.memory_space<semaphore_mem>>)
      %dma_wait3A_270 = arith.constant 3 : i32
      %dma_wait3A_271 = arith.constant 0 : i32
      %dma_wait3A_272 = arith.constant 0 : i32
      %dma_wait3A_273 = tpu.memref_slice %arg7[%dma_wait3A_270, %dma_wait3A_271, %dma_wait3A_272] : memref<4x128x32xf32, #tpu.memory_space<vmem>> -> memref<1x128x32xf32, #tpu.memory_space<vmem>>
      %dma_wait3A_274 = tpu.memref_squeeze %dma_wait3A_273 : memref<1x128x32xf32, #tpu.memory_space<vmem>> -> memref<128x32xf32, #tpu.memory_space<vmem>>
      %dma_wait3A_275 = tpu.memref_slice %arg2[%add3A_115, %add3A_43] : memref<800000x128xf32, #tpu.memory_space<hbm>> -> memref<128x32xf32, #tpu.memory_space<hbm>>
      %dma_wait3A_276 = arith.constant 0 : i32
      %dma_wait3A_277 = arith.constant 0 : i32
      %dma_wait3A_278 = tpu.memref_slice %arg7[%dma_wait3A_270, %dma_wait3A_276, %dma_wait3A_277] : memref<4x128x32xf32, #tpu.memory_space<vmem>> -> memref<1x128x32xf32, #tpu.memory_space<vmem>>
      %dma_wait3A_279 = tpu.memref_squeeze %dma_wait3A_278 : memref<1x128x32xf32, #tpu.memory_space<vmem>> -> memref<128x32xf32, #tpu.memory_space<vmem>>
      %dma_wait3A_280 = tpu.memref_slice %arg2[%add3A_115, %add3A_43] : memref<800000x128xf32, #tpu.memory_space<hbm>> -> memref<128x32xf32, #tpu.memory_space<hbm>>
      tpu.wait_dma2 semaphore(%arg9 : memref<!tpu.dma_semaphore, #tpu.memory_space<semaphore_mem>>) src(%dma_wait3A_280 : memref<128x32xf32, #tpu.memory_space<hbm>>) dst(%dma_wait3A_279 : memref<128x32xf32, #tpu.memory_space<vmem>>)
      %dma_start3A_281 = arith.constant 3 : i32
      %dma_start3A_282 = arith.constant 3 : i32
      %dma_start3A_283 = arith.constant 0 : i32
      %dma_start3A_284 = arith.constant 0 : i32
      %dma_start3A_285 = tpu.memref_slice %arg7[%dma_start3A_281, %dma_start3A_283, %dma_start3A_284] : memref<4x128x32xf32, #tpu.memory_space<vmem>> -> memref<1x128x32xf32, #tpu.memory_space<vmem>>
      %dma_start3A_286 = tpu.memref_squeeze %dma_start3A_285 : memref<1x128x32xf32, #tpu.memory_space<vmem>> -> memref<128x32xf32, #tpu.memory_space<vmem>>
      %dma_start3A_287 = arith.constant 0 : i32
      %dma_start3A_288 = tpu.memref_slice %arg8[%dma_start3A_282, %dma_start3A_287] : memref<10x128xi32, #tpu.memory_space<vmem>> -> memref<1x128xi32, #tpu.memory_space<vmem>>
      %dma_start3A_289 = tpu.memref_squeeze %dma_start3A_288 : memref<1x128xi32, #tpu.memory_space<vmem>> -> memref<128xi32, #tpu.memory_space<vmem>>
      %dma_start3A_290 = arith.constant 0 : i32
      %dma_start3A_291 = arith.constant 0 : i32
      %dma_start3A_292 = tpu.memref_slice %arg6[%dma_start3A_290, %dma_start3A_291] : memref<50048x32xf32, #tpu.memory_space<vmem_shared>> -> memref<50048x32xf32, #tpu.memory_space<vmem_shared>>
      tpu.enqueue_indirect_dma source(%dma_start3A_286 : memref<128x32xf32, #tpu.memory_space<vmem>>) target(%dma_start3A_292 : memref<50048x32xf32, #tpu.memory_space<vmem_shared>>) offsets(%dma_start3A_289 : memref<128xi32, #tpu.memory_space<vmem>>) semaphore(%arg10 : memref<!tpu.dma_semaphore, #tpu.memory_space<semaphore_mem>>) {add = true}
      %dma_wait3A_293 = arith.constant 3 : i32
      %dma_wait3A_294 = arith.constant 3 : i32
      %dma_wait3A_295 = arith.constant 0 : i32
      %dma_wait3A_296 = arith.constant 0 : i32
      %dma_wait3A_297 = tpu.memref_slice %arg7[%dma_wait3A_293, %dma_wait3A_295, %dma_wait3A_296] : memref<4x128x32xf32, #tpu.memory_space<vmem>> -> memref<1x128x32xf32, #tpu.memory_space<vmem>>
      %dma_wait3A_298 = tpu.memref_squeeze %dma_wait3A_297 : memref<1x128x32xf32, #tpu.memory_space<vmem>> -> memref<128x32xf32, #tpu.memory_space<vmem>>
      %dma_wait3A_299 = arith.constant 0 : i32
      %dma_wait3A_300 = tpu.memref_slice %arg8[%dma_wait3A_294, %dma_wait3A_299] : memref<10x128xi32, #tpu.memory_space<vmem>> -> memref<1x128xi32, #tpu.memory_space<vmem>>
      %dma_wait3A_301 = tpu.memref_squeeze %dma_wait3A_300 : memref<1x128xi32, #tpu.memory_space<vmem>> -> memref<128xi32, #tpu.memory_space<vmem>>
      %dma_wait3A_302 = arith.constant 0 : i32
      %dma_wait3A_303 = arith.constant 0 : i32
      %dma_wait3A_304 = tpu.memref_slice %arg6[%dma_wait3A_302, %dma_wait3A_303] : memref<50048x32xf32, #tpu.memory_space<vmem_shared>> -> memref<50048x32xf32, #tpu.memory_space<vmem_shared>>
      tpu.wait_indirect_dma semaphore(%arg10 : memref<!tpu.dma_semaphore, #tpu.memory_space<semaphore_mem>>) src(%dma_wait3A_298 : memref<128x32xf32, #tpu.memory_space<vmem>>) dst(%dma_wait3A_304 : memref<50048x32xf32, #tpu.memory_space<vmem_shared>>)
      %add3A_305 = arith.constant 896 : i32
      %add3A_306 = arith.addi %mul3A_75, %add3A_305 : i32
      %dma_start3A_307 = arith.constant 3 : i32
      %dma_start3A_308 = arith.constant 0 : i32
      %dma_start3A_309 = arith.constant 0 : i32
      %dma_start3A_310 = tpu.memref_slice %arg7[%dma_start3A_307, %dma_start3A_308, %dma_start3A_309] : memref<4x128x32xf32, #tpu.memory_space<vmem>> -> memref<1x128x32xf32, #tpu.memory_space<vmem>>
      %dma_start3A_311 = tpu.memref_squeeze %dma_start3A_310 : memref<1x128x32xf32, #tpu.memory_space<vmem>> -> memref<128x32xf32, #tpu.memory_space<vmem>>
      %dma_start3A_312 = tpu.memref_slice %arg2[%add3A_306, %add3A_43] : memref<800000x128xf32, #tpu.memory_space<hbm>> -> memref<128x32xf32, #tpu.memory_space<hbm>>
      %dma_start3A_313 = arith.constant 0 : i32
      %dma_start3A_314 = arith.constant 0 : i32
      %dma_start3A_315 = tpu.memref_slice %arg7[%dma_start3A_307, %dma_start3A_313, %dma_start3A_314] : memref<4x128x32xf32, #tpu.memory_space<vmem>> -> memref<1x128x32xf32, #tpu.memory_space<vmem>>
      %dma_start3A_316 = tpu.memref_squeeze %dma_start3A_315 : memref<1x128x32xf32, #tpu.memory_space<vmem>> -> memref<128x32xf32, #tpu.memory_space<vmem>>
      %dma_start3A_317 = tpu.memref_slice %arg2[%add3A_306, %add3A_43] : memref<800000x128xf32, #tpu.memory_space<hbm>> -> memref<128x32xf32, #tpu.memory_space<hbm>>
      tpu.enqueue_dma source(%dma_start3A_317 : memref<128x32xf32, #tpu.memory_space<hbm>>) target(%dma_start3A_316 : memref<128x32xf32, #tpu.memory_space<vmem>>) target_semaphore(%arg9 : memref<!tpu.dma_semaphore, #tpu.memory_space<semaphore_mem>>)
      %dma_wait3A_318 = arith.constant 0 : i32
      %dma_wait3A_319 = arith.constant 0 : i32
      %dma_wait3A_320 = arith.constant 0 : i32
      %dma_wait3A_321 = tpu.memref_slice %arg7[%dma_wait3A_318, %dma_wait3A_319, %dma_wait3A_320] : memref<4x128x32xf32, #tpu.memory_space<vmem>> -> memref<1x128x32xf32, #tpu.memory_space<vmem>>
      %dma_wait3A_322 = tpu.memref_squeeze %dma_wait3A_321 : memref<1x128x32xf32, #tpu.memory_space<vmem>> -> memref<128x32xf32, #tpu.memory_space<vmem>>
      %dma_wait3A_323 = tpu.memref_slice %arg2[%add3A_162, %add3A_43] : memref<800000x128xf32, #tpu.memory_space<hbm>> -> memref<128x32xf32, #tpu.memory_space<hbm>>
      %dma_wait3A_324 = arith.constant 0 : i32
      %dma_wait3A_325 = arith.constant 0 : i32
      %dma_wait3A_326 = tpu.memref_slice %arg7[%dma_wait3A_318, %dma_wait3A_324, %dma_wait3A_325] : memref<4x128x32xf32, #tpu.memory_space<vmem>> -> memref<1x128x32xf32, #tpu.memory_space<vmem>>
      %dma_wait3A_327 = tpu.memref_squeeze %dma_wait3A_326 : memref<1x128x32xf32, #tpu.memory_space<vmem>> -> memref<128x32xf32, #tpu.memory_space<vmem>>
      %dma_wait3A_328 = tpu.memref_slice %arg2[%add3A_162, %add3A_43] : memref<800000x128xf32, #tpu.memory_space<hbm>> -> memref<128x32xf32, #tpu.memory_space<hbm>>
      tpu.wait_dma2 semaphore(%arg9 : memref<!tpu.dma_semaphore, #tpu.memory_space<semaphore_mem>>) src(%dma_wait3A_328 : memref<128x32xf32, #tpu.memory_space<hbm>>) dst(%dma_wait3A_327 : memref<128x32xf32, #tpu.memory_space<vmem>>)
      %dma_start3A_329 = arith.constant 0 : i32
      %dma_start3A_330 = arith.constant 4 : i32
      %dma_start3A_331 = arith.constant 0 : i32
      %dma_start3A_332 = arith.constant 0 : i32
      %dma_start3A_333 = tpu.memref_slice %arg7[%dma_start3A_329, %dma_start3A_331, %dma_start3A_332] : memref<4x128x32xf32, #tpu.memory_space<vmem>> -> memref<1x128x32xf32, #tpu.memory_space<vmem>>
      %dma_start3A_334 = tpu.memref_squeeze %dma_start3A_333 : memref<1x128x32xf32, #tpu.memory_space<vmem>> -> memref<128x32xf32, #tpu.memory_space<vmem>>
      %dma_start3A_335 = arith.constant 0 : i32
      %dma_start3A_336 = tpu.memref_slice %arg8[%dma_start3A_330, %dma_start3A_335] : memref<10x128xi32, #tpu.memory_space<vmem>> -> memref<1x128xi32, #tpu.memory_space<vmem>>
      %dma_start3A_337 = tpu.memref_squeeze %dma_start3A_336 : memref<1x128xi32, #tpu.memory_space<vmem>> -> memref<128xi32, #tpu.memory_space<vmem>>
      %dma_start3A_338 = arith.constant 0 : i32
      %dma_start3A_339 = arith.constant 0 : i32
      %dma_start3A_340 = tpu.memref_slice %arg6[%dma_start3A_338, %dma_start3A_339] : memref<50048x32xf32, #tpu.memory_space<vmem_shared>> -> memref<50048x32xf32, #tpu.memory_space<vmem_shared>>
      tpu.enqueue_indirect_dma source(%dma_start3A_334 : memref<128x32xf32, #tpu.memory_space<vmem>>) target(%dma_start3A_340 : memref<50048x32xf32, #tpu.memory_space<vmem_shared>>) offsets(%dma_start3A_337 : memref<128xi32, #tpu.memory_space<vmem>>) semaphore(%arg10 : memref<!tpu.dma_semaphore, #tpu.memory_space<semaphore_mem>>) {add = true}
      %dma_wait3A_341 = arith.constant 0 : i32
      %dma_wait3A_342 = arith.constant 4 : i32
      %dma_wait3A_343 = arith.constant 0 : i32
      %dma_wait3A_344 = arith.constant 0 : i32
      %dma_wait3A_345 = tpu.memref_slice %arg7[%dma_wait3A_341, %dma_wait3A_343, %dma_wait3A_344] : memref<4x128x32xf32, #tpu.memory_space<vmem>> -> memref<1x128x32xf32, #tpu.memory_space<vmem>>
      %dma_wait3A_346 = tpu.memref_squeeze %dma_wait3A_345 : memref<1x128x32xf32, #tpu.memory_space<vmem>> -> memref<128x32xf32, #tpu.memory_space<vmem>>
      %dma_wait3A_347 = arith.constant 0 : i32
      %dma_wait3A_348 = tpu.memref_slice %arg8[%dma_wait3A_342, %dma_wait3A_347] : memref<10x128xi32, #tpu.memory_space<vmem>> -> memref<1x128xi32, #tpu.memory_space<vmem>>
      %dma_wait3A_349 = tpu.memref_squeeze %dma_wait3A_348 : memref<1x128xi32, #tpu.memory_space<vmem>> -> memref<128xi32, #tpu.memory_space<vmem>>
      %dma_wait3A_350 = arith.constant 0 : i32
      %dma_wait3A_351 = arith.constant 0 : i32
      %dma_wait3A_352 = tpu.memref_slice %arg6[%dma_wait3A_350, %dma_wait3A_351] : memref<50048x32xf32, #tpu.memory_space<vmem_shared>> -> memref<50048x32xf32, #tpu.memory_space<vmem_shared>>
      tpu.wait_indirect_dma semaphore(%arg10 : memref<!tpu.dma_semaphore, #tpu.memory_space<semaphore_mem>>) src(%dma_wait3A_346 : memref<128x32xf32, #tpu.memory_space<vmem>>) dst(%dma_wait3A_352 : memref<50048x32xf32, #tpu.memory_space<vmem_shared>>)
      %add3A_353 = arith.constant 1024 : i32
      %add3A_354 = arith.addi %mul3A_75, %add3A_353 : i32
      %dma_start3A_355 = arith.constant 0 : i32
      %dma_start3A_356 = arith.constant 0 : i32
      %dma_start3A_357 = arith.constant 0 : i32
      %dma_start3A_358 = tpu.memref_slice %arg7[%dma_start3A_355, %dma_start3A_356, %dma_start3A_357] : memref<4x128x32xf32, #tpu.memory_space<vmem>> -> memref<1x128x32xf32, #tpu.memory_space<vmem>>
      %dma_start3A_359 = tpu.memref_squeeze %dma_start3A_358 : memref<1x128x32xf32, #tpu.memory_space<vmem>> -> memref<128x32xf32, #tpu.memory_space<vmem>>
      %dma_start3A_360 = tpu.memref_slice %arg2[%add3A_354, %add3A_43] : memref<800000x128xf32, #tpu.memory_space<hbm>> -> memref<128x32xf32, #tpu.memory_space<hbm>>
      %dma_start3A_361 = arith.constant 0 : i32
      %dma_start3A_362 = arith.constant 0 : i32
      %dma_start3A_363 = tpu.memref_slice %arg7[%dma_start3A_355, %dma_start3A_361, %dma_start3A_362] : memref<4x128x32xf32, #tpu.memory_space<vmem>> -> memref<1x128x32xf32, #tpu.memory_space<vmem>>
      %dma_start3A_364 = tpu.memref_squeeze %dma_start3A_363 : memref<1x128x32xf32, #tpu.memory_space<vmem>> -> memref<128x32xf32, #tpu.memory_space<vmem>>
      %dma_start3A_365 = tpu.memref_slice %arg2[%add3A_354, %add3A_43] : memref<800000x128xf32, #tpu.memory_space<hbm>> -> memref<128x32xf32, #tpu.memory_space<hbm>>
      tpu.enqueue_dma source(%dma_start3A_365 : memref<128x32xf32, #tpu.memory_space<hbm>>) target(%dma_start3A_364 : memref<128x32xf32, #tpu.memory_space<vmem>>) target_semaphore(%arg9 : memref<!tpu.dma_semaphore, #tpu.memory_space<semaphore_mem>>)
      %dma_wait3A_366 = arith.constant 1 : i32
      %dma_wait3A_367 = arith.constant 0 : i32
      %dma_wait3A_368 = arith.constant 0 : i32
      %dma_wait3A_369 = tpu.memref_slice %arg7[%dma_wait3A_366, %dma_wait3A_367, %dma_wait3A_368] : memref<4x128x32xf32, #tpu.memory_space<vmem>> -> memref<1x128x32xf32, #tpu.memory_space<vmem>>
      %dma_wait3A_370 = tpu.memref_squeeze %dma_wait3A_369 : memref<1x128x32xf32, #tpu.memory_space<vmem>> -> memref<128x32xf32, #tpu.memory_space<vmem>>
      %dma_wait3A_371 = tpu.memref_slice %arg2[%add3A_210, %add3A_43] : memref<800000x128xf32, #tpu.memory_space<hbm>> -> memref<128x32xf32, #tpu.memory_space<hbm>>
      %dma_wait3A_372 = arith.constant 0 : i32
      %dma_wait3A_373 = arith.constant 0 : i32
      %dma_wait3A_374 = tpu.memref_slice %arg7[%dma_wait3A_366, %dma_wait3A_372, %dma_wait3A_373] : memref<4x128x32xf32, #tpu.memory_space<vmem>> -> memref<1x128x32xf32, #tpu.memory_space<vmem>>
      %dma_wait3A_375 = tpu.memref_squeeze %dma_wait3A_374 : memref<1x128x32xf32, #tpu.memory_space<vmem>> -> memref<128x32xf32, #tpu.memory_space<vmem>>
      %dma_wait3A_376 = tpu.memref_slice %arg2[%add3A_210, %add3A_43] : memref<800000x128xf32, #tpu.memory_space<hbm>> -> memref<128x32xf32, #tpu.memory_space<hbm>>
      tpu.wait_dma2 semaphore(%arg9 : memref<!tpu.dma_semaphore, #tpu.memory_space<semaphore_mem>>) src(%dma_wait3A_376 : memref<128x32xf32, #tpu.memory_space<hbm>>) dst(%dma_wait3A_375 : memref<128x32xf32, #tpu.memory_space<vmem>>)
      %dma_start3A_377 = arith.constant 1 : i32
      %dma_start3A_378 = arith.constant 5 : i32
      %dma_start3A_379 = arith.constant 0 : i32
      %dma_start3A_380 = arith.constant 0 : i32
      %dma_start3A_381 = tpu.memref_slice %arg7[%dma_start3A_377, %dma_start3A_379, %dma_start3A_380] : memref<4x128x32xf32, #tpu.memory_space<vmem>> -> memref<1x128x32xf32, #tpu.memory_space<vmem>>
      %dma_start3A_382 = tpu.memref_squeeze %dma_start3A_381 : memref<1x128x32xf32, #tpu.memory_space<vmem>> -> memref<128x32xf32, #tpu.memory_space<vmem>>
      %dma_start3A_383 = arith.constant 0 : i32
      %dma_start3A_384 = tpu.memref_slice %arg8[%dma_start3A_378, %dma_start3A_383] : memref<10x128xi32, #tpu.memory_space<vmem>> -> memref<1x128xi32, #tpu.memory_space<vmem>>
      %dma_start3A_385 = tpu.memref_squeeze %dma_start3A_384 : memref<1x128xi32, #tpu.memory_space<vmem>> -> memref<128xi32, #tpu.memory_space<vmem>>
      %dma_start3A_386 = arith.constant 0 : i32
      %dma_start3A_387 = arith.constant 0 : i32
      %dma_start3A_388 = tpu.memref_slice %arg6[%dma_start3A_386, %dma_start3A_387] : memref<50048x32xf32, #tpu.memory_space<vmem_shared>> -> memref<50048x32xf32, #tpu.memory_space<vmem_shared>>
      tpu.enqueue_indirect_dma source(%dma_start3A_382 : memref<128x32xf32, #tpu.memory_space<vmem>>) target(%dma_start3A_388 : memref<50048x32xf32, #tpu.memory_space<vmem_shared>>) offsets(%dma_start3A_385 : memref<128xi32, #tpu.memory_space<vmem>>) semaphore(%arg10 : memref<!tpu.dma_semaphore, #tpu.memory_space<semaphore_mem>>) {add = true}
      %dma_wait3A_389 = arith.constant 1 : i32
      %dma_wait3A_390 = arith.constant 5 : i32
      %dma_wait3A_391 = arith.constant 0 : i32
      %dma_wait3A_392 = arith.constant 0 : i32
      %dma_wait3A_393 = tpu.memref_slice %arg7[%dma_wait3A_389, %dma_wait3A_391, %dma_wait3A_392] : memref<4x128x32xf32, #tpu.memory_space<vmem>> -> memref<1x128x32xf32, #tpu.memory_space<vmem>>
      %dma_wait3A_394 = tpu.memref_squeeze %dma_wait3A_393 : memref<1x128x32xf32, #tpu.memory_space<vmem>> -> memref<128x32xf32, #tpu.memory_space<vmem>>
      %dma_wait3A_395 = arith.constant 0 : i32
      %dma_wait3A_396 = tpu.memref_slice %arg8[%dma_wait3A_390, %dma_wait3A_395] : memref<10x128xi32, #tpu.memory_space<vmem>> -> memref<1x128xi32, #tpu.memory_space<vmem>>
      %dma_wait3A_397 = tpu.memref_squeeze %dma_wait3A_396 : memref<1x128xi32, #tpu.memory_space<vmem>> -> memref<128xi32, #tpu.memory_space<vmem>>
      %dma_wait3A_398 = arith.constant 0 : i32
      %dma_wait3A_399 = arith.constant 0 : i32
      %dma_wait3A_400 = tpu.memref_slice %arg6[%dma_wait3A_398, %dma_wait3A_399] : memref<50048x32xf32, #tpu.memory_space<vmem_shared>> -> memref<50048x32xf32, #tpu.memory_space<vmem_shared>>
      tpu.wait_indirect_dma semaphore(%arg10 : memref<!tpu.dma_semaphore, #tpu.memory_space<semaphore_mem>>) src(%dma_wait3A_394 : memref<128x32xf32, #tpu.memory_space<vmem>>) dst(%dma_wait3A_400 : memref<50048x32xf32, #tpu.memory_space<vmem_shared>>)
      %add3A_401 = arith.constant 1152 : i32
      %add3A_402 = arith.addi %mul3A_75, %add3A_401 : i32
      %dma_start3A_403 = arith.constant 1 : i32
      %dma_start3A_404 = arith.constant 0 : i32
      %dma_start3A_405 = arith.constant 0 : i32
      %dma_start3A_406 = tpu.memref_slice %arg7[%dma_start3A_403, %dma_start3A_404, %dma_start3A_405] : memref<4x128x32xf32, #tpu.memory_space<vmem>> -> memref<1x128x32xf32, #tpu.memory_space<vmem>>
      %dma_start3A_407 = tpu.memref_squeeze %dma_start3A_406 : memref<1x128x32xf32, #tpu.memory_space<vmem>> -> memref<128x32xf32, #tpu.memory_space<vmem>>
      %dma_start3A_408 = tpu.memref_slice %arg2[%add3A_402, %add3A_43] : memref<800000x128xf32, #tpu.memory_space<hbm>> -> memref<128x32xf32, #tpu.memory_space<hbm>>
      %dma_start3A_409 = arith.constant 0 : i32
      %dma_start3A_410 = arith.constant 0 : i32
      %dma_start3A_411 = tpu.memref_slice %arg7[%dma_start3A_403, %dma_start3A_409, %dma_start3A_410] : memref<4x128x32xf32, #tpu.memory_space<vmem>> -> memref<1x128x32xf32, #tpu.memory_space<vmem>>
      %dma_start3A_412 = tpu.memref_squeeze %dma_start3A_411 : memref<1x128x32xf32, #tpu.memory_space<vmem>> -> memref<128x32xf32, #tpu.memory_space<vmem>>
      %dma_start3A_413 = tpu.memref_slice %arg2[%add3A_402, %add3A_43] : memref<800000x128xf32, #tpu.memory_space<hbm>> -> memref<128x32xf32, #tpu.memory_space<hbm>>
      tpu.enqueue_dma source(%dma_start3A_413 : memref<128x32xf32, #tpu.memory_space<hbm>>) target(%dma_start3A_412 : memref<128x32xf32, #tpu.memory_space<vmem>>) target_semaphore(%arg9 : memref<!tpu.dma_semaphore, #tpu.memory_space<semaphore_mem>>)
      %dma_wait3A_414 = arith.constant 2 : i32
      %dma_wait3A_415 = arith.constant 0 : i32
      %dma_wait3A_416 = arith.constant 0 : i32
      %dma_wait3A_417 = tpu.memref_slice %arg7[%dma_wait3A_414, %dma_wait3A_415, %dma_wait3A_416] : memref<4x128x32xf32, #tpu.memory_space<vmem>> -> memref<1x128x32xf32, #tpu.memory_space<vmem>>
      %dma_wait3A_418 = tpu.memref_squeeze %dma_wait3A_417 : memref<1x128x32xf32, #tpu.memory_space<vmem>> -> memref<128x32xf32, #tpu.memory_space<vmem>>
      %dma_wait3A_419 = tpu.memref_slice %arg2[%add3A_258, %add3A_43] : memref<800000x128xf32, #tpu.memory_space<hbm>> -> memref<128x32xf32, #tpu.memory_space<hbm>>
      %dma_wait3A_420 = arith.constant 0 : i32
      %dma_wait3A_421 = arith.constant 0 : i32
      %dma_wait3A_422 = tpu.memref_slice %arg7[%dma_wait3A_414, %dma_wait3A_420, %dma_wait3A_421] : memref<4x128x32xf32, #tpu.memory_space<vmem>> -> memref<1x128x32xf32, #tpu.memory_space<vmem>>
      %dma_wait3A_423 = tpu.memref_squeeze %dma_wait3A_422 : memref<1x128x32xf32, #tpu.memory_space<vmem>> -> memref<128x32xf32, #tpu.memory_space<vmem>>
      %dma_wait3A_424 = tpu.memref_slice %arg2[%add3A_258, %add3A_43] : memref<800000x128xf32, #tpu.memory_space<hbm>> -> memref<128x32xf32, #tpu.memory_space<hbm>>
      tpu.wait_dma2 semaphore(%arg9 : memref<!tpu.dma_semaphore, #tpu.memory_space<semaphore_mem>>) src(%dma_wait3A_424 : memref<128x32xf32, #tpu.memory_space<hbm>>) dst(%dma_wait3A_423 : memref<128x32xf32, #tpu.memory_space<vmem>>)
      %dma_start3A_425 = arith.constant 2 : i32
      %dma_start3A_426 = arith.constant 6 : i32
      %dma_start3A_427 = arith.constant 0 : i32
      %dma_start3A_428 = arith.constant 0 : i32
      %dma_start3A_429 = tpu.memref_slice %arg7[%dma_start3A_425, %dma_start3A_427, %dma_start3A_428] : memref<4x128x32xf32, #tpu.memory_space<vmem>> -> memref<1x128x32xf32, #tpu.memory_space<vmem>>
      %dma_start3A_430 = tpu.memref_squeeze %dma_start3A_429 : memref<1x128x32xf32, #tpu.memory_space<vmem>> -> memref<128x32xf32, #tpu.memory_space<vmem>>
      %dma_start3A_431 = arith.constant 0 : i32
      %dma_start3A_432 = tpu.memref_slice %arg8[%dma_start3A_426, %dma_start3A_431] : memref<10x128xi32, #tpu.memory_space<vmem>> -> memref<1x128xi32, #tpu.memory_space<vmem>>
      %dma_start3A_433 = tpu.memref_squeeze %dma_start3A_432 : memref<1x128xi32, #tpu.memory_space<vmem>> -> memref<128xi32, #tpu.memory_space<vmem>>
      %dma_start3A_434 = arith.constant 0 : i32
      %dma_start3A_435 = arith.constant 0 : i32
      %dma_start3A_436 = tpu.memref_slice %arg6[%dma_start3A_434, %dma_start3A_435] : memref<50048x32xf32, #tpu.memory_space<vmem_shared>> -> memref<50048x32xf32, #tpu.memory_space<vmem_shared>>
      tpu.enqueue_indirect_dma source(%dma_start3A_430 : memref<128x32xf32, #tpu.memory_space<vmem>>) target(%dma_start3A_436 : memref<50048x32xf32, #tpu.memory_space<vmem_shared>>) offsets(%dma_start3A_433 : memref<128xi32, #tpu.memory_space<vmem>>) semaphore(%arg10 : memref<!tpu.dma_semaphore, #tpu.memory_space<semaphore_mem>>) {add = true}
      %dma_wait3A_437 = arith.constant 3 : i32
      %dma_wait3A_438 = arith.constant 0 : i32
      %dma_wait3A_439 = arith.constant 0 : i32
      %dma_wait3A_440 = tpu.memref_slice %arg7[%dma_wait3A_437, %dma_wait3A_438, %dma_wait3A_439] : memref<4x128x32xf32, #tpu.memory_space<vmem>> -> memref<1x128x32xf32, #tpu.memory_space<vmem>>
      %dma_wait3A_441 = tpu.memref_squeeze %dma_wait3A_440 : memref<1x128x32xf32, #tpu.memory_space<vmem>> -> memref<128x32xf32, #tpu.memory_space<vmem>>
      %dma_wait3A_442 = tpu.memref_slice %arg2[%add3A_306, %add3A_43] : memref<800000x128xf32, #tpu.memory_space<hbm>> -> memref<128x32xf32, #tpu.memory_space<hbm>>
      %dma_wait3A_443 = arith.constant 0 : i32
      %dma_wait3A_444 = arith.constant 0 : i32
      %dma_wait3A_445 = tpu.memref_slice %arg7[%dma_wait3A_437, %dma_wait3A_443, %dma_wait3A_444] : memref<4x128x32xf32, #tpu.memory_space<vmem>> -> memref<1x128x32xf32, #tpu.memory_space<vmem>>
      %dma_wait3A_446 = tpu.memref_squeeze %dma_wait3A_445 : memref<1x128x32xf32, #tpu.memory_space<vmem>> -> memref<128x32xf32, #tpu.memory_space<vmem>>
      %dma_wait3A_447 = tpu.memref_slice %arg2[%add3A_306, %add3A_43] : memref<800000x128xf32, #tpu.memory_space<hbm>> -> memref<128x32xf32, #tpu.memory_space<hbm>>
      tpu.wait_dma2 semaphore(%arg9 : memref<!tpu.dma_semaphore, #tpu.memory_space<semaphore_mem>>) src(%dma_wait3A_447 : memref<128x32xf32, #tpu.memory_space<hbm>>) dst(%dma_wait3A_446 : memref<128x32xf32, #tpu.memory_space<vmem>>)
      %dma_start3A_448 = arith.constant 3 : i32
      %dma_start3A_449 = arith.constant 7 : i32
      %dma_start3A_450 = arith.constant 0 : i32
      %dma_start3A_451 = arith.constant 0 : i32
      %dma_start3A_452 = tpu.memref_slice %arg7[%dma_start3A_448, %dma_start3A_450, %dma_start3A_451] : memref<4x128x32xf32, #tpu.memory_space<vmem>> -> memref<1x128x32xf32, #tpu.memory_space<vmem>>
      %dma_start3A_453 = tpu.memref_squeeze %dma_start3A_452 : memref<1x128x32xf32, #tpu.memory_space<vmem>> -> memref<128x32xf32, #tpu.memory_space<vmem>>
      %dma_start3A_454 = arith.constant 0 : i32
      %dma_start3A_455 = tpu.memref_slice %arg8[%dma_start3A_449, %dma_start3A_454] : memref<10x128xi32, #tpu.memory_space<vmem>> -> memref<1x128xi32, #tpu.memory_space<vmem>>
      %dma_start3A_456 = tpu.memref_squeeze %dma_start3A_455 : memref<1x128xi32, #tpu.memory_space<vmem>> -> memref<128xi32, #tpu.memory_space<vmem>>
      %dma_start3A_457 = arith.constant 0 : i32
      %dma_start3A_458 = arith.constant 0 : i32
      %dma_start3A_459 = tpu.memref_slice %arg6[%dma_start3A_457, %dma_start3A_458] : memref<50048x32xf32, #tpu.memory_space<vmem_shared>> -> memref<50048x32xf32, #tpu.memory_space<vmem_shared>>
      tpu.enqueue_indirect_dma source(%dma_start3A_453 : memref<128x32xf32, #tpu.memory_space<vmem>>) target(%dma_start3A_459 : memref<50048x32xf32, #tpu.memory_space<vmem_shared>>) offsets(%dma_start3A_456 : memref<128xi32, #tpu.memory_space<vmem>>) semaphore(%arg10 : memref<!tpu.dma_semaphore, #tpu.memory_space<semaphore_mem>>) {add = true}
      %dma_wait3A_460 = arith.constant 0 : i32
      %dma_wait3A_461 = arith.constant 0 : i32
      %dma_wait3A_462 = arith.constant 0 : i32
      %dma_wait3A_463 = tpu.memref_slice %arg7[%dma_wait3A_460, %dma_wait3A_461, %dma_wait3A_462] : memref<4x128x32xf32, #tpu.memory_space<vmem>> -> memref<1x128x32xf32, #tpu.memory_space<vmem>>
      %dma_wait3A_464 = tpu.memref_squeeze %dma_wait3A_463 : memref<1x128x32xf32, #tpu.memory_space<vmem>> -> memref<128x32xf32, #tpu.memory_space<vmem>>
      %dma_wait3A_465 = tpu.memref_slice %arg2[%add3A_354, %add3A_43] : memref<800000x128xf32, #tpu.memory_space<hbm>> -> memref<128x32xf32, #tpu.memory_space<hbm>>
      %dma_wait3A_466 = arith.constant 0 : i32
      %dma_wait3A_467 = arith.constant 0 : i32
      %dma_wait3A_468 = tpu.memref_slice %arg7[%dma_wait3A_460, %dma_wait3A_466, %dma_wait3A_467] : memref<4x128x32xf32, #tpu.memory_space<vmem>> -> memref<1x128x32xf32, #tpu.memory_space<vmem>>
      %dma_wait3A_469 = tpu.memref_squeeze %dma_wait3A_468 : memref<1x128x32xf32, #tpu.memory_space<vmem>> -> memref<128x32xf32, #tpu.memory_space<vmem>>
      %dma_wait3A_470 = tpu.memref_slice %arg2[%add3A_354, %add3A_43] : memref<800000x128xf32, #tpu.memory_space<hbm>> -> memref<128x32xf32, #tpu.memory_space<hbm>>
      tpu.wait_dma2 semaphore(%arg9 : memref<!tpu.dma_semaphore, #tpu.memory_space<semaphore_mem>>) src(%dma_wait3A_470 : memref<128x32xf32, #tpu.memory_space<hbm>>) dst(%dma_wait3A_469 : memref<128x32xf32, #tpu.memory_space<vmem>>)
      %dma_start3A_471 = arith.constant 0 : i32
      %dma_start3A_472 = arith.constant 8 : i32
      %dma_start3A_473 = arith.constant 0 : i32
      %dma_start3A_474 = arith.constant 0 : i32
      %dma_start3A_475 = tpu.memref_slice %arg7[%dma_start3A_471, %dma_start3A_473, %dma_start3A_474] : memref<4x128x32xf32, #tpu.memory_space<vmem>> -> memref<1x128x32xf32, #tpu.memory_space<vmem>>
      %dma_start3A_476 = tpu.memref_squeeze %dma_start3A_475 : memref<1x128x32xf32, #tpu.memory_space<vmem>> -> memref<128x32xf32, #tpu.memory_space<vmem>>
      %dma_start3A_477 = arith.constant 0 : i32
      %dma_start3A_478 = tpu.memref_slice %arg8[%dma_start3A_472, %dma_start3A_477] : memref<10x128xi32, #tpu.memory_space<vmem>> -> memref<1x128xi32, #tpu.memory_space<vmem>>
      %dma_start3A_479 = tpu.memref_squeeze %dma_start3A_478 : memref<1x128xi32, #tpu.memory_space<vmem>> -> memref<128xi32, #tpu.memory_space<vmem>>
      %dma_start3A_480 = arith.constant 0 : i32
      %dma_start3A_481 = arith.constant 0 : i32
      %dma_start3A_482 = tpu.memref_slice %arg6[%dma_start3A_480, %dma_start3A_481] : memref<50048x32xf32, #tpu.memory_space<vmem_shared>> -> memref<50048x32xf32, #tpu.memory_space<vmem_shared>>
      tpu.enqueue_indirect_dma source(%dma_start3A_476 : memref<128x32xf32, #tpu.memory_space<vmem>>) target(%dma_start3A_482 : memref<50048x32xf32, #tpu.memory_space<vmem_shared>>) offsets(%dma_start3A_479 : memref<128xi32, #tpu.memory_space<vmem>>) semaphore(%arg10 : memref<!tpu.dma_semaphore, #tpu.memory_space<semaphore_mem>>) {add = true}
      %dma_wait3A_483 = arith.constant 1 : i32
      %dma_wait3A_484 = arith.constant 0 : i32
      %dma_wait3A_485 = arith.constant 0 : i32
      %dma_wait3A_486 = tpu.memref_slice %arg7[%dma_wait3A_483, %dma_wait3A_484, %dma_wait3A_485] : memref<4x128x32xf32, #tpu.memory_space<vmem>> -> memref<1x128x32xf32, #tpu.memory_space<vmem>>
      %dma_wait3A_487 = tpu.memref_squeeze %dma_wait3A_486 : memref<1x128x32xf32, #tpu.memory_space<vmem>> -> memref<128x32xf32, #tpu.memory_space<vmem>>
      %dma_wait3A_488 = tpu.memref_slice %arg2[%add3A_402, %add3A_43] : memref<800000x128xf32, #tpu.memory_space<hbm>> -> memref<128x32xf32, #tpu.memory_space<hbm>>
      %dma_wait3A_489 = arith.constant 0 : i32
      %dma_wait3A_490 = arith.constant 0 : i32
      %dma_wait3A_491 = tpu.memref_slice %arg7[%dma_wait3A_483, %dma_wait3A_489, %dma_wait3A_490] : memref<4x128x32xf32, #tpu.memory_space<vmem>> -> memref<1x128x32xf32, #tpu.memory_space<vmem>>
      %dma_wait3A_492 = tpu.memref_squeeze %dma_wait3A_491 : memref<1x128x32xf32, #tpu.memory_space<vmem>> -> memref<128x32xf32, #tpu.memory_space<vmem>>
      %dma_wait3A_493 = tpu.memref_slice %arg2[%add3A_402, %add3A_43] : memref<800000x128xf32, #tpu.memory_space<hbm>> -> memref<128x32xf32, #tpu.memory_space<hbm>>
      tpu.wait_dma2 semaphore(%arg9 : memref<!tpu.dma_semaphore, #tpu.memory_space<semaphore_mem>>) src(%dma_wait3A_493 : memref<128x32xf32, #tpu.memory_space<hbm>>) dst(%dma_wait3A_492 : memref<128x32xf32, #tpu.memory_space<vmem>>)
      %dma_start3A_494 = arith.constant 1 : i32
      %dma_start3A_495 = arith.constant 9 : i32
      %dma_start3A_496 = arith.constant 0 : i32
      %dma_start3A_497 = arith.constant 0 : i32
      %dma_start3A_498 = tpu.memref_slice %arg7[%dma_start3A_494, %dma_start3A_496, %dma_start3A_497] : memref<4x128x32xf32, #tpu.memory_space<vmem>> -> memref<1x128x32xf32, #tpu.memory_space<vmem>>
      %dma_start3A_499 = tpu.memref_squeeze %dma_start3A_498 : memref<1x128x32xf32, #tpu.memory_space<vmem>> -> memref<128x32xf32, #tpu.memory_space<vmem>>
      %dma_start3A_500 = arith.constant 0 : i32
      %dma_start3A_501 = tpu.memref_slice %arg8[%dma_start3A_495, %dma_start3A_500] : memref<10x128xi32, #tpu.memory_space<vmem>> -> memref<1x128xi32, #tpu.memory_space<vmem>>
      %dma_start3A_502 = tpu.memref_squeeze %dma_start3A_501 : memref<1x128xi32, #tpu.memory_space<vmem>> -> memref<128xi32, #tpu.memory_space<vmem>>
      %dma_start3A_503 = arith.constant 0 : i32
      %dma_start3A_504 = arith.constant 0 : i32
      %dma_start3A_505 = tpu.memref_slice %arg6[%dma_start3A_503, %dma_start3A_504] : memref<50048x32xf32, #tpu.memory_space<vmem_shared>> -> memref<50048x32xf32, #tpu.memory_space<vmem_shared>>
      tpu.enqueue_indirect_dma source(%dma_start3A_499 : memref<128x32xf32, #tpu.memory_space<vmem>>) target(%dma_start3A_505 : memref<50048x32xf32, #tpu.memory_space<vmem_shared>>) offsets(%dma_start3A_502 : memref<128xi32, #tpu.memory_space<vmem>>) semaphore(%arg10 : memref<!tpu.dma_semaphore, #tpu.memory_space<semaphore_mem>>) {add = true}
      %dma_wait3A_506 = arith.constant 2 : i32
      %dma_wait3A_507 = arith.constant 6 : i32
      %dma_wait3A_508 = arith.constant 0 : i32
      %dma_wait3A_509 = arith.constant 0 : i32
      %dma_wait3A_510 = tpu.memref_slice %arg7[%dma_wait3A_506, %dma_wait3A_508, %dma_wait3A_509] : memref<4x128x32xf32, #tpu.memory_space<vmem>> -> memref<1x128x32xf32, #tpu.memory_space<vmem>>
      %dma_wait3A_511 = tpu.memref_squeeze %dma_wait3A_510 : memref<1x128x32xf32, #tpu.memory_space<vmem>> -> memref<128x32xf32, #tpu.memory_space<vmem>>
      %dma_wait3A_512 = arith.constant 0 : i32
      %dma_wait3A_513 = tpu.memref_slice %arg8[%dma_wait3A_507, %dma_wait3A_512] : memref<10x128xi32, #tpu.memory_space<vmem>> -> memref<1x128xi32, #tpu.memory_space<vmem>>
      %dma_wait3A_514 = tpu.memref_squeeze %dma_wait3A_513 : memref<1x128xi32, #tpu.memory_space<vmem>> -> memref<128xi32, #tpu.memory_space<vmem>>
      %dma_wait3A_515 = arith.constant 0 : i32
      %dma_wait3A_516 = arith.constant 0 : i32
      %dma_wait3A_517 = tpu.memref_slice %arg6[%dma_wait3A_515, %dma_wait3A_516] : memref<50048x32xf32, #tpu.memory_space<vmem_shared>> -> memref<50048x32xf32, #tpu.memory_space<vmem_shared>>
      tpu.wait_indirect_dma semaphore(%arg10 : memref<!tpu.dma_semaphore, #tpu.memory_space<semaphore_mem>>) src(%dma_wait3A_511 : memref<128x32xf32, #tpu.memory_space<vmem>>) dst(%dma_wait3A_517 : memref<50048x32xf32, #tpu.memory_space<vmem_shared>>)
      %dma_wait3A_518 = arith.constant 3 : i32
      %dma_wait3A_519 = arith.constant 7 : i32
      %dma_wait3A_520 = arith.constant 0 : i32
      %dma_wait3A_521 = arith.constant 0 : i32
      %dma_wait3A_522 = tpu.memref_slice %arg7[%dma_wait3A_518, %dma_wait3A_520, %dma_wait3A_521] : memref<4x128x32xf32, #tpu.memory_space<vmem>> -> memref<1x128x32xf32, #tpu.memory_space<vmem>>
      %dma_wait3A_523 = tpu.memref_squeeze %dma_wait3A_522 : memref<1x128x32xf32, #tpu.memory_space<vmem>> -> memref<128x32xf32, #tpu.memory_space<vmem>>
      %dma_wait3A_524 = arith.constant 0 : i32
      %dma_wait3A_525 = tpu.memref_slice %arg8[%dma_wait3A_519, %dma_wait3A_524] : memref<10x128xi32, #tpu.memory_space<vmem>> -> memref<1x128xi32, #tpu.memory_space<vmem>>
      %dma_wait3A_526 = tpu.memref_squeeze %dma_wait3A_525 : memref<1x128xi32, #tpu.memory_space<vmem>> -> memref<128xi32, #tpu.memory_space<vmem>>
      %dma_wait3A_527 = arith.constant 0 : i32
      %dma_wait3A_528 = arith.constant 0 : i32
      %dma_wait3A_529 = tpu.memref_slice %arg6[%dma_wait3A_527, %dma_wait3A_528] : memref<50048x32xf32, #tpu.memory_space<vmem_shared>> -> memref<50048x32xf32, #tpu.memory_space<vmem_shared>>
      tpu.wait_indirect_dma semaphore(%arg10 : memref<!tpu.dma_semaphore, #tpu.memory_space<semaphore_mem>>) src(%dma_wait3A_523 : memref<128x32xf32, #tpu.memory_space<vmem>>) dst(%dma_wait3A_529 : memref<50048x32xf32, #tpu.memory_space<vmem_shared>>)
      %dma_wait3A_530 = arith.constant 0 : i32
      %dma_wait3A_531 = arith.constant 8 : i32
      %dma_wait3A_532 = arith.constant 0 : i32
      %dma_wait3A_533 = arith.constant 0 : i32
      %dma_wait3A_534 = tpu.memref_slice %arg7[%dma_wait3A_530, %dma_wait3A_532, %dma_wait3A_533] : memref<4x128x32xf32, #tpu.memory_space<vmem>> -> memref<1x128x32xf32, #tpu.memory_space<vmem>>
      %dma_wait3A_535 = tpu.memref_squeeze %dma_wait3A_534 : memref<1x128x32xf32, #tpu.memory_space<vmem>> -> memref<128x32xf32, #tpu.memory_space<vmem>>
      %dma_wait3A_536 = arith.constant 0 : i32
      %dma_wait3A_537 = tpu.memref_slice %arg8[%dma_wait3A_531, %dma_wait3A_536] : memref<10x128xi32, #tpu.memory_space<vmem>> -> memref<1x128xi32, #tpu.memory_space<vmem>>
      %dma_wait3A_538 = tpu.memref_squeeze %dma_wait3A_537 : memref<1x128xi32, #tpu.memory_space<vmem>> -> memref<128xi32, #tpu.memory_space<vmem>>
      %dma_wait3A_539 = arith.constant 0 : i32
      %dma_wait3A_540 = arith.constant 0 : i32
      %dma_wait3A_541 = tpu.memref_slice %arg6[%dma_wait3A_539, %dma_wait3A_540] : memref<50048x32xf32, #tpu.memory_space<vmem_shared>> -> memref<50048x32xf32, #tpu.memory_space<vmem_shared>>
      tpu.wait_indirect_dma semaphore(%arg10 : memref<!tpu.dma_semaphore, #tpu.memory_space<semaphore_mem>>) src(%dma_wait3A_535 : memref<128x32xf32, #tpu.memory_space<vmem>>) dst(%dma_wait3A_541 : memref<50048x32xf32, #tpu.memory_space<vmem_shared>>)
      %dma_wait3A_542 = arith.constant 1 : i32
      %dma_wait3A_543 = arith.constant 9 : i32
      %dma_wait3A_544 = arith.constant 0 : i32
      %dma_wait3A_545 = arith.constant 0 : i32
      %dma_wait3A_546 = tpu.memref_slice %arg7[%dma_wait3A_542, %dma_wait3A_544, %dma_wait3A_545] : memref<4x128x32xf32, #tpu.memory_space<vmem>> -> memref<1x128x32xf32, #tpu.memory_space<vmem>>
      %dma_wait3A_547 = tpu.memref_squeeze %dma_wait3A_546 : memref<1x128x32xf32, #tpu.memory_space<vmem>> -> memref<128x32xf32, #tpu.memory_space<vmem>>
      %dma_wait3A_548 = arith.constant 0 : i32
      %dma_wait3A_549 = tpu.memref_slice %arg8[%dma_wait3A_543, %dma_wait3A_548] : memref<10x128xi32, #tpu.memory_space<vmem>> -> memref<1x128xi32, #tpu.memory_space<vmem>>
      %dma_wait3A_550 = tpu.memref_squeeze %dma_wait3A_549 : memref<1x128xi32, #tpu.memory_space<vmem>> -> memref<128xi32, #tpu.memory_space<vmem>>
      %dma_wait3A_551 = arith.constant 0 : i32
      %dma_wait3A_552 = arith.constant 0 : i32
      %dma_wait3A_553 = tpu.memref_slice %arg6[%dma_wait3A_551, %dma_wait3A_552] : memref<50048x32xf32, #tpu.memory_space<vmem_shared>> -> memref<50048x32xf32, #tpu.memory_space<vmem_shared>>
      tpu.wait_indirect_dma semaphore(%arg10 : memref<!tpu.dma_semaphore, #tpu.memory_space<semaphore_mem>>) src(%dma_wait3A_547 : memref<128x32xf32, #tpu.memory_space<vmem>>) dst(%dma_wait3A_553 : memref<50048x32xf32, #tpu.memory_space<vmem_shared>>)
    }
    %while3A_56 = arith.constant 1 : i32
    scf.for %while3A_68 = %while3A_54 to %while3A_50 step %while3A_56  : i32 {
      %mul3A_69 = arith.constant 16 : i32
      %mul3A_70 = arith.muli %while3A_68, %mul3A_69 : i32
      %add3A_71 = arith.addi %arg1, %mul3A_70 : i32
      %mul3A_72 = arith.constant 10 : i32
      %mul3A_73 = arith.muli %add3A_71, %mul3A_72 : i32
      %mul3A_74 = arith.constant 1280 : i32
      %mul3A_75 = arith.muli %add3A_71, %mul3A_74 : i32
      "tpu.region"() ({
        %run_scoped3A = tpu.sem_alloc : memref<!tpu.dma_semaphore, #tpu.memory_space<semaphore_mem>>
        %dma_start3A_554 = arith.constant 0 : i32
        %dma_start3A_555 = tpu.memref_slice %arg3[%mul3A_73, %dma_start3A_554] : memref<6250x128xi32, #tpu.memory_space<hbm>> -> memref<10x128xi32, #tpu.memory_space<hbm>>
        %dma_start3A_556 = arith.constant 0 : i32
        %dma_start3A_557 = tpu.memref_slice %arg3[%mul3A_73, %dma_start3A_556] : memref<6250x128xi32, #tpu.memory_space<hbm>> -> memref<10x128xi32, #tpu.memory_space<hbm>>
        tpu.enqueue_dma source(%dma_start3A_557 : memref<10x128xi32, #tpu.memory_space<hbm>>) target(%arg8 : memref<10x128xi32, #tpu.memory_space<vmem>>) target_semaphore(%run_scoped3A : memref<!tpu.dma_semaphore, #tpu.memory_space<semaphore_mem>>)
        %dma_wait3A_558 = arith.constant 0 : i32
        %dma_wait3A_559 = tpu.memref_slice %arg3[%mul3A_73, %dma_wait3A_558] : memref<6250x128xi32, #tpu.memory_space<hbm>> -> memref<10x128xi32, #tpu.memory_space<hbm>>
        %dma_wait3A_560 = arith.constant 0 : i32
        %dma_wait3A_561 = tpu.memref_slice %arg3[%mul3A_73, %dma_wait3A_560] : memref<6250x128xi32, #tpu.memory_space<hbm>> -> memref<10x128xi32, #tpu.memory_space<hbm>>
        tpu.wait_dma2 semaphore(%run_scoped3A : memref<!tpu.dma_semaphore, #tpu.memory_space<semaphore_mem>>) src(%dma_wait3A_561 : memref<10x128xi32, #tpu.memory_space<hbm>>) dst(%arg8 : memref<10x128xi32, #tpu.memory_space<vmem>>)
        tpu.yield
      }) : () -> ()
      %add3A_76 = arith.constant 0 : i32
      %add3A_77 = arith.addi %mul3A_75, %add3A_76 : i32
      %dma_start3A = arith.constant 0 : i32
      %dma_start3A_78 = arith.constant 0 : i32
      %dma_start3A_79 = arith.constant 0 : i32
      %dma_start3A_80 = tpu.memref_slice %arg7[%dma_start3A, %dma_start3A_78, %dma_start3A_79] : memref<4x128x32xf32, #tpu.memory_space<vmem>> -> memref<1x128x32xf32, #tpu.memory_space<vmem>>
      %dma_start3A_81 = tpu.memref_squeeze %dma_start3A_80 : memref<1x128x32xf32, #tpu.memory_space<vmem>> -> memref<128x32xf32, #tpu.memory_space<vmem>>
      %dma_start3A_82 = tpu.memref_slice %arg2[%add3A_77, %add3A_43] : memref<800000x128xf32, #tpu.memory_space<hbm>> -> memref<128x32xf32, #tpu.memory_space<hbm>>
      %dma_start3A_83 = arith.constant 0 : i32
      %dma_start3A_84 = arith.constant 0 : i32
      %dma_start3A_85 = tpu.memref_slice %arg7[%dma_start3A, %dma_start3A_83, %dma_start3A_84] : memref<4x128x32xf32, #tpu.memory_space<vmem>> -> memref<1x128x32xf32, #tpu.memory_space<vmem>>
      %dma_start3A_86 = tpu.memref_squeeze %dma_start3A_85 : memref<1x128x32xf32, #tpu.memory_space<vmem>> -> memref<128x32xf32, #tpu.memory_space<vmem>>
      %dma_start3A_87 = tpu.memref_slice %arg2[%add3A_77, %add3A_43] : memref<800000x128xf32, #tpu.memory_space<hbm>> -> memref<128x32xf32, #tpu.memory_space<hbm>>
      tpu.enqueue_dma source(%dma_start3A_87 : memref<128x32xf32, #tpu.memory_space<hbm>>) target(%dma_start3A_86 : memref<128x32xf32, #tpu.memory_space<vmem>>) target_semaphore(%arg9 : memref<!tpu.dma_semaphore, #tpu.memory_space<semaphore_mem>>)
      %add3A_88 = arith.constant 128 : i32
      %add3A_89 = arith.addi %mul3A_75, %add3A_88 : i32
      %dma_start3A_90 = arith.constant 1 : i32
      %dma_start3A_91 = arith.constant 0 : i32
      %dma_start3A_92 = arith.constant 0 : i32
      %dma_start3A_93 = tpu.memref_slice %arg7[%dma_start3A_90, %dma_start3A_91, %dma_start3A_92] : memref<4x128x32xf32, #tpu.memory_space<vmem>> -> memref<1x128x32xf32, #tpu.memory_space<vmem>>
      %dma_start3A_94 = tpu.memref_squeeze %dma_start3A_93 : memref<1x128x32xf32, #tpu.memory_space<vmem>> -> memref<128x32xf32, #tpu.memory_space<vmem>>
      %dma_start3A_95 = tpu.memref_slice %arg2[%add3A_89, %add3A_43] : memref<800000x128xf32, #tpu.memory_space<hbm>> -> memref<128x32xf32, #tpu.memory_space<hbm>>
      %dma_start3A_96 = arith.constant 0 : i32
      %dma_start3A_97 = arith.constant 0 : i32
      %dma_start3A_98 = tpu.memref_slice %arg7[%dma_start3A_90, %dma_start3A_96, %dma_start3A_97] : memref<4x128x32xf32, #tpu.memory_space<vmem>> -> memref<1x128x32xf32, #tpu.memory_space<vmem>>
      %dma_start3A_99 = tpu.memref_squeeze %dma_start3A_98 : memref<1x128x32xf32, #tpu.memory_space<vmem>> -> memref<128x32xf32, #tpu.memory_space<vmem>>
      %dma_start3A_100 = tpu.memref_slice %arg2[%add3A_89, %add3A_43] : memref<800000x128xf32, #tpu.memory_space<hbm>> -> memref<128x32xf32, #tpu.memory_space<hbm>>
      tpu.enqueue_dma source(%dma_start3A_100 : memref<128x32xf32, #tpu.memory_space<hbm>>) target(%dma_start3A_99 : memref<128x32xf32, #tpu.memory_space<vmem>>) target_semaphore(%arg9 : memref<!tpu.dma_semaphore, #tpu.memory_space<semaphore_mem>>)
      %add3A_101 = arith.constant 256 : i32
      %add3A_102 = arith.addi %mul3A_75, %add3A_101 : i32
      %dma_start3A_103 = arith.constant 2 : i32
      %dma_start3A_104 = arith.constant 0 : i32
      %dma_start3A_105 = arith.constant 0 : i32
      %dma_start3A_106 = tpu.memref_slice %arg7[%dma_start3A_103, %dma_start3A_104, %dma_start3A_105] : memref<4x128x32xf32, #tpu.memory_space<vmem>> -> memref<1x128x32xf32, #tpu.memory_space<vmem>>
      %dma_start3A_107 = tpu.memref_squeeze %dma_start3A_106 : memref<1x128x32xf32, #tpu.memory_space<vmem>> -> memref<128x32xf32, #tpu.memory_space<vmem>>
      %dma_start3A_108 = tpu.memref_slice %arg2[%add3A_102, %add3A_43] : memref<800000x128xf32, #tpu.memory_space<hbm>> -> memref<128x32xf32, #tpu.memory_space<hbm>>
      %dma_start3A_109 = arith.constant 0 : i32
      %dma_start3A_110 = arith.constant 0 : i32
      %dma_start3A_111 = tpu.memref_slice %arg7[%dma_start3A_103, %dma_start3A_109, %dma_start3A_110] : memref<4x128x32xf32, #tpu.memory_space<vmem>> -> memref<1x128x32xf32, #tpu.memory_space<vmem>>
      %dma_start3A_112 = tpu.memref_squeeze %dma_start3A_111 : memref<1x128x32xf32, #tpu.memory_space<vmem>> -> memref<128x32xf32, #tpu.memory_space<vmem>>
      %dma_start3A_113 = tpu.memref_slice %arg2[%add3A_102, %add3A_43] : memref<800000x128xf32, #tpu.memory_space<hbm>> -> memref<128x32xf32, #tpu.memory_space<hbm>>
      tpu.enqueue_dma source(%dma_start3A_113 : memref<128x32xf32, #tpu.memory_space<hbm>>) target(%dma_start3A_112 : memref<128x32xf32, #tpu.memory_space<vmem>>) target_semaphore(%arg9 : memref<!tpu.dma_semaphore, #tpu.memory_space<semaphore_mem>>)
      %add3A_114 = arith.constant 384 : i32
      %add3A_115 = arith.addi %mul3A_75, %add3A_114 : i32
      %dma_start3A_116 = arith.constant 3 : i32
      %dma_start3A_117 = arith.constant 0 : i32
      %dma_start3A_118 = arith.constant 0 : i32
      %dma_start3A_119 = tpu.memref_slice %arg7[%dma_start3A_116, %dma_start3A_117, %dma_start3A_118] : memref<4x128x32xf32, #tpu.memory_space<vmem>> -> memref<1x128x32xf32, #tpu.memory_space<vmem>>
      %dma_start3A_120 = tpu.memref_squeeze %dma_start3A_119 : memref<1x128x32xf32, #tpu.memory_space<vmem>> -> memref<128x32xf32, #tpu.memory_space<vmem>>
      %dma_start3A_121 = tpu.memref_slice %arg2[%add3A_115, %add3A_43] : memref<800000x128xf32, #tpu.memory_space<hbm>> -> memref<128x32xf32, #tpu.memory_space<hbm>>
      %dma_start3A_122 = arith.constant 0 : i32
      %dma_start3A_123 = arith.constant 0 : i32
      %dma_start3A_124 = tpu.memref_slice %arg7[%dma_start3A_116, %dma_start3A_122, %dma_start3A_123] : memref<4x128x32xf32, #tpu.memory_space<vmem>> -> memref<1x128x32xf32, #tpu.memory_space<vmem>>
      %dma_start3A_125 = tpu.memref_squeeze %dma_start3A_124 : memref<1x128x32xf32, #tpu.memory_space<vmem>> -> memref<128x32xf32, #tpu.memory_space<vmem>>
      %dma_start3A_126 = tpu.memref_slice %arg2[%add3A_115, %add3A_43] : memref<800000x128xf32, #tpu.memory_space<hbm>> -> memref<128x32xf32, #tpu.memory_space<hbm>>
      tpu.enqueue_dma source(%dma_start3A_126 : memref<128x32xf32, #tpu.memory_space<hbm>>) target(%dma_start3A_125 : memref<128x32xf32, #tpu.memory_space<vmem>>) target_semaphore(%arg9 : memref<!tpu.dma_semaphore, #tpu.memory_space<semaphore_mem>>)
      %dma_wait3A = arith.constant 0 : i32
      %dma_wait3A_127 = arith.constant 0 : i32
      %dma_wait3A_128 = arith.constant 0 : i32
      %dma_wait3A_129 = tpu.memref_slice %arg7[%dma_wait3A, %dma_wait3A_127, %dma_wait3A_128] : memref<4x128x32xf32, #tpu.memory_space<vmem>> -> memref<1x128x32xf32, #tpu.memory_space<vmem>>
      %dma_wait3A_130 = tpu.memref_squeeze %dma_wait3A_129 : memref<1x128x32xf32, #tpu.memory_space<vmem>> -> memref<128x32xf32, #tpu.memory_space<vmem>>
      %dma_wait3A_131 = tpu.memref_slice %arg2[%add3A_77, %add3A_43] : memref<800000x128xf32, #tpu.memory_space<hbm>> -> memref<128x32xf32, #tpu.memory_space<hbm>>
      %dma_wait3A_132 = arith.constant 0 : i32
      %dma_wait3A_133 = arith.constant 0 : i32
      %dma_wait3A_134 = tpu.memref_slice %arg7[%dma_wait3A, %dma_wait3A_132, %dma_wait3A_133] : memref<4x128x32xf32, #tpu.memory_space<vmem>> -> memref<1x128x32xf32, #tpu.memory_space<vmem>>
      %dma_wait3A_135 = tpu.memref_squeeze %dma_wait3A_134 : memref<1x128x32xf32, #tpu.memory_space<vmem>> -> memref<128x32xf32, #tpu.memory_space<vmem>>
      %dma_wait3A_136 = tpu.memref_slice %arg2[%add3A_77, %add3A_43] : memref<800000x128xf32, #tpu.memory_space<hbm>> -> memref<128x32xf32, #tpu.memory_space<hbm>>
      tpu.wait_dma2 semaphore(%arg9 : memref<!tpu.dma_semaphore, #tpu.memory_space<semaphore_mem>>) src(%dma_wait3A_136 : memref<128x32xf32, #tpu.memory_space<hbm>>) dst(%dma_wait3A_135 : memref<128x32xf32, #tpu.memory_space<vmem>>)
      %dma_start3A_137 = arith.constant 0 : i32
      %dma_start3A_138 = arith.constant 0 : i32
      %dma_start3A_139 = arith.constant 0 : i32
      %dma_start3A_140 = arith.constant 0 : i32
      %dma_start3A_141 = tpu.memref_slice %arg7[%dma_start3A_137, %dma_start3A_139, %dma_start3A_140] : memref<4x128x32xf32, #tpu.memory_space<vmem>> -> memref<1x128x32xf32, #tpu.memory_space<vmem>>
      %dma_start3A_142 = tpu.memref_squeeze %dma_start3A_141 : memref<1x128x32xf32, #tpu.memory_space<vmem>> -> memref<128x32xf32, #tpu.memory_space<vmem>>
      %dma_start3A_143 = arith.constant 0 : i32
      %dma_start3A_144 = tpu.memref_slice %arg8[%dma_start3A_138, %dma_start3A_143] : memref<10x128xi32, #tpu.memory_space<vmem>> -> memref<1x128xi32, #tpu.memory_space<vmem>>
      %dma_start3A_145 = tpu.memref_squeeze %dma_start3A_144 : memref<1x128xi32, #tpu.memory_space<vmem>> -> memref<128xi32, #tpu.memory_space<vmem>>
      %dma_start3A_146 = arith.constant 0 : i32
      %dma_start3A_147 = arith.constant 0 : i32
      %dma_start3A_148 = tpu.memref_slice %arg6[%dma_start3A_146, %dma_start3A_147] : memref<50048x32xf32, #tpu.memory_space<vmem_shared>> -> memref<50048x32xf32, #tpu.memory_space<vmem_shared>>
      tpu.enqueue_indirect_dma source(%dma_start3A_142 : memref<128x32xf32, #tpu.memory_space<vmem>>) target(%dma_start3A_148 : memref<50048x32xf32, #tpu.memory_space<vmem_shared>>) offsets(%dma_start3A_145 : memref<128xi32, #tpu.memory_space<vmem>>) semaphore(%arg10 : memref<!tpu.dma_semaphore, #tpu.memory_space<semaphore_mem>>) {add = true}
      %dma_wait3A_149 = arith.constant 0 : i32
      %dma_wait3A_150 = arith.constant 0 : i32
      %dma_wait3A_151 = arith.constant 0 : i32
      %dma_wait3A_152 = arith.constant 0 : i32
      %dma_wait3A_153 = tpu.memref_slice %arg7[%dma_wait3A_149, %dma_wait3A_151, %dma_wait3A_152] : memref<4x128x32xf32, #tpu.memory_space<vmem>> -> memref<1x128x32xf32, #tpu.memory_space<vmem>>
      %dma_wait3A_154 = tpu.memref_squeeze %dma_wait3A_153 : memref<1x128x32xf32, #tpu.memory_space<vmem>> -> memref<128x32xf32, #tpu.memory_space<vmem>>
      %dma_wait3A_155 = arith.constant 0 : i32
      %dma_wait3A_156 = tpu.memref_slice %arg8[%dma_wait3A_150, %dma_wait3A_155] : memref<10x128xi32, #tpu.memory_space<vmem>> -> memref<1x128xi32, #tpu.memory_space<vmem>>
      %dma_wait3A_157 = tpu.memref_squeeze %dma_wait3A_156 : memref<1x128xi32, #tpu.memory_space<vmem>> -> memref<128xi32, #tpu.memory_space<vmem>>
      %dma_wait3A_158 = arith.constant 0 : i32
      %dma_wait3A_159 = arith.constant 0 : i32
      %dma_wait3A_160 = tpu.memref_slice %arg6[%dma_wait3A_158, %dma_wait3A_159] : memref<50048x32xf32, #tpu.memory_space<vmem_shared>> -> memref<50048x32xf32, #tpu.memory_space<vmem_shared>>
      tpu.wait_indirect_dma semaphore(%arg10 : memref<!tpu.dma_semaphore, #tpu.memory_space<semaphore_mem>>) src(%dma_wait3A_154 : memref<128x32xf32, #tpu.memory_space<vmem>>) dst(%dma_wait3A_160 : memref<50048x32xf32, #tpu.memory_space<vmem_shared>>)
      %add3A_161 = arith.constant 512 : i32
      %add3A_162 = arith.addi %mul3A_75, %add3A_161 : i32
      %dma_start3A_163 = arith.constant 0 : i32
      %dma_start3A_164 = arith.constant 0 : i32
      %dma_start3A_165 = arith.constant 0 : i32
      %dma_start3A_166 = tpu.memref_slice %arg7[%dma_start3A_163, %dma_start3A_164, %dma_start3A_165] : memref<4x128x32xf32, #tpu.memory_space<vmem>> -> memref<1x128x32xf32, #tpu.memory_space<vmem>>
      %dma_start3A_167 = tpu.memref_squeeze %dma_start3A_166 : memref<1x128x32xf32, #tpu.memory_space<vmem>> -> memref<128x32xf32, #tpu.memory_space<vmem>>
      %dma_start3A_168 = tpu.memref_slice %arg2[%add3A_162, %add3A_43] : memref<800000x128xf32, #tpu.memory_space<hbm>> -> memref<128x32xf32, #tpu.memory_space<hbm>>
      %dma_start3A_169 = arith.constant 0 : i32
      %dma_start3A_170 = arith.constant 0 : i32
      %dma_start3A_171 = tpu.memref_slice %arg7[%dma_start3A_163, %dma_start3A_169, %dma_start3A_170] : memref<4x128x32xf32, #tpu.memory_space<vmem>> -> memref<1x128x32xf32, #tpu.memory_space<vmem>>
      %dma_start3A_172 = tpu.memref_squeeze %dma_start3A_171 : memref<1x128x32xf32, #tpu.memory_space<vmem>> -> memref<128x32xf32, #tpu.memory_space<vmem>>
      %dma_start3A_173 = tpu.memref_slice %arg2[%add3A_162, %add3A_43] : memref<800000x128xf32, #tpu.memory_space<hbm>> -> memref<128x32xf32, #tpu.memory_space<hbm>>
      tpu.enqueue_dma source(%dma_start3A_173 : memref<128x32xf32, #tpu.memory_space<hbm>>) target(%dma_start3A_172 : memref<128x32xf32, #tpu.memory_space<vmem>>) target_semaphore(%arg9 : memref<!tpu.dma_semaphore, #tpu.memory_space<semaphore_mem>>)
      %dma_wait3A_174 = arith.constant 1 : i32
      %dma_wait3A_175 = arith.constant 0 : i32
      %dma_wait3A_176 = arith.constant 0 : i32
      %dma_wait3A_177 = tpu.memref_slice %arg7[%dma_wait3A_174, %dma_wait3A_175, %dma_wait3A_176] : memref<4x128x32xf32, #tpu.memory_space<vmem>> -> memref<1x128x32xf32, #tpu.memory_space<vmem>>
      %dma_wait3A_178 = tpu.memref_squeeze %dma_wait3A_177 : memref<1x128x32xf32, #tpu.memory_space<vmem>> -> memref<128x32xf32, #tpu.memory_space<vmem>>
      %dma_wait3A_179 = tpu.memref_slice %arg2[%add3A_89, %add3A_43] : memref<800000x128xf32, #tpu.memory_space<hbm>> -> memref<128x32xf32, #tpu.memory_space<hbm>>
      %dma_wait3A_180 = arith.constant 0 : i32
      %dma_wait3A_181 = arith.constant 0 : i32
      %dma_wait3A_182 = tpu.memref_slice %arg7[%dma_wait3A_174, %dma_wait3A_180, %dma_wait3A_181] : memref<4x128x32xf32, #tpu.memory_space<vmem>> -> memref<1x128x32xf32, #tpu.memory_space<vmem>>
      %dma_wait3A_183 = tpu.memref_squeeze %dma_wait3A_182 : memref<1x128x32xf32, #tpu.memory_space<vmem>> -> memref<128x32xf32, #tpu.memory_space<vmem>>
      %dma_wait3A_184 = tpu.memref_slice %arg2[%add3A_89, %add3A_43] : memref<800000x128xf32, #tpu.memory_space<hbm>> -> memref<128x32xf32, #tpu.memory_space<hbm>>
      tpu.wait_dma2 semaphore(%arg9 : memref<!tpu.dma_semaphore, #tpu.memory_space<semaphore_mem>>) src(%dma_wait3A_184 : memref<128x32xf32, #tpu.memory_space<hbm>>) dst(%dma_wait3A_183 : memref<128x32xf32, #tpu.memory_space<vmem>>)
      %dma_start3A_185 = arith.constant 1 : i32
      %dma_start3A_186 = arith.constant 1 : i32
      %dma_start3A_187 = arith.constant 0 : i32
      %dma_start3A_188 = arith.constant 0 : i32
      %dma_start3A_189 = tpu.memref_slice %arg7[%dma_start3A_185, %dma_start3A_187, %dma_start3A_188] : memref<4x128x32xf32, #tpu.memory_space<vmem>> -> memref<1x128x32xf32, #tpu.memory_space<vmem>>
      %dma_start3A_190 = tpu.memref_squeeze %dma_start3A_189 : memref<1x128x32xf32, #tpu.memory_space<vmem>> -> memref<128x32xf32, #tpu.memory_space<vmem>>
      %dma_start3A_191 = arith.constant 0 : i32
      %dma_start3A_192 = tpu.memref_slice %arg8[%dma_start3A_186, %dma_start3A_191] : memref<10x128xi32, #tpu.memory_space<vmem>> -> memref<1x128xi32, #tpu.memory_space<vmem>>
      %dma_start3A_193 = tpu.memref_squeeze %dma_start3A_192 : memref<1x128xi32, #tpu.memory_space<vmem>> -> memref<128xi32, #tpu.memory_space<vmem>>
      %dma_start3A_194 = arith.constant 0 : i32
      %dma_start3A_195 = arith.constant 0 : i32
      %dma_start3A_196 = tpu.memref_slice %arg6[%dma_start3A_194, %dma_start3A_195] : memref<50048x32xf32, #tpu.memory_space<vmem_shared>> -> memref<50048x32xf32, #tpu.memory_space<vmem_shared>>
      tpu.enqueue_indirect_dma source(%dma_start3A_190 : memref<128x32xf32, #tpu.memory_space<vmem>>) target(%dma_start3A_196 : memref<50048x32xf32, #tpu.memory_space<vmem_shared>>) offsets(%dma_start3A_193 : memref<128xi32, #tpu.memory_space<vmem>>) semaphore(%arg10 : memref<!tpu.dma_semaphore, #tpu.memory_space<semaphore_mem>>) {add = true}
      %dma_wait3A_197 = arith.constant 1 : i32
      %dma_wait3A_198 = arith.constant 1 : i32
      %dma_wait3A_199 = arith.constant 0 : i32
      %dma_wait3A_200 = arith.constant 0 : i32
      %dma_wait3A_201 = tpu.memref_slice %arg7[%dma_wait3A_197, %dma_wait3A_199, %dma_wait3A_200] : memref<4x128x32xf32, #tpu.memory_space<vmem>> -> memref<1x128x32xf32, #tpu.memory_space<vmem>>
      %dma_wait3A_202 = tpu.memref_squeeze %dma_wait3A_201 : memref<1x128x32xf32, #tpu.memory_space<vmem>> -> memref<128x32xf32, #tpu.memory_space<vmem>>
      %dma_wait3A_203 = arith.constant 0 : i32
      %dma_wait3A_204 = tpu.memref_slice %arg8[%dma_wait3A_198, %dma_wait3A_203] : memref<10x128xi32, #tpu.memory_space<vmem>> -> memref<1x128xi32, #tpu.memory_space<vmem>>
      %dma_wait3A_205 = tpu.memref_squeeze %dma_wait3A_204 : memref<1x128xi32, #tpu.memory_space<vmem>> -> memref<128xi32, #tpu.memory_space<vmem>>
      %dma_wait3A_206 = arith.constant 0 : i32
      %dma_wait3A_207 = arith.constant 0 : i32
      %dma_wait3A_208 = tpu.memref_slice %arg6[%dma_wait3A_206, %dma_wait3A_207] : memref<50048x32xf32, #tpu.memory_space<vmem_shared>> -> memref<50048x32xf32, #tpu.memory_space<vmem_shared>>
      tpu.wait_indirect_dma semaphore(%arg10 : memref<!tpu.dma_semaphore, #tpu.memory_space<semaphore_mem>>) src(%dma_wait3A_202 : memref<128x32xf32, #tpu.memory_space<vmem>>) dst(%dma_wait3A_208 : memref<50048x32xf32, #tpu.memory_space<vmem_shared>>)
      %add3A_209 = arith.constant 640 : i32
      %add3A_210 = arith.addi %mul3A_75, %add3A_209 : i32
      %dma_start3A_211 = arith.constant 1 : i32
      %dma_start3A_212 = arith.constant 0 : i32
      %dma_start3A_213 = arith.constant 0 : i32
      %dma_start3A_214 = tpu.memref_slice %arg7[%dma_start3A_211, %dma_start3A_212, %dma_start3A_213] : memref<4x128x32xf32, #tpu.memory_space<vmem>> -> memref<1x128x32xf32, #tpu.memory_space<vmem>>
      %dma_start3A_215 = tpu.memref_squeeze %dma_start3A_214 : memref<1x128x32xf32, #tpu.memory_space<vmem>> -> memref<128x32xf32, #tpu.memory_space<vmem>>
      %dma_start3A_216 = tpu.memref_slice %arg2[%add3A_210, %add3A_43] : memref<800000x128xf32, #tpu.memory_space<hbm>> -> memref<128x32xf32, #tpu.memory_space<hbm>>
      %dma_start3A_217 = arith.constant 0 : i32
      %dma_start3A_218 = arith.constant 0 : i32
      %dma_start3A_219 = tpu.memref_slice %arg7[%dma_start3A_211, %dma_start3A_217, %dma_start3A_218] : memref<4x128x32xf32, #tpu.memory_space<vmem>> -> memref<1x128x32xf32, #tpu.memory_space<vmem>>
      %dma_start3A_220 = tpu.memref_squeeze %dma_start3A_219 : memref<1x128x32xf32, #tpu.memory_space<vmem>> -> memref<128x32xf32, #tpu.memory_space<vmem>>
      %dma_start3A_221 = tpu.memref_slice %arg2[%add3A_210, %add3A_43] : memref<800000x128xf32, #tpu.memory_space<hbm>> -> memref<128x32xf32, #tpu.memory_space<hbm>>
      tpu.enqueue_dma source(%dma_start3A_221 : memref<128x32xf32, #tpu.memory_space<hbm>>) target(%dma_start3A_220 : memref<128x32xf32, #tpu.memory_space<vmem>>) target_semaphore(%arg9 : memref<!tpu.dma_semaphore, #tpu.memory_space<semaphore_mem>>)
      %dma_wait3A_222 = arith.constant 2 : i32
      %dma_wait3A_223 = arith.constant 0 : i32
      %dma_wait3A_224 = arith.constant 0 : i32
      %dma_wait3A_225 = tpu.memref_slice %arg7[%dma_wait3A_222, %dma_wait3A_223, %dma_wait3A_224] : memref<4x128x32xf32, #tpu.memory_space<vmem>> -> memref<1x128x32xf32, #tpu.memory_space<vmem>>
      %dma_wait3A_226 = tpu.memref_squeeze %dma_wait3A_225 : memref<1x128x32xf32, #tpu.memory_space<vmem>> -> memref<128x32xf32, #tpu.memory_space<vmem>>
      %dma_wait3A_227 = tpu.memref_slice %arg2[%add3A_102, %add3A_43] : memref<800000x128xf32, #tpu.memory_space<hbm>> -> memref<128x32xf32, #tpu.memory_space<hbm>>
      %dma_wait3A_228 = arith.constant 0 : i32
      %dma_wait3A_229 = arith.constant 0 : i32
      %dma_wait3A_230 = tpu.memref_slice %arg7[%dma_wait3A_222, %dma_wait3A_228, %dma_wait3A_229] : memref<4x128x32xf32, #tpu.memory_space<vmem>> -> memref<1x128x32xf32, #tpu.memory_space<vmem>>
      %dma_wait3A_231 = tpu.memref_squeeze %dma_wait3A_230 : memref<1x128x32xf32, #tpu.memory_space<vmem>> -> memref<128x32xf32, #tpu.memory_space<vmem>>
      %dma_wait3A_232 = tpu.memref_slice %arg2[%add3A_102, %add3A_43] : memref<800000x128xf32, #tpu.memory_space<hbm>> -> memref<128x32xf32, #tpu.memory_space<hbm>>
      tpu.wait_dma2 semaphore(%arg9 : memref<!tpu.dma_semaphore, #tpu.memory_space<semaphore_mem>>) src(%dma_wait3A_232 : memref<128x32xf32, #tpu.memory_space<hbm>>) dst(%dma_wait3A_231 : memref<128x32xf32, #tpu.memory_space<vmem>>)
      %dma_start3A_233 = arith.constant 2 : i32
      %dma_start3A_234 = arith.constant 2 : i32
      %dma_start3A_235 = arith.constant 0 : i32
      %dma_start3A_236 = arith.constant 0 : i32
      %dma_start3A_237 = tpu.memref_slice %arg7[%dma_start3A_233, %dma_start3A_235, %dma_start3A_236] : memref<4x128x32xf32, #tpu.memory_space<vmem>> -> memref<1x128x32xf32, #tpu.memory_space<vmem>>
      %dma_start3A_238 = tpu.memref_squeeze %dma_start3A_237 : memref<1x128x32xf32, #tpu.memory_space<vmem>> -> memref<128x32xf32, #tpu.memory_space<vmem>>
      %dma_start3A_239 = arith.constant 0 : i32
      %dma_start3A_240 = tpu.memref_slice %arg8[%dma_start3A_234, %dma_start3A_239] : memref<10x128xi32, #tpu.memory_space<vmem>> -> memref<1x128xi32, #tpu.memory_space<vmem>>
      %dma_start3A_241 = tpu.memref_squeeze %dma_start3A_240 : memref<1x128xi32, #tpu.memory_space<vmem>> -> memref<128xi32, #tpu.memory_space<vmem>>
      %dma_start3A_242 = arith.constant 0 : i32
      %dma_start3A_243 = arith.constant 0 : i32
      %dma_start3A_244 = tpu.memref_slice %arg6[%dma_start3A_242, %dma_start3A_243] : memref<50048x32xf32, #tpu.memory_space<vmem_shared>> -> memref<50048x32xf32, #tpu.memory_space<vmem_shared>>
      tpu.enqueue_indirect_dma source(%dma_start3A_238 : memref<128x32xf32, #tpu.memory_space<vmem>>) target(%dma_start3A_244 : memref<50048x32xf32, #tpu.memory_space<vmem_shared>>) offsets(%dma_start3A_241 : memref<128xi32, #tpu.memory_space<vmem>>) semaphore(%arg10 : memref<!tpu.dma_semaphore, #tpu.memory_space<semaphore_mem>>) {add = true}
      %dma_wait3A_245 = arith.constant 2 : i32
      %dma_wait3A_246 = arith.constant 2 : i32
      %dma_wait3A_247 = arith.constant 0 : i32
      %dma_wait3A_248 = arith.constant 0 : i32
      %dma_wait3A_249 = tpu.memref_slice %arg7[%dma_wait3A_245, %dma_wait3A_247, %dma_wait3A_248] : memref<4x128x32xf32, #tpu.memory_space<vmem>> -> memref<1x128x32xf32, #tpu.memory_space<vmem>>
      %dma_wait3A_250 = tpu.memref_squeeze %dma_wait3A_249 : memref<1x128x32xf32, #tpu.memory_space<vmem>> -> memref<128x32xf32, #tpu.memory_space<vmem>>
      %dma_wait3A_251 = arith.constant 0 : i32
      %dma_wait3A_252 = tpu.memref_slice %arg8[%dma_wait3A_246, %dma_wait3A_251] : memref<10x128xi32, #tpu.memory_space<vmem>> -> memref<1x128xi32, #tpu.memory_space<vmem>>
      %dma_wait3A_253 = tpu.memref_squeeze %dma_wait3A_252 : memref<1x128xi32, #tpu.memory_space<vmem>> -> memref<128xi32, #tpu.memory_space<vmem>>
      %dma_wait3A_254 = arith.constant 0 : i32
      %dma_wait3A_255 = arith.constant 0 : i32
      %dma_wait3A_256 = tpu.memref_slice %arg6[%dma_wait3A_254, %dma_wait3A_255] : memref<50048x32xf32, #tpu.memory_space<vmem_shared>> -> memref<50048x32xf32, #tpu.memory_space<vmem_shared>>
      tpu.wait_indirect_dma semaphore(%arg10 : memref<!tpu.dma_semaphore, #tpu.memory_space<semaphore_mem>>) src(%dma_wait3A_250 : memref<128x32xf32, #tpu.memory_space<vmem>>) dst(%dma_wait3A_256 : memref<50048x32xf32, #tpu.memory_space<vmem_shared>>)
      %add3A_257 = arith.constant 768 : i32
      %add3A_258 = arith.addi %mul3A_75, %add3A_257 : i32
      %dma_start3A_259 = arith.constant 2 : i32
      %dma_start3A_260 = arith.constant 0 : i32
      %dma_start3A_261 = arith.constant 0 : i32
      %dma_start3A_262 = tpu.memref_slice %arg7[%dma_start3A_259, %dma_start3A_260, %dma_start3A_261] : memref<4x128x32xf32, #tpu.memory_space<vmem>> -> memref<1x128x32xf32, #tpu.memory_space<vmem>>
      %dma_start3A_263 = tpu.memref_squeeze %dma_start3A_262 : memref<1x128x32xf32, #tpu.memory_space<vmem>> -> memref<128x32xf32, #tpu.memory_space<vmem>>
      %dma_start3A_264 = tpu.memref_slice %arg2[%add3A_258, %add3A_43] : memref<800000x128xf32, #tpu.memory_space<hbm>> -> memref<128x32xf32, #tpu.memory_space<hbm>>
      %dma_start3A_265 = arith.constant 0 : i32
      %dma_start3A_266 = arith.constant 0 : i32
      %dma_start3A_267 = tpu.memref_slice %arg7[%dma_start3A_259, %dma_start3A_265, %dma_start3A_266] : memref<4x128x32xf32, #tpu.memory_space<vmem>> -> memref<1x128x32xf32, #tpu.memory_space<vmem>>
      %dma_start3A_268 = tpu.memref_squeeze %dma_start3A_267 : memref<1x128x32xf32, #tpu.memory_space<vmem>> -> memref<128x32xf32, #tpu.memory_space<vmem>>
      %dma_start3A_269 = tpu.memref_slice %arg2[%add3A_258, %add3A_43] : memref<800000x128xf32, #tpu.memory_space<hbm>> -> memref<128x32xf32, #tpu.memory_space<hbm>>
      tpu.enqueue_dma source(%dma_start3A_269 : memref<128x32xf32, #tpu.memory_space<hbm>>) target(%dma_start3A_268 : memref<128x32xf32, #tpu.memory_space<vmem>>) target_semaphore(%arg9 : memref<!tpu.dma_semaphore, #tpu.memory_space<semaphore_mem>>)
      %dma_wait3A_270 = arith.constant 3 : i32
      %dma_wait3A_271 = arith.constant 0 : i32
      %dma_wait3A_272 = arith.constant 0 : i32
      %dma_wait3A_273 = tpu.memref_slice %arg7[%dma_wait3A_270, %dma_wait3A_271, %dma_wait3A_272] : memref<4x128x32xf32, #tpu.memory_space<vmem>> -> memref<1x128x32xf32, #tpu.memory_space<vmem>>
      %dma_wait3A_274 = tpu.memref_squeeze %dma_wait3A_273 : memref<1x128x32xf32, #tpu.memory_space<vmem>> -> memref<128x32xf32, #tpu.memory_space<vmem>>
      %dma_wait3A_275 = tpu.memref_slice %arg2[%add3A_115, %add3A_43] : memref<800000x128xf32, #tpu.memory_space<hbm>> -> memref<128x32xf32, #tpu.memory_space<hbm>>
      %dma_wait3A_276 = arith.constant 0 : i32
      %dma_wait3A_277 = arith.constant 0 : i32
      %dma_wait3A_278 = tpu.memref_slice %arg7[%dma_wait3A_270, %dma_wait3A_276, %dma_wait3A_277] : memref<4x128x32xf32, #tpu.memory_space<vmem>> -> memref<1x128x32xf32, #tpu.memory_space<vmem>>
      %dma_wait3A_279 = tpu.memref_squeeze %dma_wait3A_278 : memref<1x128x32xf32, #tpu.memory_space<vmem>> -> memref<128x32xf32, #tpu.memory_space<vmem>>
      %dma_wait3A_280 = tpu.memref_slice %arg2[%add3A_115, %add3A_43] : memref<800000x128xf32, #tpu.memory_space<hbm>> -> memref<128x32xf32, #tpu.memory_space<hbm>>
      tpu.wait_dma2 semaphore(%arg9 : memref<!tpu.dma_semaphore, #tpu.memory_space<semaphore_mem>>) src(%dma_wait3A_280 : memref<128x32xf32, #tpu.memory_space<hbm>>) dst(%dma_wait3A_279 : memref<128x32xf32, #tpu.memory_space<vmem>>)
      %dma_start3A_281 = arith.constant 3 : i32
      %dma_start3A_282 = arith.constant 3 : i32
      %dma_start3A_283 = arith.constant 0 : i32
      %dma_start3A_284 = arith.constant 0 : i32
      %dma_start3A_285 = tpu.memref_slice %arg7[%dma_start3A_281, %dma_start3A_283, %dma_start3A_284] : memref<4x128x32xf32, #tpu.memory_space<vmem>> -> memref<1x128x32xf32, #tpu.memory_space<vmem>>
      %dma_start3A_286 = tpu.memref_squeeze %dma_start3A_285 : memref<1x128x32xf32, #tpu.memory_space<vmem>> -> memref<128x32xf32, #tpu.memory_space<vmem>>
      %dma_start3A_287 = arith.constant 0 : i32
      %dma_start3A_288 = tpu.memref_slice %arg8[%dma_start3A_282, %dma_start3A_287] : memref<10x128xi32, #tpu.memory_space<vmem>> -> memref<1x128xi32, #tpu.memory_space<vmem>>
      %dma_start3A_289 = tpu.memref_squeeze %dma_start3A_288 : memref<1x128xi32, #tpu.memory_space<vmem>> -> memref<128xi32, #tpu.memory_space<vmem>>
      %dma_start3A_290 = arith.constant 0 : i32
      %dma_start3A_291 = arith.constant 0 : i32
      %dma_start3A_292 = tpu.memref_slice %arg6[%dma_start3A_290, %dma_start3A_291] : memref<50048x32xf32, #tpu.memory_space<vmem_shared>> -> memref<50048x32xf32, #tpu.memory_space<vmem_shared>>
      tpu.enqueue_indirect_dma source(%dma_start3A_286 : memref<128x32xf32, #tpu.memory_space<vmem>>) target(%dma_start3A_292 : memref<50048x32xf32, #tpu.memory_space<vmem_shared>>) offsets(%dma_start3A_289 : memref<128xi32, #tpu.memory_space<vmem>>) semaphore(%arg10 : memref<!tpu.dma_semaphore, #tpu.memory_space<semaphore_mem>>) {add = true}
      %dma_wait3A_293 = arith.constant 3 : i32
      %dma_wait3A_294 = arith.constant 3 : i32
      %dma_wait3A_295 = arith.constant 0 : i32
      %dma_wait3A_296 = arith.constant 0 : i32
      %dma_wait3A_297 = tpu.memref_slice %arg7[%dma_wait3A_293, %dma_wait3A_295, %dma_wait3A_296] : memref<4x128x32xf32, #tpu.memory_space<vmem>> -> memref<1x128x32xf32, #tpu.memory_space<vmem>>
      %dma_wait3A_298 = tpu.memref_squeeze %dma_wait3A_297 : memref<1x128x32xf32, #tpu.memory_space<vmem>> -> memref<128x32xf32, #tpu.memory_space<vmem>>
      %dma_wait3A_299 = arith.constant 0 : i32
      %dma_wait3A_300 = tpu.memref_slice %arg8[%dma_wait3A_294, %dma_wait3A_299] : memref<10x128xi32, #tpu.memory_space<vmem>> -> memref<1x128xi32, #tpu.memory_space<vmem>>
      %dma_wait3A_301 = tpu.memref_squeeze %dma_wait3A_300 : memref<1x128xi32, #tpu.memory_space<vmem>> -> memref<128xi32, #tpu.memory_space<vmem>>
      %dma_wait3A_302 = arith.constant 0 : i32
      %dma_wait3A_303 = arith.constant 0 : i32
      %dma_wait3A_304 = tpu.memref_slice %arg6[%dma_wait3A_302, %dma_wait3A_303] : memref<50048x32xf32, #tpu.memory_space<vmem_shared>> -> memref<50048x32xf32, #tpu.memory_space<vmem_shared>>
      tpu.wait_indirect_dma semaphore(%arg10 : memref<!tpu.dma_semaphore, #tpu.memory_space<semaphore_mem>>) src(%dma_wait3A_298 : memref<128x32xf32, #tpu.memory_space<vmem>>) dst(%dma_wait3A_304 : memref<50048x32xf32, #tpu.memory_space<vmem_shared>>)
      %add3A_305 = arith.constant 896 : i32
      %add3A_306 = arith.addi %mul3A_75, %add3A_305 : i32
      %dma_start3A_307 = arith.constant 3 : i32
      %dma_start3A_308 = arith.constant 0 : i32
      %dma_start3A_309 = arith.constant 0 : i32
      %dma_start3A_310 = tpu.memref_slice %arg7[%dma_start3A_307, %dma_start3A_308, %dma_start3A_309] : memref<4x128x32xf32, #tpu.memory_space<vmem>> -> memref<1x128x32xf32, #tpu.memory_space<vmem>>
      %dma_start3A_311 = tpu.memref_squeeze %dma_start3A_310 : memref<1x128x32xf32, #tpu.memory_space<vmem>> -> memref<128x32xf32, #tpu.memory_space<vmem>>
      %dma_start3A_312 = tpu.memref_slice %arg2[%add3A_306, %add3A_43] : memref<800000x128xf32, #tpu.memory_space<hbm>> -> memref<128x32xf32, #tpu.memory_space<hbm>>
      %dma_start3A_313 = arith.constant 0 : i32
      %dma_start3A_314 = arith.constant 0 : i32
      %dma_start3A_315 = tpu.memref_slice %arg7[%dma_start3A_307, %dma_start3A_313, %dma_start3A_314] : memref<4x128x32xf32, #tpu.memory_space<vmem>> -> memref<1x128x32xf32, #tpu.memory_space<vmem>>
      %dma_start3A_316 = tpu.memref_squeeze %dma_start3A_315 : memref<1x128x32xf32, #tpu.memory_space<vmem>> -> memref<128x32xf32, #tpu.memory_space<vmem>>
      %dma_start3A_317 = tpu.memref_slice %arg2[%add3A_306, %add3A_43] : memref<800000x128xf32, #tpu.memory_space<hbm>> -> memref<128x32xf32, #tpu.memory_space<hbm>>
      tpu.enqueue_dma source(%dma_start3A_317 : memref<128x32xf32, #tpu.memory_space<hbm>>) target(%dma_start3A_316 : memref<128x32xf32, #tpu.memory_space<vmem>>) target_semaphore(%arg9 : memref<!tpu.dma_semaphore, #tpu.memory_space<semaphore_mem>>)
      %dma_wait3A_318 = arith.constant 0 : i32
      %dma_wait3A_319 = arith.constant 0 : i32
      %dma_wait3A_320 = arith.constant 0 : i32
      %dma_wait3A_321 = tpu.memref_slice %arg7[%dma_wait3A_318, %dma_wait3A_319, %dma_wait3A_320] : memref<4x128x32xf32, #tpu.memory_space<vmem>> -> memref<1x128x32xf32, #tpu.memory_space<vmem>>
      %dma_wait3A_322 = tpu.memref_squeeze %dma_wait3A_321 : memref<1x128x32xf32, #tpu.memory_space<vmem>> -> memref<128x32xf32, #tpu.memory_space<vmem>>
      %dma_wait3A_323 = tpu.memref_slice %arg2[%add3A_162, %add3A_43] : memref<800000x128xf32, #tpu.memory_space<hbm>> -> memref<128x32xf32, #tpu.memory_space<hbm>>
      %dma_wait3A_324 = arith.constant 0 : i32
      %dma_wait3A_325 = arith.constant 0 : i32
      %dma_wait3A_326 = tpu.memref_slice %arg7[%dma_wait3A_318, %dma_wait3A_324, %dma_wait3A_325] : memref<4x128x32xf32, #tpu.memory_space<vmem>> -> memref<1x128x32xf32, #tpu.memory_space<vmem>>
      %dma_wait3A_327 = tpu.memref_squeeze %dma_wait3A_326 : memref<1x128x32xf32, #tpu.memory_space<vmem>> -> memref<128x32xf32, #tpu.memory_space<vmem>>
      %dma_wait3A_328 = tpu.memref_slice %arg2[%add3A_162, %add3A_43] : memref<800000x128xf32, #tpu.memory_space<hbm>> -> memref<128x32xf32, #tpu.memory_space<hbm>>
      tpu.wait_dma2 semaphore(%arg9 : memref<!tpu.dma_semaphore, #tpu.memory_space<semaphore_mem>>) src(%dma_wait3A_328 : memref<128x32xf32, #tpu.memory_space<hbm>>) dst(%dma_wait3A_327 : memref<128x32xf32, #tpu.memory_space<vmem>>)
      %dma_start3A_329 = arith.constant 0 : i32
      %dma_start3A_330 = arith.constant 4 : i32
      %dma_start3A_331 = arith.constant 0 : i32
      %dma_start3A_332 = arith.constant 0 : i32
      %dma_start3A_333 = tpu.memref_slice %arg7[%dma_start3A_329, %dma_start3A_331, %dma_start3A_332] : memref<4x128x32xf32, #tpu.memory_space<vmem>> -> memref<1x128x32xf32, #tpu.memory_space<vmem>>
      %dma_start3A_334 = tpu.memref_squeeze %dma_start3A_333 : memref<1x128x32xf32, #tpu.memory_space<vmem>> -> memref<128x32xf32, #tpu.memory_space<vmem>>
      %dma_start3A_335 = arith.constant 0 : i32
      %dma_start3A_336 = tpu.memref_slice %arg8[%dma_start3A_330, %dma_start3A_335] : memref<10x128xi32, #tpu.memory_space<vmem>> -> memref<1x128xi32, #tpu.memory_space<vmem>>
      %dma_start3A_337 = tpu.memref_squeeze %dma_start3A_336 : memref<1x128xi32, #tpu.memory_space<vmem>> -> memref<128xi32, #tpu.memory_space<vmem>>
      %dma_start3A_338 = arith.constant 0 : i32
      %dma_start3A_339 = arith.constant 0 : i32
      %dma_start3A_340 = tpu.memref_slice %arg6[%dma_start3A_338, %dma_start3A_339] : memref<50048x32xf32, #tpu.memory_space<vmem_shared>> -> memref<50048x32xf32, #tpu.memory_space<vmem_shared>>
      tpu.enqueue_indirect_dma source(%dma_start3A_334 : memref<128x32xf32, #tpu.memory_space<vmem>>) target(%dma_start3A_340 : memref<50048x32xf32, #tpu.memory_space<vmem_shared>>) offsets(%dma_start3A_337 : memref<128xi32, #tpu.memory_space<vmem>>) semaphore(%arg10 : memref<!tpu.dma_semaphore, #tpu.memory_space<semaphore_mem>>) {add = true}
      %dma_wait3A_341 = arith.constant 0 : i32
      %dma_wait3A_342 = arith.constant 4 : i32
      %dma_wait3A_343 = arith.constant 0 : i32
      %dma_wait3A_344 = arith.constant 0 : i32
      %dma_wait3A_345 = tpu.memref_slice %arg7[%dma_wait3A_341, %dma_wait3A_343, %dma_wait3A_344] : memref<4x128x32xf32, #tpu.memory_space<vmem>> -> memref<1x128x32xf32, #tpu.memory_space<vmem>>
      %dma_wait3A_346 = tpu.memref_squeeze %dma_wait3A_345 : memref<1x128x32xf32, #tpu.memory_space<vmem>> -> memref<128x32xf32, #tpu.memory_space<vmem>>
      %dma_wait3A_347 = arith.constant 0 : i32
      %dma_wait3A_348 = tpu.memref_slice %arg8[%dma_wait3A_342, %dma_wait3A_347] : memref<10x128xi32, #tpu.memory_space<vmem>> -> memref<1x128xi32, #tpu.memory_space<vmem>>
      %dma_wait3A_349 = tpu.memref_squeeze %dma_wait3A_348 : memref<1x128xi32, #tpu.memory_space<vmem>> -> memref<128xi32, #tpu.memory_space<vmem>>
      %dma_wait3A_350 = arith.constant 0 : i32
      %dma_wait3A_351 = arith.constant 0 : i32
      %dma_wait3A_352 = tpu.memref_slice %arg6[%dma_wait3A_350, %dma_wait3A_351] : memref<50048x32xf32, #tpu.memory_space<vmem_shared>> -> memref<50048x32xf32, #tpu.memory_space<vmem_shared>>
      tpu.wait_indirect_dma semaphore(%arg10 : memref<!tpu.dma_semaphore, #tpu.memory_space<semaphore_mem>>) src(%dma_wait3A_346 : memref<128x32xf32, #tpu.memory_space<vmem>>) dst(%dma_wait3A_352 : memref<50048x32xf32, #tpu.memory_space<vmem_shared>>)
      %add3A_353 = arith.constant 1024 : i32
      %add3A_354 = arith.addi %mul3A_75, %add3A_353 : i32
      %dma_start3A_355 = arith.constant 0 : i32
      %dma_start3A_356 = arith.constant 0 : i32
      %dma_start3A_357 = arith.constant 0 : i32
      %dma_start3A_358 = tpu.memref_slice %arg7[%dma_start3A_355, %dma_start3A_356, %dma_start3A_357] : memref<4x128x32xf32, #tpu.memory_space<vmem>> -> memref<1x128x32xf32, #tpu.memory_space<vmem>>
      %dma_start3A_359 = tpu.memref_squeeze %dma_start3A_358 : memref<1x128x32xf32, #tpu.memory_space<vmem>> -> memref<128x32xf32, #tpu.memory_space<vmem>>
      %dma_start3A_360 = tpu.memref_slice %arg2[%add3A_354, %add3A_43] : memref<800000x128xf32, #tpu.memory_space<hbm>> -> memref<128x32xf32, #tpu.memory_space<hbm>>
      %dma_start3A_361 = arith.constant 0 : i32
      %dma_start3A_362 = arith.constant 0 : i32
      %dma_start3A_363 = tpu.memref_slice %arg7[%dma_start3A_355, %dma_start3A_361, %dma_start3A_362] : memref<4x128x32xf32, #tpu.memory_space<vmem>> -> memref<1x128x32xf32, #tpu.memory_space<vmem>>
      %dma_start3A_364 = tpu.memref_squeeze %dma_start3A_363 : memref<1x128x32xf32, #tpu.memory_space<vmem>> -> memref<128x32xf32, #tpu.memory_space<vmem>>
      %dma_start3A_365 = tpu.memref_slice %arg2[%add3A_354, %add3A_43] : memref<800000x128xf32, #tpu.memory_space<hbm>> -> memref<128x32xf32, #tpu.memory_space<hbm>>
      tpu.enqueue_dma source(%dma_start3A_365 : memref<128x32xf32, #tpu.memory_space<hbm>>) target(%dma_start3A_364 : memref<128x32xf32, #tpu.memory_space<vmem>>) target_semaphore(%arg9 : memref<!tpu.dma_semaphore, #tpu.memory_space<semaphore_mem>>)
      %dma_wait3A_366 = arith.constant 1 : i32
      %dma_wait3A_367 = arith.constant 0 : i32
      %dma_wait3A_368 = arith.constant 0 : i32
      %dma_wait3A_369 = tpu.memref_slice %arg7[%dma_wait3A_366, %dma_wait3A_367, %dma_wait3A_368] : memref<4x128x32xf32, #tpu.memory_space<vmem>> -> memref<1x128x32xf32, #tpu.memory_space<vmem>>
      %dma_wait3A_370 = tpu.memref_squeeze %dma_wait3A_369 : memref<1x128x32xf32, #tpu.memory_space<vmem>> -> memref<128x32xf32, #tpu.memory_space<vmem>>
      %dma_wait3A_371 = tpu.memref_slice %arg2[%add3A_210, %add3A_43] : memref<800000x128xf32, #tpu.memory_space<hbm>> -> memref<128x32xf32, #tpu.memory_space<hbm>>
      %dma_wait3A_372 = arith.constant 0 : i32
      %dma_wait3A_373 = arith.constant 0 : i32
      %dma_wait3A_374 = tpu.memref_slice %arg7[%dma_wait3A_366, %dma_wait3A_372, %dma_wait3A_373] : memref<4x128x32xf32, #tpu.memory_space<vmem>> -> memref<1x128x32xf32, #tpu.memory_space<vmem>>
      %dma_wait3A_375 = tpu.memref_squeeze %dma_wait3A_374 : memref<1x128x32xf32, #tpu.memory_space<vmem>> -> memref<128x32xf32, #tpu.memory_space<vmem>>
      %dma_wait3A_376 = tpu.memref_slice %arg2[%add3A_210, %add3A_43] : memref<800000x128xf32, #tpu.memory_space<hbm>> -> memref<128x32xf32, #tpu.memory_space<hbm>>
      tpu.wait_dma2 semaphore(%arg9 : memref<!tpu.dma_semaphore, #tpu.memory_space<semaphore_mem>>) src(%dma_wait3A_376 : memref<128x32xf32, #tpu.memory_space<hbm>>) dst(%dma_wait3A_375 : memref<128x32xf32, #tpu.memory_space<vmem>>)
      %dma_start3A_377 = arith.constant 1 : i32
      %dma_start3A_378 = arith.constant 5 : i32
      %dma_start3A_379 = arith.constant 0 : i32
      %dma_start3A_380 = arith.constant 0 : i32
      %dma_start3A_381 = tpu.memref_slice %arg7[%dma_start3A_377, %dma_start3A_379, %dma_start3A_380] : memref<4x128x32xf32, #tpu.memory_space<vmem>> -> memref<1x128x32xf32, #tpu.memory_space<vmem>>
      %dma_start3A_382 = tpu.memref_squeeze %dma_start3A_381 : memref<1x128x32xf32, #tpu.memory_space<vmem>> -> memref<128x32xf32, #tpu.memory_space<vmem>>
      %dma_start3A_383 = arith.constant 0 : i32
      %dma_start3A_384 = tpu.memref_slice %arg8[%dma_start3A_378, %dma_start3A_383] : memref<10x128xi32, #tpu.memory_space<vmem>> -> memref<1x128xi32, #tpu.memory_space<vmem>>
      %dma_start3A_385 = tpu.memref_squeeze %dma_start3A_384 : memref<1x128xi32, #tpu.memory_space<vmem>> -> memref<128xi32, #tpu.memory_space<vmem>>
      %dma_start3A_386 = arith.constant 0 : i32
      %dma_start3A_387 = arith.constant 0 : i32
      %dma_start3A_388 = tpu.memref_slice %arg6[%dma_start3A_386, %dma_start3A_387] : memref<50048x32xf32, #tpu.memory_space<vmem_shared>> -> memref<50048x32xf32, #tpu.memory_space<vmem_shared>>
      tpu.enqueue_indirect_dma source(%dma_start3A_382 : memref<128x32xf32, #tpu.memory_space<vmem>>) target(%dma_start3A_388 : memref<50048x32xf32, #tpu.memory_space<vmem_shared>>) offsets(%dma_start3A_385 : memref<128xi32, #tpu.memory_space<vmem>>) semaphore(%arg10 : memref<!tpu.dma_semaphore, #tpu.memory_space<semaphore_mem>>) {add = true}
      %dma_wait3A_389 = arith.constant 1 : i32
      %dma_wait3A_390 = arith.constant 5 : i32
      %dma_wait3A_391 = arith.constant 0 : i32
      %dma_wait3A_392 = arith.constant 0 : i32
      %dma_wait3A_393 = tpu.memref_slice %arg7[%dma_wait3A_389, %dma_wait3A_391, %dma_wait3A_392] : memref<4x128x32xf32, #tpu.memory_space<vmem>> -> memref<1x128x32xf32, #tpu.memory_space<vmem>>
      %dma_wait3A_394 = tpu.memref_squeeze %dma_wait3A_393 : memref<1x128x32xf32, #tpu.memory_space<vmem>> -> memref<128x32xf32, #tpu.memory_space<vmem>>
      %dma_wait3A_395 = arith.constant 0 : i32
      %dma_wait3A_396 = tpu.memref_slice %arg8[%dma_wait3A_390, %dma_wait3A_395] : memref<10x128xi32, #tpu.memory_space<vmem>> -> memref<1x128xi32, #tpu.memory_space<vmem>>
      %dma_wait3A_397 = tpu.memref_squeeze %dma_wait3A_396 : memref<1x128xi32, #tpu.memory_space<vmem>> -> memref<128xi32, #tpu.memory_space<vmem>>
      %dma_wait3A_398 = arith.constant 0 : i32
      %dma_wait3A_399 = arith.constant 0 : i32
      %dma_wait3A_400 = tpu.memref_slice %arg6[%dma_wait3A_398, %dma_wait3A_399] : memref<50048x32xf32, #tpu.memory_space<vmem_shared>> -> memref<50048x32xf32, #tpu.memory_space<vmem_shared>>
      tpu.wait_indirect_dma semaphore(%arg10 : memref<!tpu.dma_semaphore, #tpu.memory_space<semaphore_mem>>) src(%dma_wait3A_394 : memref<128x32xf32, #tpu.memory_space<vmem>>) dst(%dma_wait3A_400 : memref<50048x32xf32, #tpu.memory_space<vmem_shared>>)
      %add3A_401 = arith.constant 1152 : i32
      %add3A_402 = arith.addi %mul3A_75, %add3A_401 : i32
      %dma_start3A_403 = arith.constant 1 : i32
      %dma_start3A_404 = arith.constant 0 : i32
      %dma_start3A_405 = arith.constant 0 : i32
      %dma_start3A_406 = tpu.memref_slice %arg7[%dma_start3A_403, %dma_start3A_404, %dma_start3A_405] : memref<4x128x32xf32, #tpu.memory_space<vmem>> -> memref<1x128x32xf32, #tpu.memory_space<vmem>>
      %dma_start3A_407 = tpu.memref_squeeze %dma_start3A_406 : memref<1x128x32xf32, #tpu.memory_space<vmem>> -> memref<128x32xf32, #tpu.memory_space<vmem>>
      %dma_start3A_408 = tpu.memref_slice %arg2[%add3A_402, %add3A_43] : memref<800000x128xf32, #tpu.memory_space<hbm>> -> memref<128x32xf32, #tpu.memory_space<hbm>>
      %dma_start3A_409 = arith.constant 0 : i32
      %dma_start3A_410 = arith.constant 0 : i32
      %dma_start3A_411 = tpu.memref_slice %arg7[%dma_start3A_403, %dma_start3A_409, %dma_start3A_410] : memref<4x128x32xf32, #tpu.memory_space<vmem>> -> memref<1x128x32xf32, #tpu.memory_space<vmem>>
      %dma_start3A_412 = tpu.memref_squeeze %dma_start3A_411 : memref<1x128x32xf32, #tpu.memory_space<vmem>> -> memref<128x32xf32, #tpu.memory_space<vmem>>
      %dma_start3A_413 = tpu.memref_slice %arg2[%add3A_402, %add3A_43] : memref<800000x128xf32, #tpu.memory_space<hbm>> -> memref<128x32xf32, #tpu.memory_space<hbm>>
      tpu.enqueue_dma source(%dma_start3A_413 : memref<128x32xf32, #tpu.memory_space<hbm>>) target(%dma_start3A_412 : memref<128x32xf32, #tpu.memory_space<vmem>>) target_semaphore(%arg9 : memref<!tpu.dma_semaphore, #tpu.memory_space<semaphore_mem>>)
      %dma_wait3A_414 = arith.constant 2 : i32
      %dma_wait3A_415 = arith.constant 0 : i32
      %dma_wait3A_416 = arith.constant 0 : i32
      %dma_wait3A_417 = tpu.memref_slice %arg7[%dma_wait3A_414, %dma_wait3A_415, %dma_wait3A_416] : memref<4x128x32xf32, #tpu.memory_space<vmem>> -> memref<1x128x32xf32, #tpu.memory_space<vmem>>
      %dma_wait3A_418 = tpu.memref_squeeze %dma_wait3A_417 : memref<1x128x32xf32, #tpu.memory_space<vmem>> -> memref<128x32xf32, #tpu.memory_space<vmem>>
      %dma_wait3A_419 = tpu.memref_slice %arg2[%add3A_258, %add3A_43] : memref<800000x128xf32, #tpu.memory_space<hbm>> -> memref<128x32xf32, #tpu.memory_space<hbm>>
      %dma_wait3A_420 = arith.constant 0 : i32
      %dma_wait3A_421 = arith.constant 0 : i32
      %dma_wait3A_422 = tpu.memref_slice %arg7[%dma_wait3A_414, %dma_wait3A_420, %dma_wait3A_421] : memref<4x128x32xf32, #tpu.memory_space<vmem>> -> memref<1x128x32xf32, #tpu.memory_space<vmem>>
      %dma_wait3A_423 = tpu.memref_squeeze %dma_wait3A_422 : memref<1x128x32xf32, #tpu.memory_space<vmem>> -> memref<128x32xf32, #tpu.memory_space<vmem>>
      %dma_wait3A_424 = tpu.memref_slice %arg2[%add3A_258, %add3A_43] : memref<800000x128xf32, #tpu.memory_space<hbm>> -> memref<128x32xf32, #tpu.memory_space<hbm>>
      tpu.wait_dma2 semaphore(%arg9 : memref<!tpu.dma_semaphore, #tpu.memory_space<semaphore_mem>>) src(%dma_wait3A_424 : memref<128x32xf32, #tpu.memory_space<hbm>>) dst(%dma_wait3A_423 : memref<128x32xf32, #tpu.memory_space<vmem>>)
      %dma_start3A_425 = arith.constant 2 : i32
      %dma_start3A_426 = arith.constant 6 : i32
      %dma_start3A_427 = arith.constant 0 : i32
      %dma_start3A_428 = arith.constant 0 : i32
      %dma_start3A_429 = tpu.memref_slice %arg7[%dma_start3A_425, %dma_start3A_427, %dma_start3A_428] : memref<4x128x32xf32, #tpu.memory_space<vmem>> -> memref<1x128x32xf32, #tpu.memory_space<vmem>>
      %dma_start3A_430 = tpu.memref_squeeze %dma_start3A_429 : memref<1x128x32xf32, #tpu.memory_space<vmem>> -> memref<128x32xf32, #tpu.memory_space<vmem>>
      %dma_start3A_431 = arith.constant 0 : i32
      %dma_start3A_432 = tpu.memref_slice %arg8[%dma_start3A_426, %dma_start3A_431] : memref<10x128xi32, #tpu.memory_space<vmem>> -> memref<1x128xi32, #tpu.memory_space<vmem>>
      %dma_start3A_433 = tpu.memref_squeeze %dma_start3A_432 : memref<1x128xi32, #tpu.memory_space<vmem>> -> memref<128xi32, #tpu.memory_space<vmem>>
      %dma_start3A_434 = arith.constant 0 : i32
      %dma_start3A_435 = arith.constant 0 : i32
      %dma_start3A_436 = tpu.memref_slice %arg6[%dma_start3A_434, %dma_start3A_435] : memref<50048x32xf32, #tpu.memory_space<vmem_shared>> -> memref<50048x32xf32, #tpu.memory_space<vmem_shared>>
      tpu.enqueue_indirect_dma source(%dma_start3A_430 : memref<128x32xf32, #tpu.memory_space<vmem>>) target(%dma_start3A_436 : memref<50048x32xf32, #tpu.memory_space<vmem_shared>>) offsets(%dma_start3A_433 : memref<128xi32, #tpu.memory_space<vmem>>) semaphore(%arg10 : memref<!tpu.dma_semaphore, #tpu.memory_space<semaphore_mem>>) {add = true}
      %dma_wait3A_437 = arith.constant 3 : i32
      %dma_wait3A_438 = arith.constant 0 : i32
      %dma_wait3A_439 = arith.constant 0 : i32
      %dma_wait3A_440 = tpu.memref_slice %arg7[%dma_wait3A_437, %dma_wait3A_438, %dma_wait3A_439] : memref<4x128x32xf32, #tpu.memory_space<vmem>> -> memref<1x128x32xf32, #tpu.memory_space<vmem>>
      %dma_wait3A_441 = tpu.memref_squeeze %dma_wait3A_440 : memref<1x128x32xf32, #tpu.memory_space<vmem>> -> memref<128x32xf32, #tpu.memory_space<vmem>>
      %dma_wait3A_442 = tpu.memref_slice %arg2[%add3A_306, %add3A_43] : memref<800000x128xf32, #tpu.memory_space<hbm>> -> memref<128x32xf32, #tpu.memory_space<hbm>>
      %dma_wait3A_443 = arith.constant 0 : i32
      %dma_wait3A_444 = arith.constant 0 : i32
      %dma_wait3A_445 = tpu.memref_slice %arg7[%dma_wait3A_437, %dma_wait3A_443, %dma_wait3A_444] : memref<4x128x32xf32, #tpu.memory_space<vmem>> -> memref<1x128x32xf32, #tpu.memory_space<vmem>>
      %dma_wait3A_446 = tpu.memref_squeeze %dma_wait3A_445 : memref<1x128x32xf32, #tpu.memory_space<vmem>> -> memref<128x32xf32, #tpu.memory_space<vmem>>
      %dma_wait3A_447 = tpu.memref_slice %arg2[%add3A_306, %add3A_43] : memref<800000x128xf32, #tpu.memory_space<hbm>> -> memref<128x32xf32, #tpu.memory_space<hbm>>
      tpu.wait_dma2 semaphore(%arg9 : memref<!tpu.dma_semaphore, #tpu.memory_space<semaphore_mem>>) src(%dma_wait3A_447 : memref<128x32xf32, #tpu.memory_space<hbm>>) dst(%dma_wait3A_446 : memref<128x32xf32, #tpu.memory_space<vmem>>)
      %dma_start3A_448 = arith.constant 3 : i32
      %dma_start3A_449 = arith.constant 7 : i32
      %dma_start3A_450 = arith.constant 0 : i32
      %dma_start3A_451 = arith.constant 0 : i32
      %dma_start3A_452 = tpu.memref_slice %arg7[%dma_start3A_448, %dma_start3A_450, %dma_start3A_451] : memref<4x128x32xf32, #tpu.memory_space<vmem>> -> memref<1x128x32xf32, #tpu.memory_space<vmem>>
      %dma_start3A_453 = tpu.memref_squeeze %dma_start3A_452 : memref<1x128x32xf32, #tpu.memory_space<vmem>> -> memref<128x32xf32, #tpu.memory_space<vmem>>
      %dma_start3A_454 = arith.constant 0 : i32
      %dma_start3A_455 = tpu.memref_slice %arg8[%dma_start3A_449, %dma_start3A_454] : memref<10x128xi32, #tpu.memory_space<vmem>> -> memref<1x128xi32, #tpu.memory_space<vmem>>
      %dma_start3A_456 = tpu.memref_squeeze %dma_start3A_455 : memref<1x128xi32, #tpu.memory_space<vmem>> -> memref<128xi32, #tpu.memory_space<vmem>>
      %dma_start3A_457 = arith.constant 0 : i32
      %dma_start3A_458 = arith.constant 0 : i32
      %dma_start3A_459 = tpu.memref_slice %arg6[%dma_start3A_457, %dma_start3A_458] : memref<50048x32xf32, #tpu.memory_space<vmem_shared>> -> memref<50048x32xf32, #tpu.memory_space<vmem_shared>>
      tpu.enqueue_indirect_dma source(%dma_start3A_453 : memref<128x32xf32, #tpu.memory_space<vmem>>) target(%dma_start3A_459 : memref<50048x32xf32, #tpu.memory_space<vmem_shared>>) offsets(%dma_start3A_456 : memref<128xi32, #tpu.memory_space<vmem>>) semaphore(%arg10 : memref<!tpu.dma_semaphore, #tpu.memory_space<semaphore_mem>>) {add = true}
      %dma_wait3A_460 = arith.constant 0 : i32
      %dma_wait3A_461 = arith.constant 0 : i32
      %dma_wait3A_462 = arith.constant 0 : i32
      %dma_wait3A_463 = tpu.memref_slice %arg7[%dma_wait3A_460, %dma_wait3A_461, %dma_wait3A_462] : memref<4x128x32xf32, #tpu.memory_space<vmem>> -> memref<1x128x32xf32, #tpu.memory_space<vmem>>
      %dma_wait3A_464 = tpu.memref_squeeze %dma_wait3A_463 : memref<1x128x32xf32, #tpu.memory_space<vmem>> -> memref<128x32xf32, #tpu.memory_space<vmem>>
      %dma_wait3A_465 = tpu.memref_slice %arg2[%add3A_354, %add3A_43] : memref<800000x128xf32, #tpu.memory_space<hbm>> -> memref<128x32xf32, #tpu.memory_space<hbm>>
      %dma_wait3A_466 = arith.constant 0 : i32
      %dma_wait3A_467 = arith.constant 0 : i32
      %dma_wait3A_468 = tpu.memref_slice %arg7[%dma_wait3A_460, %dma_wait3A_466, %dma_wait3A_467] : memref<4x128x32xf32, #tpu.memory_space<vmem>> -> memref<1x128x32xf32, #tpu.memory_space<vmem>>
      %dma_wait3A_469 = tpu.memref_squeeze %dma_wait3A_468 : memref<1x128x32xf32, #tpu.memory_space<vmem>> -> memref<128x32xf32, #tpu.memory_space<vmem>>
      %dma_wait3A_470 = tpu.memref_slice %arg2[%add3A_354, %add3A_43] : memref<800000x128xf32, #tpu.memory_space<hbm>> -> memref<128x32xf32, #tpu.memory_space<hbm>>
      tpu.wait_dma2 semaphore(%arg9 : memref<!tpu.dma_semaphore, #tpu.memory_space<semaphore_mem>>) src(%dma_wait3A_470 : memref<128x32xf32, #tpu.memory_space<hbm>>) dst(%dma_wait3A_469 : memref<128x32xf32, #tpu.memory_space<vmem>>)
      %dma_start3A_471 = arith.constant 0 : i32
      %dma_start3A_472 = arith.constant 8 : i32
      %dma_start3A_473 = arith.constant 0 : i32
      %dma_start3A_474 = arith.constant 0 : i32
      %dma_start3A_475 = tpu.memref_slice %arg7[%dma_start3A_471, %dma_start3A_473, %dma_start3A_474] : memref<4x128x32xf32, #tpu.memory_space<vmem>> -> memref<1x128x32xf32, #tpu.memory_space<vmem>>
      %dma_start3A_476 = tpu.memref_squeeze %dma_start3A_475 : memref<1x128x32xf32, #tpu.memory_space<vmem>> -> memref<128x32xf32, #tpu.memory_space<vmem>>
      %dma_start3A_477 = arith.constant 0 : i32
      %dma_start3A_478 = tpu.memref_slice %arg8[%dma_start3A_472, %dma_start3A_477] : memref<10x128xi32, #tpu.memory_space<vmem>> -> memref<1x128xi32, #tpu.memory_space<vmem>>
      %dma_start3A_479 = tpu.memref_squeeze %dma_start3A_478 : memref<1x128xi32, #tpu.memory_space<vmem>> -> memref<128xi32, #tpu.memory_space<vmem>>
      %dma_start3A_480 = arith.constant 0 : i32
      %dma_start3A_481 = arith.constant 0 : i32
      %dma_start3A_482 = tpu.memref_slice %arg6[%dma_start3A_480, %dma_start3A_481] : memref<50048x32xf32, #tpu.memory_space<vmem_shared>> -> memref<50048x32xf32, #tpu.memory_space<vmem_shared>>
      tpu.enqueue_indirect_dma source(%dma_start3A_476 : memref<128x32xf32, #tpu.memory_space<vmem>>) target(%dma_start3A_482 : memref<50048x32xf32, #tpu.memory_space<vmem_shared>>) offsets(%dma_start3A_479 : memref<128xi32, #tpu.memory_space<vmem>>) semaphore(%arg10 : memref<!tpu.dma_semaphore, #tpu.memory_space<semaphore_mem>>) {add = true}
      %dma_wait3A_483 = arith.constant 1 : i32
      %dma_wait3A_484 = arith.constant 0 : i32
      %dma_wait3A_485 = arith.constant 0 : i32
      %dma_wait3A_486 = tpu.memref_slice %arg7[%dma_wait3A_483, %dma_wait3A_484, %dma_wait3A_485] : memref<4x128x32xf32, #tpu.memory_space<vmem>> -> memref<1x128x32xf32, #tpu.memory_space<vmem>>
      %dma_wait3A_487 = tpu.memref_squeeze %dma_wait3A_486 : memref<1x128x32xf32, #tpu.memory_space<vmem>> -> memref<128x32xf32, #tpu.memory_space<vmem>>
      %dma_wait3A_488 = tpu.memref_slice %arg2[%add3A_402, %add3A_43] : memref<800000x128xf32, #tpu.memory_space<hbm>> -> memref<128x32xf32, #tpu.memory_space<hbm>>
      %dma_wait3A_489 = arith.constant 0 : i32
      %dma_wait3A_490 = arith.constant 0 : i32
      %dma_wait3A_491 = tpu.memref_slice %arg7[%dma_wait3A_483, %dma_wait3A_489, %dma_wait3A_490] : memref<4x128x32xf32, #tpu.memory_space<vmem>> -> memref<1x128x32xf32, #tpu.memory_space<vmem>>
      %dma_wait3A_492 = tpu.memref_squeeze %dma_wait3A_491 : memref<1x128x32xf32, #tpu.memory_space<vmem>> -> memref<128x32xf32, #tpu.memory_space<vmem>>
      %dma_wait3A_493 = tpu.memref_slice %arg2[%add3A_402, %add3A_43] : memref<800000x128xf32, #tpu.memory_space<hbm>> -> memref<128x32xf32, #tpu.memory_space<hbm>>
      tpu.wait_dma2 semaphore(%arg9 : memref<!tpu.dma_semaphore, #tpu.memory_space<semaphore_mem>>) src(%dma_wait3A_493 : memref<128x32xf32, #tpu.memory_space<hbm>>) dst(%dma_wait3A_492 : memref<128x32xf32, #tpu.memory_space<vmem>>)
      %dma_start3A_494 = arith.constant 1 : i32
      %dma_start3A_495 = arith.constant 9 : i32
      %dma_start3A_496 = arith.constant 0 : i32
      %dma_start3A_497 = arith.constant 0 : i32
      %dma_start3A_498 = tpu.memref_slice %arg7[%dma_start3A_494, %dma_start3A_496, %dma_start3A_497] : memref<4x128x32xf32, #tpu.memory_space<vmem>> -> memref<1x128x32xf32, #tpu.memory_space<vmem>>
      %dma_start3A_499 = tpu.memref_squeeze %dma_start3A_498 : memref<1x128x32xf32, #tpu.memory_space<vmem>> -> memref<128x32xf32, #tpu.memory_space<vmem>>
      %dma_start3A_500 = arith.constant 0 : i32
      %dma_start3A_501 = tpu.memref_slice %arg8[%dma_start3A_495, %dma_start3A_500] : memref<10x128xi32, #tpu.memory_space<vmem>> -> memref<1x128xi32, #tpu.memory_space<vmem>>
      %dma_start3A_502 = tpu.memref_squeeze %dma_start3A_501 : memref<1x128xi32, #tpu.memory_space<vmem>> -> memref<128xi32, #tpu.memory_space<vmem>>
      %dma_start3A_503 = arith.constant 0 : i32
      %dma_start3A_504 = arith.constant 0 : i32
      %dma_start3A_505 = tpu.memref_slice %arg6[%dma_start3A_503, %dma_start3A_504] : memref<50048x32xf32, #tpu.memory_space<vmem_shared>> -> memref<50048x32xf32, #tpu.memory_space<vmem_shared>>
      tpu.enqueue_indirect_dma source(%dma_start3A_499 : memref<128x32xf32, #tpu.memory_space<vmem>>) target(%dma_start3A_505 : memref<50048x32xf32, #tpu.memory_space<vmem_shared>>) offsets(%dma_start3A_502 : memref<128xi32, #tpu.memory_space<vmem>>) semaphore(%arg10 : memref<!tpu.dma_semaphore, #tpu.memory_space<semaphore_mem>>) {add = true}
      %dma_wait3A_506 = arith.constant 2 : i32
      %dma_wait3A_507 = arith.constant 6 : i32
      %dma_wait3A_508 = arith.constant 0 : i32
      %dma_wait3A_509 = arith.constant 0 : i32
      %dma_wait3A_510 = tpu.memref_slice %arg7[%dma_wait3A_506, %dma_wait3A_508, %dma_wait3A_509] : memref<4x128x32xf32, #tpu.memory_space<vmem>> -> memref<1x128x32xf32, #tpu.memory_space<vmem>>
      %dma_wait3A_511 = tpu.memref_squeeze %dma_wait3A_510 : memref<1x128x32xf32, #tpu.memory_space<vmem>> -> memref<128x32xf32, #tpu.memory_space<vmem>>
      %dma_wait3A_512 = arith.constant 0 : i32
      %dma_wait3A_513 = tpu.memref_slice %arg8[%dma_wait3A_507, %dma_wait3A_512] : memref<10x128xi32, #tpu.memory_space<vmem>> -> memref<1x128xi32, #tpu.memory_space<vmem>>
      %dma_wait3A_514 = tpu.memref_squeeze %dma_wait3A_513 : memref<1x128xi32, #tpu.memory_space<vmem>> -> memref<128xi32, #tpu.memory_space<vmem>>
      %dma_wait3A_515 = arith.constant 0 : i32
      %dma_wait3A_516 = arith.constant 0 : i32
      %dma_wait3A_517 = tpu.memref_slice %arg6[%dma_wait3A_515, %dma_wait3A_516] : memref<50048x32xf32, #tpu.memory_space<vmem_shared>> -> memref<50048x32xf32, #tpu.memory_space<vmem_shared>>
      tpu.wait_indirect_dma semaphore(%arg10 : memref<!tpu.dma_semaphore, #tpu.memory_space<semaphore_mem>>) src(%dma_wait3A_511 : memref<128x32xf32, #tpu.memory_space<vmem>>) dst(%dma_wait3A_517 : memref<50048x32xf32, #tpu.memory_space<vmem_shared>>)
      %dma_wait3A_518 = arith.constant 3 : i32
      %dma_wait3A_519 = arith.constant 7 : i32
      %dma_wait3A_520 = arith.constant 0 : i32
      %dma_wait3A_521 = arith.constant 0 : i32
      %dma_wait3A_522 = tpu.memref_slice %arg7[%dma_wait3A_518, %dma_wait3A_520, %dma_wait3A_521] : memref<4x128x32xf32, #tpu.memory_space<vmem>> -> memref<1x128x32xf32, #tpu.memory_space<vmem>>
      %dma_wait3A_523 = tpu.memref_squeeze %dma_wait3A_522 : memref<1x128x32xf32, #tpu.memory_space<vmem>> -> memref<128x32xf32, #tpu.memory_space<vmem>>
      %dma_wait3A_524 = arith.constant 0 : i32
      %dma_wait3A_525 = tpu.memref_slice %arg8[%dma_wait3A_519, %dma_wait3A_524] : memref<10x128xi32, #tpu.memory_space<vmem>> -> memref<1x128xi32, #tpu.memory_space<vmem>>
      %dma_wait3A_526 = tpu.memref_squeeze %dma_wait3A_525 : memref<1x128xi32, #tpu.memory_space<vmem>> -> memref<128xi32, #tpu.memory_space<vmem>>
      %dma_wait3A_527 = arith.constant 0 : i32
      %dma_wait3A_528 = arith.constant 0 : i32
      %dma_wait3A_529 = tpu.memref_slice %arg6[%dma_wait3A_527, %dma_wait3A_528] : memref<50048x32xf32, #tpu.memory_space<vmem_shared>> -> memref<50048x32xf32, #tpu.memory_space<vmem_shared>>
      tpu.wait_indirect_dma semaphore(%arg10 : memref<!tpu.dma_semaphore, #tpu.memory_space<semaphore_mem>>) src(%dma_wait3A_523 : memref<128x32xf32, #tpu.memory_space<vmem>>) dst(%dma_wait3A_529 : memref<50048x32xf32, #tpu.memory_space<vmem_shared>>)
      %dma_wait3A_530 = arith.constant 0 : i32
      %dma_wait3A_531 = arith.constant 8 : i32
      %dma_wait3A_532 = arith.constant 0 : i32
      %dma_wait3A_533 = arith.constant 0 : i32
      %dma_wait3A_534 = tpu.memref_slice %arg7[%dma_wait3A_530, %dma_wait3A_532, %dma_wait3A_533] : memref<4x128x32xf32, #tpu.memory_space<vmem>> -> memref<1x128x32xf32, #tpu.memory_space<vmem>>
      %dma_wait3A_535 = tpu.memref_squeeze %dma_wait3A_534 : memref<1x128x32xf32, #tpu.memory_space<vmem>> -> memref<128x32xf32, #tpu.memory_space<vmem>>
      %dma_wait3A_536 = arith.constant 0 : i32
      %dma_wait3A_537 = tpu.memref_slice %arg8[%dma_wait3A_531, %dma_wait3A_536] : memref<10x128xi32, #tpu.memory_space<vmem>> -> memref<1x128xi32, #tpu.memory_space<vmem>>
      %dma_wait3A_538 = tpu.memref_squeeze %dma_wait3A_537 : memref<1x128xi32, #tpu.memory_space<vmem>> -> memref<128xi32, #tpu.memory_space<vmem>>
      %dma_wait3A_539 = arith.constant 0 : i32
      %dma_wait3A_540 = arith.constant 0 : i32
      %dma_wait3A_541 = tpu.memref_slice %arg6[%dma_wait3A_539, %dma_wait3A_540] : memref<50048x32xf32, #tpu.memory_space<vmem_shared>> -> memref<50048x32xf32, #tpu.memory_space<vmem_shared>>
      tpu.wait_indirect_dma semaphore(%arg10 : memref<!tpu.dma_semaphore, #tpu.memory_space<semaphore_mem>>) src(%dma_wait3A_535 : memref<128x32xf32, #tpu.memory_space<vmem>>) dst(%dma_wait3A_541 : memref<50048x32xf32, #tpu.memory_space<vmem_shared>>)
      %dma_wait3A_542 = arith.constant 1 : i32
      %dma_wait3A_543 = arith.constant 9 : i32
      %dma_wait3A_544 = arith.constant 0 : i32
      %dma_wait3A_545 = arith.constant 0 : i32
      %dma_wait3A_546 = tpu.memref_slice %arg7[%dma_wait3A_542, %dma_wait3A_544, %dma_wait3A_545] : memref<4x128x32xf32, #tpu.memory_space<vmem>> -> memref<1x128x32xf32, #tpu.memory_space<vmem>>
      %dma_wait3A_547 = tpu.memref_squeeze %dma_wait3A_546 : memref<1x128x32xf32, #tpu.memory_space<vmem>> -> memref<128x32xf32, #tpu.memory_space<vmem>>
      %dma_wait3A_548 = arith.constant 0 : i32
      %dma_wait3A_549 = tpu.memref_slice %arg8[%dma_wait3A_543, %dma_wait3A_548] : memref<10x128xi32, #tpu.memory_space<vmem>> -> memref<1x128xi32, #tpu.memory_space<vmem>>
      %dma_wait3A_550 = tpu.memref_squeeze %dma_wait3A_549 : memref<1x128xi32, #tpu.memory_space<vmem>> -> memref<128xi32, #tpu.memory_space<vmem>>
      %dma_wait3A_551 = arith.constant 0 : i32
      %dma_wait3A_552 = arith.constant 0 : i32
      %dma_wait3A_553 = tpu.memref_slice %arg6[%dma_wait3A_551, %dma_wait3A_552] : memref<50048x32xf32, #tpu.memory_space<vmem_shared>> -> memref<50048x32xf32, #tpu.memory_space<vmem_shared>>
      tpu.wait_indirect_dma semaphore(%arg10 : memref<!tpu.dma_semaphore, #tpu.memory_space<semaphore_mem>>) src(%dma_wait3A_547 : memref<128x32xf32, #tpu.memory_space<vmem>>) dst(%dma_wait3A_553 : memref<50048x32xf32, #tpu.memory_space<vmem_shared>>)
    }
    %barrier3A_57 = arith.constant 0 : index
    tpu.barrier barrier_id(%barrier3A_57)
    %lt3A_58 = arith.constant 15 : i32
    %lt3A_59 = arith.cmpi slt, %arg1, %lt3A_58 : i32
    %convert_element_type3A_60 = arith.extui %lt3A_59 : i1 to i32
    %cond3A_61 = arith.constant 0 : i32
    %cond3A_62 = arith.cmpi ne, %convert_element_type3A_60, %cond3A_61 : i32
    scf.if %cond3A_62 {
      %mul3A_68 = arith.constant 3128 : i32
      %mul3A_69 = arith.muli %arg1, %mul3A_68 : i32
      %mul3A_70 = arith.constant 3128 : i32
      %mul3A_71 = arith.muli %arg1, %mul3A_70 : i32
      %run_scoped3A = arith.constant 1 : i32
      "tpu.region"() ({
        %run_scoped3A_72 = tpu.sem_alloc : memref<!tpu.dma_semaphore, #tpu.memory_space<semaphore_mem>>
        %dma_start3A = arith.constant 0 : i32
        %dma_start3A_73 = tpu.memref_slice %arg5[%arg0, %run_scoped3A, %mul3A_71, %dma_start3A] : memref<2x2x50000x32xf32, #tpu.memory_space<hbm>> -> memref<1x1x3128x32xf32, #tpu.memory_space<hbm>>
        %dma_start3A_74 = tpu.memref_squeeze %dma_start3A_73 : memref<1x1x3128x32xf32, #tpu.memory_space<hbm>> -> memref<3128x32xf32, #tpu.memory_space<hbm>>
        %dma_start3A_75 = arith.constant 0 : i32
        %dma_start3A_76 = tpu.memref_slice %arg6[%mul3A_69, %dma_start3A_75] : memref<50048x32xf32, #tpu.memory_space<vmem_shared>> -> memref<3128x32xf32, #tpu.memory_space<vmem_shared>>
        tpu.enqueue_dma source(%dma_start3A_76 : memref<3128x32xf32, #tpu.memory_space<vmem_shared>>) target(%dma_start3A_74 : memref<3128x32xf32, #tpu.memory_space<hbm>>) target_semaphore(%run_scoped3A_72 : memref<!tpu.dma_semaphore, #tpu.memory_space<semaphore_mem>>)
        %dma_wait3A = arith.constant 0 : i32
        %dma_wait3A_77 = tpu.memref_slice %arg5[%arg0, %run_scoped3A, %mul3A_71, %dma_wait3A] : memref<2x2x50000x32xf32, #tpu.memory_space<hbm>> -> memref<1x1x3128x32xf32, #tpu.memory_space<hbm>>
        %dma_wait3A_78 = tpu.memref_squeeze %dma_wait3A_77 : memref<1x1x3128x32xf32, #tpu.memory_space<hbm>> -> memref<3128x32xf32, #tpu.memory_space<hbm>>
        %dma_wait3A_79 = arith.constant 0 : i32
        %dma_wait3A_80 = tpu.memref_slice %arg6[%mul3A_69, %dma_wait3A_79] : memref<50048x32xf32, #tpu.memory_space<vmem_shared>> -> memref<3128x32xf32, #tpu.memory_space<vmem_shared>>
        tpu.wait_dma2 semaphore(%run_scoped3A_72 : memref<!tpu.dma_semaphore, #tpu.memory_space<semaphore_mem>>) src(%dma_wait3A_80 : memref<3128x32xf32, #tpu.memory_space<vmem_shared>>) dst(%dma_wait3A_78 : memref<3128x32xf32, #tpu.memory_space<hbm>>)
        tpu.yield
      }) : () -> ()
    } else {
    }
    %eq3A_63 = arith.constant 15 : i32
    %eq3A_64 = arith.cmpi eq, %arg1, %eq3A_63 : i32
    %convert_element_type3A_65 = arith.extui %eq3A_64 : i1 to i32
    %cond3A_66 = arith.constant 0 : i32
    %cond3A_67 = arith.cmpi ne, %convert_element_type3A_65, %cond3A_66 : i32
    scf.if %cond3A_67 {
      %run_scoped3A = arith.constant 1 : i32
      "tpu.region"() ({
        %run_scoped3A_68 = tpu.sem_alloc : memref<!tpu.dma_semaphore, #tpu.memory_space<semaphore_mem>>
        %dma_start3A = arith.constant 46920 : i32
        %dma_start3A_69 = arith.constant 0 : i32
        %dma_start3A_70 = tpu.memref_slice %arg5[%arg0, %run_scoped3A, %dma_start3A, %dma_start3A_69] : memref<2x2x50000x32xf32, #tpu.memory_space<hbm>> -> memref<1x1x3080x32xf32, #tpu.memory_space<hbm>>
        %dma_start3A_71 = tpu.memref_squeeze %dma_start3A_70 : memref<1x1x3080x32xf32, #tpu.memory_space<hbm>> -> memref<3080x32xf32, #tpu.memory_space<hbm>>
        %dma_start3A_72 = arith.constant 46920 : i32
        %dma_start3A_73 = arith.constant 0 : i32
        %dma_start3A_74 = tpu.memref_slice %arg6[%dma_start3A_72, %dma_start3A_73] : memref<50048x32xf32, #tpu.memory_space<vmem_shared>> -> memref<3080x32xf32, #tpu.memory_space<vmem_shared>>
        tpu.enqueue_dma source(%dma_start3A_74 : memref<3080x32xf32, #tpu.memory_space<vmem_shared>>) target(%dma_start3A_71 : memref<3080x32xf32, #tpu.memory_space<hbm>>) target_semaphore(%run_scoped3A_68 : memref<!tpu.dma_semaphore, #tpu.memory_space<semaphore_mem>>)
        %dma_wait3A = arith.constant 46920 : i32
        %dma_wait3A_75 = arith.constant 0 : i32
        %dma_wait3A_76 = tpu.memref_slice %arg5[%arg0, %run_scoped3A, %dma_wait3A, %dma_wait3A_75] : memref<2x2x50000x32xf32, #tpu.memory_space<hbm>> -> memref<1x1x3080x32xf32, #tpu.memory_space<hbm>>
        %dma_wait3A_77 = tpu.memref_squeeze %dma_wait3A_76 : memref<1x1x3080x32xf32, #tpu.memory_space<hbm>> -> memref<3080x32xf32, #tpu.memory_space<hbm>>
        %dma_wait3A_78 = arith.constant 46920 : i32
        %dma_wait3A_79 = arith.constant 0 : i32
        %dma_wait3A_80 = tpu.memref_slice %arg6[%dma_wait3A_78, %dma_wait3A_79] : memref<50048x32xf32, #tpu.memory_space<vmem_shared>> -> memref<3080x32xf32, #tpu.memory_space<vmem_shared>>
        tpu.wait_dma2 semaphore(%run_scoped3A_68 : memref<!tpu.dma_semaphore, #tpu.memory_space<semaphore_mem>>) src(%dma_wait3A_80 : memref<3080x32xf32, #tpu.memory_space<vmem_shared>>) dst(%dma_wait3A_77 : memref<3080x32xf32, #tpu.memory_space<hbm>>)
        tpu.yield
      }) : () -> ()
    } else {
    }
    return
  }
}

#map = affine_map<(d0, d1) -> (0, 0)>
module attributes {stable_mosaic.version = 14 : i64} {
  func.func @_p2_body(%arg0: i32, %arg1: i32, %arg2: memref<50000x32xf32, #tpu.memory_space<hbm>>, %arg3: memref<6250x128xi32, #tpu.memory_space<hbm>>, %arg4: memref<800000x128xf32, #tpu.memory_space<hbm>>, %arg5: memref<50000x32xf32, #tpu.memory_space<vmem_shared>>, %arg6: memref<10x128xi32, #tpu.memory_space<vmem>>, %arg7: memref<2x128x32xf32, #tpu.memory_space<vmem>>, %arg8: memref<!tpu.dma_semaphore, #tpu.memory_space<semaphore_mem>>) attributes {dimension_semantics = [#tpu.dimension_semantics<core_parallel>, #tpu.dimension_semantics<subcore_parallel>], iteration_bounds = array<i64: 2, 16>, scalar_prefetch = 0 : i64, scratch_operands = 4 : i64, tpu.core_type = #tpu.core_type<sc_vector_subcore>, window_params = [{transform_indices = #map}, {transform_indices = #map}, {transform_indices = #map}]} {
    %mul3A = arith.constant 2 : i32
    %mul3A_0 = arith.muli %arg1, %mul3A : i32
    %add3A = arith.addi %mul3A_0, %arg0 : i32
    %lt3A = arith.constant 15 : i32
    %lt3A_1 = arith.cmpi slt, %arg1, %lt3A : i32
    %convert_element_type3A = arith.extui %lt3A_1 : i1 to i32
    %cond3A = arith.constant 0 : i32
    %cond3A_2 = arith.cmpi ne, %convert_element_type3A, %cond3A : i32
    scf.if %cond3A_2 {
      %mul3A_36 = arith.constant 3128 : i32
      %mul3A_37 = arith.muli %arg1, %mul3A_36 : i32
      %mul3A_38 = arith.constant 3128 : i32
      %mul3A_39 = arith.muli %arg1, %mul3A_38 : i32
      "tpu.region"() ({
        %run_scoped3A = tpu.sem_alloc : memref<!tpu.dma_semaphore, #tpu.memory_space<semaphore_mem>>
        %dma_start3A = arith.constant 0 : i32
        %dma_start3A_40 = tpu.memref_slice %arg5[%mul3A_39, %dma_start3A] : memref<50000x32xf32, #tpu.memory_space<vmem_shared>> -> memref<3128x32xf32, #tpu.memory_space<vmem_shared>>
        %dma_start3A_41 = arith.constant 0 : i32
        %dma_start3A_42 = tpu.memref_slice %arg2[%mul3A_37, %dma_start3A_41] : memref<50000x32xf32, #tpu.memory_space<hbm>> -> memref<3128x32xf32, #tpu.memory_space<hbm>>
        tpu.enqueue_dma source(%dma_start3A_42 : memref<3128x32xf32, #tpu.memory_space<hbm>>) target(%dma_start3A_40 : memref<3128x32xf32, #tpu.memory_space<vmem_shared>>) target_semaphore(%run_scoped3A : memref<!tpu.dma_semaphore, #tpu.memory_space<semaphore_mem>>)
        %dma_wait3A = arith.constant 0 : i32
        %dma_wait3A_43 = tpu.memref_slice %arg5[%mul3A_39, %dma_wait3A] : memref<50000x32xf32, #tpu.memory_space<vmem_shared>> -> memref<3128x32xf32, #tpu.memory_space<vmem_shared>>
        %dma_wait3A_44 = arith.constant 0 : i32
        %dma_wait3A_45 = tpu.memref_slice %arg2[%mul3A_37, %dma_wait3A_44] : memref<50000x32xf32, #tpu.memory_space<hbm>> -> memref<3128x32xf32, #tpu.memory_space<hbm>>
        tpu.wait_dma2 semaphore(%run_scoped3A : memref<!tpu.dma_semaphore, #tpu.memory_space<semaphore_mem>>) src(%dma_wait3A_45 : memref<3128x32xf32, #tpu.memory_space<hbm>>) dst(%dma_wait3A_43 : memref<3128x32xf32, #tpu.memory_space<vmem_shared>>)
        tpu.yield
      }) : () -> ()
    } else {
    }
    %eq3A = arith.constant 15 : i32
    %eq3A_3 = arith.cmpi eq, %arg1, %eq3A : i32
    %convert_element_type3A_4 = arith.extui %eq3A_3 : i1 to i32
    %cond3A_5 = arith.constant 0 : i32
    %cond3A_6 = arith.cmpi ne, %convert_element_type3A_4, %cond3A_5 : i32
    scf.if %cond3A_6 {
      "tpu.region"() ({
        %run_scoped3A = tpu.sem_alloc : memref<!tpu.dma_semaphore, #tpu.memory_space<semaphore_mem>>
        %dma_start3A = arith.constant 46920 : i32
        %dma_start3A_36 = arith.constant 0 : i32
        %dma_start3A_37 = tpu.memref_slice %arg5[%dma_start3A, %dma_start3A_36] : memref<50000x32xf32, #tpu.memory_space<vmem_shared>> -> memref<3080x32xf32, #tpu.memory_space<vmem_shared>>
        %dma_start3A_38 = arith.constant 46920 : i32
        %dma_start3A_39 = arith.constant 0 : i32
        %dma_start3A_40 = tpu.memref_slice %arg2[%dma_start3A_38, %dma_start3A_39] : memref<50000x32xf32, #tpu.memory_space<hbm>> -> memref<3080x32xf32, #tpu.memory_space<hbm>>
        tpu.enqueue_dma source(%dma_start3A_40 : memref<3080x32xf32, #tpu.memory_space<hbm>>) target(%dma_start3A_37 : memref<3080x32xf32, #tpu.memory_space<vmem_shared>>) target_semaphore(%run_scoped3A : memref<!tpu.dma_semaphore, #tpu.memory_space<semaphore_mem>>)
        %dma_wait3A = arith.constant 46920 : i32
        %dma_wait3A_41 = arith.constant 0 : i32
        %dma_wait3A_42 = tpu.memref_slice %arg5[%dma_wait3A, %dma_wait3A_41] : memref<50000x32xf32, #tpu.memory_space<vmem_shared>> -> memref<3080x32xf32, #tpu.memory_space<vmem_shared>>
        %dma_wait3A_43 = arith.constant 46920 : i32
        %dma_wait3A_44 = arith.constant 0 : i32
        %dma_wait3A_45 = tpu.memref_slice %arg2[%dma_wait3A_43, %dma_wait3A_44] : memref<50000x32xf32, #tpu.memory_space<hbm>> -> memref<3080x32xf32, #tpu.memory_space<hbm>>
        tpu.wait_dma2 semaphore(%run_scoped3A : memref<!tpu.dma_semaphore, #tpu.memory_space<semaphore_mem>>) src(%dma_wait3A_45 : memref<3080x32xf32, #tpu.memory_space<hbm>>) dst(%dma_wait3A_42 : memref<3080x32xf32, #tpu.memory_space<vmem_shared>>)
        tpu.yield
      }) : () -> ()
    } else {
    }
    %barrier3A = arith.constant 0 : index
    tpu.barrier barrier_id(%barrier3A)
    %sub3A = arith.constant 625 : i32
    %sub3A_7 = arith.subi %sub3A, %add3A : i32
    %add3A_8 = arith.constant 31 : i32
    %add3A_9 = arith.addi %sub3A_7, %add3A_8 : i32
    %jit3A = arith.constant 32 : i32
    %div3A = arith.divsi %add3A_9, %jit3A : i32
    %sign3A = arith.constant 0 : i32
    %sign3A_10 = arith.cmpi sgt, %add3A_9, %sign3A : i32
    %sign3A_11 = arith.extui %sign3A_10 : i1 to i32
    %sign3A_12 = arith.constant 0 : i32
    %sign3A_13 = arith.cmpi slt, %add3A_9, %sign3A_12 : i32
    %sign3A_14 = arith.extui %sign3A_13 : i1 to i32
    %sign3A_15 = arith.subi %sign3A_11, %sign3A_14 : i32
    %sign3A_16 = arith.constant 0 : i32
    %sign3A_17 = arith.cmpi sgt, %jit3A, %sign3A_16 : i32
    %sign3A_18 = arith.extui %sign3A_17 : i1 to i32
    %sign3A_19 = arith.constant 0 : i32
    %sign3A_20 = arith.cmpi slt, %jit3A, %sign3A_19 : i32
    %sign3A_21 = arith.extui %sign3A_20 : i1 to i32
    %sign3A_22 = arith.subi %sign3A_18, %sign3A_21 : i32
    %ne3A = arith.cmpi ne, %sign3A_15, %sign3A_22 : i32
    %rem3A = arith.remsi %add3A_9, %jit3A : i32
    %ne3A_23 = arith.constant 0 : i32
    %ne3A_24 = arith.cmpi ne, %rem3A, %ne3A_23 : i32
    %and3A = arith.andi %ne3A, %ne3A_24 : i1
    %sub3A_25 = arith.constant 1 : i32
    %sub3A_26 = arith.subi %div3A, %sub3A_25 : i32
    %select_n3A = arith.select %and3A, %sub3A_26, %div3A : i32
    %while3A = arith.constant 0 : i32
    %while3A_27 = arith.constant 0 : i32
    %while3A_28 = arith.subi %select_n3A, %while3A_27 : i32
    %while3A_29 = arith.addi %while3A_27, %while3A_28 : i32
    %while3A_30 = arith.constant 1 : i32
    %while3A_31 = arith.divsi %while3A_28, %while3A_30 : i32
    %while3A_32 = arith.muli %while3A_31, %while3A_30 : i32
    %while3A_33 = arith.addi %while3A_27, %while3A_32 : i32
    %while3A_34 = arith.constant 1 : i32
    scf.for %while3A_36 = %while3A_27 to %while3A_33 step %while3A_34  : i32 {
      %mul3A_37 = arith.constant 32 : i32
      %mul3A_38 = arith.muli %while3A_36, %mul3A_37 : i32
      %add3A_39 = arith.addi %add3A, %mul3A_38 : i32
      %mul3A_40 = arith.constant 10 : i32
      %mul3A_41 = arith.muli %add3A_39, %mul3A_40 : i32
      %mul3A_42 = arith.constant 1280 : i32
      %mul3A_43 = arith.muli %add3A_39, %mul3A_42 : i32
      "tpu.region"() ({
        %run_scoped3A_311 = tpu.sem_alloc : memref<!tpu.dma_semaphore, #tpu.memory_space<semaphore_mem>>
        %dma_start3A_312 = arith.constant 0 : i32
        %dma_start3A_313 = tpu.memref_slice %arg3[%mul3A_41, %dma_start3A_312] : memref<6250x128xi32, #tpu.memory_space<hbm>> -> memref<10x128xi32, #tpu.memory_space<hbm>>
        %dma_start3A_314 = arith.constant 0 : i32
        %dma_start3A_315 = tpu.memref_slice %arg3[%mul3A_41, %dma_start3A_314] : memref<6250x128xi32, #tpu.memory_space<hbm>> -> memref<10x128xi32, #tpu.memory_space<hbm>>
        tpu.enqueue_dma source(%dma_start3A_315 : memref<10x128xi32, #tpu.memory_space<hbm>>) target(%arg6 : memref<10x128xi32, #tpu.memory_space<vmem>>) target_semaphore(%run_scoped3A_311 : memref<!tpu.dma_semaphore, #tpu.memory_space<semaphore_mem>>)
        %dma_wait3A_316 = arith.constant 0 : i32
        %dma_wait3A_317 = tpu.memref_slice %arg3[%mul3A_41, %dma_wait3A_316] : memref<6250x128xi32, #tpu.memory_space<hbm>> -> memref<10x128xi32, #tpu.memory_space<hbm>>
        %dma_wait3A_318 = arith.constant 0 : i32
        %dma_wait3A_319 = tpu.memref_slice %arg3[%mul3A_41, %dma_wait3A_318] : memref<6250x128xi32, #tpu.memory_space<hbm>> -> memref<10x128xi32, #tpu.memory_space<hbm>>
        tpu.wait_dma2 semaphore(%run_scoped3A_311 : memref<!tpu.dma_semaphore, #tpu.memory_space<semaphore_mem>>) src(%dma_wait3A_319 : memref<10x128xi32, #tpu.memory_space<hbm>>) dst(%arg6 : memref<10x128xi32, #tpu.memory_space<vmem>>)
        tpu.yield
      }) : () -> ()
      %dma_start3A = arith.constant 0 : i32
      %dma_start3A_44 = arith.constant 0 : i32
      %dma_start3A_45 = arith.constant 0 : i32
      %dma_start3A_46 = arith.constant 0 : i32
      %dma_start3A_47 = tpu.memref_slice %arg7[%dma_start3A_44, %dma_start3A_45, %dma_start3A_46] : memref<2x128x32xf32, #tpu.memory_space<vmem>> -> memref<1x128x32xf32, #tpu.memory_space<vmem>>
      %dma_start3A_48 = tpu.memref_squeeze %dma_start3A_47 : memref<1x128x32xf32, #tpu.memory_space<vmem>> -> memref<128x32xf32, #tpu.memory_space<vmem>>
      %dma_start3A_49 = arith.constant 0 : i32
      %dma_start3A_50 = tpu.memref_slice %arg6[%dma_start3A, %dma_start3A_49] : memref<10x128xi32, #tpu.memory_space<vmem>> -> memref<1x128xi32, #tpu.memory_space<vmem>>
      %dma_start3A_51 = tpu.memref_squeeze %dma_start3A_50 : memref<1x128xi32, #tpu.memory_space<vmem>> -> memref<128xi32, #tpu.memory_space<vmem>>
      %dma_start3A_52 = arith.constant 0 : i32
      %dma_start3A_53 = arith.constant 0 : i32
      %dma_start3A_54 = tpu.memref_slice %arg5[%dma_start3A_52, %dma_start3A_53] : memref<50000x32xf32, #tpu.memory_space<vmem_shared>> -> memref<50000x32xf32, #tpu.memory_space<vmem_shared>>
      tpu.enqueue_indirect_dma source(%dma_start3A_54 : memref<50000x32xf32, #tpu.memory_space<vmem_shared>>) target(%dma_start3A_48 : memref<128x32xf32, #tpu.memory_space<vmem>>) offsets(%dma_start3A_51 : memref<128xi32, #tpu.memory_space<vmem>>) semaphore(%arg8 : memref<!tpu.dma_semaphore, #tpu.memory_space<semaphore_mem>>)
      %dma_start3A_55 = arith.constant 1 : i32
      %dma_start3A_56 = arith.constant 1 : i32
      %dma_start3A_57 = arith.constant 0 : i32
      %dma_start3A_58 = arith.constant 0 : i32
      %dma_start3A_59 = tpu.memref_slice %arg7[%dma_start3A_56, %dma_start3A_57, %dma_start3A_58] : memref<2x128x32xf32, #tpu.memory_space<vmem>> -> memref<1x128x32xf32, #tpu.memory_space<vmem>>
      %dma_start3A_60 = tpu.memref_squeeze %dma_start3A_59 : memref<1x128x32xf32, #tpu.memory_space<vmem>> -> memref<128x32xf32, #tpu.memory_space<vmem>>
      %dma_start3A_61 = arith.constant 0 : i32
      %dma_start3A_62 = tpu.memref_slice %arg6[%dma_start3A_55, %dma_start3A_61] : memref<10x128xi32, #tpu.memory_space<vmem>> -> memref<1x128xi32, #tpu.memory_space<vmem>>
      %dma_start3A_63 = tpu.memref_squeeze %dma_start3A_62 : memref<1x128xi32, #tpu.memory_space<vmem>> -> memref<128xi32, #tpu.memory_space<vmem>>
      %dma_start3A_64 = arith.constant 0 : i32
      %dma_start3A_65 = arith.constant 0 : i32
      %dma_start3A_66 = tpu.memref_slice %arg5[%dma_start3A_64, %dma_start3A_65] : memref<50000x32xf32, #tpu.memory_space<vmem_shared>> -> memref<50000x32xf32, #tpu.memory_space<vmem_shared>>
      tpu.enqueue_indirect_dma source(%dma_start3A_66 : memref<50000x32xf32, #tpu.memory_space<vmem_shared>>) target(%dma_start3A_60 : memref<128x32xf32, #tpu.memory_space<vmem>>) offsets(%dma_start3A_63 : memref<128xi32, #tpu.memory_space<vmem>>) semaphore(%arg8 : memref<!tpu.dma_semaphore, #tpu.memory_space<semaphore_mem>>)
      %dma_wait3A = arith.constant 0 : i32
      %dma_wait3A_67 = arith.constant 0 : i32
      %dma_wait3A_68 = arith.constant 0 : i32
      %dma_wait3A_69 = arith.constant 0 : i32
      %dma_wait3A_70 = tpu.memref_slice %arg7[%dma_wait3A_67, %dma_wait3A_68, %dma_wait3A_69] : memref<2x128x32xf32, #tpu.memory_space<vmem>> -> memref<1x128x32xf32, #tpu.memory_space<vmem>>
      %dma_wait3A_71 = tpu.memref_squeeze %dma_wait3A_70 : memref<1x128x32xf32, #tpu.memory_space<vmem>> -> memref<128x32xf32, #tpu.memory_space<vmem>>
      %dma_wait3A_72 = arith.constant 0 : i32
      %dma_wait3A_73 = tpu.memref_slice %arg6[%dma_wait3A, %dma_wait3A_72] : memref<10x128xi32, #tpu.memory_space<vmem>> -> memref<1x128xi32, #tpu.memory_space<vmem>>
      %dma_wait3A_74 = tpu.memref_squeeze %dma_wait3A_73 : memref<1x128xi32, #tpu.memory_space<vmem>> -> memref<128xi32, #tpu.memory_space<vmem>>
      %dma_wait3A_75 = arith.constant 0 : i32
      %dma_wait3A_76 = arith.constant 0 : i32
      %dma_wait3A_77 = tpu.memref_slice %arg5[%dma_wait3A_75, %dma_wait3A_76] : memref<50000x32xf32, #tpu.memory_space<vmem_shared>> -> memref<50000x32xf32, #tpu.memory_space<vmem_shared>>
      tpu.wait_indirect_dma semaphore(%arg8 : memref<!tpu.dma_semaphore, #tpu.memory_space<semaphore_mem>>) src(%dma_wait3A_77 : memref<50000x32xf32, #tpu.memory_space<vmem_shared>>) dst(%dma_wait3A_71 : memref<128x32xf32, #tpu.memory_space<vmem>>)
      %add3A_78 = arith.constant 0 : i32
      %add3A_79 = arith.addi %mul3A_43, %add3A_78 : i32
      %run_scoped3A = arith.constant 0 : i32
      "tpu.region"() ({
        %run_scoped3A_311 = tpu.sem_alloc : memref<!tpu.dma_semaphore, #tpu.memory_space<semaphore_mem>>
        %dma_start3A_312 = arith.constant 0 : i32
        %dma_start3A_313 = arith.constant 0 : i32
        %dma_start3A_314 = tpu.memref_slice %arg7[%run_scoped3A, %dma_start3A_312, %dma_start3A_313] : memref<2x128x32xf32, #tpu.memory_space<vmem>> -> memref<1x128x32xf32, #tpu.memory_space<vmem>>
        %dma_start3A_315 = tpu.memref_squeeze %dma_start3A_314 : memref<1x128x32xf32, #tpu.memory_space<vmem>> -> memref<128x32xf32, #tpu.memory_space<vmem>>
        %dma_start3A_316 = arith.constant 0 : i32
        %dma_start3A_317 = tpu.memref_slice %arg4[%add3A_79, %dma_start3A_316] : memref<800000x128xf32, #tpu.memory_space<hbm>> -> memref<128x32xf32, #tpu.memory_space<hbm>>
        %dma_start3A_318 = arith.constant 0 : i32
        %dma_start3A_319 = tpu.memref_slice %arg4[%add3A_79, %dma_start3A_318] : memref<800000x128xf32, #tpu.memory_space<hbm>> -> memref<128x32xf32, #tpu.memory_space<hbm>>
        %dma_start3A_320 = arith.constant 0 : i32
        %dma_start3A_321 = arith.constant 0 : i32
        %dma_start3A_322 = tpu.memref_slice %arg7[%run_scoped3A, %dma_start3A_320, %dma_start3A_321] : memref<2x128x32xf32, #tpu.memory_space<vmem>> -> memref<1x128x32xf32, #tpu.memory_space<vmem>>
        %dma_start3A_323 = tpu.memref_squeeze %dma_start3A_322 : memref<1x128x32xf32, #tpu.memory_space<vmem>> -> memref<128x32xf32, #tpu.memory_space<vmem>>
        tpu.enqueue_dma source(%dma_start3A_323 : memref<128x32xf32, #tpu.memory_space<vmem>>) target(%dma_start3A_319 : memref<128x32xf32, #tpu.memory_space<hbm>>) target_semaphore(%run_scoped3A_311 : memref<!tpu.dma_semaphore, #tpu.memory_space<semaphore_mem>>)
        %dma_wait3A_324 = arith.constant 0 : i32
        %dma_wait3A_325 = arith.constant 0 : i32
        %dma_wait3A_326 = tpu.memref_slice %arg7[%run_scoped3A, %dma_wait3A_324, %dma_wait3A_325] : memref<2x128x32xf32, #tpu.memory_space<vmem>> -> memref<1x128x32xf32, #tpu.memory_space<vmem>>
        %dma_wait3A_327 = tpu.memref_squeeze %dma_wait3A_326 : memref<1x128x32xf32, #tpu.memory_space<vmem>> -> memref<128x32xf32, #tpu.memory_space<vmem>>
        %dma_wait3A_328 = arith.constant 0 : i32
        %dma_wait3A_329 = tpu.memref_slice %arg4[%add3A_79, %dma_wait3A_328] : memref<800000x128xf32, #tpu.memory_space<hbm>> -> memref<128x32xf32, #tpu.memory_space<hbm>>
        %dma_wait3A_330 = arith.constant 0 : i32
        %dma_wait3A_331 = tpu.memref_slice %arg4[%add3A_79, %dma_wait3A_330] : memref<800000x128xf32, #tpu.memory_space<hbm>> -> memref<128x32xf32, #tpu.memory_space<hbm>>
        %dma_wait3A_332 = arith.constant 0 : i32
        %dma_wait3A_333 = arith.constant 0 : i32
        %dma_wait3A_334 = tpu.memref_slice %arg7[%run_scoped3A, %dma_wait3A_332, %dma_wait3A_333] : memref<2x128x32xf32, #tpu.memory_space<vmem>> -> memref<1x128x32xf32, #tpu.memory_space<vmem>>
        %dma_wait3A_335 = tpu.memref_squeeze %dma_wait3A_334 : memref<1x128x32xf32, #tpu.memory_space<vmem>> -> memref<128x32xf32, #tpu.memory_space<vmem>>
        tpu.wait_dma2 semaphore(%run_scoped3A_311 : memref<!tpu.dma_semaphore, #tpu.memory_space<semaphore_mem>>) src(%dma_wait3A_335 : memref<128x32xf32, #tpu.memory_space<vmem>>) dst(%dma_wait3A_331 : memref<128x32xf32, #tpu.memory_space<hbm>>)
        tpu.yield
      }) : () -> ()
      %dma_start3A_80 = arith.constant 2 : i32
      %dma_start3A_81 = arith.constant 0 : i32
      %dma_start3A_82 = arith.constant 0 : i32
      %dma_start3A_83 = arith.constant 0 : i32
      %dma_start3A_84 = tpu.memref_slice %arg7[%dma_start3A_81, %dma_start3A_82, %dma_start3A_83] : memref<2x128x32xf32, #tpu.memory_space<vmem>> -> memref<1x128x32xf32, #tpu.memory_space<vmem>>
      %dma_start3A_85 = tpu.memref_squeeze %dma_start3A_84 : memref<1x128x32xf32, #tpu.memory_space<vmem>> -> memref<128x32xf32, #tpu.memory_space<vmem>>
      %dma_start3A_86 = arith.constant 0 : i32
      %dma_start3A_87 = tpu.memref_slice %arg6[%dma_start3A_80, %dma_start3A_86] : memref<10x128xi32, #tpu.memory_space<vmem>> -> memref<1x128xi32, #tpu.memory_space<vmem>>
      %dma_start3A_88 = tpu.memref_squeeze %dma_start3A_87 : memref<1x128xi32, #tpu.memory_space<vmem>> -> memref<128xi32, #tpu.memory_space<vmem>>
      %dma_start3A_89 = arith.constant 0 : i32
      %dma_start3A_90 = arith.constant 0 : i32
      %dma_start3A_91 = tpu.memref_slice %arg5[%dma_start3A_89, %dma_start3A_90] : memref<50000x32xf32, #tpu.memory_space<vmem_shared>> -> memref<50000x32xf32, #tpu.memory_space<vmem_shared>>
      tpu.enqueue_indirect_dma source(%dma_start3A_91 : memref<50000x32xf32, #tpu.memory_space<vmem_shared>>) target(%dma_start3A_85 : memref<128x32xf32, #tpu.memory_space<vmem>>) offsets(%dma_start3A_88 : memref<128xi32, #tpu.memory_space<vmem>>) semaphore(%arg8 : memref<!tpu.dma_semaphore, #tpu.memory_space<semaphore_mem>>)
      %dma_wait3A_92 = arith.constant 1 : i32
      %dma_wait3A_93 = arith.constant 1 : i32
      %dma_wait3A_94 = arith.constant 0 : i32
      %dma_wait3A_95 = arith.constant 0 : i32
      %dma_wait3A_96 = tpu.memref_slice %arg7[%dma_wait3A_93, %dma_wait3A_94, %dma_wait3A_95] : memref<2x128x32xf32, #tpu.memory_space<vmem>> -> memref<1x128x32xf32, #tpu.memory_space<vmem>>
      %dma_wait3A_97 = tpu.memref_squeeze %dma_wait3A_96 : memref<1x128x32xf32, #tpu.memory_space<vmem>> -> memref<128x32xf32, #tpu.memory_space<vmem>>
      %dma_wait3A_98 = arith.constant 0 : i32
      %dma_wait3A_99 = tpu.memref_slice %arg6[%dma_wait3A_92, %dma_wait3A_98] : memref<10x128xi32, #tpu.memory_space<vmem>> -> memref<1x128xi32, #tpu.memory_space<vmem>>
      %dma_wait3A_100 = tpu.memref_squeeze %dma_wait3A_99 : memref<1x128xi32, #tpu.memory_space<vmem>> -> memref<128xi32, #tpu.memory_space<vmem>>
      %dma_wait3A_101 = arith.constant 0 : i32
      %dma_wait3A_102 = arith.constant 0 : i32
      %dma_wait3A_103 = tpu.memref_slice %arg5[%dma_wait3A_101, %dma_wait3A_102] : memref<50000x32xf32, #tpu.memory_space<vmem_shared>> -> memref<50000x32xf32, #tpu.memory_space<vmem_shared>>
      tpu.wait_indirect_dma semaphore(%arg8 : memref<!tpu.dma_semaphore, #tpu.memory_space<semaphore_mem>>) src(%dma_wait3A_103 : memref<50000x32xf32, #tpu.memory_space<vmem_shared>>) dst(%dma_wait3A_97 : memref<128x32xf32, #tpu.memory_space<vmem>>)
      %add3A_104 = arith.constant 128 : i32
      %add3A_105 = arith.addi %mul3A_43, %add3A_104 : i32
      %run_scoped3A_106 = arith.constant 1 : i32
      "tpu.region"() ({
        %run_scoped3A_311 = tpu.sem_alloc : memref<!tpu.dma_semaphore, #tpu.memory_space<semaphore_mem>>
        %dma_start3A_312 = arith.constant 0 : i32
        %dma_start3A_313 = arith.constant 0 : i32
        %dma_start3A_314 = tpu.memref_slice %arg7[%run_scoped3A_106, %dma_start3A_312, %dma_start3A_313] : memref<2x128x32xf32, #tpu.memory_space<vmem>> -> memref<1x128x32xf32, #tpu.memory_space<vmem>>
        %dma_start3A_315 = tpu.memref_squeeze %dma_start3A_314 : memref<1x128x32xf32, #tpu.memory_space<vmem>> -> memref<128x32xf32, #tpu.memory_space<vmem>>
        %dma_start3A_316 = arith.constant 0 : i32
        %dma_start3A_317 = tpu.memref_slice %arg4[%add3A_105, %dma_start3A_316] : memref<800000x128xf32, #tpu.memory_space<hbm>> -> memref<128x32xf32, #tpu.memory_space<hbm>>
        %dma_start3A_318 = arith.constant 0 : i32
        %dma_start3A_319 = tpu.memref_slice %arg4[%add3A_105, %dma_start3A_318] : memref<800000x128xf32, #tpu.memory_space<hbm>> -> memref<128x32xf32, #tpu.memory_space<hbm>>
        %dma_start3A_320 = arith.constant 0 : i32
        %dma_start3A_321 = arith.constant 0 : i32
        %dma_start3A_322 = tpu.memref_slice %arg7[%run_scoped3A_106, %dma_start3A_320, %dma_start3A_321] : memref<2x128x32xf32, #tpu.memory_space<vmem>> -> memref<1x128x32xf32, #tpu.memory_space<vmem>>
        %dma_start3A_323 = tpu.memref_squeeze %dma_start3A_322 : memref<1x128x32xf32, #tpu.memory_space<vmem>> -> memref<128x32xf32, #tpu.memory_space<vmem>>
        tpu.enqueue_dma source(%dma_start3A_323 : memref<128x32xf32, #tpu.memory_space<vmem>>) target(%dma_start3A_319 : memref<128x32xf32, #tpu.memory_space<hbm>>) target_semaphore(%run_scoped3A_311 : memref<!tpu.dma_semaphore, #tpu.memory_space<semaphore_mem>>)
        %dma_wait3A_324 = arith.constant 0 : i32
        %dma_wait3A_325 = arith.constant 0 : i32
        %dma_wait3A_326 = tpu.memref_slice %arg7[%run_scoped3A_106, %dma_wait3A_324, %dma_wait3A_325] : memref<2x128x32xf32, #tpu.memory_space<vmem>> -> memref<1x128x32xf32, #tpu.memory_space<vmem>>
        %dma_wait3A_327 = tpu.memref_squeeze %dma_wait3A_326 : memref<1x128x32xf32, #tpu.memory_space<vmem>> -> memref<128x32xf32, #tpu.memory_space<vmem>>
        %dma_wait3A_328 = arith.constant 0 : i32
        %dma_wait3A_329 = tpu.memref_slice %arg4[%add3A_105, %dma_wait3A_328] : memref<800000x128xf32, #tpu.memory_space<hbm>> -> memref<128x32xf32, #tpu.memory_space<hbm>>
        %dma_wait3A_330 = arith.constant 0 : i32
        %dma_wait3A_331 = tpu.memref_slice %arg4[%add3A_105, %dma_wait3A_330] : memref<800000x128xf32, #tpu.memory_space<hbm>> -> memref<128x32xf32, #tpu.memory_space<hbm>>
        %dma_wait3A_332 = arith.constant 0 : i32
        %dma_wait3A_333 = arith.constant 0 : i32
        %dma_wait3A_334 = tpu.memref_slice %arg7[%run_scoped3A_106, %dma_wait3A_332, %dma_wait3A_333] : memref<2x128x32xf32, #tpu.memory_space<vmem>> -> memref<1x128x32xf32, #tpu.memory_space<vmem>>
        %dma_wait3A_335 = tpu.memref_squeeze %dma_wait3A_334 : memref<1x128x32xf32, #tpu.memory_space<vmem>> -> memref<128x32xf32, #tpu.memory_space<vmem>>
        tpu.wait_dma2 semaphore(%run_scoped3A_311 : memref<!tpu.dma_semaphore, #tpu.memory_space<semaphore_mem>>) src(%dma_wait3A_335 : memref<128x32xf32, #tpu.memory_space<vmem>>) dst(%dma_wait3A_331 : memref<128x32xf32, #tpu.memory_space<hbm>>)
        tpu.yield
      }) : () -> ()
      %dma_start3A_107 = arith.constant 3 : i32
      %dma_start3A_108 = arith.constant 1 : i32
      %dma_start3A_109 = arith.constant 0 : i32
      %dma_start3A_110 = arith.constant 0 : i32
      %dma_start3A_111 = tpu.memref_slice %arg7[%dma_start3A_108, %dma_start3A_109, %dma_start3A_110] : memref<2x128x32xf32, #tpu.memory_space<vmem>> -> memref<1x128x32xf32, #tpu.memory_space<vmem>>
      %dma_start3A_112 = tpu.memref_squeeze %dma_start3A_111 : memref<1x128x32xf32, #tpu.memory_space<vmem>> -> memref<128x32xf32, #tpu.memory_space<vmem>>
      %dma_start3A_113 = arith.constant 0 : i32
      %dma_start3A_114 = tpu.memref_slice %arg6[%dma_start3A_107, %dma_start3A_113] : memref<10x128xi32, #tpu.memory_space<vmem>> -> memref<1x128xi32, #tpu.memory_space<vmem>>
      %dma_start3A_115 = tpu.memref_squeeze %dma_start3A_114 : memref<1x128xi32, #tpu.memory_space<vmem>> -> memref<128xi32, #tpu.memory_space<vmem>>
      %dma_start3A_116 = arith.constant 0 : i32
      %dma_start3A_117 = arith.constant 0 : i32
      %dma_start3A_118 = tpu.memref_slice %arg5[%dma_start3A_116, %dma_start3A_117] : memref<50000x32xf32, #tpu.memory_space<vmem_shared>> -> memref<50000x32xf32, #tpu.memory_space<vmem_shared>>
      tpu.enqueue_indirect_dma source(%dma_start3A_118 : memref<50000x32xf32, #tpu.memory_space<vmem_shared>>) target(%dma_start3A_112 : memref<128x32xf32, #tpu.memory_space<vmem>>) offsets(%dma_start3A_115 : memref<128xi32, #tpu.memory_space<vmem>>) semaphore(%arg8 : memref<!tpu.dma_semaphore, #tpu.memory_space<semaphore_mem>>)
      %dma_wait3A_119 = arith.constant 2 : i32
      %dma_wait3A_120 = arith.constant 0 : i32
      %dma_wait3A_121 = arith.constant 0 : i32
      %dma_wait3A_122 = arith.constant 0 : i32
      %dma_wait3A_123 = tpu.memref_slice %arg7[%dma_wait3A_120, %dma_wait3A_121, %dma_wait3A_122] : memref<2x128x32xf32, #tpu.memory_space<vmem>> -> memref<1x128x32xf32, #tpu.memory_space<vmem>>
      %dma_wait3A_124 = tpu.memref_squeeze %dma_wait3A_123 : memref<1x128x32xf32, #tpu.memory_space<vmem>> -> memref<128x32xf32, #tpu.memory_space<vmem>>
      %dma_wait3A_125 = arith.constant 0 : i32
      %dma_wait3A_126 = tpu.memref_slice %arg6[%dma_wait3A_119, %dma_wait3A_125] : memref<10x128xi32, #tpu.memory_space<vmem>> -> memref<1x128xi32, #tpu.memory_space<vmem>>
      %dma_wait3A_127 = tpu.memref_squeeze %dma_wait3A_126 : memref<1x128xi32, #tpu.memory_space<vmem>> -> memref<128xi32, #tpu.memory_space<vmem>>
      %dma_wait3A_128 = arith.constant 0 : i32
      %dma_wait3A_129 = arith.constant 0 : i32
      %dma_wait3A_130 = tpu.memref_slice %arg5[%dma_wait3A_128, %dma_wait3A_129] : memref<50000x32xf32, #tpu.memory_space<vmem_shared>> -> memref<50000x32xf32, #tpu.memory_space<vmem_shared>>
      tpu.wait_indirect_dma semaphore(%arg8 : memref<!tpu.dma_semaphore, #tpu.memory_space<semaphore_mem>>) src(%dma_wait3A_130 : memref<50000x32xf32, #tpu.memory_space<vmem_shared>>) dst(%dma_wait3A_124 : memref<128x32xf32, #tpu.memory_space<vmem>>)
      %add3A_131 = arith.constant 256 : i32
      %add3A_132 = arith.addi %mul3A_43, %add3A_131 : i32
      %run_scoped3A_133 = arith.constant 0 : i32
      "tpu.region"() ({
        %run_scoped3A_311 = tpu.sem_alloc : memref<!tpu.dma_semaphore, #tpu.memory_space<semaphore_mem>>
        %dma_start3A_312 = arith.constant 0 : i32
        %dma_start3A_313 = arith.constant 0 : i32
        %dma_start3A_314 = tpu.memref_slice %arg7[%run_scoped3A_133, %dma_start3A_312, %dma_start3A_313] : memref<2x128x32xf32, #tpu.memory_space<vmem>> -> memref<1x128x32xf32, #tpu.memory_space<vmem>>
        %dma_start3A_315 = tpu.memref_squeeze %dma_start3A_314 : memref<1x128x32xf32, #tpu.memory_space<vmem>> -> memref<128x32xf32, #tpu.memory_space<vmem>>
        %dma_start3A_316 = arith.constant 0 : i32
        %dma_start3A_317 = tpu.memref_slice %arg4[%add3A_132, %dma_start3A_316] : memref<800000x128xf32, #tpu.memory_space<hbm>> -> memref<128x32xf32, #tpu.memory_space<hbm>>
        %dma_start3A_318 = arith.constant 0 : i32
        %dma_start3A_319 = tpu.memref_slice %arg4[%add3A_132, %dma_start3A_318] : memref<800000x128xf32, #tpu.memory_space<hbm>> -> memref<128x32xf32, #tpu.memory_space<hbm>>
        %dma_start3A_320 = arith.constant 0 : i32
        %dma_start3A_321 = arith.constant 0 : i32
        %dma_start3A_322 = tpu.memref_slice %arg7[%run_scoped3A_133, %dma_start3A_320, %dma_start3A_321] : memref<2x128x32xf32, #tpu.memory_space<vmem>> -> memref<1x128x32xf32, #tpu.memory_space<vmem>>
        %dma_start3A_323 = tpu.memref_squeeze %dma_start3A_322 : memref<1x128x32xf32, #tpu.memory_space<vmem>> -> memref<128x32xf32, #tpu.memory_space<vmem>>
        tpu.enqueue_dma source(%dma_start3A_323 : memref<128x32xf32, #tpu.memory_space<vmem>>) target(%dma_start3A_319 : memref<128x32xf32, #tpu.memory_space<hbm>>) target_semaphore(%run_scoped3A_311 : memref<!tpu.dma_semaphore, #tpu.memory_space<semaphore_mem>>)
        %dma_wait3A_324 = arith.constant 0 : i32
        %dma_wait3A_325 = arith.constant 0 : i32
        %dma_wait3A_326 = tpu.memref_slice %arg7[%run_scoped3A_133, %dma_wait3A_324, %dma_wait3A_325] : memref<2x128x32xf32, #tpu.memory_space<vmem>> -> memref<1x128x32xf32, #tpu.memory_space<vmem>>
        %dma_wait3A_327 = tpu.memref_squeeze %dma_wait3A_326 : memref<1x128x32xf32, #tpu.memory_space<vmem>> -> memref<128x32xf32, #tpu.memory_space<vmem>>
        %dma_wait3A_328 = arith.constant 0 : i32
        %dma_wait3A_329 = tpu.memref_slice %arg4[%add3A_132, %dma_wait3A_328] : memref<800000x128xf32, #tpu.memory_space<hbm>> -> memref<128x32xf32, #tpu.memory_space<hbm>>
        %dma_wait3A_330 = arith.constant 0 : i32
        %dma_wait3A_331 = tpu.memref_slice %arg4[%add3A_132, %dma_wait3A_330] : memref<800000x128xf32, #tpu.memory_space<hbm>> -> memref<128x32xf32, #tpu.memory_space<hbm>>
        %dma_wait3A_332 = arith.constant 0 : i32
        %dma_wait3A_333 = arith.constant 0 : i32
        %dma_wait3A_334 = tpu.memref_slice %arg7[%run_scoped3A_133, %dma_wait3A_332, %dma_wait3A_333] : memref<2x128x32xf32, #tpu.memory_space<vmem>> -> memref<1x128x32xf32, #tpu.memory_space<vmem>>
        %dma_wait3A_335 = tpu.memref_squeeze %dma_wait3A_334 : memref<1x128x32xf32, #tpu.memory_space<vmem>> -> memref<128x32xf32, #tpu.memory_space<vmem>>
        tpu.wait_dma2 semaphore(%run_scoped3A_311 : memref<!tpu.dma_semaphore, #tpu.memory_space<semaphore_mem>>) src(%dma_wait3A_335 : memref<128x32xf32, #tpu.memory_space<vmem>>) dst(%dma_wait3A_331 : memref<128x32xf32, #tpu.memory_space<hbm>>)
        tpu.yield
      }) : () -> ()
      %dma_start3A_134 = arith.constant 4 : i32
      %dma_start3A_135 = arith.constant 0 : i32
      %dma_start3A_136 = arith.constant 0 : i32
      %dma_start3A_137 = arith.constant 0 : i32
      %dma_start3A_138 = tpu.memref_slice %arg7[%dma_start3A_135, %dma_start3A_136, %dma_start3A_137] : memref<2x128x32xf32, #tpu.memory_space<vmem>> -> memref<1x128x32xf32, #tpu.memory_space<vmem>>
      %dma_start3A_139 = tpu.memref_squeeze %dma_start3A_138 : memref<1x128x32xf32, #tpu.memory_space<vmem>> -> memref<128x32xf32, #tpu.memory_space<vmem>>
      %dma_start3A_140 = arith.constant 0 : i32
      %dma_start3A_141 = tpu.memref_slice %arg6[%dma_start3A_134, %dma_start3A_140] : memref<10x128xi32, #tpu.memory_space<vmem>> -> memref<1x128xi32, #tpu.memory_space<vmem>>
      %dma_start3A_142 = tpu.memref_squeeze %dma_start3A_141 : memref<1x128xi32, #tpu.memory_space<vmem>> -> memref<128xi32, #tpu.memory_space<vmem>>
      %dma_start3A_143 = arith.constant 0 : i32
      %dma_start3A_144 = arith.constant 0 : i32
      %dma_start3A_145 = tpu.memref_slice %arg5[%dma_start3A_143, %dma_start3A_144] : memref<50000x32xf32, #tpu.memory_space<vmem_shared>> -> memref<50000x32xf32, #tpu.memory_space<vmem_shared>>
      tpu.enqueue_indirect_dma source(%dma_start3A_145 : memref<50000x32xf32, #tpu.memory_space<vmem_shared>>) target(%dma_start3A_139 : memref<128x32xf32, #tpu.memory_space<vmem>>) offsets(%dma_start3A_142 : memref<128xi32, #tpu.memory_space<vmem>>) semaphore(%arg8 : memref<!tpu.dma_semaphore, #tpu.memory_space<semaphore_mem>>)
      %dma_wait3A_146 = arith.constant 3 : i32
      %dma_wait3A_147 = arith.constant 1 : i32
      %dma_wait3A_148 = arith.constant 0 : i32
      %dma_wait3A_149 = arith.constant 0 : i32
      %dma_wait3A_150 = tpu.memref_slice %arg7[%dma_wait3A_147, %dma_wait3A_148, %dma_wait3A_149] : memref<2x128x32xf32, #tpu.memory_space<vmem>> -> memref<1x128x32xf32, #tpu.memory_space<vmem>>
      %dma_wait3A_151 = tpu.memref_squeeze %dma_wait3A_150 : memref<1x128x32xf32, #tpu.memory_space<vmem>> -> memref<128x32xf32, #tpu.memory_space<vmem>>
      %dma_wait3A_152 = arith.constant 0 : i32
      %dma_wait3A_153 = tpu.memref_slice %arg6[%dma_wait3A_146, %dma_wait3A_152] : memref<10x128xi32, #tpu.memory_space<vmem>> -> memref<1x128xi32, #tpu.memory_space<vmem>>
      %dma_wait3A_154 = tpu.memref_squeeze %dma_wait3A_153 : memref<1x128xi32, #tpu.memory_space<vmem>> -> memref<128xi32, #tpu.memory_space<vmem>>
      %dma_wait3A_155 = arith.constant 0 : i32
      %dma_wait3A_156 = arith.constant 0 : i32
      %dma_wait3A_157 = tpu.memref_slice %arg5[%dma_wait3A_155, %dma_wait3A_156] : memref<50000x32xf32, #tpu.memory_space<vmem_shared>> -> memref<50000x32xf32, #tpu.memory_space<vmem_shared>>
      tpu.wait_indirect_dma semaphore(%arg8 : memref<!tpu.dma_semaphore, #tpu.memory_space<semaphore_mem>>) src(%dma_wait3A_157 : memref<50000x32xf32, #tpu.memory_space<vmem_shared>>) dst(%dma_wait3A_151 : memref<128x32xf32, #tpu.memory_space<vmem>>)
      %add3A_158 = arith.constant 384 : i32
      %add3A_159 = arith.addi %mul3A_43, %add3A_158 : i32
      %run_scoped3A_160 = arith.constant 1 : i32
      "tpu.region"() ({
        %run_scoped3A_311 = tpu.sem_alloc : memref<!tpu.dma_semaphore, #tpu.memory_space<semaphore_mem>>
        %dma_start3A_312 = arith.constant 0 : i32
        %dma_start3A_313 = arith.constant 0 : i32
        %dma_start3A_314 = tpu.memref_slice %arg7[%run_scoped3A_160, %dma_start3A_312, %dma_start3A_313] : memref<2x128x32xf32, #tpu.memory_space<vmem>> -> memref<1x128x32xf32, #tpu.memory_space<vmem>>
        %dma_start3A_315 = tpu.memref_squeeze %dma_start3A_314 : memref<1x128x32xf32, #tpu.memory_space<vmem>> -> memref<128x32xf32, #tpu.memory_space<vmem>>
        %dma_start3A_316 = arith.constant 0 : i32
        %dma_start3A_317 = tpu.memref_slice %arg4[%add3A_159, %dma_start3A_316] : memref<800000x128xf32, #tpu.memory_space<hbm>> -> memref<128x32xf32, #tpu.memory_space<hbm>>
        %dma_start3A_318 = arith.constant 0 : i32
        %dma_start3A_319 = tpu.memref_slice %arg4[%add3A_159, %dma_start3A_318] : memref<800000x128xf32, #tpu.memory_space<hbm>> -> memref<128x32xf32, #tpu.memory_space<hbm>>
        %dma_start3A_320 = arith.constant 0 : i32
        %dma_start3A_321 = arith.constant 0 : i32
        %dma_start3A_322 = tpu.memref_slice %arg7[%run_scoped3A_160, %dma_start3A_320, %dma_start3A_321] : memref<2x128x32xf32, #tpu.memory_space<vmem>> -> memref<1x128x32xf32, #tpu.memory_space<vmem>>
        %dma_start3A_323 = tpu.memref_squeeze %dma_start3A_322 : memref<1x128x32xf32, #tpu.memory_space<vmem>> -> memref<128x32xf32, #tpu.memory_space<vmem>>
        tpu.enqueue_dma source(%dma_start3A_323 : memref<128x32xf32, #tpu.memory_space<vmem>>) target(%dma_start3A_319 : memref<128x32xf32, #tpu.memory_space<hbm>>) target_semaphore(%run_scoped3A_311 : memref<!tpu.dma_semaphore, #tpu.memory_space<semaphore_mem>>)
        %dma_wait3A_324 = arith.constant 0 : i32
        %dma_wait3A_325 = arith.constant 0 : i32
        %dma_wait3A_326 = tpu.memref_slice %arg7[%run_scoped3A_160, %dma_wait3A_324, %dma_wait3A_325] : memref<2x128x32xf32, #tpu.memory_space<vmem>> -> memref<1x128x32xf32, #tpu.memory_space<vmem>>
        %dma_wait3A_327 = tpu.memref_squeeze %dma_wait3A_326 : memref<1x128x32xf32, #tpu.memory_space<vmem>> -> memref<128x32xf32, #tpu.memory_space<vmem>>
        %dma_wait3A_328 = arith.constant 0 : i32
        %dma_wait3A_329 = tpu.memref_slice %arg4[%add3A_159, %dma_wait3A_328] : memref<800000x128xf32, #tpu.memory_space<hbm>> -> memref<128x32xf32, #tpu.memory_space<hbm>>
        %dma_wait3A_330 = arith.constant 0 : i32
        %dma_wait3A_331 = tpu.memref_slice %arg4[%add3A_159, %dma_wait3A_330] : memref<800000x128xf32, #tpu.memory_space<hbm>> -> memref<128x32xf32, #tpu.memory_space<hbm>>
        %dma_wait3A_332 = arith.constant 0 : i32
        %dma_wait3A_333 = arith.constant 0 : i32
        %dma_wait3A_334 = tpu.memref_slice %arg7[%run_scoped3A_160, %dma_wait3A_332, %dma_wait3A_333] : memref<2x128x32xf32, #tpu.memory_space<vmem>> -> memref<1x128x32xf32, #tpu.memory_space<vmem>>
        %dma_wait3A_335 = tpu.memref_squeeze %dma_wait3A_334 : memref<1x128x32xf32, #tpu.memory_space<vmem>> -> memref<128x32xf32, #tpu.memory_space<vmem>>
        tpu.wait_dma2 semaphore(%run_scoped3A_311 : memref<!tpu.dma_semaphore, #tpu.memory_space<semaphore_mem>>) src(%dma_wait3A_335 : memref<128x32xf32, #tpu.memory_space<vmem>>) dst(%dma_wait3A_331 : memref<128x32xf32, #tpu.memory_space<hbm>>)
        tpu.yield
      }) : () -> ()
      %dma_start3A_161 = arith.constant 5 : i32
      %dma_start3A_162 = arith.constant 1 : i32
      %dma_start3A_163 = arith.constant 0 : i32
      %dma_start3A_164 = arith.constant 0 : i32
      %dma_start3A_165 = tpu.memref_slice %arg7[%dma_start3A_162, %dma_start3A_163, %dma_start3A_164] : memref<2x128x32xf32, #tpu.memory_space<vmem>> -> memref<1x128x32xf32, #tpu.memory_space<vmem>>
      %dma_start3A_166 = tpu.memref_squeeze %dma_start3A_165 : memref<1x128x32xf32, #tpu.memory_space<vmem>> -> memref<128x32xf32, #tpu.memory_space<vmem>>
      %dma_start3A_167 = arith.constant 0 : i32
      %dma_start3A_168 = tpu.memref_slice %arg6[%dma_start3A_161, %dma_start3A_167] : memref<10x128xi32, #tpu.memory_space<vmem>> -> memref<1x128xi32, #tpu.memory_space<vmem>>
      %dma_start3A_169 = tpu.memref_squeeze %dma_start3A_168 : memref<1x128xi32, #tpu.memory_space<vmem>> -> memref<128xi32, #tpu.memory_space<vmem>>
      %dma_start3A_170 = arith.constant 0 : i32
      %dma_start3A_171 = arith.constant 0 : i32
      %dma_start3A_172 = tpu.memref_slice %arg5[%dma_start3A_170, %dma_start3A_171] : memref<50000x32xf32, #tpu.memory_space<vmem_shared>> -> memref<50000x32xf32, #tpu.memory_space<vmem_shared>>
      tpu.enqueue_indirect_dma source(%dma_start3A_172 : memref<50000x32xf32, #tpu.memory_space<vmem_shared>>) target(%dma_start3A_166 : memref<128x32xf32, #tpu.memory_space<vmem>>) offsets(%dma_start3A_169 : memref<128xi32, #tpu.memory_space<vmem>>) semaphore(%arg8 : memref<!tpu.dma_semaphore, #tpu.memory_space<semaphore_mem>>)
      %dma_wait3A_173 = arith.constant 4 : i32
      %dma_wait3A_174 = arith.constant 0 : i32
      %dma_wait3A_175 = arith.constant 0 : i32
      %dma_wait3A_176 = arith.constant 0 : i32
      %dma_wait3A_177 = tpu.memref_slice %arg7[%dma_wait3A_174, %dma_wait3A_175, %dma_wait3A_176] : memref<2x128x32xf32, #tpu.memory_space<vmem>> -> memref<1x128x32xf32, #tpu.memory_space<vmem>>
      %dma_wait3A_178 = tpu.memref_squeeze %dma_wait3A_177 : memref<1x128x32xf32, #tpu.memory_space<vmem>> -> memref<128x32xf32, #tpu.memory_space<vmem>>
      %dma_wait3A_179 = arith.constant 0 : i32
      %dma_wait3A_180 = tpu.memref_slice %arg6[%dma_wait3A_173, %dma_wait3A_179] : memref<10x128xi32, #tpu.memory_space<vmem>> -> memref<1x128xi32, #tpu.memory_space<vmem>>
      %dma_wait3A_181 = tpu.memref_squeeze %dma_wait3A_180 : memref<1x128xi32, #tpu.memory_space<vmem>> -> memref<128xi32, #tpu.memory_space<vmem>>
      %dma_wait3A_182 = arith.constant 0 : i32
      %dma_wait3A_183 = arith.constant 0 : i32
      %dma_wait3A_184 = tpu.memref_slice %arg5[%dma_wait3A_182, %dma_wait3A_183] : memref<50000x32xf32, #tpu.memory_space<vmem_shared>> -> memref<50000x32xf32, #tpu.memory_space<vmem_shared>>
      tpu.wait_indirect_dma semaphore(%arg8 : memref<!tpu.dma_semaphore, #tpu.memory_space<semaphore_mem>>) src(%dma_wait3A_184 : memref<50000x32xf32, #tpu.memory_space<vmem_shared>>) dst(%dma_wait3A_178 : memref<128x32xf32, #tpu.memory_space<vmem>>)
      %add3A_185 = arith.constant 512 : i32
      %add3A_186 = arith.addi %mul3A_43, %add3A_185 : i32
      %run_scoped3A_187 = arith.constant 0 : i32
      "tpu.region"() ({
        %run_scoped3A_311 = tpu.sem_alloc : memref<!tpu.dma_semaphore, #tpu.memory_space<semaphore_mem>>
        %dma_start3A_312 = arith.constant 0 : i32
        %dma_start3A_313 = arith.constant 0 : i32
        %dma_start3A_314 = tpu.memref_slice %arg7[%run_scoped3A_187, %dma_start3A_312, %dma_start3A_313] : memref<2x128x32xf32, #tpu.memory_space<vmem>> -> memref<1x128x32xf32, #tpu.memory_space<vmem>>
        %dma_start3A_315 = tpu.memref_squeeze %dma_start3A_314 : memref<1x128x32xf32, #tpu.memory_space<vmem>> -> memref<128x32xf32, #tpu.memory_space<vmem>>
        %dma_start3A_316 = arith.constant 0 : i32
        %dma_start3A_317 = tpu.memref_slice %arg4[%add3A_186, %dma_start3A_316] : memref<800000x128xf32, #tpu.memory_space<hbm>> -> memref<128x32xf32, #tpu.memory_space<hbm>>
        %dma_start3A_318 = arith.constant 0 : i32
        %dma_start3A_319 = tpu.memref_slice %arg4[%add3A_186, %dma_start3A_318] : memref<800000x128xf32, #tpu.memory_space<hbm>> -> memref<128x32xf32, #tpu.memory_space<hbm>>
        %dma_start3A_320 = arith.constant 0 : i32
        %dma_start3A_321 = arith.constant 0 : i32
        %dma_start3A_322 = tpu.memref_slice %arg7[%run_scoped3A_187, %dma_start3A_320, %dma_start3A_321] : memref<2x128x32xf32, #tpu.memory_space<vmem>> -> memref<1x128x32xf32, #tpu.memory_space<vmem>>
        %dma_start3A_323 = tpu.memref_squeeze %dma_start3A_322 : memref<1x128x32xf32, #tpu.memory_space<vmem>> -> memref<128x32xf32, #tpu.memory_space<vmem>>
        tpu.enqueue_dma source(%dma_start3A_323 : memref<128x32xf32, #tpu.memory_space<vmem>>) target(%dma_start3A_319 : memref<128x32xf32, #tpu.memory_space<hbm>>) target_semaphore(%run_scoped3A_311 : memref<!tpu.dma_semaphore, #tpu.memory_space<semaphore_mem>>)
        %dma_wait3A_324 = arith.constant 0 : i32
        %dma_wait3A_325 = arith.constant 0 : i32
        %dma_wait3A_326 = tpu.memref_slice %arg7[%run_scoped3A_187, %dma_wait3A_324, %dma_wait3A_325] : memref<2x128x32xf32, #tpu.memory_space<vmem>> -> memref<1x128x32xf32, #tpu.memory_space<vmem>>
        %dma_wait3A_327 = tpu.memref_squeeze %dma_wait3A_326 : memref<1x128x32xf32, #tpu.memory_space<vmem>> -> memref<128x32xf32, #tpu.memory_space<vmem>>
        %dma_wait3A_328 = arith.constant 0 : i32
        %dma_wait3A_329 = tpu.memref_slice %arg4[%add3A_186, %dma_wait3A_328] : memref<800000x128xf32, #tpu.memory_space<hbm>> -> memref<128x32xf32, #tpu.memory_space<hbm>>
        %dma_wait3A_330 = arith.constant 0 : i32
        %dma_wait3A_331 = tpu.memref_slice %arg4[%add3A_186, %dma_wait3A_330] : memref<800000x128xf32, #tpu.memory_space<hbm>> -> memref<128x32xf32, #tpu.memory_space<hbm>>
        %dma_wait3A_332 = arith.constant 0 : i32
        %dma_wait3A_333 = arith.constant 0 : i32
        %dma_wait3A_334 = tpu.memref_slice %arg7[%run_scoped3A_187, %dma_wait3A_332, %dma_wait3A_333] : memref<2x128x32xf32, #tpu.memory_space<vmem>> -> memref<1x128x32xf32, #tpu.memory_space<vmem>>
        %dma_wait3A_335 = tpu.memref_squeeze %dma_wait3A_334 : memref<1x128x32xf32, #tpu.memory_space<vmem>> -> memref<128x32xf32, #tpu.memory_space<vmem>>
        tpu.wait_dma2 semaphore(%run_scoped3A_311 : memref<!tpu.dma_semaphore, #tpu.memory_space<semaphore_mem>>) src(%dma_wait3A_335 : memref<128x32xf32, #tpu.memory_space<vmem>>) dst(%dma_wait3A_331 : memref<128x32xf32, #tpu.memory_space<hbm>>)
        tpu.yield
      }) : () -> ()
      %dma_start3A_188 = arith.constant 6 : i32
      %dma_start3A_189 = arith.constant 0 : i32
      %dma_start3A_190 = arith.constant 0 : i32
      %dma_start3A_191 = arith.constant 0 : i32
      %dma_start3A_192 = tpu.memref_slice %arg7[%dma_start3A_189, %dma_start3A_190, %dma_start3A_191] : memref<2x128x32xf32, #tpu.memory_space<vmem>> -> memref<1x128x32xf32, #tpu.memory_space<vmem>>
      %dma_start3A_193 = tpu.memref_squeeze %dma_start3A_192 : memref<1x128x32xf32, #tpu.memory_space<vmem>> -> memref<128x32xf32, #tpu.memory_space<vmem>>
      %dma_start3A_194 = arith.constant 0 : i32
      %dma_start3A_195 = tpu.memref_slice %arg6[%dma_start3A_188, %dma_start3A_194] : memref<10x128xi32, #tpu.memory_space<vmem>> -> memref<1x128xi32, #tpu.memory_space<vmem>>
      %dma_start3A_196 = tpu.memref_squeeze %dma_start3A_195 : memref<1x128xi32, #tpu.memory_space<vmem>> -> memref<128xi32, #tpu.memory_space<vmem>>
      %dma_start3A_197 = arith.constant 0 : i32
      %dma_start3A_198 = arith.constant 0 : i32
      %dma_start3A_199 = tpu.memref_slice %arg5[%dma_start3A_197, %dma_start3A_198] : memref<50000x32xf32, #tpu.memory_space<vmem_shared>> -> memref<50000x32xf32, #tpu.memory_space<vmem_shared>>
      tpu.enqueue_indirect_dma source(%dma_start3A_199 : memref<50000x32xf32, #tpu.memory_space<vmem_shared>>) target(%dma_start3A_193 : memref<128x32xf32, #tpu.memory_space<vmem>>) offsets(%dma_start3A_196 : memref<128xi32, #tpu.memory_space<vmem>>) semaphore(%arg8 : memref<!tpu.dma_semaphore, #tpu.memory_space<semaphore_mem>>)
      %dma_wait3A_200 = arith.constant 5 : i32
      %dma_wait3A_201 = arith.constant 1 : i32
      %dma_wait3A_202 = arith.constant 0 : i32
      %dma_wait3A_203 = arith.constant 0 : i32
      %dma_wait3A_204 = tpu.memref_slice %arg7[%dma_wait3A_201, %dma_wait3A_202, %dma_wait3A_203] : memref<2x128x32xf32, #tpu.memory_space<vmem>> -> memref<1x128x32xf32, #tpu.memory_space<vmem>>
      %dma_wait3A_205 = tpu.memref_squeeze %dma_wait3A_204 : memref<1x128x32xf32, #tpu.memory_space<vmem>> -> memref<128x32xf32, #tpu.memory_space<vmem>>
      %dma_wait3A_206 = arith.constant 0 : i32
      %dma_wait3A_207 = tpu.memref_slice %arg6[%dma_wait3A_200, %dma_wait3A_206] : memref<10x128xi32, #tpu.memory_space<vmem>> -> memref<1x128xi32, #tpu.memory_space<vmem>>
      %dma_wait3A_208 = tpu.memref_squeeze %dma_wait3A_207 : memref<1x128xi32, #tpu.memory_space<vmem>> -> memref<128xi32, #tpu.memory_space<vmem>>
      %dma_wait3A_209 = arith.constant 0 : i32
      %dma_wait3A_210 = arith.constant 0 : i32
      %dma_wait3A_211 = tpu.memref_slice %arg5[%dma_wait3A_209, %dma_wait3A_210] : memref<50000x32xf32, #tpu.memory_space<vmem_shared>> -> memref<50000x32xf32, #tpu.memory_space<vmem_shared>>
      tpu.wait_indirect_dma semaphore(%arg8 : memref<!tpu.dma_semaphore, #tpu.memory_space<semaphore_mem>>) src(%dma_wait3A_211 : memref<50000x32xf32, #tpu.memory_space<vmem_shared>>) dst(%dma_wait3A_205 : memref<128x32xf32, #tpu.memory_space<vmem>>)
      %add3A_212 = arith.constant 640 : i32
      %add3A_213 = arith.addi %mul3A_43, %add3A_212 : i32
      %run_scoped3A_214 = arith.constant 1 : i32
      "tpu.region"() ({
        %run_scoped3A_311 = tpu.sem_alloc : memref<!tpu.dma_semaphore, #tpu.memory_space<semaphore_mem>>
        %dma_start3A_312 = arith.constant 0 : i32
        %dma_start3A_313 = arith.constant 0 : i32
        %dma_start3A_314 = tpu.memref_slice %arg7[%run_scoped3A_214, %dma_start3A_312, %dma_start3A_313] : memref<2x128x32xf32, #tpu.memory_space<vmem>> -> memref<1x128x32xf32, #tpu.memory_space<vmem>>
        %dma_start3A_315 = tpu.memref_squeeze %dma_start3A_314 : memref<1x128x32xf32, #tpu.memory_space<vmem>> -> memref<128x32xf32, #tpu.memory_space<vmem>>
        %dma_start3A_316 = arith.constant 0 : i32
        %dma_start3A_317 = tpu.memref_slice %arg4[%add3A_213, %dma_start3A_316] : memref<800000x128xf32, #tpu.memory_space<hbm>> -> memref<128x32xf32, #tpu.memory_space<hbm>>
        %dma_start3A_318 = arith.constant 0 : i32
        %dma_start3A_319 = tpu.memref_slice %arg4[%add3A_213, %dma_start3A_318] : memref<800000x128xf32, #tpu.memory_space<hbm>> -> memref<128x32xf32, #tpu.memory_space<hbm>>
        %dma_start3A_320 = arith.constant 0 : i32
        %dma_start3A_321 = arith.constant 0 : i32
        %dma_start3A_322 = tpu.memref_slice %arg7[%run_scoped3A_214, %dma_start3A_320, %dma_start3A_321] : memref<2x128x32xf32, #tpu.memory_space<vmem>> -> memref<1x128x32xf32, #tpu.memory_space<vmem>>
        %dma_start3A_323 = tpu.memref_squeeze %dma_start3A_322 : memref<1x128x32xf32, #tpu.memory_space<vmem>> -> memref<128x32xf32, #tpu.memory_space<vmem>>
        tpu.enqueue_dma source(%dma_start3A_323 : memref<128x32xf32, #tpu.memory_space<vmem>>) target(%dma_start3A_319 : memref<128x32xf32, #tpu.memory_space<hbm>>) target_semaphore(%run_scoped3A_311 : memref<!tpu.dma_semaphore, #tpu.memory_space<semaphore_mem>>)
        %dma_wait3A_324 = arith.constant 0 : i32
        %dma_wait3A_325 = arith.constant 0 : i32
        %dma_wait3A_326 = tpu.memref_slice %arg7[%run_scoped3A_214, %dma_wait3A_324, %dma_wait3A_325] : memref<2x128x32xf32, #tpu.memory_space<vmem>> -> memref<1x128x32xf32, #tpu.memory_space<vmem>>
        %dma_wait3A_327 = tpu.memref_squeeze %dma_wait3A_326 : memref<1x128x32xf32, #tpu.memory_space<vmem>> -> memref<128x32xf32, #tpu.memory_space<vmem>>
        %dma_wait3A_328 = arith.constant 0 : i32
        %dma_wait3A_329 = tpu.memref_slice %arg4[%add3A_213, %dma_wait3A_328] : memref<800000x128xf32, #tpu.memory_space<hbm>> -> memref<128x32xf32, #tpu.memory_space<hbm>>
        %dma_wait3A_330 = arith.constant 0 : i32
        %dma_wait3A_331 = tpu.memref_slice %arg4[%add3A_213, %dma_wait3A_330] : memref<800000x128xf32, #tpu.memory_space<hbm>> -> memref<128x32xf32, #tpu.memory_space<hbm>>
        %dma_wait3A_332 = arith.constant 0 : i32
        %dma_wait3A_333 = arith.constant 0 : i32
        %dma_wait3A_334 = tpu.memref_slice %arg7[%run_scoped3A_214, %dma_wait3A_332, %dma_wait3A_333] : memref<2x128x32xf32, #tpu.memory_space<vmem>> -> memref<1x128x32xf32, #tpu.memory_space<vmem>>
        %dma_wait3A_335 = tpu.memref_squeeze %dma_wait3A_334 : memref<1x128x32xf32, #tpu.memory_space<vmem>> -> memref<128x32xf32, #tpu.memory_space<vmem>>
        tpu.wait_dma2 semaphore(%run_scoped3A_311 : memref<!tpu.dma_semaphore, #tpu.memory_space<semaphore_mem>>) src(%dma_wait3A_335 : memref<128x32xf32, #tpu.memory_space<vmem>>) dst(%dma_wait3A_331 : memref<128x32xf32, #tpu.memory_space<hbm>>)
        tpu.yield
      }) : () -> ()
      %dma_start3A_215 = arith.constant 7 : i32
      %dma_start3A_216 = arith.constant 1 : i32
      %dma_start3A_217 = arith.constant 0 : i32
      %dma_start3A_218 = arith.constant 0 : i32
      %dma_start3A_219 = tpu.memref_slice %arg7[%dma_start3A_216, %dma_start3A_217, %dma_start3A_218] : memref<2x128x32xf32, #tpu.memory_space<vmem>> -> memref<1x128x32xf32, #tpu.memory_space<vmem>>
      %dma_start3A_220 = tpu.memref_squeeze %dma_start3A_219 : memref<1x128x32xf32, #tpu.memory_space<vmem>> -> memref<128x32xf32, #tpu.memory_space<vmem>>
      %dma_start3A_221 = arith.constant 0 : i32
      %dma_start3A_222 = tpu.memref_slice %arg6[%dma_start3A_215, %dma_start3A_221] : memref<10x128xi32, #tpu.memory_space<vmem>> -> memref<1x128xi32, #tpu.memory_space<vmem>>
      %dma_start3A_223 = tpu.memref_squeeze %dma_start3A_222 : memref<1x128xi32, #tpu.memory_space<vmem>> -> memref<128xi32, #tpu.memory_space<vmem>>
      %dma_start3A_224 = arith.constant 0 : i32
      %dma_start3A_225 = arith.constant 0 : i32
      %dma_start3A_226 = tpu.memref_slice %arg5[%dma_start3A_224, %dma_start3A_225] : memref<50000x32xf32, #tpu.memory_space<vmem_shared>> -> memref<50000x32xf32, #tpu.memory_space<vmem_shared>>
      tpu.enqueue_indirect_dma source(%dma_start3A_226 : memref<50000x32xf32, #tpu.memory_space<vmem_shared>>) target(%dma_start3A_220 : memref<128x32xf32, #tpu.memory_space<vmem>>) offsets(%dma_start3A_223 : memref<128xi32, #tpu.memory_space<vmem>>) semaphore(%arg8 : memref<!tpu.dma_semaphore, #tpu.memory_space<semaphore_mem>>)
      %dma_wait3A_227 = arith.constant 6 : i32
      %dma_wait3A_228 = arith.constant 0 : i32
      %dma_wait3A_229 = arith.constant 0 : i32
      %dma_wait3A_230 = arith.constant 0 : i32
      %dma_wait3A_231 = tpu.memref_slice %arg7[%dma_wait3A_228, %dma_wait3A_229, %dma_wait3A_230] : memref<2x128x32xf32, #tpu.memory_space<vmem>> -> memref<1x128x32xf32, #tpu.memory_space<vmem>>
      %dma_wait3A_232 = tpu.memref_squeeze %dma_wait3A_231 : memref<1x128x32xf32, #tpu.memory_space<vmem>> -> memref<128x32xf32, #tpu.memory_space<vmem>>
      %dma_wait3A_233 = arith.constant 0 : i32
      %dma_wait3A_234 = tpu.memref_slice %arg6[%dma_wait3A_227, %dma_wait3A_233] : memref<10x128xi32, #tpu.memory_space<vmem>> -> memref<1x128xi32, #tpu.memory_space<vmem>>
      %dma_wait3A_235 = tpu.memref_squeeze %dma_wait3A_234 : memref<1x128xi32, #tpu.memory_space<vmem>> -> memref<128xi32, #tpu.memory_space<vmem>>
      %dma_wait3A_236 = arith.constant 0 : i32
      %dma_wait3A_237 = arith.constant 0 : i32
      %dma_wait3A_238 = tpu.memref_slice %arg5[%dma_wait3A_236, %dma_wait3A_237] : memref<50000x32xf32, #tpu.memory_space<vmem_shared>> -> memref<50000x32xf32, #tpu.memory_space<vmem_shared>>
      tpu.wait_indirect_dma semaphore(%arg8 : memref<!tpu.dma_semaphore, #tpu.memory_space<semaphore_mem>>) src(%dma_wait3A_238 : memref<50000x32xf32, #tpu.memory_space<vmem_shared>>) dst(%dma_wait3A_232 : memref<128x32xf32, #tpu.memory_space<vmem>>)
      %add3A_239 = arith.constant 768 : i32
      %add3A_240 = arith.addi %mul3A_43, %add3A_239 : i32
      %run_scoped3A_241 = arith.constant 0 : i32
      "tpu.region"() ({
        %run_scoped3A_311 = tpu.sem_alloc : memref<!tpu.dma_semaphore, #tpu.memory_space<semaphore_mem>>
        %dma_start3A_312 = arith.constant 0 : i32
        %dma_start3A_313 = arith.constant 0 : i32
        %dma_start3A_314 = tpu.memref_slice %arg7[%run_scoped3A_241, %dma_start3A_312, %dma_start3A_313] : memref<2x128x32xf32, #tpu.memory_space<vmem>> -> memref<1x128x32xf32, #tpu.memory_space<vmem>>
        %dma_start3A_315 = tpu.memref_squeeze %dma_start3A_314 : memref<1x128x32xf32, #tpu.memory_space<vmem>> -> memref<128x32xf32, #tpu.memory_space<vmem>>
        %dma_start3A_316 = arith.constant 0 : i32
        %dma_start3A_317 = tpu.memref_slice %arg4[%add3A_240, %dma_start3A_316] : memref<800000x128xf32, #tpu.memory_space<hbm>> -> memref<128x32xf32, #tpu.memory_space<hbm>>
        %dma_start3A_318 = arith.constant 0 : i32
        %dma_start3A_319 = tpu.memref_slice %arg4[%add3A_240, %dma_start3A_318] : memref<800000x128xf32, #tpu.memory_space<hbm>> -> memref<128x32xf32, #tpu.memory_space<hbm>>
        %dma_start3A_320 = arith.constant 0 : i32
        %dma_start3A_321 = arith.constant 0 : i32
        %dma_start3A_322 = tpu.memref_slice %arg7[%run_scoped3A_241, %dma_start3A_320, %dma_start3A_321] : memref<2x128x32xf32, #tpu.memory_space<vmem>> -> memref<1x128x32xf32, #tpu.memory_space<vmem>>
        %dma_start3A_323 = tpu.memref_squeeze %dma_start3A_322 : memref<1x128x32xf32, #tpu.memory_space<vmem>> -> memref<128x32xf32, #tpu.memory_space<vmem>>
        tpu.enqueue_dma source(%dma_start3A_323 : memref<128x32xf32, #tpu.memory_space<vmem>>) target(%dma_start3A_319 : memref<128x32xf32, #tpu.memory_space<hbm>>) target_semaphore(%run_scoped3A_311 : memref<!tpu.dma_semaphore, #tpu.memory_space<semaphore_mem>>)
        %dma_wait3A_324 = arith.constant 0 : i32
        %dma_wait3A_325 = arith.constant 0 : i32
        %dma_wait3A_326 = tpu.memref_slice %arg7[%run_scoped3A_241, %dma_wait3A_324, %dma_wait3A_325] : memref<2x128x32xf32, #tpu.memory_space<vmem>> -> memref<1x128x32xf32, #tpu.memory_space<vmem>>
        %dma_wait3A_327 = tpu.memref_squeeze %dma_wait3A_326 : memref<1x128x32xf32, #tpu.memory_space<vmem>> -> memref<128x32xf32, #tpu.memory_space<vmem>>
        %dma_wait3A_328 = arith.constant 0 : i32
        %dma_wait3A_329 = tpu.memref_slice %arg4[%add3A_240, %dma_wait3A_328] : memref<800000x128xf32, #tpu.memory_space<hbm>> -> memref<128x32xf32, #tpu.memory_space<hbm>>
        %dma_wait3A_330 = arith.constant 0 : i32
        %dma_wait3A_331 = tpu.memref_slice %arg4[%add3A_240, %dma_wait3A_330] : memref<800000x128xf32, #tpu.memory_space<hbm>> -> memref<128x32xf32, #tpu.memory_space<hbm>>
        %dma_wait3A_332 = arith.constant 0 : i32
        %dma_wait3A_333 = arith.constant 0 : i32
        %dma_wait3A_334 = tpu.memref_slice %arg7[%run_scoped3A_241, %dma_wait3A_332, %dma_wait3A_333] : memref<2x128x32xf32, #tpu.memory_space<vmem>> -> memref<1x128x32xf32, #tpu.memory_space<vmem>>
        %dma_wait3A_335 = tpu.memref_squeeze %dma_wait3A_334 : memref<1x128x32xf32, #tpu.memory_space<vmem>> -> memref<128x32xf32, #tpu.memory_space<vmem>>
        tpu.wait_dma2 semaphore(%run_scoped3A_311 : memref<!tpu.dma_semaphore, #tpu.memory_space<semaphore_mem>>) src(%dma_wait3A_335 : memref<128x32xf32, #tpu.memory_space<vmem>>) dst(%dma_wait3A_331 : memref<128x32xf32, #tpu.memory_space<hbm>>)
        tpu.yield
      }) : () -> ()
      %dma_start3A_242 = arith.constant 8 : i32
      %dma_start3A_243 = arith.constant 0 : i32
      %dma_start3A_244 = arith.constant 0 : i32
      %dma_start3A_245 = arith.constant 0 : i32
      %dma_start3A_246 = tpu.memref_slice %arg7[%dma_start3A_243, %dma_start3A_244, %dma_start3A_245] : memref<2x128x32xf32, #tpu.memory_space<vmem>> -> memref<1x128x32xf32, #tpu.memory_space<vmem>>
      %dma_start3A_247 = tpu.memref_squeeze %dma_start3A_246 : memref<1x128x32xf32, #tpu.memory_space<vmem>> -> memref<128x32xf32, #tpu.memory_space<vmem>>
      %dma_start3A_248 = arith.constant 0 : i32
      %dma_start3A_249 = tpu.memref_slice %arg6[%dma_start3A_242, %dma_start3A_248] : memref<10x128xi32, #tpu.memory_space<vmem>> -> memref<1x128xi32, #tpu.memory_space<vmem>>
      %dma_start3A_250 = tpu.memref_squeeze %dma_start3A_249 : memref<1x128xi32, #tpu.memory_space<vmem>> -> memref<128xi32, #tpu.memory_space<vmem>>
      %dma_start3A_251 = arith.constant 0 : i32
      %dma_start3A_252 = arith.constant 0 : i32
      %dma_start3A_253 = tpu.memref_slice %arg5[%dma_start3A_251, %dma_start3A_252] : memref<50000x32xf32, #tpu.memory_space<vmem_shared>> -> memref<50000x32xf32, #tpu.memory_space<vmem_shared>>
      tpu.enqueue_indirect_dma source(%dma_start3A_253 : memref<50000x32xf32, #tpu.memory_space<vmem_shared>>) target(%dma_start3A_247 : memref<128x32xf32, #tpu.memory_space<vmem>>) offsets(%dma_start3A_250 : memref<128xi32, #tpu.memory_space<vmem>>) semaphore(%arg8 : memref<!tpu.dma_semaphore, #tpu.memory_space<semaphore_mem>>)
      %dma_wait3A_254 = arith.constant 7 : i32
      %dma_wait3A_255 = arith.constant 1 : i32
      %dma_wait3A_256 = arith.constant 0 : i32
      %dma_wait3A_257 = arith.constant 0 : i32
      %dma_wait3A_258 = tpu.memref_slice %arg7[%dma_wait3A_255, %dma_wait3A_256, %dma_wait3A_257] : memref<2x128x32xf32, #tpu.memory_space<vmem>> -> memref<1x128x32xf32, #tpu.memory_space<vmem>>
      %dma_wait3A_259 = tpu.memref_squeeze %dma_wait3A_258 : memref<1x128x32xf32, #tpu.memory_space<vmem>> -> memref<128x32xf32, #tpu.memory_space<vmem>>
      %dma_wait3A_260 = arith.constant 0 : i32
      %dma_wait3A_261 = tpu.memref_slice %arg6[%dma_wait3A_254, %dma_wait3A_260] : memref<10x128xi32, #tpu.memory_space<vmem>> -> memref<1x128xi32, #tpu.memory_space<vmem>>
      %dma_wait3A_262 = tpu.memref_squeeze %dma_wait3A_261 : memref<1x128xi32, #tpu.memory_space<vmem>> -> memref<128xi32, #tpu.memory_space<vmem>>
      %dma_wait3A_263 = arith.constant 0 : i32
      %dma_wait3A_264 = arith.constant 0 : i32
      %dma_wait3A_265 = tpu.memref_slice %arg5[%dma_wait3A_263, %dma_wait3A_264] : memref<50000x32xf32, #tpu.memory_space<vmem_shared>> -> memref<50000x32xf32, #tpu.memory_space<vmem_shared>>
      tpu.wait_indirect_dma semaphore(%arg8 : memref<!tpu.dma_semaphore, #tpu.memory_space<semaphore_mem>>) src(%dma_wait3A_265 : memref<50000x32xf32, #tpu.memory_space<vmem_shared>>) dst(%dma_wait3A_259 : memref<128x32xf32, #tpu.memory_space<vmem>>)
      %add3A_266 = arith.constant 896 : i32
      %add3A_267 = arith.addi %mul3A_43, %add3A_266 : i32
      %run_scoped3A_268 = arith.constant 1 : i32
      "tpu.region"() ({
        %run_scoped3A_311 = tpu.sem_alloc : memref<!tpu.dma_semaphore, #tpu.memory_space<semaphore_mem>>
        %dma_start3A_312 = arith.constant 0 : i32
        %dma_start3A_313 = arith.constant 0 : i32
        %dma_start3A_314 = tpu.memref_slice %arg7[%run_scoped3A_268, %dma_start3A_312, %dma_start3A_313] : memref<2x128x32xf32, #tpu.memory_space<vmem>> -> memref<1x128x32xf32, #tpu.memory_space<vmem>>
        %dma_start3A_315 = tpu.memref_squeeze %dma_start3A_314 : memref<1x128x32xf32, #tpu.memory_space<vmem>> -> memref<128x32xf32, #tpu.memory_space<vmem>>
        %dma_start3A_316 = arith.constant 0 : i32
        %dma_start3A_317 = tpu.memref_slice %arg4[%add3A_267, %dma_start3A_316] : memref<800000x128xf32, #tpu.memory_space<hbm>> -> memref<128x32xf32, #tpu.memory_space<hbm>>
        %dma_start3A_318 = arith.constant 0 : i32
        %dma_start3A_319 = tpu.memref_slice %arg4[%add3A_267, %dma_start3A_318] : memref<800000x128xf32, #tpu.memory_space<hbm>> -> memref<128x32xf32, #tpu.memory_space<hbm>>
        %dma_start3A_320 = arith.constant 0 : i32
        %dma_start3A_321 = arith.constant 0 : i32
        %dma_start3A_322 = tpu.memref_slice %arg7[%run_scoped3A_268, %dma_start3A_320, %dma_start3A_321] : memref<2x128x32xf32, #tpu.memory_space<vmem>> -> memref<1x128x32xf32, #tpu.memory_space<vmem>>
        %dma_start3A_323 = tpu.memref_squeeze %dma_start3A_322 : memref<1x128x32xf32, #tpu.memory_space<vmem>> -> memref<128x32xf32, #tpu.memory_space<vmem>>
        tpu.enqueue_dma source(%dma_start3A_323 : memref<128x32xf32, #tpu.memory_space<vmem>>) target(%dma_start3A_319 : memref<128x32xf32, #tpu.memory_space<hbm>>) target_semaphore(%run_scoped3A_311 : memref<!tpu.dma_semaphore, #tpu.memory_space<semaphore_mem>>)
        %dma_wait3A_324 = arith.constant 0 : i32
        %dma_wait3A_325 = arith.constant 0 : i32
        %dma_wait3A_326 = tpu.memref_slice %arg7[%run_scoped3A_268, %dma_wait3A_324, %dma_wait3A_325] : memref<2x128x32xf32, #tpu.memory_space<vmem>> -> memref<1x128x32xf32, #tpu.memory_space<vmem>>
        %dma_wait3A_327 = tpu.memref_squeeze %dma_wait3A_326 : memref<1x128x32xf32, #tpu.memory_space<vmem>> -> memref<128x32xf32, #tpu.memory_space<vmem>>
        %dma_wait3A_328 = arith.constant 0 : i32
        %dma_wait3A_329 = tpu.memref_slice %arg4[%add3A_267, %dma_wait3A_328] : memref<800000x128xf32, #tpu.memory_space<hbm>> -> memref<128x32xf32, #tpu.memory_space<hbm>>
        %dma_wait3A_330 = arith.constant 0 : i32
        %dma_wait3A_331 = tpu.memref_slice %arg4[%add3A_267, %dma_wait3A_330] : memref<800000x128xf32, #tpu.memory_space<hbm>> -> memref<128x32xf32, #tpu.memory_space<hbm>>
        %dma_wait3A_332 = arith.constant 0 : i32
        %dma_wait3A_333 = arith.constant 0 : i32
        %dma_wait3A_334 = tpu.memref_slice %arg7[%run_scoped3A_268, %dma_wait3A_332, %dma_wait3A_333] : memref<2x128x32xf32, #tpu.memory_space<vmem>> -> memref<1x128x32xf32, #tpu.memory_space<vmem>>
        %dma_wait3A_335 = tpu.memref_squeeze %dma_wait3A_334 : memref<1x128x32xf32, #tpu.memory_space<vmem>> -> memref<128x32xf32, #tpu.memory_space<vmem>>
        tpu.wait_dma2 semaphore(%run_scoped3A_311 : memref<!tpu.dma_semaphore, #tpu.memory_space<semaphore_mem>>) src(%dma_wait3A_335 : memref<128x32xf32, #tpu.memory_space<vmem>>) dst(%dma_wait3A_331 : memref<128x32xf32, #tpu.memory_space<hbm>>)
        tpu.yield
      }) : () -> ()
      %dma_start3A_269 = arith.constant 9 : i32
      %dma_start3A_270 = arith.constant 1 : i32
      %dma_start3A_271 = arith.constant 0 : i32
      %dma_start3A_272 = arith.constant 0 : i32
      %dma_start3A_273 = tpu.memref_slice %arg7[%dma_start3A_270, %dma_start3A_271, %dma_start3A_272] : memref<2x128x32xf32, #tpu.memory_space<vmem>> -> memref<1x128x32xf32, #tpu.memory_space<vmem>>
      %dma_start3A_274 = tpu.memref_squeeze %dma_start3A_273 : memref<1x128x32xf32, #tpu.memory_space<vmem>> -> memref<128x32xf32, #tpu.memory_space<vmem>>
      %dma_start3A_275 = arith.constant 0 : i32
      %dma_start3A_276 = tpu.memref_slice %arg6[%dma_start3A_269, %dma_start3A_275] : memref<10x128xi32, #tpu.memory_space<vmem>> -> memref<1x128xi32, #tpu.memory_space<vmem>>
      %dma_start3A_277 = tpu.memref_squeeze %dma_start3A_276 : memref<1x128xi32, #tpu.memory_space<vmem>> -> memref<128xi32, #tpu.memory_space<vmem>>
      %dma_start3A_278 = arith.constant 0 : i32
      %dma_start3A_279 = arith.constant 0 : i32
      %dma_start3A_280 = tpu.memref_slice %arg5[%dma_start3A_278, %dma_start3A_279] : memref<50000x32xf32, #tpu.memory_space<vmem_shared>> -> memref<50000x32xf32, #tpu.memory_space<vmem_shared>>
      tpu.enqueue_indirect_dma source(%dma_start3A_280 : memref<50000x32xf32, #tpu.memory_space<vmem_shared>>) target(%dma_start3A_274 : memref<128x32xf32, #tpu.memory_space<vmem>>) offsets(%dma_start3A_277 : memref<128xi32, #tpu.memory_space<vmem>>) semaphore(%arg8 : memref<!tpu.dma_semaphore, #tpu.memory_space<semaphore_mem>>)
      %dma_wait3A_281 = arith.constant 8 : i32
      %dma_wait3A_282 = arith.constant 0 : i32
      %dma_wait3A_283 = arith.constant 0 : i32
      %dma_wait3A_284 = arith.constant 0 : i32
      %dma_wait3A_285 = tpu.memref_slice %arg7[%dma_wait3A_282, %dma_wait3A_283, %dma_wait3A_284] : memref<2x128x32xf32, #tpu.memory_space<vmem>> -> memref<1x128x32xf32, #tpu.memory_space<vmem>>
      %dma_wait3A_286 = tpu.memref_squeeze %dma_wait3A_285 : memref<1x128x32xf32, #tpu.memory_space<vmem>> -> memref<128x32xf32, #tpu.memory_space<vmem>>
      %dma_wait3A_287 = arith.constant 0 : i32
      %dma_wait3A_288 = tpu.memref_slice %arg6[%dma_wait3A_281, %dma_wait3A_287] : memref<10x128xi32, #tpu.memory_space<vmem>> -> memref<1x128xi32, #tpu.memory_space<vmem>>
      %dma_wait3A_289 = tpu.memref_squeeze %dma_wait3A_288 : memref<1x128xi32, #tpu.memory_space<vmem>> -> memref<128xi32, #tpu.memory_space<vmem>>
      %dma_wait3A_290 = arith.constant 0 : i32
      %dma_wait3A_291 = arith.constant 0 : i32
      %dma_wait3A_292 = tpu.memref_slice %arg5[%dma_wait3A_290, %dma_wait3A_291] : memref<50000x32xf32, #tpu.memory_space<vmem_shared>> -> memref<50000x32xf32, #tpu.memory_space<vmem_shared>>
      tpu.wait_indirect_dma semaphore(%arg8 : memref<!tpu.dma_semaphore, #tpu.memory_space<semaphore_mem>>) src(%dma_wait3A_292 : memref<50000x32xf32, #tpu.memory_space<vmem_shared>>) dst(%dma_wait3A_286 : memref<128x32xf32, #tpu.memory_space<vmem>>)
      %add3A_293 = arith.constant 1024 : i32
      %add3A_294 = arith.addi %mul3A_43, %add3A_293 : i32
      %run_scoped3A_295 = arith.constant 0 : i32
      "tpu.region"() ({
        %run_scoped3A_311 = tpu.sem_alloc : memref<!tpu.dma_semaphore, #tpu.memory_space<semaphore_mem>>
        %dma_start3A_312 = arith.constant 0 : i32
        %dma_start3A_313 = arith.constant 0 : i32
        %dma_start3A_314 = tpu.memref_slice %arg7[%run_scoped3A_295, %dma_start3A_312, %dma_start3A_313] : memref<2x128x32xf32, #tpu.memory_space<vmem>> -> memref<1x128x32xf32, #tpu.memory_space<vmem>>
        %dma_start3A_315 = tpu.memref_squeeze %dma_start3A_314 : memref<1x128x32xf32, #tpu.memory_space<vmem>> -> memref<128x32xf32, #tpu.memory_space<vmem>>
        %dma_start3A_316 = arith.constant 0 : i32
        %dma_start3A_317 = tpu.memref_slice %arg4[%add3A_294, %dma_start3A_316] : memref<800000x128xf32, #tpu.memory_space<hbm>> -> memref<128x32xf32, #tpu.memory_space<hbm>>
        %dma_start3A_318 = arith.constant 0 : i32
        %dma_start3A_319 = tpu.memref_slice %arg4[%add3A_294, %dma_start3A_318] : memref<800000x128xf32, #tpu.memory_space<hbm>> -> memref<128x32xf32, #tpu.memory_space<hbm>>
        %dma_start3A_320 = arith.constant 0 : i32
        %dma_start3A_321 = arith.constant 0 : i32
        %dma_start3A_322 = tpu.memref_slice %arg7[%run_scoped3A_295, %dma_start3A_320, %dma_start3A_321] : memref<2x128x32xf32, #tpu.memory_space<vmem>> -> memref<1x128x32xf32, #tpu.memory_space<vmem>>
        %dma_start3A_323 = tpu.memref_squeeze %dma_start3A_322 : memref<1x128x32xf32, #tpu.memory_space<vmem>> -> memref<128x32xf32, #tpu.memory_space<vmem>>
        tpu.enqueue_dma source(%dma_start3A_323 : memref<128x32xf32, #tpu.memory_space<vmem>>) target(%dma_start3A_319 : memref<128x32xf32, #tpu.memory_space<hbm>>) target_semaphore(%run_scoped3A_311 : memref<!tpu.dma_semaphore, #tpu.memory_space<semaphore_mem>>)
        %dma_wait3A_324 = arith.constant 0 : i32
        %dma_wait3A_325 = arith.constant 0 : i32
        %dma_wait3A_326 = tpu.memref_slice %arg7[%run_scoped3A_295, %dma_wait3A_324, %dma_wait3A_325] : memref<2x128x32xf32, #tpu.memory_space<vmem>> -> memref<1x128x32xf32, #tpu.memory_space<vmem>>
        %dma_wait3A_327 = tpu.memref_squeeze %dma_wait3A_326 : memref<1x128x32xf32, #tpu.memory_space<vmem>> -> memref<128x32xf32, #tpu.memory_space<vmem>>
        %dma_wait3A_328 = arith.constant 0 : i32
        %dma_wait3A_329 = tpu.memref_slice %arg4[%add3A_294, %dma_wait3A_328] : memref<800000x128xf32, #tpu.memory_space<hbm>> -> memref<128x32xf32, #tpu.memory_space<hbm>>
        %dma_wait3A_330 = arith.constant 0 : i32
        %dma_wait3A_331 = tpu.memref_slice %arg4[%add3A_294, %dma_wait3A_330] : memref<800000x128xf32, #tpu.memory_space<hbm>> -> memref<128x32xf32, #tpu.memory_space<hbm>>
        %dma_wait3A_332 = arith.constant 0 : i32
        %dma_wait3A_333 = arith.constant 0 : i32
        %dma_wait3A_334 = tpu.memref_slice %arg7[%run_scoped3A_295, %dma_wait3A_332, %dma_wait3A_333] : memref<2x128x32xf32, #tpu.memory_space<vmem>> -> memref<1x128x32xf32, #tpu.memory_space<vmem>>
        %dma_wait3A_335 = tpu.memref_squeeze %dma_wait3A_334 : memref<1x128x32xf32, #tpu.memory_space<vmem>> -> memref<128x32xf32, #tpu.memory_space<vmem>>
        tpu.wait_dma2 semaphore(%run_scoped3A_311 : memref<!tpu.dma_semaphore, #tpu.memory_space<semaphore_mem>>) src(%dma_wait3A_335 : memref<128x32xf32, #tpu.memory_space<vmem>>) dst(%dma_wait3A_331 : memref<128x32xf32, #tpu.memory_space<hbm>>)
        tpu.yield
      }) : () -> ()
      %dma_wait3A_296 = arith.constant 9 : i32
      %dma_wait3A_297 = arith.constant 1 : i32
      %dma_wait3A_298 = arith.constant 0 : i32
      %dma_wait3A_299 = arith.constant 0 : i32
      %dma_wait3A_300 = tpu.memref_slice %arg7[%dma_wait3A_297, %dma_wait3A_298, %dma_wait3A_299] : memref<2x128x32xf32, #tpu.memory_space<vmem>> -> memref<1x128x32xf32, #tpu.memory_space<vmem>>
      %dma_wait3A_301 = tpu.memref_squeeze %dma_wait3A_300 : memref<1x128x32xf32, #tpu.memory_space<vmem>> -> memref<128x32xf32, #tpu.memory_space<vmem>>
      %dma_wait3A_302 = arith.constant 0 : i32
      %dma_wait3A_303 = tpu.memref_slice %arg6[%dma_wait3A_296, %dma_wait3A_302] : memref<10x128xi32, #tpu.memory_space<vmem>> -> memref<1x128xi32, #tpu.memory_space<vmem>>
      %dma_wait3A_304 = tpu.memref_squeeze %dma_wait3A_303 : memref<1x128xi32, #tpu.memory_space<vmem>> -> memref<128xi32, #tpu.memory_space<vmem>>
      %dma_wait3A_305 = arith.constant 0 : i32
      %dma_wait3A_306 = arith.constant 0 : i32
      %dma_wait3A_307 = tpu.memref_slice %arg5[%dma_wait3A_305, %dma_wait3A_306] : memref<50000x32xf32, #tpu.memory_space<vmem_shared>> -> memref<50000x32xf32, #tpu.memory_space<vmem_shared>>
      tpu.wait_indirect_dma semaphore(%arg8 : memref<!tpu.dma_semaphore, #tpu.memory_space<semaphore_mem>>) src(%dma_wait3A_307 : memref<50000x32xf32, #tpu.memory_space<vmem_shared>>) dst(%dma_wait3A_301 : memref<128x32xf32, #tpu.memory_space<vmem>>)
      %add3A_308 = arith.constant 1152 : i32
      %add3A_309 = arith.addi %mul3A_43, %add3A_308 : i32
      %run_scoped3A_310 = arith.constant 1 : i32
      "tpu.region"() ({
        %run_scoped3A_311 = tpu.sem_alloc : memref<!tpu.dma_semaphore, #tpu.memory_space<semaphore_mem>>
        %dma_start3A_312 = arith.constant 0 : i32
        %dma_start3A_313 = arith.constant 0 : i32
        %dma_start3A_314 = tpu.memref_slice %arg7[%run_scoped3A_310, %dma_start3A_312, %dma_start3A_313] : memref<2x128x32xf32, #tpu.memory_space<vmem>> -> memref<1x128x32xf32, #tpu.memory_space<vmem>>
        %dma_start3A_315 = tpu.memref_squeeze %dma_start3A_314 : memref<1x128x32xf32, #tpu.memory_space<vmem>> -> memref<128x32xf32, #tpu.memory_space<vmem>>
        %dma_start3A_316 = arith.constant 0 : i32
        %dma_start3A_317 = tpu.memref_slice %arg4[%add3A_309, %dma_start3A_316] : memref<800000x128xf32, #tpu.memory_space<hbm>> -> memref<128x32xf32, #tpu.memory_space<hbm>>
        %dma_start3A_318 = arith.constant 0 : i32
        %dma_start3A_319 = tpu.memref_slice %arg4[%add3A_309, %dma_start3A_318] : memref<800000x128xf32, #tpu.memory_space<hbm>> -> memref<128x32xf32, #tpu.memory_space<hbm>>
        %dma_start3A_320 = arith.constant 0 : i32
        %dma_start3A_321 = arith.constant 0 : i32
        %dma_start3A_322 = tpu.memref_slice %arg7[%run_scoped3A_310, %dma_start3A_320, %dma_start3A_321] : memref<2x128x32xf32, #tpu.memory_space<vmem>> -> memref<1x128x32xf32, #tpu.memory_space<vmem>>
        %dma_start3A_323 = tpu.memref_squeeze %dma_start3A_322 : memref<1x128x32xf32, #tpu.memory_space<vmem>> -> memref<128x32xf32, #tpu.memory_space<vmem>>
        tpu.enqueue_dma source(%dma_start3A_323 : memref<128x32xf32, #tpu.memory_space<vmem>>) target(%dma_start3A_319 : memref<128x32xf32, #tpu.memory_space<hbm>>) target_semaphore(%run_scoped3A_311 : memref<!tpu.dma_semaphore, #tpu.memory_space<semaphore_mem>>)
        %dma_wait3A_324 = arith.constant 0 : i32
        %dma_wait3A_325 = arith.constant 0 : i32
        %dma_wait3A_326 = tpu.memref_slice %arg7[%run_scoped3A_310, %dma_wait3A_324, %dma_wait3A_325] : memref<2x128x32xf32, #tpu.memory_space<vmem>> -> memref<1x128x32xf32, #tpu.memory_space<vmem>>
        %dma_wait3A_327 = tpu.memref_squeeze %dma_wait3A_326 : memref<1x128x32xf32, #tpu.memory_space<vmem>> -> memref<128x32xf32, #tpu.memory_space<vmem>>
        %dma_wait3A_328 = arith.constant 0 : i32
        %dma_wait3A_329 = tpu.memref_slice %arg4[%add3A_309, %dma_wait3A_328] : memref<800000x128xf32, #tpu.memory_space<hbm>> -> memref<128x32xf32, #tpu.memory_space<hbm>>
        %dma_wait3A_330 = arith.constant 0 : i32
        %dma_wait3A_331 = tpu.memref_slice %arg4[%add3A_309, %dma_wait3A_330] : memref<800000x128xf32, #tpu.memory_space<hbm>> -> memref<128x32xf32, #tpu.memory_space<hbm>>
        %dma_wait3A_332 = arith.constant 0 : i32
        %dma_wait3A_333 = arith.constant 0 : i32
        %dma_wait3A_334 = tpu.memref_slice %arg7[%run_scoped3A_310, %dma_wait3A_332, %dma_wait3A_333] : memref<2x128x32xf32, #tpu.memory_space<vmem>> -> memref<1x128x32xf32, #tpu.memory_space<vmem>>
        %dma_wait3A_335 = tpu.memref_squeeze %dma_wait3A_334 : memref<1x128x32xf32, #tpu.memory_space<vmem>> -> memref<128x32xf32, #tpu.memory_space<vmem>>
        tpu.wait_dma2 semaphore(%run_scoped3A_311 : memref<!tpu.dma_semaphore, #tpu.memory_space<semaphore_mem>>) src(%dma_wait3A_335 : memref<128x32xf32, #tpu.memory_space<vmem>>) dst(%dma_wait3A_331 : memref<128x32xf32, #tpu.memory_space<hbm>>)
        tpu.yield
      }) : () -> ()
    }
    %while3A_35 = arith.constant 1 : i32
    scf.for %while3A_36 = %while3A_33 to %while3A_29 step %while3A_35  : i32 {
      %mul3A_37 = arith.constant 32 : i32
      %mul3A_38 = arith.muli %while3A_36, %mul3A_37 : i32
      %add3A_39 = arith.addi %add3A, %mul3A_38 : i32
      %mul3A_40 = arith.constant 10 : i32
      %mul3A_41 = arith.muli %add3A_39, %mul3A_40 : i32
      %mul3A_42 = arith.constant 1280 : i32
      %mul3A_43 = arith.muli %add3A_39, %mul3A_42 : i32
      "tpu.region"() ({
        %run_scoped3A_311 = tpu.sem_alloc : memref<!tpu.dma_semaphore, #tpu.memory_space<semaphore_mem>>
        %dma_start3A_312 = arith.constant 0 : i32
        %dma_start3A_313 = tpu.memref_slice %arg3[%mul3A_41, %dma_start3A_312] : memref<6250x128xi32, #tpu.memory_space<hbm>> -> memref<10x128xi32, #tpu.memory_space<hbm>>
        %dma_start3A_314 = arith.constant 0 : i32
        %dma_start3A_315 = tpu.memref_slice %arg3[%mul3A_41, %dma_start3A_314] : memref<6250x128xi32, #tpu.memory_space<hbm>> -> memref<10x128xi32, #tpu.memory_space<hbm>>
        tpu.enqueue_dma source(%dma_start3A_315 : memref<10x128xi32, #tpu.memory_space<hbm>>) target(%arg6 : memref<10x128xi32, #tpu.memory_space<vmem>>) target_semaphore(%run_scoped3A_311 : memref<!tpu.dma_semaphore, #tpu.memory_space<semaphore_mem>>)
        %dma_wait3A_316 = arith.constant 0 : i32
        %dma_wait3A_317 = tpu.memref_slice %arg3[%mul3A_41, %dma_wait3A_316] : memref<6250x128xi32, #tpu.memory_space<hbm>> -> memref<10x128xi32, #tpu.memory_space<hbm>>
        %dma_wait3A_318 = arith.constant 0 : i32
        %dma_wait3A_319 = tpu.memref_slice %arg3[%mul3A_41, %dma_wait3A_318] : memref<6250x128xi32, #tpu.memory_space<hbm>> -> memref<10x128xi32, #tpu.memory_space<hbm>>
        tpu.wait_dma2 semaphore(%run_scoped3A_311 : memref<!tpu.dma_semaphore, #tpu.memory_space<semaphore_mem>>) src(%dma_wait3A_319 : memref<10x128xi32, #tpu.memory_space<hbm>>) dst(%arg6 : memref<10x128xi32, #tpu.memory_space<vmem>>)
        tpu.yield
      }) : () -> ()
      %dma_start3A = arith.constant 0 : i32
      %dma_start3A_44 = arith.constant 0 : i32
      %dma_start3A_45 = arith.constant 0 : i32
      %dma_start3A_46 = arith.constant 0 : i32
      %dma_start3A_47 = tpu.memref_slice %arg7[%dma_start3A_44, %dma_start3A_45, %dma_start3A_46] : memref<2x128x32xf32, #tpu.memory_space<vmem>> -> memref<1x128x32xf32, #tpu.memory_space<vmem>>
      %dma_start3A_48 = tpu.memref_squeeze %dma_start3A_47 : memref<1x128x32xf32, #tpu.memory_space<vmem>> -> memref<128x32xf32, #tpu.memory_space<vmem>>
      %dma_start3A_49 = arith.constant 0 : i32
      %dma_start3A_50 = tpu.memref_slice %arg6[%dma_start3A, %dma_start3A_49] : memref<10x128xi32, #tpu.memory_space<vmem>> -> memref<1x128xi32, #tpu.memory_space<vmem>>
      %dma_start3A_51 = tpu.memref_squeeze %dma_start3A_50 : memref<1x128xi32, #tpu.memory_space<vmem>> -> memref<128xi32, #tpu.memory_space<vmem>>
      %dma_start3A_52 = arith.constant 0 : i32
      %dma_start3A_53 = arith.constant 0 : i32
      %dma_start3A_54 = tpu.memref_slice %arg5[%dma_start3A_52, %dma_start3A_53] : memref<50000x32xf32, #tpu.memory_space<vmem_shared>> -> memref<50000x32xf32, #tpu.memory_space<vmem_shared>>
      tpu.enqueue_indirect_dma source(%dma_start3A_54 : memref<50000x32xf32, #tpu.memory_space<vmem_shared>>) target(%dma_start3A_48 : memref<128x32xf32, #tpu.memory_space<vmem>>) offsets(%dma_start3A_51 : memref<128xi32, #tpu.memory_space<vmem>>) semaphore(%arg8 : memref<!tpu.dma_semaphore, #tpu.memory_space<semaphore_mem>>)
      %dma_start3A_55 = arith.constant 1 : i32
      %dma_start3A_56 = arith.constant 1 : i32
      %dma_start3A_57 = arith.constant 0 : i32
      %dma_start3A_58 = arith.constant 0 : i32
      %dma_start3A_59 = tpu.memref_slice %arg7[%dma_start3A_56, %dma_start3A_57, %dma_start3A_58] : memref<2x128x32xf32, #tpu.memory_space<vmem>> -> memref<1x128x32xf32, #tpu.memory_space<vmem>>
      %dma_start3A_60 = tpu.memref_squeeze %dma_start3A_59 : memref<1x128x32xf32, #tpu.memory_space<vmem>> -> memref<128x32xf32, #tpu.memory_space<vmem>>
      %dma_start3A_61 = arith.constant 0 : i32
      %dma_start3A_62 = tpu.memref_slice %arg6[%dma_start3A_55, %dma_start3A_61] : memref<10x128xi32, #tpu.memory_space<vmem>> -> memref<1x128xi32, #tpu.memory_space<vmem>>
      %dma_start3A_63 = tpu.memref_squeeze %dma_start3A_62 : memref<1x128xi32, #tpu.memory_space<vmem>> -> memref<128xi32, #tpu.memory_space<vmem>>
      %dma_start3A_64 = arith.constant 0 : i32
      %dma_start3A_65 = arith.constant 0 : i32
      %dma_start3A_66 = tpu.memref_slice %arg5[%dma_start3A_64, %dma_start3A_65] : memref<50000x32xf32, #tpu.memory_space<vmem_shared>> -> memref<50000x32xf32, #tpu.memory_space<vmem_shared>>
      tpu.enqueue_indirect_dma source(%dma_start3A_66 : memref<50000x32xf32, #tpu.memory_space<vmem_shared>>) target(%dma_start3A_60 : memref<128x32xf32, #tpu.memory_space<vmem>>) offsets(%dma_start3A_63 : memref<128xi32, #tpu.memory_space<vmem>>) semaphore(%arg8 : memref<!tpu.dma_semaphore, #tpu.memory_space<semaphore_mem>>)
      %dma_wait3A = arith.constant 0 : i32
      %dma_wait3A_67 = arith.constant 0 : i32
      %dma_wait3A_68 = arith.constant 0 : i32
      %dma_wait3A_69 = arith.constant 0 : i32
      %dma_wait3A_70 = tpu.memref_slice %arg7[%dma_wait3A_67, %dma_wait3A_68, %dma_wait3A_69] : memref<2x128x32xf32, #tpu.memory_space<vmem>> -> memref<1x128x32xf32, #tpu.memory_space<vmem>>
      %dma_wait3A_71 = tpu.memref_squeeze %dma_wait3A_70 : memref<1x128x32xf32, #tpu.memory_space<vmem>> -> memref<128x32xf32, #tpu.memory_space<vmem>>
      %dma_wait3A_72 = arith.constant 0 : i32
      %dma_wait3A_73 = tpu.memref_slice %arg6[%dma_wait3A, %dma_wait3A_72] : memref<10x128xi32, #tpu.memory_space<vmem>> -> memref<1x128xi32, #tpu.memory_space<vmem>>
      %dma_wait3A_74 = tpu.memref_squeeze %dma_wait3A_73 : memref<1x128xi32, #tpu.memory_space<vmem>> -> memref<128xi32, #tpu.memory_space<vmem>>
      %dma_wait3A_75 = arith.constant 0 : i32
      %dma_wait3A_76 = arith.constant 0 : i32
      %dma_wait3A_77 = tpu.memref_slice %arg5[%dma_wait3A_75, %dma_wait3A_76] : memref<50000x32xf32, #tpu.memory_space<vmem_shared>> -> memref<50000x32xf32, #tpu.memory_space<vmem_shared>>
      tpu.wait_indirect_dma semaphore(%arg8 : memref<!tpu.dma_semaphore, #tpu.memory_space<semaphore_mem>>) src(%dma_wait3A_77 : memref<50000x32xf32, #tpu.memory_space<vmem_shared>>) dst(%dma_wait3A_71 : memref<128x32xf32, #tpu.memory_space<vmem>>)
      %add3A_78 = arith.constant 0 : i32
      %add3A_79 = arith.addi %mul3A_43, %add3A_78 : i32
      %run_scoped3A = arith.constant 0 : i32
      "tpu.region"() ({
        %run_scoped3A_311 = tpu.sem_alloc : memref<!tpu.dma_semaphore, #tpu.memory_space<semaphore_mem>>
        %dma_start3A_312 = arith.constant 0 : i32
        %dma_start3A_313 = arith.constant 0 : i32
        %dma_start3A_314 = tpu.memref_slice %arg7[%run_scoped3A, %dma_start3A_312, %dma_start3A_313] : memref<2x128x32xf32, #tpu.memory_space<vmem>> -> memref<1x128x32xf32, #tpu.memory_space<vmem>>
        %dma_start3A_315 = tpu.memref_squeeze %dma_start3A_314 : memref<1x128x32xf32, #tpu.memory_space<vmem>> -> memref<128x32xf32, #tpu.memory_space<vmem>>
        %dma_start3A_316 = arith.constant 0 : i32
        %dma_start3A_317 = tpu.memref_slice %arg4[%add3A_79, %dma_start3A_316] : memref<800000x128xf32, #tpu.memory_space<hbm>> -> memref<128x32xf32, #tpu.memory_space<hbm>>
        %dma_start3A_318 = arith.constant 0 : i32
        %dma_start3A_319 = tpu.memref_slice %arg4[%add3A_79, %dma_start3A_318] : memref<800000x128xf32, #tpu.memory_space<hbm>> -> memref<128x32xf32, #tpu.memory_space<hbm>>
        %dma_start3A_320 = arith.constant 0 : i32
        %dma_start3A_321 = arith.constant 0 : i32
        %dma_start3A_322 = tpu.memref_slice %arg7[%run_scoped3A, %dma_start3A_320, %dma_start3A_321] : memref<2x128x32xf32, #tpu.memory_space<vmem>> -> memref<1x128x32xf32, #tpu.memory_space<vmem>>
        %dma_start3A_323 = tpu.memref_squeeze %dma_start3A_322 : memref<1x128x32xf32, #tpu.memory_space<vmem>> -> memref<128x32xf32, #tpu.memory_space<vmem>>
        tpu.enqueue_dma source(%dma_start3A_323 : memref<128x32xf32, #tpu.memory_space<vmem>>) target(%dma_start3A_319 : memref<128x32xf32, #tpu.memory_space<hbm>>) target_semaphore(%run_scoped3A_311 : memref<!tpu.dma_semaphore, #tpu.memory_space<semaphore_mem>>)
        %dma_wait3A_324 = arith.constant 0 : i32
        %dma_wait3A_325 = arith.constant 0 : i32
        %dma_wait3A_326 = tpu.memref_slice %arg7[%run_scoped3A, %dma_wait3A_324, %dma_wait3A_325] : memref<2x128x32xf32, #tpu.memory_space<vmem>> -> memref<1x128x32xf32, #tpu.memory_space<vmem>>
        %dma_wait3A_327 = tpu.memref_squeeze %dma_wait3A_326 : memref<1x128x32xf32, #tpu.memory_space<vmem>> -> memref<128x32xf32, #tpu.memory_space<vmem>>
        %dma_wait3A_328 = arith.constant 0 : i32
        %dma_wait3A_329 = tpu.memref_slice %arg4[%add3A_79, %dma_wait3A_328] : memref<800000x128xf32, #tpu.memory_space<hbm>> -> memref<128x32xf32, #tpu.memory_space<hbm>>
        %dma_wait3A_330 = arith.constant 0 : i32
        %dma_wait3A_331 = tpu.memref_slice %arg4[%add3A_79, %dma_wait3A_330] : memref<800000x128xf32, #tpu.memory_space<hbm>> -> memref<128x32xf32, #tpu.memory_space<hbm>>
        %dma_wait3A_332 = arith.constant 0 : i32
        %dma_wait3A_333 = arith.constant 0 : i32
        %dma_wait3A_334 = tpu.memref_slice %arg7[%run_scoped3A, %dma_wait3A_332, %dma_wait3A_333] : memref<2x128x32xf32, #tpu.memory_space<vmem>> -> memref<1x128x32xf32, #tpu.memory_space<vmem>>
        %dma_wait3A_335 = tpu.memref_squeeze %dma_wait3A_334 : memref<1x128x32xf32, #tpu.memory_space<vmem>> -> memref<128x32xf32, #tpu.memory_space<vmem>>
        tpu.wait_dma2 semaphore(%run_scoped3A_311 : memref<!tpu.dma_semaphore, #tpu.memory_space<semaphore_mem>>) src(%dma_wait3A_335 : memref<128x32xf32, #tpu.memory_space<vmem>>) dst(%dma_wait3A_331 : memref<128x32xf32, #tpu.memory_space<hbm>>)
        tpu.yield
      }) : () -> ()
      %dma_start3A_80 = arith.constant 2 : i32
      %dma_start3A_81 = arith.constant 0 : i32
      %dma_start3A_82 = arith.constant 0 : i32
      %dma_start3A_83 = arith.constant 0 : i32
      %dma_start3A_84 = tpu.memref_slice %arg7[%dma_start3A_81, %dma_start3A_82, %dma_start3A_83] : memref<2x128x32xf32, #tpu.memory_space<vmem>> -> memref<1x128x32xf32, #tpu.memory_space<vmem>>
      %dma_start3A_85 = tpu.memref_squeeze %dma_start3A_84 : memref<1x128x32xf32, #tpu.memory_space<vmem>> -> memref<128x32xf32, #tpu.memory_space<vmem>>
      %dma_start3A_86 = arith.constant 0 : i32
      %dma_start3A_87 = tpu.memref_slice %arg6[%dma_start3A_80, %dma_start3A_86] : memref<10x128xi32, #tpu.memory_space<vmem>> -> memref<1x128xi32, #tpu.memory_space<vmem>>
      %dma_start3A_88 = tpu.memref_squeeze %dma_start3A_87 : memref<1x128xi32, #tpu.memory_space<vmem>> -> memref<128xi32, #tpu.memory_space<vmem>>
      %dma_start3A_89 = arith.constant 0 : i32
      %dma_start3A_90 = arith.constant 0 : i32
      %dma_start3A_91 = tpu.memref_slice %arg5[%dma_start3A_89, %dma_start3A_90] : memref<50000x32xf32, #tpu.memory_space<vmem_shared>> -> memref<50000x32xf32, #tpu.memory_space<vmem_shared>>
      tpu.enqueue_indirect_dma source(%dma_start3A_91 : memref<50000x32xf32, #tpu.memory_space<vmem_shared>>) target(%dma_start3A_85 : memref<128x32xf32, #tpu.memory_space<vmem>>) offsets(%dma_start3A_88 : memref<128xi32, #tpu.memory_space<vmem>>) semaphore(%arg8 : memref<!tpu.dma_semaphore, #tpu.memory_space<semaphore_mem>>)
      %dma_wait3A_92 = arith.constant 1 : i32
      %dma_wait3A_93 = arith.constant 1 : i32
      %dma_wait3A_94 = arith.constant 0 : i32
      %dma_wait3A_95 = arith.constant 0 : i32
      %dma_wait3A_96 = tpu.memref_slice %arg7[%dma_wait3A_93, %dma_wait3A_94, %dma_wait3A_95] : memref<2x128x32xf32, #tpu.memory_space<vmem>> -> memref<1x128x32xf32, #tpu.memory_space<vmem>>
      %dma_wait3A_97 = tpu.memref_squeeze %dma_wait3A_96 : memref<1x128x32xf32, #tpu.memory_space<vmem>> -> memref<128x32xf32, #tpu.memory_space<vmem>>
      %dma_wait3A_98 = arith.constant 0 : i32
      %dma_wait3A_99 = tpu.memref_slice %arg6[%dma_wait3A_92, %dma_wait3A_98] : memref<10x128xi32, #tpu.memory_space<vmem>> -> memref<1x128xi32, #tpu.memory_space<vmem>>
      %dma_wait3A_100 = tpu.memref_squeeze %dma_wait3A_99 : memref<1x128xi32, #tpu.memory_space<vmem>> -> memref<128xi32, #tpu.memory_space<vmem>>
      %dma_wait3A_101 = arith.constant 0 : i32
      %dma_wait3A_102 = arith.constant 0 : i32
      %dma_wait3A_103 = tpu.memref_slice %arg5[%dma_wait3A_101, %dma_wait3A_102] : memref<50000x32xf32, #tpu.memory_space<vmem_shared>> -> memref<50000x32xf32, #tpu.memory_space<vmem_shared>>
      tpu.wait_indirect_dma semaphore(%arg8 : memref<!tpu.dma_semaphore, #tpu.memory_space<semaphore_mem>>) src(%dma_wait3A_103 : memref<50000x32xf32, #tpu.memory_space<vmem_shared>>) dst(%dma_wait3A_97 : memref<128x32xf32, #tpu.memory_space<vmem>>)
      %add3A_104 = arith.constant 128 : i32
      %add3A_105 = arith.addi %mul3A_43, %add3A_104 : i32
      %run_scoped3A_106 = arith.constant 1 : i32
      "tpu.region"() ({
        %run_scoped3A_311 = tpu.sem_alloc : memref<!tpu.dma_semaphore, #tpu.memory_space<semaphore_mem>>
        %dma_start3A_312 = arith.constant 0 : i32
        %dma_start3A_313 = arith.constant 0 : i32
        %dma_start3A_314 = tpu.memref_slice %arg7[%run_scoped3A_106, %dma_start3A_312, %dma_start3A_313] : memref<2x128x32xf32, #tpu.memory_space<vmem>> -> memref<1x128x32xf32, #tpu.memory_space<vmem>>
        %dma_start3A_315 = tpu.memref_squeeze %dma_start3A_314 : memref<1x128x32xf32, #tpu.memory_space<vmem>> -> memref<128x32xf32, #tpu.memory_space<vmem>>
        %dma_start3A_316 = arith.constant 0 : i32
        %dma_start3A_317 = tpu.memref_slice %arg4[%add3A_105, %dma_start3A_316] : memref<800000x128xf32, #tpu.memory_space<hbm>> -> memref<128x32xf32, #tpu.memory_space<hbm>>
        %dma_start3A_318 = arith.constant 0 : i32
        %dma_start3A_319 = tpu.memref_slice %arg4[%add3A_105, %dma_start3A_318] : memref<800000x128xf32, #tpu.memory_space<hbm>> -> memref<128x32xf32, #tpu.memory_space<hbm>>
        %dma_start3A_320 = arith.constant 0 : i32
        %dma_start3A_321 = arith.constant 0 : i32
        %dma_start3A_322 = tpu.memref_slice %arg7[%run_scoped3A_106, %dma_start3A_320, %dma_start3A_321] : memref<2x128x32xf32, #tpu.memory_space<vmem>> -> memref<1x128x32xf32, #tpu.memory_space<vmem>>
        %dma_start3A_323 = tpu.memref_squeeze %dma_start3A_322 : memref<1x128x32xf32, #tpu.memory_space<vmem>> -> memref<128x32xf32, #tpu.memory_space<vmem>>
        tpu.enqueue_dma source(%dma_start3A_323 : memref<128x32xf32, #tpu.memory_space<vmem>>) target(%dma_start3A_319 : memref<128x32xf32, #tpu.memory_space<hbm>>) target_semaphore(%run_scoped3A_311 : memref<!tpu.dma_semaphore, #tpu.memory_space<semaphore_mem>>)
        %dma_wait3A_324 = arith.constant 0 : i32
        %dma_wait3A_325 = arith.constant 0 : i32
        %dma_wait3A_326 = tpu.memref_slice %arg7[%run_scoped3A_106, %dma_wait3A_324, %dma_wait3A_325] : memref<2x128x32xf32, #tpu.memory_space<vmem>> -> memref<1x128x32xf32, #tpu.memory_space<vmem>>
        %dma_wait3A_327 = tpu.memref_squeeze %dma_wait3A_326 : memref<1x128x32xf32, #tpu.memory_space<vmem>> -> memref<128x32xf32, #tpu.memory_space<vmem>>
        %dma_wait3A_328 = arith.constant 0 : i32
        %dma_wait3A_329 = tpu.memref_slice %arg4[%add3A_105, %dma_wait3A_328] : memref<800000x128xf32, #tpu.memory_space<hbm>> -> memref<128x32xf32, #tpu.memory_space<hbm>>
        %dma_wait3A_330 = arith.constant 0 : i32
        %dma_wait3A_331 = tpu.memref_slice %arg4[%add3A_105, %dma_wait3A_330] : memref<800000x128xf32, #tpu.memory_space<hbm>> -> memref<128x32xf32, #tpu.memory_space<hbm>>
        %dma_wait3A_332 = arith.constant 0 : i32
        %dma_wait3A_333 = arith.constant 0 : i32
        %dma_wait3A_334 = tpu.memref_slice %arg7[%run_scoped3A_106, %dma_wait3A_332, %dma_wait3A_333] : memref<2x128x32xf32, #tpu.memory_space<vmem>> -> memref<1x128x32xf32, #tpu.memory_space<vmem>>
        %dma_wait3A_335 = tpu.memref_squeeze %dma_wait3A_334 : memref<1x128x32xf32, #tpu.memory_space<vmem>> -> memref<128x32xf32, #tpu.memory_space<vmem>>
        tpu.wait_dma2 semaphore(%run_scoped3A_311 : memref<!tpu.dma_semaphore, #tpu.memory_space<semaphore_mem>>) src(%dma_wait3A_335 : memref<128x32xf32, #tpu.memory_space<vmem>>) dst(%dma_wait3A_331 : memref<128x32xf32, #tpu.memory_space<hbm>>)
        tpu.yield
      }) : () -> ()
      %dma_start3A_107 = arith.constant 3 : i32
      %dma_start3A_108 = arith.constant 1 : i32
      %dma_start3A_109 = arith.constant 0 : i32
      %dma_start3A_110 = arith.constant 0 : i32
      %dma_start3A_111 = tpu.memref_slice %arg7[%dma_start3A_108, %dma_start3A_109, %dma_start3A_110] : memref<2x128x32xf32, #tpu.memory_space<vmem>> -> memref<1x128x32xf32, #tpu.memory_space<vmem>>
      %dma_start3A_112 = tpu.memref_squeeze %dma_start3A_111 : memref<1x128x32xf32, #tpu.memory_space<vmem>> -> memref<128x32xf32, #tpu.memory_space<vmem>>
      %dma_start3A_113 = arith.constant 0 : i32
      %dma_start3A_114 = tpu.memref_slice %arg6[%dma_start3A_107, %dma_start3A_113] : memref<10x128xi32, #tpu.memory_space<vmem>> -> memref<1x128xi32, #tpu.memory_space<vmem>>
      %dma_start3A_115 = tpu.memref_squeeze %dma_start3A_114 : memref<1x128xi32, #tpu.memory_space<vmem>> -> memref<128xi32, #tpu.memory_space<vmem>>
      %dma_start3A_116 = arith.constant 0 : i32
      %dma_start3A_117 = arith.constant 0 : i32
      %dma_start3A_118 = tpu.memref_slice %arg5[%dma_start3A_116, %dma_start3A_117] : memref<50000x32xf32, #tpu.memory_space<vmem_shared>> -> memref<50000x32xf32, #tpu.memory_space<vmem_shared>>
      tpu.enqueue_indirect_dma source(%dma_start3A_118 : memref<50000x32xf32, #tpu.memory_space<vmem_shared>>) target(%dma_start3A_112 : memref<128x32xf32, #tpu.memory_space<vmem>>) offsets(%dma_start3A_115 : memref<128xi32, #tpu.memory_space<vmem>>) semaphore(%arg8 : memref<!tpu.dma_semaphore, #tpu.memory_space<semaphore_mem>>)
      %dma_wait3A_119 = arith.constant 2 : i32
      %dma_wait3A_120 = arith.constant 0 : i32
      %dma_wait3A_121 = arith.constant 0 : i32
      %dma_wait3A_122 = arith.constant 0 : i32
      %dma_wait3A_123 = tpu.memref_slice %arg7[%dma_wait3A_120, %dma_wait3A_121, %dma_wait3A_122] : memref<2x128x32xf32, #tpu.memory_space<vmem>> -> memref<1x128x32xf32, #tpu.memory_space<vmem>>
      %dma_wait3A_124 = tpu.memref_squeeze %dma_wait3A_123 : memref<1x128x32xf32, #tpu.memory_space<vmem>> -> memref<128x32xf32, #tpu.memory_space<vmem>>
      %dma_wait3A_125 = arith.constant 0 : i32
      %dma_wait3A_126 = tpu.memref_slice %arg6[%dma_wait3A_119, %dma_wait3A_125] : memref<10x128xi32, #tpu.memory_space<vmem>> -> memref<1x128xi32, #tpu.memory_space<vmem>>
      %dma_wait3A_127 = tpu.memref_squeeze %dma_wait3A_126 : memref<1x128xi32, #tpu.memory_space<vmem>> -> memref<128xi32, #tpu.memory_space<vmem>>
      %dma_wait3A_128 = arith.constant 0 : i32
      %dma_wait3A_129 = arith.constant 0 : i32
      %dma_wait3A_130 = tpu.memref_slice %arg5[%dma_wait3A_128, %dma_wait3A_129] : memref<50000x32xf32, #tpu.memory_space<vmem_shared>> -> memref<50000x32xf32, #tpu.memory_space<vmem_shared>>
      tpu.wait_indirect_dma semaphore(%arg8 : memref<!tpu.dma_semaphore, #tpu.memory_space<semaphore_mem>>) src(%dma_wait3A_130 : memref<50000x32xf32, #tpu.memory_space<vmem_shared>>) dst(%dma_wait3A_124 : memref<128x32xf32, #tpu.memory_space<vmem>>)
      %add3A_131 = arith.constant 256 : i32
      %add3A_132 = arith.addi %mul3A_43, %add3A_131 : i32
      %run_scoped3A_133 = arith.constant 0 : i32
      "tpu.region"() ({
        %run_scoped3A_311 = tpu.sem_alloc : memref<!tpu.dma_semaphore, #tpu.memory_space<semaphore_mem>>
        %dma_start3A_312 = arith.constant 0 : i32
        %dma_start3A_313 = arith.constant 0 : i32
        %dma_start3A_314 = tpu.memref_slice %arg7[%run_scoped3A_133, %dma_start3A_312, %dma_start3A_313] : memref<2x128x32xf32, #tpu.memory_space<vmem>> -> memref<1x128x32xf32, #tpu.memory_space<vmem>>
        %dma_start3A_315 = tpu.memref_squeeze %dma_start3A_314 : memref<1x128x32xf32, #tpu.memory_space<vmem>> -> memref<128x32xf32, #tpu.memory_space<vmem>>
        %dma_start3A_316 = arith.constant 0 : i32
        %dma_start3A_317 = tpu.memref_slice %arg4[%add3A_132, %dma_start3A_316] : memref<800000x128xf32, #tpu.memory_space<hbm>> -> memref<128x32xf32, #tpu.memory_space<hbm>>
        %dma_start3A_318 = arith.constant 0 : i32
        %dma_start3A_319 = tpu.memref_slice %arg4[%add3A_132, %dma_start3A_318] : memref<800000x128xf32, #tpu.memory_space<hbm>> -> memref<128x32xf32, #tpu.memory_space<hbm>>
        %dma_start3A_320 = arith.constant 0 : i32
        %dma_start3A_321 = arith.constant 0 : i32
        %dma_start3A_322 = tpu.memref_slice %arg7[%run_scoped3A_133, %dma_start3A_320, %dma_start3A_321] : memref<2x128x32xf32, #tpu.memory_space<vmem>> -> memref<1x128x32xf32, #tpu.memory_space<vmem>>
        %dma_start3A_323 = tpu.memref_squeeze %dma_start3A_322 : memref<1x128x32xf32, #tpu.memory_space<vmem>> -> memref<128x32xf32, #tpu.memory_space<vmem>>
        tpu.enqueue_dma source(%dma_start3A_323 : memref<128x32xf32, #tpu.memory_space<vmem>>) target(%dma_start3A_319 : memref<128x32xf32, #tpu.memory_space<hbm>>) target_semaphore(%run_scoped3A_311 : memref<!tpu.dma_semaphore, #tpu.memory_space<semaphore_mem>>)
        %dma_wait3A_324 = arith.constant 0 : i32
        %dma_wait3A_325 = arith.constant 0 : i32
        %dma_wait3A_326 = tpu.memref_slice %arg7[%run_scoped3A_133, %dma_wait3A_324, %dma_wait3A_325] : memref<2x128x32xf32, #tpu.memory_space<vmem>> -> memref<1x128x32xf32, #tpu.memory_space<vmem>>
        %dma_wait3A_327 = tpu.memref_squeeze %dma_wait3A_326 : memref<1x128x32xf32, #tpu.memory_space<vmem>> -> memref<128x32xf32, #tpu.memory_space<vmem>>
        %dma_wait3A_328 = arith.constant 0 : i32
        %dma_wait3A_329 = tpu.memref_slice %arg4[%add3A_132, %dma_wait3A_328] : memref<800000x128xf32, #tpu.memory_space<hbm>> -> memref<128x32xf32, #tpu.memory_space<hbm>>
        %dma_wait3A_330 = arith.constant 0 : i32
        %dma_wait3A_331 = tpu.memref_slice %arg4[%add3A_132, %dma_wait3A_330] : memref<800000x128xf32, #tpu.memory_space<hbm>> -> memref<128x32xf32, #tpu.memory_space<hbm>>
        %dma_wait3A_332 = arith.constant 0 : i32
        %dma_wait3A_333 = arith.constant 0 : i32
        %dma_wait3A_334 = tpu.memref_slice %arg7[%run_scoped3A_133, %dma_wait3A_332, %dma_wait3A_333] : memref<2x128x32xf32, #tpu.memory_space<vmem>> -> memref<1x128x32xf32, #tpu.memory_space<vmem>>
        %dma_wait3A_335 = tpu.memref_squeeze %dma_wait3A_334 : memref<1x128x32xf32, #tpu.memory_space<vmem>> -> memref<128x32xf32, #tpu.memory_space<vmem>>
        tpu.wait_dma2 semaphore(%run_scoped3A_311 : memref<!tpu.dma_semaphore, #tpu.memory_space<semaphore_mem>>) src(%dma_wait3A_335 : memref<128x32xf32, #tpu.memory_space<vmem>>) dst(%dma_wait3A_331 : memref<128x32xf32, #tpu.memory_space<hbm>>)
        tpu.yield
      }) : () -> ()
      %dma_start3A_134 = arith.constant 4 : i32
      %dma_start3A_135 = arith.constant 0 : i32
      %dma_start3A_136 = arith.constant 0 : i32
      %dma_start3A_137 = arith.constant 0 : i32
      %dma_start3A_138 = tpu.memref_slice %arg7[%dma_start3A_135, %dma_start3A_136, %dma_start3A_137] : memref<2x128x32xf32, #tpu.memory_space<vmem>> -> memref<1x128x32xf32, #tpu.memory_space<vmem>>
      %dma_start3A_139 = tpu.memref_squeeze %dma_start3A_138 : memref<1x128x32xf32, #tpu.memory_space<vmem>> -> memref<128x32xf32, #tpu.memory_space<vmem>>
      %dma_start3A_140 = arith.constant 0 : i32
      %dma_start3A_141 = tpu.memref_slice %arg6[%dma_start3A_134, %dma_start3A_140] : memref<10x128xi32, #tpu.memory_space<vmem>> -> memref<1x128xi32, #tpu.memory_space<vmem>>
      %dma_start3A_142 = tpu.memref_squeeze %dma_start3A_141 : memref<1x128xi32, #tpu.memory_space<vmem>> -> memref<128xi32, #tpu.memory_space<vmem>>
      %dma_start3A_143 = arith.constant 0 : i32
      %dma_start3A_144 = arith.constant 0 : i32
      %dma_start3A_145 = tpu.memref_slice %arg5[%dma_start3A_143, %dma_start3A_144] : memref<50000x32xf32, #tpu.memory_space<vmem_shared>> -> memref<50000x32xf32, #tpu.memory_space<vmem_shared>>
      tpu.enqueue_indirect_dma source(%dma_start3A_145 : memref<50000x32xf32, #tpu.memory_space<vmem_shared>>) target(%dma_start3A_139 : memref<128x32xf32, #tpu.memory_space<vmem>>) offsets(%dma_start3A_142 : memref<128xi32, #tpu.memory_space<vmem>>) semaphore(%arg8 : memref<!tpu.dma_semaphore, #tpu.memory_space<semaphore_mem>>)
      %dma_wait3A_146 = arith.constant 3 : i32
      %dma_wait3A_147 = arith.constant 1 : i32
      %dma_wait3A_148 = arith.constant 0 : i32
      %dma_wait3A_149 = arith.constant 0 : i32
      %dma_wait3A_150 = tpu.memref_slice %arg7[%dma_wait3A_147, %dma_wait3A_148, %dma_wait3A_149] : memref<2x128x32xf32, #tpu.memory_space<vmem>> -> memref<1x128x32xf32, #tpu.memory_space<vmem>>
      %dma_wait3A_151 = tpu.memref_squeeze %dma_wait3A_150 : memref<1x128x32xf32, #tpu.memory_space<vmem>> -> memref<128x32xf32, #tpu.memory_space<vmem>>
      %dma_wait3A_152 = arith.constant 0 : i32
      %dma_wait3A_153 = tpu.memref_slice %arg6[%dma_wait3A_146, %dma_wait3A_152] : memref<10x128xi32, #tpu.memory_space<vmem>> -> memref<1x128xi32, #tpu.memory_space<vmem>>
      %dma_wait3A_154 = tpu.memref_squeeze %dma_wait3A_153 : memref<1x128xi32, #tpu.memory_space<vmem>> -> memref<128xi32, #tpu.memory_space<vmem>>
      %dma_wait3A_155 = arith.constant 0 : i32
      %dma_wait3A_156 = arith.constant 0 : i32
      %dma_wait3A_157 = tpu.memref_slice %arg5[%dma_wait3A_155, %dma_wait3A_156] : memref<50000x32xf32, #tpu.memory_space<vmem_shared>> -> memref<50000x32xf32, #tpu.memory_space<vmem_shared>>
      tpu.wait_indirect_dma semaphore(%arg8 : memref<!tpu.dma_semaphore, #tpu.memory_space<semaphore_mem>>) src(%dma_wait3A_157 : memref<50000x32xf32, #tpu.memory_space<vmem_shared>>) dst(%dma_wait3A_151 : memref<128x32xf32, #tpu.memory_space<vmem>>)
      %add3A_158 = arith.constant 384 : i32
      %add3A_159 = arith.addi %mul3A_43, %add3A_158 : i32
      %run_scoped3A_160 = arith.constant 1 : i32
      "tpu.region"() ({
        %run_scoped3A_311 = tpu.sem_alloc : memref<!tpu.dma_semaphore, #tpu.memory_space<semaphore_mem>>
        %dma_start3A_312 = arith.constant 0 : i32
        %dma_start3A_313 = arith.constant 0 : i32
        %dma_start3A_314 = tpu.memref_slice %arg7[%run_scoped3A_160, %dma_start3A_312, %dma_start3A_313] : memref<2x128x32xf32, #tpu.memory_space<vmem>> -> memref<1x128x32xf32, #tpu.memory_space<vmem>>
        %dma_start3A_315 = tpu.memref_squeeze %dma_start3A_314 : memref<1x128x32xf32, #tpu.memory_space<vmem>> -> memref<128x32xf32, #tpu.memory_space<vmem>>
        %dma_start3A_316 = arith.constant 0 : i32
        %dma_start3A_317 = tpu.memref_slice %arg4[%add3A_159, %dma_start3A_316] : memref<800000x128xf32, #tpu.memory_space<hbm>> -> memref<128x32xf32, #tpu.memory_space<hbm>>
        %dma_start3A_318 = arith.constant 0 : i32
        %dma_start3A_319 = tpu.memref_slice %arg4[%add3A_159, %dma_start3A_318] : memref<800000x128xf32, #tpu.memory_space<hbm>> -> memref<128x32xf32, #tpu.memory_space<hbm>>
        %dma_start3A_320 = arith.constant 0 : i32
        %dma_start3A_321 = arith.constant 0 : i32
        %dma_start3A_322 = tpu.memref_slice %arg7[%run_scoped3A_160, %dma_start3A_320, %dma_start3A_321] : memref<2x128x32xf32, #tpu.memory_space<vmem>> -> memref<1x128x32xf32, #tpu.memory_space<vmem>>
        %dma_start3A_323 = tpu.memref_squeeze %dma_start3A_322 : memref<1x128x32xf32, #tpu.memory_space<vmem>> -> memref<128x32xf32, #tpu.memory_space<vmem>>
        tpu.enqueue_dma source(%dma_start3A_323 : memref<128x32xf32, #tpu.memory_space<vmem>>) target(%dma_start3A_319 : memref<128x32xf32, #tpu.memory_space<hbm>>) target_semaphore(%run_scoped3A_311 : memref<!tpu.dma_semaphore, #tpu.memory_space<semaphore_mem>>)
        %dma_wait3A_324 = arith.constant 0 : i32
        %dma_wait3A_325 = arith.constant 0 : i32
        %dma_wait3A_326 = tpu.memref_slice %arg7[%run_scoped3A_160, %dma_wait3A_324, %dma_wait3A_325] : memref<2x128x32xf32, #tpu.memory_space<vmem>> -> memref<1x128x32xf32, #tpu.memory_space<vmem>>
        %dma_wait3A_327 = tpu.memref_squeeze %dma_wait3A_326 : memref<1x128x32xf32, #tpu.memory_space<vmem>> -> memref<128x32xf32, #tpu.memory_space<vmem>>
        %dma_wait3A_328 = arith.constant 0 : i32
        %dma_wait3A_329 = tpu.memref_slice %arg4[%add3A_159, %dma_wait3A_328] : memref<800000x128xf32, #tpu.memory_space<hbm>> -> memref<128x32xf32, #tpu.memory_space<hbm>>
        %dma_wait3A_330 = arith.constant 0 : i32
        %dma_wait3A_331 = tpu.memref_slice %arg4[%add3A_159, %dma_wait3A_330] : memref<800000x128xf32, #tpu.memory_space<hbm>> -> memref<128x32xf32, #tpu.memory_space<hbm>>
        %dma_wait3A_332 = arith.constant 0 : i32
        %dma_wait3A_333 = arith.constant 0 : i32
        %dma_wait3A_334 = tpu.memref_slice %arg7[%run_scoped3A_160, %dma_wait3A_332, %dma_wait3A_333] : memref<2x128x32xf32, #tpu.memory_space<vmem>> -> memref<1x128x32xf32, #tpu.memory_space<vmem>>
        %dma_wait3A_335 = tpu.memref_squeeze %dma_wait3A_334 : memref<1x128x32xf32, #tpu.memory_space<vmem>> -> memref<128x32xf32, #tpu.memory_space<vmem>>
        tpu.wait_dma2 semaphore(%run_scoped3A_311 : memref<!tpu.dma_semaphore, #tpu.memory_space<semaphore_mem>>) src(%dma_wait3A_335 : memref<128x32xf32, #tpu.memory_space<vmem>>) dst(%dma_wait3A_331 : memref<128x32xf32, #tpu.memory_space<hbm>>)
        tpu.yield
      }) : () -> ()
      %dma_start3A_161 = arith.constant 5 : i32
      %dma_start3A_162 = arith.constant 1 : i32
      %dma_start3A_163 = arith.constant 0 : i32
      %dma_start3A_164 = arith.constant 0 : i32
      %dma_start3A_165 = tpu.memref_slice %arg7[%dma_start3A_162, %dma_start3A_163, %dma_start3A_164] : memref<2x128x32xf32, #tpu.memory_space<vmem>> -> memref<1x128x32xf32, #tpu.memory_space<vmem>>
      %dma_start3A_166 = tpu.memref_squeeze %dma_start3A_165 : memref<1x128x32xf32, #tpu.memory_space<vmem>> -> memref<128x32xf32, #tpu.memory_space<vmem>>
      %dma_start3A_167 = arith.constant 0 : i32
      %dma_start3A_168 = tpu.memref_slice %arg6[%dma_start3A_161, %dma_start3A_167] : memref<10x128xi32, #tpu.memory_space<vmem>> -> memref<1x128xi32, #tpu.memory_space<vmem>>
      %dma_start3A_169 = tpu.memref_squeeze %dma_start3A_168 : memref<1x128xi32, #tpu.memory_space<vmem>> -> memref<128xi32, #tpu.memory_space<vmem>>
      %dma_start3A_170 = arith.constant 0 : i32
      %dma_start3A_171 = arith.constant 0 : i32
      %dma_start3A_172 = tpu.memref_slice %arg5[%dma_start3A_170, %dma_start3A_171] : memref<50000x32xf32, #tpu.memory_space<vmem_shared>> -> memref<50000x32xf32, #tpu.memory_space<vmem_shared>>
      tpu.enqueue_indirect_dma source(%dma_start3A_172 : memref<50000x32xf32, #tpu.memory_space<vmem_shared>>) target(%dma_start3A_166 : memref<128x32xf32, #tpu.memory_space<vmem>>) offsets(%dma_start3A_169 : memref<128xi32, #tpu.memory_space<vmem>>) semaphore(%arg8 : memref<!tpu.dma_semaphore, #tpu.memory_space<semaphore_mem>>)
      %dma_wait3A_173 = arith.constant 4 : i32
      %dma_wait3A_174 = arith.constant 0 : i32
      %dma_wait3A_175 = arith.constant 0 : i32
      %dma_wait3A_176 = arith.constant 0 : i32
      %dma_wait3A_177 = tpu.memref_slice %arg7[%dma_wait3A_174, %dma_wait3A_175, %dma_wait3A_176] : memref<2x128x32xf32, #tpu.memory_space<vmem>> -> memref<1x128x32xf32, #tpu.memory_space<vmem>>
      %dma_wait3A_178 = tpu.memref_squeeze %dma_wait3A_177 : memref<1x128x32xf32, #tpu.memory_space<vmem>> -> memref<128x32xf32, #tpu.memory_space<vmem>>
      %dma_wait3A_179 = arith.constant 0 : i32
      %dma_wait3A_180 = tpu.memref_slice %arg6[%dma_wait3A_173, %dma_wait3A_179] : memref<10x128xi32, #tpu.memory_space<vmem>> -> memref<1x128xi32, #tpu.memory_space<vmem>>
      %dma_wait3A_181 = tpu.memref_squeeze %dma_wait3A_180 : memref<1x128xi32, #tpu.memory_space<vmem>> -> memref<128xi32, #tpu.memory_space<vmem>>
      %dma_wait3A_182 = arith.constant 0 : i32
      %dma_wait3A_183 = arith.constant 0 : i32
      %dma_wait3A_184 = tpu.memref_slice %arg5[%dma_wait3A_182, %dma_wait3A_183] : memref<50000x32xf32, #tpu.memory_space<vmem_shared>> -> memref<50000x32xf32, #tpu.memory_space<vmem_shared>>
      tpu.wait_indirect_dma semaphore(%arg8 : memref<!tpu.dma_semaphore, #tpu.memory_space<semaphore_mem>>) src(%dma_wait3A_184 : memref<50000x32xf32, #tpu.memory_space<vmem_shared>>) dst(%dma_wait3A_178 : memref<128x32xf32, #tpu.memory_space<vmem>>)
      %add3A_185 = arith.constant 512 : i32
      %add3A_186 = arith.addi %mul3A_43, %add3A_185 : i32
      %run_scoped3A_187 = arith.constant 0 : i32
      "tpu.region"() ({
        %run_scoped3A_311 = tpu.sem_alloc : memref<!tpu.dma_semaphore, #tpu.memory_space<semaphore_mem>>
        %dma_start3A_312 = arith.constant 0 : i32
        %dma_start3A_313 = arith.constant 0 : i32
        %dma_start3A_314 = tpu.memref_slice %arg7[%run_scoped3A_187, %dma_start3A_312, %dma_start3A_313] : memref<2x128x32xf32, #tpu.memory_space<vmem>> -> memref<1x128x32xf32, #tpu.memory_space<vmem>>
        %dma_start3A_315 = tpu.memref_squeeze %dma_start3A_314 : memref<1x128x32xf32, #tpu.memory_space<vmem>> -> memref<128x32xf32, #tpu.memory_space<vmem>>
        %dma_start3A_316 = arith.constant 0 : i32
        %dma_start3A_317 = tpu.memref_slice %arg4[%add3A_186, %dma_start3A_316] : memref<800000x128xf32, #tpu.memory_space<hbm>> -> memref<128x32xf32, #tpu.memory_space<hbm>>
        %dma_start3A_318 = arith.constant 0 : i32
        %dma_start3A_319 = tpu.memref_slice %arg4[%add3A_186, %dma_start3A_318] : memref<800000x128xf32, #tpu.memory_space<hbm>> -> memref<128x32xf32, #tpu.memory_space<hbm>>
        %dma_start3A_320 = arith.constant 0 : i32
        %dma_start3A_321 = arith.constant 0 : i32
        %dma_start3A_322 = tpu.memref_slice %arg7[%run_scoped3A_187, %dma_start3A_320, %dma_start3A_321] : memref<2x128x32xf32, #tpu.memory_space<vmem>> -> memref<1x128x32xf32, #tpu.memory_space<vmem>>
        %dma_start3A_323 = tpu.memref_squeeze %dma_start3A_322 : memref<1x128x32xf32, #tpu.memory_space<vmem>> -> memref<128x32xf32, #tpu.memory_space<vmem>>
        tpu.enqueue_dma source(%dma_start3A_323 : memref<128x32xf32, #tpu.memory_space<vmem>>) target(%dma_start3A_319 : memref<128x32xf32, #tpu.memory_space<hbm>>) target_semaphore(%run_scoped3A_311 : memref<!tpu.dma_semaphore, #tpu.memory_space<semaphore_mem>>)
        %dma_wait3A_324 = arith.constant 0 : i32
        %dma_wait3A_325 = arith.constant 0 : i32
        %dma_wait3A_326 = tpu.memref_slice %arg7[%run_scoped3A_187, %dma_wait3A_324, %dma_wait3A_325] : memref<2x128x32xf32, #tpu.memory_space<vmem>> -> memref<1x128x32xf32, #tpu.memory_space<vmem>>
        %dma_wait3A_327 = tpu.memref_squeeze %dma_wait3A_326 : memref<1x128x32xf32, #tpu.memory_space<vmem>> -> memref<128x32xf32, #tpu.memory_space<vmem>>
        %dma_wait3A_328 = arith.constant 0 : i32
        %dma_wait3A_329 = tpu.memref_slice %arg4[%add3A_186, %dma_wait3A_328] : memref<800000x128xf32, #tpu.memory_space<hbm>> -> memref<128x32xf32, #tpu.memory_space<hbm>>
        %dma_wait3A_330 = arith.constant 0 : i32
        %dma_wait3A_331 = tpu.memref_slice %arg4[%add3A_186, %dma_wait3A_330] : memref<800000x128xf32, #tpu.memory_space<hbm>> -> memref<128x32xf32, #tpu.memory_space<hbm>>
        %dma_wait3A_332 = arith.constant 0 : i32
        %dma_wait3A_333 = arith.constant 0 : i32
        %dma_wait3A_334 = tpu.memref_slice %arg7[%run_scoped3A_187, %dma_wait3A_332, %dma_wait3A_333] : memref<2x128x32xf32, #tpu.memory_space<vmem>> -> memref<1x128x32xf32, #tpu.memory_space<vmem>>
        %dma_wait3A_335 = tpu.memref_squeeze %dma_wait3A_334 : memref<1x128x32xf32, #tpu.memory_space<vmem>> -> memref<128x32xf32, #tpu.memory_space<vmem>>
        tpu.wait_dma2 semaphore(%run_scoped3A_311 : memref<!tpu.dma_semaphore, #tpu.memory_space<semaphore_mem>>) src(%dma_wait3A_335 : memref<128x32xf32, #tpu.memory_space<vmem>>) dst(%dma_wait3A_331 : memref<128x32xf32, #tpu.memory_space<hbm>>)
        tpu.yield
      }) : () -> ()
      %dma_start3A_188 = arith.constant 6 : i32
      %dma_start3A_189 = arith.constant 0 : i32
      %dma_start3A_190 = arith.constant 0 : i32
      %dma_start3A_191 = arith.constant 0 : i32
      %dma_start3A_192 = tpu.memref_slice %arg7[%dma_start3A_189, %dma_start3A_190, %dma_start3A_191] : memref<2x128x32xf32, #tpu.memory_space<vmem>> -> memref<1x128x32xf32, #tpu.memory_space<vmem>>
      %dma_start3A_193 = tpu.memref_squeeze %dma_start3A_192 : memref<1x128x32xf32, #tpu.memory_space<vmem>> -> memref<128x32xf32, #tpu.memory_space<vmem>>
      %dma_start3A_194 = arith.constant 0 : i32
      %dma_start3A_195 = tpu.memref_slice %arg6[%dma_start3A_188, %dma_start3A_194] : memref<10x128xi32, #tpu.memory_space<vmem>> -> memref<1x128xi32, #tpu.memory_space<vmem>>
      %dma_start3A_196 = tpu.memref_squeeze %dma_start3A_195 : memref<1x128xi32, #tpu.memory_space<vmem>> -> memref<128xi32, #tpu.memory_space<vmem>>
      %dma_start3A_197 = arith.constant 0 : i32
      %dma_start3A_198 = arith.constant 0 : i32
      %dma_start3A_199 = tpu.memref_slice %arg5[%dma_start3A_197, %dma_start3A_198] : memref<50000x32xf32, #tpu.memory_space<vmem_shared>> -> memref<50000x32xf32, #tpu.memory_space<vmem_shared>>
      tpu.enqueue_indirect_dma source(%dma_start3A_199 : memref<50000x32xf32, #tpu.memory_space<vmem_shared>>) target(%dma_start3A_193 : memref<128x32xf32, #tpu.memory_space<vmem>>) offsets(%dma_start3A_196 : memref<128xi32, #tpu.memory_space<vmem>>) semaphore(%arg8 : memref<!tpu.dma_semaphore, #tpu.memory_space<semaphore_mem>>)
      %dma_wait3A_200 = arith.constant 5 : i32
      %dma_wait3A_201 = arith.constant 1 : i32
      %dma_wait3A_202 = arith.constant 0 : i32
      %dma_wait3A_203 = arith.constant 0 : i32
      %dma_wait3A_204 = tpu.memref_slice %arg7[%dma_wait3A_201, %dma_wait3A_202, %dma_wait3A_203] : memref<2x128x32xf32, #tpu.memory_space<vmem>> -> memref<1x128x32xf32, #tpu.memory_space<vmem>>
      %dma_wait3A_205 = tpu.memref_squeeze %dma_wait3A_204 : memref<1x128x32xf32, #tpu.memory_space<vmem>> -> memref<128x32xf32, #tpu.memory_space<vmem>>
      %dma_wait3A_206 = arith.constant 0 : i32
      %dma_wait3A_207 = tpu.memref_slice %arg6[%dma_wait3A_200, %dma_wait3A_206] : memref<10x128xi32, #tpu.memory_space<vmem>> -> memref<1x128xi32, #tpu.memory_space<vmem>>
      %dma_wait3A_208 = tpu.memref_squeeze %dma_wait3A_207 : memref<1x128xi32, #tpu.memory_space<vmem>> -> memref<128xi32, #tpu.memory_space<vmem>>
      %dma_wait3A_209 = arith.constant 0 : i32
      %dma_wait3A_210 = arith.constant 0 : i32
      %dma_wait3A_211 = tpu.memref_slice %arg5[%dma_wait3A_209, %dma_wait3A_210] : memref<50000x32xf32, #tpu.memory_space<vmem_shared>> -> memref<50000x32xf32, #tpu.memory_space<vmem_shared>>
      tpu.wait_indirect_dma semaphore(%arg8 : memref<!tpu.dma_semaphore, #tpu.memory_space<semaphore_mem>>) src(%dma_wait3A_211 : memref<50000x32xf32, #tpu.memory_space<vmem_shared>>) dst(%dma_wait3A_205 : memref<128x32xf32, #tpu.memory_space<vmem>>)
      %add3A_212 = arith.constant 640 : i32
      %add3A_213 = arith.addi %mul3A_43, %add3A_212 : i32
      %run_scoped3A_214 = arith.constant 1 : i32
      "tpu.region"() ({
        %run_scoped3A_311 = tpu.sem_alloc : memref<!tpu.dma_semaphore, #tpu.memory_space<semaphore_mem>>
        %dma_start3A_312 = arith.constant 0 : i32
        %dma_start3A_313 = arith.constant 0 : i32
        %dma_start3A_314 = tpu.memref_slice %arg7[%run_scoped3A_214, %dma_start3A_312, %dma_start3A_313] : memref<2x128x32xf32, #tpu.memory_space<vmem>> -> memref<1x128x32xf32, #tpu.memory_space<vmem>>
        %dma_start3A_315 = tpu.memref_squeeze %dma_start3A_314 : memref<1x128x32xf32, #tpu.memory_space<vmem>> -> memref<128x32xf32, #tpu.memory_space<vmem>>
        %dma_start3A_316 = arith.constant 0 : i32
        %dma_start3A_317 = tpu.memref_slice %arg4[%add3A_213, %dma_start3A_316] : memref<800000x128xf32, #tpu.memory_space<hbm>> -> memref<128x32xf32, #tpu.memory_space<hbm>>
        %dma_start3A_318 = arith.constant 0 : i32
        %dma_start3A_319 = tpu.memref_slice %arg4[%add3A_213, %dma_start3A_318] : memref<800000x128xf32, #tpu.memory_space<hbm>> -> memref<128x32xf32, #tpu.memory_space<hbm>>
        %dma_start3A_320 = arith.constant 0 : i32
        %dma_start3A_321 = arith.constant 0 : i32
        %dma_start3A_322 = tpu.memref_slice %arg7[%run_scoped3A_214, %dma_start3A_320, %dma_start3A_321] : memref<2x128x32xf32, #tpu.memory_space<vmem>> -> memref<1x128x32xf32, #tpu.memory_space<vmem>>
        %dma_start3A_323 = tpu.memref_squeeze %dma_start3A_322 : memref<1x128x32xf32, #tpu.memory_space<vmem>> -> memref<128x32xf32, #tpu.memory_space<vmem>>
        tpu.enqueue_dma source(%dma_start3A_323 : memref<128x32xf32, #tpu.memory_space<vmem>>) target(%dma_start3A_319 : memref<128x32xf32, #tpu.memory_space<hbm>>) target_semaphore(%run_scoped3A_311 : memref<!tpu.dma_semaphore, #tpu.memory_space<semaphore_mem>>)
        %dma_wait3A_324 = arith.constant 0 : i32
        %dma_wait3A_325 = arith.constant 0 : i32
        %dma_wait3A_326 = tpu.memref_slice %arg7[%run_scoped3A_214, %dma_wait3A_324, %dma_wait3A_325] : memref<2x128x32xf32, #tpu.memory_space<vmem>> -> memref<1x128x32xf32, #tpu.memory_space<vmem>>
        %dma_wait3A_327 = tpu.memref_squeeze %dma_wait3A_326 : memref<1x128x32xf32, #tpu.memory_space<vmem>> -> memref<128x32xf32, #tpu.memory_space<vmem>>
        %dma_wait3A_328 = arith.constant 0 : i32
        %dma_wait3A_329 = tpu.memref_slice %arg4[%add3A_213, %dma_wait3A_328] : memref<800000x128xf32, #tpu.memory_space<hbm>> -> memref<128x32xf32, #tpu.memory_space<hbm>>
        %dma_wait3A_330 = arith.constant 0 : i32
        %dma_wait3A_331 = tpu.memref_slice %arg4[%add3A_213, %dma_wait3A_330] : memref<800000x128xf32, #tpu.memory_space<hbm>> -> memref<128x32xf32, #tpu.memory_space<hbm>>
        %dma_wait3A_332 = arith.constant 0 : i32
        %dma_wait3A_333 = arith.constant 0 : i32
        %dma_wait3A_334 = tpu.memref_slice %arg7[%run_scoped3A_214, %dma_wait3A_332, %dma_wait3A_333] : memref<2x128x32xf32, #tpu.memory_space<vmem>> -> memref<1x128x32xf32, #tpu.memory_space<vmem>>
        %dma_wait3A_335 = tpu.memref_squeeze %dma_wait3A_334 : memref<1x128x32xf32, #tpu.memory_space<vmem>> -> memref<128x32xf32, #tpu.memory_space<vmem>>
        tpu.wait_dma2 semaphore(%run_scoped3A_311 : memref<!tpu.dma_semaphore, #tpu.memory_space<semaphore_mem>>) src(%dma_wait3A_335 : memref<128x32xf32, #tpu.memory_space<vmem>>) dst(%dma_wait3A_331 : memref<128x32xf32, #tpu.memory_space<hbm>>)
        tpu.yield
      }) : () -> ()
      %dma_start3A_215 = arith.constant 7 : i32
      %dma_start3A_216 = arith.constant 1 : i32
      %dma_start3A_217 = arith.constant 0 : i32
      %dma_start3A_218 = arith.constant 0 : i32
      %dma_start3A_219 = tpu.memref_slice %arg7[%dma_start3A_216, %dma_start3A_217, %dma_start3A_218] : memref<2x128x32xf32, #tpu.memory_space<vmem>> -> memref<1x128x32xf32, #tpu.memory_space<vmem>>
      %dma_start3A_220 = tpu.memref_squeeze %dma_start3A_219 : memref<1x128x32xf32, #tpu.memory_space<vmem>> -> memref<128x32xf32, #tpu.memory_space<vmem>>
      %dma_start3A_221 = arith.constant 0 : i32
      %dma_start3A_222 = tpu.memref_slice %arg6[%dma_start3A_215, %dma_start3A_221] : memref<10x128xi32, #tpu.memory_space<vmem>> -> memref<1x128xi32, #tpu.memory_space<vmem>>
      %dma_start3A_223 = tpu.memref_squeeze %dma_start3A_222 : memref<1x128xi32, #tpu.memory_space<vmem>> -> memref<128xi32, #tpu.memory_space<vmem>>
      %dma_start3A_224 = arith.constant 0 : i32
      %dma_start3A_225 = arith.constant 0 : i32
      %dma_start3A_226 = tpu.memref_slice %arg5[%dma_start3A_224, %dma_start3A_225] : memref<50000x32xf32, #tpu.memory_space<vmem_shared>> -> memref<50000x32xf32, #tpu.memory_space<vmem_shared>>
      tpu.enqueue_indirect_dma source(%dma_start3A_226 : memref<50000x32xf32, #tpu.memory_space<vmem_shared>>) target(%dma_start3A_220 : memref<128x32xf32, #tpu.memory_space<vmem>>) offsets(%dma_start3A_223 : memref<128xi32, #tpu.memory_space<vmem>>) semaphore(%arg8 : memref<!tpu.dma_semaphore, #tpu.memory_space<semaphore_mem>>)
      %dma_wait3A_227 = arith.constant 6 : i32
      %dma_wait3A_228 = arith.constant 0 : i32
      %dma_wait3A_229 = arith.constant 0 : i32
      %dma_wait3A_230 = arith.constant 0 : i32
      %dma_wait3A_231 = tpu.memref_slice %arg7[%dma_wait3A_228, %dma_wait3A_229, %dma_wait3A_230] : memref<2x128x32xf32, #tpu.memory_space<vmem>> -> memref<1x128x32xf32, #tpu.memory_space<vmem>>
      %dma_wait3A_232 = tpu.memref_squeeze %dma_wait3A_231 : memref<1x128x32xf32, #tpu.memory_space<vmem>> -> memref<128x32xf32, #tpu.memory_space<vmem>>
      %dma_wait3A_233 = arith.constant 0 : i32
      %dma_wait3A_234 = tpu.memref_slice %arg6[%dma_wait3A_227, %dma_wait3A_233] : memref<10x128xi32, #tpu.memory_space<vmem>> -> memref<1x128xi32, #tpu.memory_space<vmem>>
      %dma_wait3A_235 = tpu.memref_squeeze %dma_wait3A_234 : memref<1x128xi32, #tpu.memory_space<vmem>> -> memref<128xi32, #tpu.memory_space<vmem>>
      %dma_wait3A_236 = arith.constant 0 : i32
      %dma_wait3A_237 = arith.constant 0 : i32
      %dma_wait3A_238 = tpu.memref_slice %arg5[%dma_wait3A_236, %dma_wait3A_237] : memref<50000x32xf32, #tpu.memory_space<vmem_shared>> -> memref<50000x32xf32, #tpu.memory_space<vmem_shared>>
      tpu.wait_indirect_dma semaphore(%arg8 : memref<!tpu.dma_semaphore, #tpu.memory_space<semaphore_mem>>) src(%dma_wait3A_238 : memref<50000x32xf32, #tpu.memory_space<vmem_shared>>) dst(%dma_wait3A_232 : memref<128x32xf32, #tpu.memory_space<vmem>>)
      %add3A_239 = arith.constant 768 : i32
      %add3A_240 = arith.addi %mul3A_43, %add3A_239 : i32
      %run_scoped3A_241 = arith.constant 0 : i32
      "tpu.region"() ({
        %run_scoped3A_311 = tpu.sem_alloc : memref<!tpu.dma_semaphore, #tpu.memory_space<semaphore_mem>>
        %dma_start3A_312 = arith.constant 0 : i32
        %dma_start3A_313 = arith.constant 0 : i32
        %dma_start3A_314 = tpu.memref_slice %arg7[%run_scoped3A_241, %dma_start3A_312, %dma_start3A_313] : memref<2x128x32xf32, #tpu.memory_space<vmem>> -> memref<1x128x32xf32, #tpu.memory_space<vmem>>
        %dma_start3A_315 = tpu.memref_squeeze %dma_start3A_314 : memref<1x128x32xf32, #tpu.memory_space<vmem>> -> memref<128x32xf32, #tpu.memory_space<vmem>>
        %dma_start3A_316 = arith.constant 0 : i32
        %dma_start3A_317 = tpu.memref_slice %arg4[%add3A_240, %dma_start3A_316] : memref<800000x128xf32, #tpu.memory_space<hbm>> -> memref<128x32xf32, #tpu.memory_space<hbm>>
        %dma_start3A_318 = arith.constant 0 : i32
        %dma_start3A_319 = tpu.memref_slice %arg4[%add3A_240, %dma_start3A_318] : memref<800000x128xf32, #tpu.memory_space<hbm>> -> memref<128x32xf32, #tpu.memory_space<hbm>>
        %dma_start3A_320 = arith.constant 0 : i32
        %dma_start3A_321 = arith.constant 0 : i32
        %dma_start3A_322 = tpu.memref_slice %arg7[%run_scoped3A_241, %dma_start3A_320, %dma_start3A_321] : memref<2x128x32xf32, #tpu.memory_space<vmem>> -> memref<1x128x32xf32, #tpu.memory_space<vmem>>
        %dma_start3A_323 = tpu.memref_squeeze %dma_start3A_322 : memref<1x128x32xf32, #tpu.memory_space<vmem>> -> memref<128x32xf32, #tpu.memory_space<vmem>>
        tpu.enqueue_dma source(%dma_start3A_323 : memref<128x32xf32, #tpu.memory_space<vmem>>) target(%dma_start3A_319 : memref<128x32xf32, #tpu.memory_space<hbm>>) target_semaphore(%run_scoped3A_311 : memref<!tpu.dma_semaphore, #tpu.memory_space<semaphore_mem>>)
        %dma_wait3A_324 = arith.constant 0 : i32
        %dma_wait3A_325 = arith.constant 0 : i32
        %dma_wait3A_326 = tpu.memref_slice %arg7[%run_scoped3A_241, %dma_wait3A_324, %dma_wait3A_325] : memref<2x128x32xf32, #tpu.memory_space<vmem>> -> memref<1x128x32xf32, #tpu.memory_space<vmem>>
        %dma_wait3A_327 = tpu.memref_squeeze %dma_wait3A_326 : memref<1x128x32xf32, #tpu.memory_space<vmem>> -> memref<128x32xf32, #tpu.memory_space<vmem>>
        %dma_wait3A_328 = arith.constant 0 : i32
        %dma_wait3A_329 = tpu.memref_slice %arg4[%add3A_240, %dma_wait3A_328] : memref<800000x128xf32, #tpu.memory_space<hbm>> -> memref<128x32xf32, #tpu.memory_space<hbm>>
        %dma_wait3A_330 = arith.constant 0 : i32
        %dma_wait3A_331 = tpu.memref_slice %arg4[%add3A_240, %dma_wait3A_330] : memref<800000x128xf32, #tpu.memory_space<hbm>> -> memref<128x32xf32, #tpu.memory_space<hbm>>
        %dma_wait3A_332 = arith.constant 0 : i32
        %dma_wait3A_333 = arith.constant 0 : i32
        %dma_wait3A_334 = tpu.memref_slice %arg7[%run_scoped3A_241, %dma_wait3A_332, %dma_wait3A_333] : memref<2x128x32xf32, #tpu.memory_space<vmem>> -> memref<1x128x32xf32, #tpu.memory_space<vmem>>
        %dma_wait3A_335 = tpu.memref_squeeze %dma_wait3A_334 : memref<1x128x32xf32, #tpu.memory_space<vmem>> -> memref<128x32xf32, #tpu.memory_space<vmem>>
        tpu.wait_dma2 semaphore(%run_scoped3A_311 : memref<!tpu.dma_semaphore, #tpu.memory_space<semaphore_mem>>) src(%dma_wait3A_335 : memref<128x32xf32, #tpu.memory_space<vmem>>) dst(%dma_wait3A_331 : memref<128x32xf32, #tpu.memory_space<hbm>>)
        tpu.yield
      }) : () -> ()
      %dma_start3A_242 = arith.constant 8 : i32
      %dma_start3A_243 = arith.constant 0 : i32
      %dma_start3A_244 = arith.constant 0 : i32
      %dma_start3A_245 = arith.constant 0 : i32
      %dma_start3A_246 = tpu.memref_slice %arg7[%dma_start3A_243, %dma_start3A_244, %dma_start3A_245] : memref<2x128x32xf32, #tpu.memory_space<vmem>> -> memref<1x128x32xf32, #tpu.memory_space<vmem>>
      %dma_start3A_247 = tpu.memref_squeeze %dma_start3A_246 : memref<1x128x32xf32, #tpu.memory_space<vmem>> -> memref<128x32xf32, #tpu.memory_space<vmem>>
      %dma_start3A_248 = arith.constant 0 : i32
      %dma_start3A_249 = tpu.memref_slice %arg6[%dma_start3A_242, %dma_start3A_248] : memref<10x128xi32, #tpu.memory_space<vmem>> -> memref<1x128xi32, #tpu.memory_space<vmem>>
      %dma_start3A_250 = tpu.memref_squeeze %dma_start3A_249 : memref<1x128xi32, #tpu.memory_space<vmem>> -> memref<128xi32, #tpu.memory_space<vmem>>
      %dma_start3A_251 = arith.constant 0 : i32
      %dma_start3A_252 = arith.constant 0 : i32
      %dma_start3A_253 = tpu.memref_slice %arg5[%dma_start3A_251, %dma_start3A_252] : memref<50000x32xf32, #tpu.memory_space<vmem_shared>> -> memref<50000x32xf32, #tpu.memory_space<vmem_shared>>
      tpu.enqueue_indirect_dma source(%dma_start3A_253 : memref<50000x32xf32, #tpu.memory_space<vmem_shared>>) target(%dma_start3A_247 : memref<128x32xf32, #tpu.memory_space<vmem>>) offsets(%dma_start3A_250 : memref<128xi32, #tpu.memory_space<vmem>>) semaphore(%arg8 : memref<!tpu.dma_semaphore, #tpu.memory_space<semaphore_mem>>)
      %dma_wait3A_254 = arith.constant 7 : i32
      %dma_wait3A_255 = arith.constant 1 : i32
      %dma_wait3A_256 = arith.constant 0 : i32
      %dma_wait3A_257 = arith.constant 0 : i32
      %dma_wait3A_258 = tpu.memref_slice %arg7[%dma_wait3A_255, %dma_wait3A_256, %dma_wait3A_257] : memref<2x128x32xf32, #tpu.memory_space<vmem>> -> memref<1x128x32xf32, #tpu.memory_space<vmem>>
      %dma_wait3A_259 = tpu.memref_squeeze %dma_wait3A_258 : memref<1x128x32xf32, #tpu.memory_space<vmem>> -> memref<128x32xf32, #tpu.memory_space<vmem>>
      %dma_wait3A_260 = arith.constant 0 : i32
      %dma_wait3A_261 = tpu.memref_slice %arg6[%dma_wait3A_254, %dma_wait3A_260] : memref<10x128xi32, #tpu.memory_space<vmem>> -> memref<1x128xi32, #tpu.memory_space<vmem>>
      %dma_wait3A_262 = tpu.memref_squeeze %dma_wait3A_261 : memref<1x128xi32, #tpu.memory_space<vmem>> -> memref<128xi32, #tpu.memory_space<vmem>>
      %dma_wait3A_263 = arith.constant 0 : i32
      %dma_wait3A_264 = arith.constant 0 : i32
      %dma_wait3A_265 = tpu.memref_slice %arg5[%dma_wait3A_263, %dma_wait3A_264] : memref<50000x32xf32, #tpu.memory_space<vmem_shared>> -> memref<50000x32xf32, #tpu.memory_space<vmem_shared>>
      tpu.wait_indirect_dma semaphore(%arg8 : memref<!tpu.dma_semaphore, #tpu.memory_space<semaphore_mem>>) src(%dma_wait3A_265 : memref<50000x32xf32, #tpu.memory_space<vmem_shared>>) dst(%dma_wait3A_259 : memref<128x32xf32, #tpu.memory_space<vmem>>)
      %add3A_266 = arith.constant 896 : i32
      %add3A_267 = arith.addi %mul3A_43, %add3A_266 : i32
      %run_scoped3A_268 = arith.constant 1 : i32
      "tpu.region"() ({
        %run_scoped3A_311 = tpu.sem_alloc : memref<!tpu.dma_semaphore, #tpu.memory_space<semaphore_mem>>
        %dma_start3A_312 = arith.constant 0 : i32
        %dma_start3A_313 = arith.constant 0 : i32
        %dma_start3A_314 = tpu.memref_slice %arg7[%run_scoped3A_268, %dma_start3A_312, %dma_start3A_313] : memref<2x128x32xf32, #tpu.memory_space<vmem>> -> memref<1x128x32xf32, #tpu.memory_space<vmem>>
        %dma_start3A_315 = tpu.memref_squeeze %dma_start3A_314 : memref<1x128x32xf32, #tpu.memory_space<vmem>> -> memref<128x32xf32, #tpu.memory_space<vmem>>
        %dma_start3A_316 = arith.constant 0 : i32
        %dma_start3A_317 = tpu.memref_slice %arg4[%add3A_267, %dma_start3A_316] : memref<800000x128xf32, #tpu.memory_space<hbm>> -> memref<128x32xf32, #tpu.memory_space<hbm>>
        %dma_start3A_318 = arith.constant 0 : i32
        %dma_start3A_319 = tpu.memref_slice %arg4[%add3A_267, %dma_start3A_318] : memref<800000x128xf32, #tpu.memory_space<hbm>> -> memref<128x32xf32, #tpu.memory_space<hbm>>
        %dma_start3A_320 = arith.constant 0 : i32
        %dma_start3A_321 = arith.constant 0 : i32
        %dma_start3A_322 = tpu.memref_slice %arg7[%run_scoped3A_268, %dma_start3A_320, %dma_start3A_321] : memref<2x128x32xf32, #tpu.memory_space<vmem>> -> memref<1x128x32xf32, #tpu.memory_space<vmem>>
        %dma_start3A_323 = tpu.memref_squeeze %dma_start3A_322 : memref<1x128x32xf32, #tpu.memory_space<vmem>> -> memref<128x32xf32, #tpu.memory_space<vmem>>
        tpu.enqueue_dma source(%dma_start3A_323 : memref<128x32xf32, #tpu.memory_space<vmem>>) target(%dma_start3A_319 : memref<128x32xf32, #tpu.memory_space<hbm>>) target_semaphore(%run_scoped3A_311 : memref<!tpu.dma_semaphore, #tpu.memory_space<semaphore_mem>>)
        %dma_wait3A_324 = arith.constant 0 : i32
        %dma_wait3A_325 = arith.constant 0 : i32
        %dma_wait3A_326 = tpu.memref_slice %arg7[%run_scoped3A_268, %dma_wait3A_324, %dma_wait3A_325] : memref<2x128x32xf32, #tpu.memory_space<vmem>> -> memref<1x128x32xf32, #tpu.memory_space<vmem>>
        %dma_wait3A_327 = tpu.memref_squeeze %dma_wait3A_326 : memref<1x128x32xf32, #tpu.memory_space<vmem>> -> memref<128x32xf32, #tpu.memory_space<vmem>>
        %dma_wait3A_328 = arith.constant 0 : i32
        %dma_wait3A_329 = tpu.memref_slice %arg4[%add3A_267, %dma_wait3A_328] : memref<800000x128xf32, #tpu.memory_space<hbm>> -> memref<128x32xf32, #tpu.memory_space<hbm>>
        %dma_wait3A_330 = arith.constant 0 : i32
        %dma_wait3A_331 = tpu.memref_slice %arg4[%add3A_267, %dma_wait3A_330] : memref<800000x128xf32, #tpu.memory_space<hbm>> -> memref<128x32xf32, #tpu.memory_space<hbm>>
        %dma_wait3A_332 = arith.constant 0 : i32
        %dma_wait3A_333 = arith.constant 0 : i32
        %dma_wait3A_334 = tpu.memref_slice %arg7[%run_scoped3A_268, %dma_wait3A_332, %dma_wait3A_333] : memref<2x128x32xf32, #tpu.memory_space<vmem>> -> memref<1x128x32xf32, #tpu.memory_space<vmem>>
        %dma_wait3A_335 = tpu.memref_squeeze %dma_wait3A_334 : memref<1x128x32xf32, #tpu.memory_space<vmem>> -> memref<128x32xf32, #tpu.memory_space<vmem>>
        tpu.wait_dma2 semaphore(%run_scoped3A_311 : memref<!tpu.dma_semaphore, #tpu.memory_space<semaphore_mem>>) src(%dma_wait3A_335 : memref<128x32xf32, #tpu.memory_space<vmem>>) dst(%dma_wait3A_331 : memref<128x32xf32, #tpu.memory_space<hbm>>)
        tpu.yield
      }) : () -> ()
      %dma_start3A_269 = arith.constant 9 : i32
      %dma_start3A_270 = arith.constant 1 : i32
      %dma_start3A_271 = arith.constant 0 : i32
      %dma_start3A_272 = arith.constant 0 : i32
      %dma_start3A_273 = tpu.memref_slice %arg7[%dma_start3A_270, %dma_start3A_271, %dma_start3A_272] : memref<2x128x32xf32, #tpu.memory_space<vmem>> -> memref<1x128x32xf32, #tpu.memory_space<vmem>>
      %dma_start3A_274 = tpu.memref_squeeze %dma_start3A_273 : memref<1x128x32xf32, #tpu.memory_space<vmem>> -> memref<128x32xf32, #tpu.memory_space<vmem>>
      %dma_start3A_275 = arith.constant 0 : i32
      %dma_start3A_276 = tpu.memref_slice %arg6[%dma_start3A_269, %dma_start3A_275] : memref<10x128xi32, #tpu.memory_space<vmem>> -> memref<1x128xi32, #tpu.memory_space<vmem>>
      %dma_start3A_277 = tpu.memref_squeeze %dma_start3A_276 : memref<1x128xi32, #tpu.memory_space<vmem>> -> memref<128xi32, #tpu.memory_space<vmem>>
      %dma_start3A_278 = arith.constant 0 : i32
      %dma_start3A_279 = arith.constant 0 : i32
      %dma_start3A_280 = tpu.memref_slice %arg5[%dma_start3A_278, %dma_start3A_279] : memref<50000x32xf32, #tpu.memory_space<vmem_shared>> -> memref<50000x32xf32, #tpu.memory_space<vmem_shared>>
      tpu.enqueue_indirect_dma source(%dma_start3A_280 : memref<50000x32xf32, #tpu.memory_space<vmem_shared>>) target(%dma_start3A_274 : memref<128x32xf32, #tpu.memory_space<vmem>>) offsets(%dma_start3A_277 : memref<128xi32, #tpu.memory_space<vmem>>) semaphore(%arg8 : memref<!tpu.dma_semaphore, #tpu.memory_space<semaphore_mem>>)
      %dma_wait3A_281 = arith.constant 8 : i32
      %dma_wait3A_282 = arith.constant 0 : i32
      %dma_wait3A_283 = arith.constant 0 : i32
      %dma_wait3A_284 = arith.constant 0 : i32
      %dma_wait3A_285 = tpu.memref_slice %arg7[%dma_wait3A_282, %dma_wait3A_283, %dma_wait3A_284] : memref<2x128x32xf32, #tpu.memory_space<vmem>> -> memref<1x128x32xf32, #tpu.memory_space<vmem>>
      %dma_wait3A_286 = tpu.memref_squeeze %dma_wait3A_285 : memref<1x128x32xf32, #tpu.memory_space<vmem>> -> memref<128x32xf32, #tpu.memory_space<vmem>>
      %dma_wait3A_287 = arith.constant 0 : i32
      %dma_wait3A_288 = tpu.memref_slice %arg6[%dma_wait3A_281, %dma_wait3A_287] : memref<10x128xi32, #tpu.memory_space<vmem>> -> memref<1x128xi32, #tpu.memory_space<vmem>>
      %dma_wait3A_289 = tpu.memref_squeeze %dma_wait3A_288 : memref<1x128xi32, #tpu.memory_space<vmem>> -> memref<128xi32, #tpu.memory_space<vmem>>
      %dma_wait3A_290 = arith.constant 0 : i32
      %dma_wait3A_291 = arith.constant 0 : i32
      %dma_wait3A_292 = tpu.memref_slice %arg5[%dma_wait3A_290, %dma_wait3A_291] : memref<50000x32xf32, #tpu.memory_space<vmem_shared>> -> memref<50000x32xf32, #tpu.memory_space<vmem_shared>>
      tpu.wait_indirect_dma semaphore(%arg8 : memref<!tpu.dma_semaphore, #tpu.memory_space<semaphore_mem>>) src(%dma_wait3A_292 : memref<50000x32xf32, #tpu.memory_space<vmem_shared>>) dst(%dma_wait3A_286 : memref<128x32xf32, #tpu.memory_space<vmem>>)
      %add3A_293 = arith.constant 1024 : i32
      %add3A_294 = arith.addi %mul3A_43, %add3A_293 : i32
      %run_scoped3A_295 = arith.constant 0 : i32
      "tpu.region"() ({
        %run_scoped3A_311 = tpu.sem_alloc : memref<!tpu.dma_semaphore, #tpu.memory_space<semaphore_mem>>
        %dma_start3A_312 = arith.constant 0 : i32
        %dma_start3A_313 = arith.constant 0 : i32
        %dma_start3A_314 = tpu.memref_slice %arg7[%run_scoped3A_295, %dma_start3A_312, %dma_start3A_313] : memref<2x128x32xf32, #tpu.memory_space<vmem>> -> memref<1x128x32xf32, #tpu.memory_space<vmem>>
        %dma_start3A_315 = tpu.memref_squeeze %dma_start3A_314 : memref<1x128x32xf32, #tpu.memory_space<vmem>> -> memref<128x32xf32, #tpu.memory_space<vmem>>
        %dma_start3A_316 = arith.constant 0 : i32
        %dma_start3A_317 = tpu.memref_slice %arg4[%add3A_294, %dma_start3A_316] : memref<800000x128xf32, #tpu.memory_space<hbm>> -> memref<128x32xf32, #tpu.memory_space<hbm>>
        %dma_start3A_318 = arith.constant 0 : i32
        %dma_start3A_319 = tpu.memref_slice %arg4[%add3A_294, %dma_start3A_318] : memref<800000x128xf32, #tpu.memory_space<hbm>> -> memref<128x32xf32, #tpu.memory_space<hbm>>
        %dma_start3A_320 = arith.constant 0 : i32
        %dma_start3A_321 = arith.constant 0 : i32
        %dma_start3A_322 = tpu.memref_slice %arg7[%run_scoped3A_295, %dma_start3A_320, %dma_start3A_321] : memref<2x128x32xf32, #tpu.memory_space<vmem>> -> memref<1x128x32xf32, #tpu.memory_space<vmem>>
        %dma_start3A_323 = tpu.memref_squeeze %dma_start3A_322 : memref<1x128x32xf32, #tpu.memory_space<vmem>> -> memref<128x32xf32, #tpu.memory_space<vmem>>
        tpu.enqueue_dma source(%dma_start3A_323 : memref<128x32xf32, #tpu.memory_space<vmem>>) target(%dma_start3A_319 : memref<128x32xf32, #tpu.memory_space<hbm>>) target_semaphore(%run_scoped3A_311 : memref<!tpu.dma_semaphore, #tpu.memory_space<semaphore_mem>>)
        %dma_wait3A_324 = arith.constant 0 : i32
        %dma_wait3A_325 = arith.constant 0 : i32
        %dma_wait3A_326 = tpu.memref_slice %arg7[%run_scoped3A_295, %dma_wait3A_324, %dma_wait3A_325] : memref<2x128x32xf32, #tpu.memory_space<vmem>> -> memref<1x128x32xf32, #tpu.memory_space<vmem>>
        %dma_wait3A_327 = tpu.memref_squeeze %dma_wait3A_326 : memref<1x128x32xf32, #tpu.memory_space<vmem>> -> memref<128x32xf32, #tpu.memory_space<vmem>>
        %dma_wait3A_328 = arith.constant 0 : i32
        %dma_wait3A_329 = tpu.memref_slice %arg4[%add3A_294, %dma_wait3A_328] : memref<800000x128xf32, #tpu.memory_space<hbm>> -> memref<128x32xf32, #tpu.memory_space<hbm>>
        %dma_wait3A_330 = arith.constant 0 : i32
        %dma_wait3A_331 = tpu.memref_slice %arg4[%add3A_294, %dma_wait3A_330] : memref<800000x128xf32, #tpu.memory_space<hbm>> -> memref<128x32xf32, #tpu.memory_space<hbm>>
        %dma_wait3A_332 = arith.constant 0 : i32
        %dma_wait3A_333 = arith.constant 0 : i32
        %dma_wait3A_334 = tpu.memref_slice %arg7[%run_scoped3A_295, %dma_wait3A_332, %dma_wait3A_333] : memref<2x128x32xf32, #tpu.memory_space<vmem>> -> memref<1x128x32xf32, #tpu.memory_space<vmem>>
        %dma_wait3A_335 = tpu.memref_squeeze %dma_wait3A_334 : memref<1x128x32xf32, #tpu.memory_space<vmem>> -> memref<128x32xf32, #tpu.memory_space<vmem>>
        tpu.wait_dma2 semaphore(%run_scoped3A_311 : memref<!tpu.dma_semaphore, #tpu.memory_space<semaphore_mem>>) src(%dma_wait3A_335 : memref<128x32xf32, #tpu.memory_space<vmem>>) dst(%dma_wait3A_331 : memref<128x32xf32, #tpu.memory_space<hbm>>)
        tpu.yield
      }) : () -> ()
      %dma_wait3A_296 = arith.constant 9 : i32
      %dma_wait3A_297 = arith.constant 1 : i32
      %dma_wait3A_298 = arith.constant 0 : i32
      %dma_wait3A_299 = arith.constant 0 : i32
      %dma_wait3A_300 = tpu.memref_slice %arg7[%dma_wait3A_297, %dma_wait3A_298, %dma_wait3A_299] : memref<2x128x32xf32, #tpu.memory_space<vmem>> -> memref<1x128x32xf32, #tpu.memory_space<vmem>>
      %dma_wait3A_301 = tpu.memref_squeeze %dma_wait3A_300 : memref<1x128x32xf32, #tpu.memory_space<vmem>> -> memref<128x32xf32, #tpu.memory_space<vmem>>
      %dma_wait3A_302 = arith.constant 0 : i32
      %dma_wait3A_303 = tpu.memref_slice %arg6[%dma_wait3A_296, %dma_wait3A_302] : memref<10x128xi32, #tpu.memory_space<vmem>> -> memref<1x128xi32, #tpu.memory_space<vmem>>
      %dma_wait3A_304 = tpu.memref_squeeze %dma_wait3A_303 : memref<1x128xi32, #tpu.memory_space<vmem>> -> memref<128xi32, #tpu.memory_space<vmem>>
      %dma_wait3A_305 = arith.constant 0 : i32
      %dma_wait3A_306 = arith.constant 0 : i32
      %dma_wait3A_307 = tpu.memref_slice %arg5[%dma_wait3A_305, %dma_wait3A_306] : memref<50000x32xf32, #tpu.memory_space<vmem_shared>> -> memref<50000x32xf32, #tpu.memory_space<vmem_shared>>
      tpu.wait_indirect_dma semaphore(%arg8 : memref<!tpu.dma_semaphore, #tpu.memory_space<semaphore_mem>>) src(%dma_wait3A_307 : memref<50000x32xf32, #tpu.memory_space<vmem_shared>>) dst(%dma_wait3A_301 : memref<128x32xf32, #tpu.memory_space<vmem>>)
      %add3A_308 = arith.constant 1152 : i32
      %add3A_309 = arith.addi %mul3A_43, %add3A_308 : i32
      %run_scoped3A_310 = arith.constant 1 : i32
      "tpu.region"() ({
        %run_scoped3A_311 = tpu.sem_alloc : memref<!tpu.dma_semaphore, #tpu.memory_space<semaphore_mem>>
        %dma_start3A_312 = arith.constant 0 : i32
        %dma_start3A_313 = arith.constant 0 : i32
        %dma_start3A_314 = tpu.memref_slice %arg7[%run_scoped3A_310, %dma_start3A_312, %dma_start3A_313] : memref<2x128x32xf32, #tpu.memory_space<vmem>> -> memref<1x128x32xf32, #tpu.memory_space<vmem>>
        %dma_start3A_315 = tpu.memref_squeeze %dma_start3A_314 : memref<1x128x32xf32, #tpu.memory_space<vmem>> -> memref<128x32xf32, #tpu.memory_space<vmem>>
        %dma_start3A_316 = arith.constant 0 : i32
        %dma_start3A_317 = tpu.memref_slice %arg4[%add3A_309, %dma_start3A_316] : memref<800000x128xf32, #tpu.memory_space<hbm>> -> memref<128x32xf32, #tpu.memory_space<hbm>>
        %dma_start3A_318 = arith.constant 0 : i32
        %dma_start3A_319 = tpu.memref_slice %arg4[%add3A_309, %dma_start3A_318] : memref<800000x128xf32, #tpu.memory_space<hbm>> -> memref<128x32xf32, #tpu.memory_space<hbm>>
        %dma_start3A_320 = arith.constant 0 : i32
        %dma_start3A_321 = arith.constant 0 : i32
        %dma_start3A_322 = tpu.memref_slice %arg7[%run_scoped3A_310, %dma_start3A_320, %dma_start3A_321] : memref<2x128x32xf32, #tpu.memory_space<vmem>> -> memref<1x128x32xf32, #tpu.memory_space<vmem>>
        %dma_start3A_323 = tpu.memref_squeeze %dma_start3A_322 : memref<1x128x32xf32, #tpu.memory_space<vmem>> -> memref<128x32xf32, #tpu.memory_space<vmem>>
        tpu.enqueue_dma source(%dma_start3A_323 : memref<128x32xf32, #tpu.memory_space<vmem>>) target(%dma_start3A_319 : memref<128x32xf32, #tpu.memory_space<hbm>>) target_semaphore(%run_scoped3A_311 : memref<!tpu.dma_semaphore, #tpu.memory_space<semaphore_mem>>)
        %dma_wait3A_324 = arith.constant 0 : i32
        %dma_wait3A_325 = arith.constant 0 : i32
        %dma_wait3A_326 = tpu.memref_slice %arg7[%run_scoped3A_310, %dma_wait3A_324, %dma_wait3A_325] : memref<2x128x32xf32, #tpu.memory_space<vmem>> -> memref<1x128x32xf32, #tpu.memory_space<vmem>>
        %dma_wait3A_327 = tpu.memref_squeeze %dma_wait3A_326 : memref<1x128x32xf32, #tpu.memory_space<vmem>> -> memref<128x32xf32, #tpu.memory_space<vmem>>
        %dma_wait3A_328 = arith.constant 0 : i32
        %dma_wait3A_329 = tpu.memref_slice %arg4[%add3A_309, %dma_wait3A_328] : memref<800000x128xf32, #tpu.memory_space<hbm>> -> memref<128x32xf32, #tpu.memory_space<hbm>>
        %dma_wait3A_330 = arith.constant 0 : i32
        %dma_wait3A_331 = tpu.memref_slice %arg4[%add3A_309, %dma_wait3A_330] : memref<800000x128xf32, #tpu.memory_space<hbm>> -> memref<128x32xf32, #tpu.memory_space<hbm>>
        %dma_wait3A_332 = arith.constant 0 : i32
        %dma_wait3A_333 = arith.constant 0 : i32
        %dma_wait3A_334 = tpu.memref_slice %arg7[%run_scoped3A_310, %dma_wait3A_332, %dma_wait3A_333] : memref<2x128x32xf32, #tpu.memory_space<vmem>> -> memref<1x128x32xf32, #tpu.memory_space<vmem>>
        %dma_wait3A_335 = tpu.memref_squeeze %dma_wait3A_334 : memref<1x128x32xf32, #tpu.memory_space<vmem>> -> memref<128x32xf32, #tpu.memory_space<vmem>>
        tpu.wait_dma2 semaphore(%run_scoped3A_311 : memref<!tpu.dma_semaphore, #tpu.memory_space<semaphore_mem>>) src(%dma_wait3A_335 : memref<128x32xf32, #tpu.memory_space<vmem>>) dst(%dma_wait3A_331 : memref<128x32xf32, #tpu.memory_space<hbm>>)
        tpu.yield
      }) : () -> ()
    }
    return
  }
}

module attributes {stable_mosaic.version = 14 : i64} {
  func.func @_p1_body(%arg0: i32, %arg1: memref<1000x32xf32, #tpu.memory_space<vmem>>, %arg2: memref<1000x32xf32, #tpu.memory_space<vmem>>, %arg3: memref<1000x1xf32, #tpu.memory_space<vmem>>, %arg4: memref<32x1024xf32, #tpu.memory_space<vmem>>, %arg5: memref<32x2048xf32, #tpu.memory_space<vmem>>, %arg6: memref<32x1024xf32, #tpu.memory_space<vmem>>, %arg7: memref<32x2048xf32, #tpu.memory_space<vmem>>, %arg8: memref<1024x32xf32, #tpu.memory_space<vmem>>, %arg9: memref<2048x64xf32, #tpu.memory_space<vmem>>, %arg10: memref<1000x32xf32, #tpu.memory_space<vmem>>, %arg11: memref<1000x64xf32, #tpu.memory_space<vmem>>) attributes {dimension_semantics = [#tpu.dimension_semantics<arbitrary>], iteration_bounds = array<i64: 50>, scalar_prefetch = 0 : i64, scratch_operands = 0 : i64, tpu.core_type = #tpu.core_type<tc>, window_params = [{transform_indices = @transform_0, window_bounds = array<i64: 1000, 32>}, {transform_indices = @transform_1, window_bounds = array<i64: 1000, 32>}, {transform_indices = @transform_2, window_bounds = array<i64: 1000, 1>}, {pipeline_mode = #tpu.pipeline_mode<synchronous>, transform_indices = @transform_3, window_bounds = array<i64: 32, 1024>}, {pipeline_mode = #tpu.pipeline_mode<synchronous>, transform_indices = @transform_4, window_bounds = array<i64: 32, 2048>}, {pipeline_mode = #tpu.pipeline_mode<synchronous>, transform_indices = @transform_5, window_bounds = array<i64: 32, 1024>}, {pipeline_mode = #tpu.pipeline_mode<synchronous>, transform_indices = @transform_6, window_bounds = array<i64: 32, 2048>}, {pipeline_mode = #tpu.pipeline_mode<synchronous>, transform_indices = @transform_7, window_bounds = array<i64: 1024, 32>}, {pipeline_mode = #tpu.pipeline_mode<synchronous>, transform_indices = @transform_8, window_bounds = array<i64: 2048, 64>}, {transform_indices = @transform_9, window_bounds = array<i64: 1000, 32>}, {transform_indices = @transform_10, window_bounds = array<i64: 1000, 64>}]} {
    %get3A = arith.constant 0 : index
    %get3A_0 = arith.constant 0 : index
    %get3A_1 = vector.load %arg1[%get3A, %get3A_0] : memref<1000x32xf32, #tpu.memory_space<vmem>>, vector<1000x32xf32>
    %get3A_2 = arith.constant 0 : index
    %get3A_3 = arith.constant 0 : index
    %get3A_4 = vector.load %arg2[%get3A_2, %get3A_3] : memref<1000x32xf32, #tpu.memory_space<vmem>>, vector<1000x32xf32>
    %get3A_5 = arith.constant 0 : index
    %get3A_6 = arith.constant 0 : index
    %get3A_7 = vector.load %arg3[%get3A_5, %get3A_6] : memref<1000x1xf32, #tpu.memory_space<vmem>>, vector<1000x1xf32>
    %rsqrt3A = math.rsqrt %get3A_7 : vector<1000x1xf32>
    %get3A_8 = arith.constant 0 : index
    %get3A_9 = arith.constant 0 : index
    %get3A_10 = vector.load %arg4[%get3A_8, %get3A_9] : memref<32x1024xf32, #tpu.memory_space<vmem>>, vector<32x1024xf32>
    %dot_general3A = arith.constant dense<0.000000e+00> : vector<1000x1024xf32>
    %dot_general3A_11 = tpu.matmul %get3A_1, %get3A_10, %dot_general3A {dimension_numbers = #tpu.dot_dimension_numbers<[1], [0], [0], [1], [0, 0, 1, 1], [], []>, transpose_lhs_hint = false} : vector<1000x32xf32>, vector<32x1024xf32>, vector<1000x1024xf32> -> vector<1000x1024xf32>
    %get3A_12 = arith.constant 0 : index
    %get3A_13 = arith.constant 0 : index
    %get3A_14 = vector.load %arg5[%get3A_12, %get3A_13] : memref<32x2048xf32, #tpu.memory_space<vmem>>, vector<32x2048xf32>
    %dot_general3A_15 = arith.constant dense<0.000000e+00> : vector<1000x2048xf32>
    %dot_general3A_16 = tpu.matmul %get3A_1, %get3A_14, %dot_general3A_15 {dimension_numbers = #tpu.dot_dimension_numbers<[1], [0], [0], [1], [0, 0, 1, 1], [], []>, transpose_lhs_hint = false} : vector<1000x32xf32>, vector<32x2048xf32>, vector<1000x2048xf32> -> vector<1000x2048xf32>
    %get3A_17 = arith.constant 0 : index
    %get3A_18 = arith.constant 0 : index
    %get3A_19 = vector.load %arg6[%get3A_17, %get3A_18] : memref<32x1024xf32, #tpu.memory_space<vmem>>, vector<32x1024xf32>
    %dot_general3A_20 = arith.constant dense<0.000000e+00> : vector<1000x1024xf32>
    %dot_general3A_21 = tpu.matmul %get3A_4, %get3A_19, %dot_general3A_20 {dimension_numbers = #tpu.dot_dimension_numbers<[1], [0], [0], [1], [0, 0, 1, 1], [], []>, transpose_lhs_hint = false} : vector<1000x32xf32>, vector<32x1024xf32>, vector<1000x1024xf32> -> vector<1000x1024xf32>
    %get3A_22 = arith.constant 0 : index
    %get3A_23 = arith.constant 0 : index
    %get3A_24 = vector.load %arg7[%get3A_22, %get3A_23] : memref<32x2048xf32, #tpu.memory_space<vmem>>, vector<32x2048xf32>
    %dot_general3A_25 = arith.constant dense<0.000000e+00> : vector<1000x2048xf32>
    %dot_general3A_26 = tpu.matmul %get3A_4, %get3A_24, %dot_general3A_25 {dimension_numbers = #tpu.dot_dimension_numbers<[1], [0], [0], [1], [0, 0, 1, 1], [], []>, transpose_lhs_hint = false} : vector<1000x32xf32>, vector<32x2048xf32>, vector<1000x2048xf32> -> vector<1000x2048xf32>
    %mul3A = arith.mulf %dot_general3A_11, %dot_general3A_21 : vector<1000x1024xf32>
    %get3A_27 = arith.constant 0 : index
    %get3A_28 = arith.constant 0 : index
    %get3A_29 = vector.load %arg8[%get3A_27, %get3A_28] : memref<1024x32xf32, #tpu.memory_space<vmem>>, vector<1024x32xf32>
    %dot_general3A_30 = arith.constant dense<0.000000e+00> : vector<1000x32xf32>
    %dot_general3A_31 = tpu.matmul %mul3A, %get3A_29, %dot_general3A_30 {dimension_numbers = #tpu.dot_dimension_numbers<[1], [0], [0], [1], [0, 0, 1, 1], [], []>, transpose_lhs_hint = false} : vector<1000x1024xf32>, vector<1024x32xf32>, vector<1000x32xf32> -> vector<1000x32xf32>
    %mul3A_32 = vector.broadcast %rsqrt3A : vector<1000x1xf32> to vector<1000x32xf32>
    %mul3A_33 = arith.mulf %dot_general3A_31, %mul3A_32 : vector<1000x32xf32>
    %swap3A = arith.constant 0 : index
    %swap3A_34 = arith.constant 0 : index
    %swap3A_35 = vector.load %arg10[%swap3A, %swap3A_34] : memref<1000x32xf32, #tpu.memory_space<vmem>>, vector<1000x32xf32>
    tpu.vector_store %arg10[%swap3A, %swap3A_34], %mul3A_33 {strides = array<i32>} : memref<1000x32xf32, #tpu.memory_space<vmem>>, vector<1000x32xf32>,
    %mul3A_36 = arith.mulf %dot_general3A_16, %dot_general3A_26 : vector<1000x2048xf32>
    %get3A_37 = arith.constant 0 : index
    %get3A_38 = arith.constant 0 : index
    %get3A_39 = vector.load %arg9[%get3A_37, %get3A_38] : memref<2048x64xf32, #tpu.memory_space<vmem>>, vector<2048x64xf32>
    %dot_general3A_40 = arith.constant dense<0.000000e+00> : vector<1000x64xf32>
    %dot_general3A_41 = tpu.matmul %mul3A_36, %get3A_39, %dot_general3A_40 {dimension_numbers = #tpu.dot_dimension_numbers<[1], [0], [0], [1], [0, 0, 1, 1], [], []>, transpose_lhs_hint = false} : vector<1000x2048xf32>, vector<2048x64xf32>, vector<1000x64xf32> -> vector<1000x64xf32>
    %swap3A_42 = arith.constant 0 : index
    %swap3A_43 = arith.constant 0 : index
    %swap3A_44 = vector.load %arg11[%swap3A_42, %swap3A_43] : memref<1000x64xf32, #tpu.memory_space<vmem>>, vector<1000x64xf32>
    tpu.vector_store %arg11[%swap3A_42, %swap3A_43], %dot_general3A_41 {strides = array<i32>} : memref<1000x64xf32, #tpu.memory_space<vmem>>, vector<1000x64xf32>,
    return
  }
  func.func @transform_0(%arg0: i32) -> (i32, i32) {
    %c0_i32 = arith.constant 0 : i32
    %c0_i32_0 = arith.constant 0 : i32
    return %arg0, %c0_i32 : i32, i32
  }
  func.func @transform_1(%arg0: i32) -> (i32, i32) {
    %c0_i32 = arith.constant 0 : i32
    %c0_i32_0 = arith.constant 0 : i32
    return %arg0, %c0_i32 : i32, i32
  }
  func.func @transform_2(%arg0: i32) -> (i32, i32) {
    %c0_i32 = arith.constant 0 : i32
    %c0_i32_0 = arith.constant 0 : i32
    return %arg0, %c0_i32 : i32, i32
  }
  func.func @transform_3(%arg0: i32) -> (i32, i32) {
    %c0_i32 = arith.constant 0 : i32
    %c0_i32_0 = arith.constant 0 : i32
    %c0_i32_1 = arith.constant 0 : i32
    return %c0_i32, %c0_i32_0 : i32, i32
  }
  func.func @transform_4(%arg0: i32) -> (i32, i32) {
    %c0_i32 = arith.constant 0 : i32
    %c0_i32_0 = arith.constant 0 : i32
    %c0_i32_1 = arith.constant 0 : i32
    return %c0_i32, %c0_i32_0 : i32, i32
  }
  func.func @transform_5(%arg0: i32) -> (i32, i32) {
    %c0_i32 = arith.constant 0 : i32
    %c0_i32_0 = arith.constant 0 : i32
    %c0_i32_1 = arith.constant 0 : i32
    return %c0_i32, %c0_i32_0 : i32, i32
  }
  func.func @transform_6(%arg0: i32) -> (i32, i32) {
    %c0_i32 = arith.constant 0 : i32
    %c0_i32_0 = arith.constant 0 : i32
    %c0_i32_1 = arith.constant 0 : i32
    return %c0_i32, %c0_i32_0 : i32, i32
  }
  func.func @transform_7(%arg0: i32) -> (i32, i32) {
    %c0_i32 = arith.constant 0 : i32
    %c0_i32_0 = arith.constant 0 : i32
    %c0_i32_1 = arith.constant 0 : i32
    return %c0_i32, %c0_i32_0 : i32, i32
  }
  func.func @transform_8(%arg0: i32) -> (i32, i32) {
    %c0_i32 = arith.constant 0 : i32
    %c0_i32_0 = arith.constant 0 : i32
    %c0_i32_1 = arith.constant 0 : i32
    return %c0_i32, %c0_i32_0 : i32, i32
  }
  func.func @transform_9(%arg0: i32) -> (i32, i32) {
    %c0_i32 = arith.constant 0 : i32
    %c0_i32_0 = arith.constant 0 : i32
    return %arg0, %c0_i32 : i32, i32
  }
  func.func @transform_10(%arg0: i32) -> (i32, i32) {
    %c0_i32 = arith.constant 0 : i32
    %c0_i32_0 = arith.constant 0 : i32
    return %arg0, %c0_i32 : i32, i32
  }
}

module attributes {stable_mosaic.version = 14 : i64} {
  func.func @_p3_body(%arg0: i32, %arg1: memref<10x6400xf32, #tpu.memory_space<vmem>>, %arg2: memref<4x6400xf32, #tpu.memory_space<vmem>>, %arg3: memref<6400x128xf32, #tpu.memory_space<vmem>>, %arg4: memref<10x64xf32, #tpu.memory_space<vmem>>, %arg5: memref<1x64xf32, #tpu.memory_space<vmem>>, %arg6: memref<64x64xf32, #tpu.memory_space<vmem>>, %arg7: memref<1x64xf32, #tpu.memory_space<vmem>>, %arg8: memref<64x128xf32, #tpu.memory_space<vmem>>, %arg9: memref<1x128xf32, #tpu.memory_space<vmem>>, %arg10: memref<32x128xf32, #tpu.memory_space<vmem>>, %arg11: memref<4x128xf32, #tpu.memory_space<vmem>>, %arg12: memref<6400x128xf32, #tpu.memory_space<vmem>>) attributes {dimension_semantics = [#tpu.dimension_semantics<arbitrary>], iteration_bounds = array<i64: 125>, scalar_prefetch = 0 : i64, scratch_operands = 0 : i64, tpu.core_type = #tpu.core_type<tc>, window_params = [{transform_indices = @transform_0, window_bounds = array<i64: 10, 6400>}, {transform_indices = @transform_1, window_bounds = array<i64: 4, 6400>}, {transform_indices = @transform_2, window_bounds = array<i64: 6400, 128>}, {pipeline_mode = #tpu.pipeline_mode<synchronous>, transform_indices = @transform_3, window_bounds = array<i64: 10, 64>}, {pipeline_mode = #tpu.pipeline_mode<synchronous>, transform_indices = @transform_4, window_bounds = array<i64: 1, 64>}, {pipeline_mode = #tpu.pipeline_mode<synchronous>, transform_indices = @transform_5, window_bounds = array<i64: 64, 64>}, {pipeline_mode = #tpu.pipeline_mode<synchronous>, transform_indices = @transform_6, window_bounds = array<i64: 1, 64>}, {pipeline_mode = #tpu.pipeline_mode<synchronous>, transform_indices = @transform_7, window_bounds = array<i64: 64, 128>}, {pipeline_mode = #tpu.pipeline_mode<synchronous>, transform_indices = @transform_8, window_bounds = array<i64: 1, 128>}, {pipeline_mode = #tpu.pipeline_mode<synchronous>, transform_indices = @transform_9, window_bounds = array<i64: 32, 128>}, {pipeline_mode = #tpu.pipeline_mode<synchronous>, transform_indices = @transform_10, window_bounds = array<i64: 4, 128>}, {transform_indices = @transform_11, window_bounds = array<i64: 6400, 128>}]} {
    %get3A = arith.constant 0 : index
    %get3A_0 = arith.constant 0 : index
    %get3A_1 = vector.load %arg1[%get3A, %get3A_0] : memref<10x6400xf32, #tpu.memory_space<vmem>>, vector<10x6400xf32>
    %get3A_2 = arith.constant 0 : index
    %get3A_3 = arith.constant 0 : index
    %get3A_4 = vector.load %arg4[%get3A_2, %get3A_3] : memref<10x64xf32, #tpu.memory_space<vmem>>, vector<10x64xf32>
    %dot_general3A = arith.constant dense<0.000000e+00> : vector<6400x64xf32>
    %dot_general3A_5 = tpu.matmul %get3A_1, %get3A_4, %dot_general3A {dimension_numbers = #tpu.dot_dimension_numbers<[0], [0], [1], [1], [0, 1, 1, 1], [], []>, transpose_lhs_hint = true} : vector<10x6400xf32>, vector<10x64xf32>, vector<6400x64xf32> -> vector<6400x64xf32>
    %get3A_6 = arith.constant 0 : index
    %get3A_7 = arith.constant 0 : index
    %get3A_8 = vector.load %arg5[%get3A_6, %get3A_7] : memref<1x64xf32, #tpu.memory_space<vmem>>, vector<1x64xf32>
    %add3A = vector.broadcast %get3A_8 : vector<1x64xf32> to vector<6400x64xf32>
    %add3A_9 = arith.addf %dot_general3A_5, %add3A : vector<6400x64xf32>
    %logistic3A = arith.negf %add3A_9 : vector<6400x64xf32>
    %logistic3A_10 = math.exp %logistic3A : vector<6400x64xf32>
    %logistic3A_11 = arith.constant 1.000000e+00 : f32
    %logistic3A_12 = vector.broadcast %logistic3A_11 : f32 to vector<6400x64xf32>
    %logistic3A_13 = arith.addf %logistic3A_12, %logistic3A_10 : vector<6400x64xf32>
    %logistic3A_14 = arith.divf %logistic3A_12, %logistic3A_13 : vector<6400x64xf32>
    %mul3A = arith.mulf %add3A_9, %logistic3A_14 : vector<6400x64xf32>
    %get3A_15 = arith.constant 0 : index
    %get3A_16 = arith.constant 0 : index
    %get3A_17 = vector.load %arg6[%get3A_15, %get3A_16] : memref<64x64xf32, #tpu.memory_space<vmem>>, vector<64x64xf32>
    %dot_general3A_18 = arith.constant dense<0.000000e+00> : vector<6400x64xf32>
    %dot_general3A_19 = tpu.matmul %mul3A, %get3A_17, %dot_general3A_18 {dimension_numbers = #tpu.dot_dimension_numbers<[1], [0], [0], [1], [0, 0, 1, 1], [], []>, transpose_lhs_hint = false} : vector<6400x64xf32>, vector<64x64xf32>, vector<6400x64xf32> -> vector<6400x64xf32>
    %get3A_20 = arith.constant 0 : index
    %get3A_21 = arith.constant 0 : index
    %get3A_22 = vector.load %arg7[%get3A_20, %get3A_21] : memref<1x64xf32, #tpu.memory_space<vmem>>, vector<1x64xf32>
    %add3A_23 = vector.broadcast %get3A_22 : vector<1x64xf32> to vector<6400x64xf32>
    %add3A_24 = arith.addf %dot_general3A_19, %add3A_23 : vector<6400x64xf32>
    %logistic3A_25 = arith.negf %add3A_24 : vector<6400x64xf32>
    %logistic3A_26 = math.exp %logistic3A_25 : vector<6400x64xf32>
    %logistic3A_27 = arith.constant 1.000000e+00 : f32
    %logistic3A_28 = vector.broadcast %logistic3A_27 : f32 to vector<6400x64xf32>
    %logistic3A_29 = arith.addf %logistic3A_28, %logistic3A_26 : vector<6400x64xf32>
    %logistic3A_30 = arith.divf %logistic3A_28, %logistic3A_29 : vector<6400x64xf32>
    %mul3A_31 = arith.mulf %add3A_24, %logistic3A_30 : vector<6400x64xf32>
    %get3A_32 = arith.constant 0 : index
    %get3A_33 = arith.constant 0 : index
    %get3A_34 = vector.load %arg8[%get3A_32, %get3A_33] : memref<64x128xf32, #tpu.memory_space<vmem>>, vector<64x128xf32>
    %dot_general3A_35 = arith.constant dense<0.000000e+00> : vector<6400x128xf32>
    %dot_general3A_36 = tpu.matmul %mul3A_31, %get3A_34, %dot_general3A_35 {dimension_numbers = #tpu.dot_dimension_numbers<[1], [0], [0], [1], [0, 0, 1, 1], [], []>, transpose_lhs_hint = false} : vector<6400x64xf32>, vector<64x128xf32>, vector<6400x128xf32> -> vector<6400x128xf32>
    %get3A_37 = arith.constant 0 : index
    %get3A_38 = arith.constant 0 : index
    %get3A_39 = vector.load %arg9[%get3A_37, %get3A_38] : memref<1x128xf32, #tpu.memory_space<vmem>>, vector<1x128xf32>
    %add3A_40 = vector.broadcast %get3A_39 : vector<1x128xf32> to vector<6400x128xf32>
    %add3A_41 = arith.addf %dot_general3A_36, %add3A_40 : vector<6400x128xf32>
    %get3A_42 = arith.constant 0 : index
    %get3A_43 = arith.constant 0 : index
    %get3A_44 = vector.load %arg3[%get3A_42, %get3A_43] : memref<6400x128xf32, #tpu.memory_space<vmem>>, vector<6400x128xf32>
    %slice3A = vector.extract_strided_slice %get3A_44 {offsets = [0, 0], sizes = [6400, 32], strides = [1, 1]} : vector<6400x128xf32> to vector<6400x32xf32>
    %get3A_45 = arith.constant 0 : index
    %get3A_46 = arith.constant 0 : index
    %get3A_47 = vector.load %arg10[%get3A_45, %get3A_46] : memref<32x128xf32, #tpu.memory_space<vmem>>, vector<32x128xf32>
    %dot_general3A_48 = arith.constant dense<0.000000e+00> : vector<6400x128xf32>
    %dot_general3A_49 = tpu.matmul %slice3A, %get3A_47, %dot_general3A_48 {dimension_numbers = #tpu.dot_dimension_numbers<[1], [0], [0], [1], [0, 0, 1, 1], [], []>, transpose_lhs_hint = false} : vector<6400x32xf32>, vector<32x128xf32>, vector<6400x128xf32> -> vector<6400x128xf32>
    %get3A_50 = arith.constant 0 : index
    %get3A_51 = arith.constant 0 : index
    %get3A_52 = vector.load %arg2[%get3A_50, %get3A_51] : memref<4x6400xf32, #tpu.memory_space<vmem>>, vector<4x6400xf32>
    %get3A_53 = arith.constant 0 : index
    %get3A_54 = arith.constant 0 : index
    %get3A_55 = vector.load %arg11[%get3A_53, %get3A_54] : memref<4x128xf32, #tpu.memory_space<vmem>>, vector<4x128xf32>
    %dot_general3A_56 = arith.constant dense<0.000000e+00> : vector<6400x128xf32>
    %dot_general3A_57 = tpu.matmul %get3A_52, %get3A_55, %dot_general3A_56 {dimension_numbers = #tpu.dot_dimension_numbers<[0], [0], [1], [1], [0, 1, 1, 1], [], []>, transpose_lhs_hint = true} : vector<4x6400xf32>, vector<4x128xf32>, vector<6400x128xf32> -> vector<6400x128xf32>
    %mul3A_58 = arith.mulf %dot_general3A_49, %dot_general3A_57 : vector<6400x128xf32>
    %mul3A_59 = arith.mulf %mul3A_58, %add3A_41 : vector<6400x128xf32>
    %swap3A = arith.constant 0 : index
    %swap3A_60 = arith.constant 0 : index
    %swap3A_61 = vector.load %arg12[%swap3A, %swap3A_60] : memref<6400x128xf32, #tpu.memory_space<vmem>>, vector<6400x128xf32>
    tpu.vector_store %arg12[%swap3A, %swap3A_60], %mul3A_59 {strides = array<i32>} : memref<6400x128xf32, #tpu.memory_space<vmem>>, vector<6400x128xf32>,
    return
  }
  func.func @transform_0(%arg0: i32) -> (i32, i32) {
    %c0_i32 = arith.constant 0 : i32
    %c0_i32_0 = arith.constant 0 : i32
    return %c0_i32, %arg0 : i32, i32
  }
  func.func @transform_1(%arg0: i32) -> (i32, i32) {
    %c0_i32 = arith.constant 0 : i32
    %c0_i32_0 = arith.constant 0 : i32
    return %c0_i32, %arg0 : i32, i32
  }
  func.func @transform_2(%arg0: i32) -> (i32, i32) {
    %c0_i32 = arith.constant 0 : i32
    %c0_i32_0 = arith.constant 0 : i32
    return %arg0, %c0_i32 : i32, i32
  }
  func.func @transform_3(%arg0: i32) -> (i32, i32) {
    %c0_i32 = arith.constant 0 : i32
    %c0_i32_0 = arith.constant 0 : i32
    %c0_i32_1 = arith.constant 0 : i32
    return %c0_i32, %c0_i32_0 : i32, i32
  }
  func.func @transform_4(%arg0: i32) -> (i32, i32) {
    %c0_i32 = arith.constant 0 : i32
    %c0_i32_0 = arith.constant 0 : i32
    %c0_i32_1 = arith.constant 0 : i32
    return %c0_i32, %c0_i32_0 : i32, i32
  }
  func.func @transform_5(%arg0: i32) -> (i32, i32) {
    %c0_i32 = arith.constant 0 : i32
    %c0_i32_0 = arith.constant 0 : i32
    %c0_i32_1 = arith.constant 0 : i32
    return %c0_i32, %c0_i32_0 : i32, i32
  }
  func.func @transform_6(%arg0: i32) -> (i32, i32) {
    %c0_i32 = arith.constant 0 : i32
    %c0_i32_0 = arith.constant 0 : i32
    %c0_i32_1 = arith.constant 0 : i32
    return %c0_i32, %c0_i32_0 : i32, i32
  }
  func.func @transform_7(%arg0: i32) -> (i32, i32) {
    %c0_i32 = arith.constant 0 : i32
    %c0_i32_0 = arith.constant 0 : i32
    %c0_i32_1 = arith.constant 0 : i32
    return %c0_i32, %c0_i32_0 : i32, i32
  }
  func.func @transform_8(%arg0: i32) -> (i32, i32) {
    %c0_i32 = arith.constant 0 : i32
    %c0_i32_0 = arith.constant 0 : i32
    %c0_i32_1 = arith.constant 0 : i32
    return %c0_i32, %c0_i32_0 : i32, i32
  }
  func.func @transform_9(%arg0: i32) -> (i32, i32) {
    %c0_i32 = arith.constant 0 : i32
    %c0_i32_0 = arith.constant 0 : i32
    %c0_i32_1 = arith.constant 0 : i32
    return %c0_i32, %c0_i32_0 : i32, i32
  }
  func.func @transform_10(%arg0: i32) -> (i32, i32) {
    %c0_i32 = arith.constant 0 : i32
    %c0_i32_0 = arith.constant 0 : i32
    %c0_i32_1 = arith.constant 0 : i32
    return %c0_i32, %c0_i32_0 : i32, i32
  }
  func.func @transform_11(%arg0: i32) -> (i32, i32) {
    %c0_i32 = arith.constant 0 : i32
    %c0_i32_0 = arith.constant 0 : i32
    return %arg0, %c0_i32 : i32, i32
  }
}

module attributes {stable_mosaic.version = 14 : i64} {
  func.func @_p5_body(%arg0: i32, %arg1: memref<1000x32xf32, #tpu.memory_space<vmem>>, %arg2: memref<1000x32xf32, #tpu.memory_space<vmem>>, %arg3: memref<1000x32xf32, #tpu.memory_space<vmem>>, %arg4: memref<1000x32xf32, #tpu.memory_space<vmem>>, %arg5: memref<1000x32xf32, #tpu.memory_space<vmem>>, %arg6: memref<1000x64xf32, #tpu.memory_space<vmem>>, %arg7: memref<1000x1xf32, #tpu.memory_space<vmem>>, %arg8: memref<128x2048xf32, #tpu.memory_space<vmem>>, %arg9: memref<32x2048xf32, #tpu.memory_space<vmem>>, %arg10: memref<2048x64xf32, #tpu.memory_space<vmem>>, %arg11: memref<1000x64xf32, #tpu.memory_space<vmem>>) attributes {dimension_semantics = [#tpu.dimension_semantics<arbitrary>], iteration_bounds = array<i64: 50>, scalar_prefetch = 0 : i64, scratch_operands = 0 : i64, tpu.core_type = #tpu.core_type<tc>, window_params = [{transform_indices = @transform_0, window_bounds = array<i64: 1000, 32>}, {transform_indices = @transform_1, window_bounds = array<i64: 1000, 32>}, {transform_indices = @transform_2, window_bounds = array<i64: 1000, 32>}, {transform_indices = @transform_3, window_bounds = array<i64: 1000, 32>}, {transform_indices = @transform_4, window_bounds = array<i64: 1000, 32>}, {transform_indices = @transform_5, window_bounds = array<i64: 1000, 64>}, {transform_indices = @transform_6, window_bounds = array<i64: 1000, 1>}, {pipeline_mode = #tpu.pipeline_mode<synchronous>, transform_indices = @transform_7, window_bounds = array<i64: 128, 2048>}, {pipeline_mode = #tpu.pipeline_mode<synchronous>, transform_indices = @transform_8, window_bounds = array<i64: 32, 2048>}, {pipeline_mode = #tpu.pipeline_mode<synchronous>, transform_indices = @transform_9, window_bounds = array<i64: 2048, 64>}, {transform_indices = @transform_10, window_bounds = array<i64: 1000, 64>}]} {
    %get3A = arith.constant 0 : index
    %get3A_0 = arith.constant 0 : index
    %get3A_1 = vector.load %arg7[%get3A, %get3A_0] : memref<1000x1xf32, #tpu.memory_space<vmem>>, vector<1000x1xf32>
    %rsqrt3A = math.rsqrt %get3A_1 : vector<1000x1xf32>
    %get3A_2 = arith.constant 0 : index
    %get3A_3 = arith.constant 0 : index
    %get3A_4 = vector.load %arg1[%get3A_2, %get3A_3] : memref<1000x32xf32, #tpu.memory_space<vmem>>, vector<1000x32xf32>
    %get3A_5 = arith.constant 0 : index
    %get3A_6 = arith.constant 0 : index
    %get3A_7 = vector.load %arg2[%get3A_5, %get3A_6] : memref<1000x32xf32, #tpu.memory_space<vmem>>, vector<1000x32xf32>
    %get3A_8 = arith.constant 0 : index
    %get3A_9 = arith.constant 0 : index
    %get3A_10 = vector.load %arg3[%get3A_8, %get3A_9] : memref<1000x32xf32, #tpu.memory_space<vmem>>, vector<1000x32xf32>
    %get3A_11 = arith.constant 0 : index
    %get3A_12 = arith.constant 0 : index
    %get3A_13 = vector.load %arg4[%get3A_11, %get3A_12] : memref<1000x32xf32, #tpu.memory_space<vmem>>, vector<1000x32xf32>
    %concatenate3A = tpu.concatenate %get3A_4, %get3A_7, %get3A_10, %get3A_13 in 1 : vector<1000x32xf32>, vector<1000x32xf32>, vector<1000x32xf32>, vector<1000x32xf32> -> vector<1000x128xf32>
    %mul3A = vector.broadcast %rsqrt3A : vector<1000x1xf32> to vector<1000x128xf32>
    %mul3A_14 = arith.mulf %concatenate3A, %mul3A : vector<1000x128xf32>
    %get3A_15 = arith.constant 0 : index
    %get3A_16 = arith.constant 0 : index
    %get3A_17 = vector.load %arg8[%get3A_15, %get3A_16] : memref<128x2048xf32, #tpu.memory_space<vmem>>, vector<128x2048xf32>
    %dot_general3A = arith.constant dense<0.000000e+00> : vector<1000x2048xf32>
    %dot_general3A_18 = tpu.matmul %mul3A_14, %get3A_17, %dot_general3A {dimension_numbers = #tpu.dot_dimension_numbers<[1], [0], [0], [1], [0, 0, 1, 1], [], []>, transpose_lhs_hint = false} : vector<1000x128xf32>, vector<128x2048xf32>, vector<1000x2048xf32> -> vector<1000x2048xf32>
    %get3A_19 = arith.constant 0 : index
    %get3A_20 = arith.constant 0 : index
    %get3A_21 = vector.load %arg5[%get3A_19, %get3A_20] : memref<1000x32xf32, #tpu.memory_space<vmem>>, vector<1000x32xf32>
    %get3A_22 = arith.constant 0 : index
    %get3A_23 = arith.constant 0 : index
    %get3A_24 = vector.load %arg9[%get3A_22, %get3A_23] : memref<32x2048xf32, #tpu.memory_space<vmem>>, vector<32x2048xf32>
    %dot_general3A_25 = arith.constant dense<0.000000e+00> : vector<1000x2048xf32>
    %dot_general3A_26 = tpu.matmul %get3A_21, %get3A_24, %dot_general3A_25 {dimension_numbers = #tpu.dot_dimension_numbers<[1], [0], [0], [1], [0, 0, 1, 1], [], []>, transpose_lhs_hint = false} : vector<1000x32xf32>, vector<32x2048xf32>, vector<1000x2048xf32> -> vector<1000x2048xf32>
    %get3A_27 = arith.constant 0 : index
    %get3A_28 = arith.constant 0 : index
    %get3A_29 = vector.load %arg6[%get3A_27, %get3A_28] : memref<1000x64xf32, #tpu.memory_space<vmem>>, vector<1000x64xf32>
    %mul3A_30 = arith.mulf %dot_general3A_18, %dot_general3A_26 : vector<1000x2048xf32>
    %get3A_31 = arith.constant 0 : index
    %get3A_32 = arith.constant 0 : index
    %get3A_33 = vector.load %arg10[%get3A_31, %get3A_32] : memref<2048x64xf32, #tpu.memory_space<vmem>>, vector<2048x64xf32>
    %dot_general3A_34 = arith.constant dense<0.000000e+00> : vector<1000x64xf32>
    %dot_general3A_35 = tpu.matmul %mul3A_30, %get3A_33, %dot_general3A_34 {dimension_numbers = #tpu.dot_dimension_numbers<[1], [0], [0], [1], [0, 0, 1, 1], [], []>, transpose_lhs_hint = false} : vector<1000x2048xf32>, vector<2048x64xf32>, vector<1000x64xf32> -> vector<1000x64xf32>
    %add3A = arith.addf %get3A_29, %dot_general3A_35 : vector<1000x64xf32>
    %swap3A = arith.constant 0 : index
    %swap3A_36 = arith.constant 0 : index
    %swap3A_37 = vector.load %arg11[%swap3A, %swap3A_36] : memref<1000x64xf32, #tpu.memory_space<vmem>>, vector<1000x64xf32>
    tpu.vector_store %arg11[%swap3A, %swap3A_36], %add3A {strides = array<i32>} : memref<1000x64xf32, #tpu.memory_space<vmem>>, vector<1000x64xf32>,
    return
  }
  func.func @transform_0(%arg0: i32) -> (i32, i32) {
    %c0_i32 = arith.constant 0 : i32
    %c0_i32_0 = arith.constant 0 : i32
    return %arg0, %c0_i32 : i32, i32
  }
  func.func @transform_1(%arg0: i32) -> (i32, i32) {
    %c0_i32 = arith.constant 0 : i32
    %c0_i32_0 = arith.constant 0 : i32
    return %arg0, %c0_i32 : i32, i32
  }
  func.func @transform_2(%arg0: i32) -> (i32, i32) {
    %c0_i32 = arith.constant 0 : i32
    %c0_i32_0 = arith.constant 0 : i32
    return %arg0, %c0_i32 : i32, i32
  }
  func.func @transform_3(%arg0: i32) -> (i32, i32) {
    %c0_i32 = arith.constant 0 : i32
    %c0_i32_0 = arith.constant 0 : i32
    return %arg0, %c0_i32 : i32, i32
  }
  func.func @transform_4(%arg0: i32) -> (i32, i32) {
    %c0_i32 = arith.constant 0 : i32
    %c0_i32_0 = arith.constant 0 : i32
    return %arg0, %c0_i32 : i32, i32
  }
  func.func @transform_5(%arg0: i32) -> (i32, i32) {
    %c0_i32 = arith.constant 0 : i32
    %c0_i32_0 = arith.constant 0 : i32
    return %arg0, %c0_i32 : i32, i32
  }
  func.func @transform_6(%arg0: i32) -> (i32, i32) {
    %c0_i32 = arith.constant 0 : i32
    %c0_i32_0 = arith.constant 0 : i32
    return %arg0, %c0_i32 : i32, i32
  }
  func.func @transform_7(%arg0: i32) -> (i32, i32) {
    %c0_i32 = arith.constant 0 : i32
    %c0_i32_0 = arith.constant 0 : i32
    %c0_i32_1 = arith.constant 0 : i32
    return %c0_i32, %c0_i32_0 : i32, i32
  }
  func.func @transform_8(%arg0: i32) -> (i32, i32) {
    %c0_i32 = arith.constant 0 : i32
    %c0_i32_0 = arith.constant 0 : i32
    %c0_i32_1 = arith.constant 0 : i32
    return %c0_i32, %c0_i32_0 : i32, i32
  }
  func.func @transform_9(%arg0: i32) -> (i32, i32) {
    %c0_i32 = arith.constant 0 : i32
    %c0_i32_0 = arith.constant 0 : i32
    %c0_i32_1 = arith.constant 0 : i32
    return %c0_i32, %c0_i32_0 : i32, i32
  }
  func.func @transform_10(%arg0: i32) -> (i32, i32) {
    %c0_i32 = arith.constant 0 : i32
    %c0_i32_0 = arith.constant 0 : i32
    return %arg0, %c0_i32 : i32, i32
  }
}

</mosaic_0001>

<sc_bundles>
// kernel: kernel.10.cloned.1.call-start
scs
__scs_entry_jumppad:
0x0: {  	(pc) =	sbr.rel $0x88, $3  }
0x1: {  	(tag) =	ssettag $0x0;
	lr =	simm.s32 $0x1  }
0x2: {  	[smem:$0x3F91] =	sst lr;
	_ =	strace $0xD0000000  }
0x3: {  	_ = 	snop  }
0x4: {  	_ = 	snop  }
0x5: {  	_ = 	snop  }
0x6: {  	_ = 	snop  }
0x7: {  	_ = 	snop  }
__scs_overlays_trampoline_lowered:
0x8: {  	[smem:$0x3FA0] =	sst s0  }
0x9: {  	[smem:$0x3FA1] =	sst s1  }
0xa: {  	[smem:$0x3FA2] =	sst s2  }
0xb: {  	[smem:$0x3FA3] =	sst s3  }
0xc: {  	[smem:$0x3FA4] =	sst s4  }
0xd: {  	[smem:$0x3FA5] =	sst s5  }
0xe: {  	[smem:$0x3FA6] =	sst s6  }
0xf: {  	[smem:$0x3FA7] =	sst s7  }
0x10: {  	[smem:$0x3FA8] =	sst s8  }
0x11: {  	[smem:$0x3FA9] =	sst s9;
	s0 =	simm.s32 @!p0 $0x0  }
0x12: {  	s1 =	sld [smem:$0x3F8F];
	s0 =	simm.s32 @p0 $0x1  }
0x13: {  	[smem:$0x3FAA] =	sst s0;
	s0 =	simm.s32 @!p1 $0x0  }
0x14: {  	s2 =	sld [smem:$0x3F8E];
	s0 =	simm.s32 @p1 $0x1  }
0x15: {  	[smem:$0x3FAB] =	sst s0;
	s0 =	simm.s32 @!p2 $0x0  }
0x16: {  	s3 =	sld [smem:$0x3FDB];
	s0 =	simm.s32 @p2 $0x1  }
0x17: {  	s4 =	simm.s32 $0x1BF5;
	[smem:$0x3FAD] =	sst s0  }
0x18: {  	s0 =	sld [smem:$0x3F90];
	_ =	swait.ge [sflag:s4], $0x0  }
0x19: {  	s7 =	sld [smem:$0x3F91]  }
0x1a: {  	s8 =	sadd.s32 $0xFFFFE003, lr  }
0x1b: {  	s9 =	sadd.s32 $0xFFFFFEF7, lr;
	s5 =	simm.s32 $0xFFFFFFFF;
	p2 =	slt.u32 s8, $0xFFFFF086  }
0x1c: {  	p1 =	slt.u32 s9, $0xF7A;
	s5 =	simm.s32 @!p2 $0x0  }
0x1d: {  	s5 =	simm.s32 @p1 $0x1;
	p0 =	seq.s32 s7, s2  }
0x1e: {  	s7 =	smul.u32 @!p0 $0xF7A, s2;
	p2 =	seq.s32 @!p0 s5, $0x0  }
0x1f: {  	s9 =	smul.u32 $0xF7A, s1;
	s8 =	simm.s32 @!p0 $0x1BF5;
	p2 =	por !p2, p0  }
0x20: {  	[sflag:s8] =	ssyncset.s32 @!p0 $0xFFFFF086;
	s6 =	sadd.s32 @!p0 s3, s7;
	s7 =	simm.s32 @!p0 $0x108  }
0x21: {  	s3 =	sadd.s32 s3, s9;
	s6 =	sadd.s32 @!p0 $0x88, s6;
	s7 =	simm.s32 @p2 $0x1082  }
0x22: {  	[simem:s7], [sflag:s8] =	dma.local @!p0 [hbm:s6], $0xF7A  }
0x23: {  	s9 =	sor.u32 $0xD0000000, s2;
	s6 =	simm.s32 $0x108;
	_ =	swait.ge @!p0 [sflag:s8], $0x0  }
0x24: {  	s3 =	sadd.s32 $0x88, s3;
	s6 =	simm.s32 @!p1 $0x1082;
	[sflag:s4] =	ssyncset.s32 $0xFFFFF086  }
0x25: {  	[simem:s6], [sflag:s4] =	dma.local [hbm:s3], $0xF7A  }
0x26: {  	[smem:$0x3F91] =	sst s1;
	(tag) =	ssettag s2;
	_ =	strace s9  }
0x27: {  	s1 =	sld [smem:$0x3FA1]  }
0x28: {  	s2 =	sld [smem:$0x3FA2]  }
0x29: {  	s4 =	sld [smem:$0x3FA4]  }
0x2a: {  	p0 =	seq.s32 s5, $0x0;
	s5 =	sld [smem:$0x3FA5]  }
0x2b: {  	s6 =	sld [smem:$0x3FA6]  }
0x2c: {  	s7 =	sld [smem:$0x3FA7]  }
0x2d: {  	s3 =	simm.s32 $0x108;
	s8 =	sld [smem:$0x3FA8]  }
0x2e: {  	s3 =	simm.s32 @!p0 $0x1082;
	s9 =	sld [smem:$0x3FA9]  }
0x2f: {  	lr =	sadd.s32 s0, s3;
	s0 =	sld [smem:$0x3FA0]  }
0x30: {  	s3 =	sld [smem:$0x3FA3]  }
0x31: {  	[smem:$0x3FAC] =	sst s10  }
0x32: {  	s10 =	sld [smem:$0x3FAA];
	_ =	sdelay $0x3  }
0x33: {  	p0 =	seq.s32 s10, $0x1;
	s10 =	sld [smem:$0x3FAC];
	_ =	sdelay $0x3  }
0x34: {  	[smem:$0x3FAC] =	sst s10  }
0x35: {  	s10 =	sld [smem:$0x3FAB];
	_ =	sdelay $0x3  }
0x36: {  	p1 =	seq.s32 s10, $0x1;
	s10 =	sld [smem:$0x3FAC];
	_ =	sdelay $0x3  }
0x37: {  	[smem:$0x3FAC] =	sst s10  }
0x38: {  	s10 =	sld [smem:$0x3FAD]  }
0x39: {  	_ = 	snop;
	(pc) =	sbr.ind lr, $3  }
0x3a: {  	_ = 	snop  }
0x3b: {  	_ = 	snop  }
0x3c: {  	p2 =	seq.s32 s10, $0x1;
	s10 =	sld [smem:$0x3FAC]  }
0x3d: {  	_ =	shalt  }
0x3e: {  	_ =	shalt  }
0x3f: {  	_ =	shalt  }
0x40: {  	_ =	shalt  }
0x41: {  	_ =	shalt  }
0x42: {  	_ =	shalt  }
0x43: {  	_ =	shalt  }
0x44: {  	_ =	shalt  }
0x45: {  	_ =	shalt  }
0x46: {  	_ =	shalt  }
0x47: {  	_ =	shalt  }
0x48: {  	_ =	shalt  }
0x49: {  	_ =	shalt  }
0x4a: {  	_ =	shalt  }
0x4b: {  	_ =	shalt  }
0x4c: {  	_ =	shalt  }
0x4d: {  	_ =	shalt  }
0x4e: {  	_ =	shalt  }
0x4f: {  	_ =	shalt  }
0x50: {  	_ =	shalt  }
0x51: {  	_ =	shalt  }
0x52: {  	_ =	shalt  }
0x53: {  	_ =	shalt  }
0x54: {  	_ =	shalt  }
0x55: {  	_ =	shalt  }
0x56: {  	_ =	shalt  }
0x57: {  	_ =	shalt  }
0x58: {  	_ =	shalt  }
0x59: {  	_ =	shalt  }
0x5a: {  	_ =	shalt  }
0x5b: {  	_ =	shalt  }
0x5c: {  	_ =	shalt  }
0x5d: {  	_ =	shalt  }
0x5e: {  	_ =	shalt  }
0x5f: {  	_ =	shalt  }
0x60: {  	_ =	shalt  }
0x61: {  	_ =	shalt  }
0x62: {  	_ =	shalt  }
0x63: {  	_ =	shalt  }
0x64: {  	_ =	shalt  }
0x65: {  	_ =	shalt  }
0x66: {  	_ =	shalt  }
0x67: {  	_ =	shalt  }
0x68: {  	_ =	shalt  }
0x69: {  	_ =	shalt  }
0x6a: {  	_ =	shalt  }
0x6b: {  	_ =	shalt  }
0x6c: {  	_ =	shalt  }
0x6d: {  	_ =	shalt  }
0x6e: {  	_ =	shalt  }
0x6f: {  	_ =	shalt  }
0x70: {  	_ =	shalt  }
0x71: {  	_ =	shalt  }
0x72: {  	_ =	shalt  }
0x73: {  	_ =	shalt  }
0x74: {  	_ =	shalt  }
0x75: {  	_ =	shalt  }
0x76: {  	_ =	shalt  }
0x77: {  	_ =	shalt  }
0x78: {  	_ =	shalt  }
0x79: {  	_ =	shalt  }
0x7a: {  	_ =	shalt  }
0x7b: {  	_ =	shalt  }
0x7c: {  	_ =	shalt  }
0x7d: {  	_ =	shalt  }
0x7e: {  	_ =	shalt  }
0x7f: {  	_ =	shalt  }
0x80: {  	_ =	shalt  }
0x81: {  	_ =	shalt  }
0x82: {  	_ =	shalt  }
0x83: {  	_ =	shalt  }
0x84: {  	_ =	shalt  }
0x85: {  	_ =	shalt  }
0x86: {  	_ =	shalt  }
0x87: {  	_ =	shalt  }
.Lfunc_end0:
.L_simem_size_0:
called_computation.1_lowered:
.L_overlay_start_0:
0x88: {  	s2 =	sld [smem:$0x3FD9]  }
0x89: {  	s3 =	sld [smem:$0x3FFE];
	_ =	sdelay $0x1  }
0x8a: {  	s1 =	srdreg.scid  }
0x8b: {  	s0 =	sand.u32 $0x1, s1  }
0x8c: {  	s17 =	sshll.u32 s0, $0xA;
	s2 =	sadd.s32 s3, s2  }
0x8d: {  	s2 =	sadd.s32 s2, s17  }
0x8e: {  	[smem:$0x3FB8] =	sst s2  }
0x8f: {  	_ = 	snop  }
0x90: {  	s2 =	sld [smem:$0x3FC5]  }
0x91: {  	s18 =	sld [smem:$0x3FD0];
	(tm) =	ssettm $0x1  }
0x92: {  	s4 =	sld [smem:$0x3FFB];
	_ =	sdelay $0x3  }
0x93: {  	_ =	strace s4  }
0x94: {  	s4 =	sld [smem:$0x3FFC];
	_ =	sdelay $0x3  }
0x95: {  	_ =	strace s4  }
0x96: {  	s4 =	sld [smem:$0x3FFD];
	_ =	sdelay $0x3  }
0x97: {  	_ =	strace s4  }
0x98: {  	_ =	strace $0x8FFFFFFF  }
0x99: {  	s19 =	sld [smem:$0x3FDB];
	_ =	sdelay $0x1  }
0x9a: {  	s5 =	simm.s32 $_scs_section_size  }
0x9b: {  	s6 =	simm.s32 $_size__tile_overlayer_lowered;
	s7 =	simm.s32 $_tile_overlayer_lowered  }
0x9c: {  	s22 =	simm.s32 $0x1BFF;
	s21 =	sshll.u32 s7, $0x1;
	s4 =	sadd.s32 s5, s19  }
0x9d: {  	s8 =	simm.s32 $0x0;
	s20 =	sshll.u32 s6, $0x1;
	s6 =	sadd.s32 s21, s4  }
0x9e: {  	[timem:s8], [sflag:s22] =	dma.local [hbm:s6], s20  }
0x9f: {  	_ =	swait.ge [sflag:s22], s20  }
0xa0: {  	s5 =	ssub.s32 $0x0, s20;
	[sflag:s22] =	ssyncset.done $0x0  }
0xa1: {  	[sflag:s22] =	ssyncadd.s32 s5;
	_ =	sdelay $0x1  }
0xa2: {  	s23 =	simm.s32 $0x1B8B  }
0xa3: {  	_ =	swait.ge [sflag:s23], $0x1  }
0xa4: {  	[sflag:s23] =	ssyncset.done $0x0  }
0xa5: {  	s25 =	simm.s32 $0x1B8E;
	s24 =	sld [smem:$0x3FFE];
	[sflag:s23] =	ssyncadd.s32 $0xFFFFFFFF  }
0xa6: {  	s26 =	simm.s32 $execute0_lowered;
	[smem:$0x3FD2] =	sst s25  }
0xa7: {  	s6 =	sshll.u32 s26, $0x1;
	_ =	strace $0x80000049;
	[dreg:$0x1] =	wrdreg $0xFFFFFFFF  }
0xa8: {  	s28 =	simm.s32 $_size_execute0_lowered;
	s4 =	sadd.s32 s4, s6;
	[dreg:$0x0] =	wrdreg $0x0  }
0xa9: {  	s6 =	sshll.u32 s28, $0x1;
	[dreg:$0x2] =	wrdreg s4  }
0xaa: {  	[dreg:$0x3] =	wrdreg s6  }
0xab: {  	[dreg:$0x4] =	wrdreg $0xC0  }
0xac: {  	_ =	task [dreg:s8], $0x5FFFF  }
0xad: {  	[dreg:$0x1] =	wrdreg $0xFFFFFFFF  }
0xae: {  	[dreg:$0x0] =	wrdreg $0x60  }
0xaf: {  	[dreg:$0x2] =	wrdreg s24  }
0xb0: {  	[dreg:$0x3] =	wrdreg s2  }
0xb1: {  	[dreg:$0x4] =	wrdreg s18  }
0xb2: {  	[dreg:$0x5] =	wrdreg $0x0  }
0xb3: {  	[dreg:$0x6] =	wrdreg $0x9  }
0xb4: {  	_ =	task.clear_ibuf [dreg:s8], $0x7FFFF;
	_ =	strace $0x90000049  }
0xb5: {  	s29 =	simm.s32 $0x9;
	_ =	strace $0x8000004B  }
0xb6: {  	_ =	swait.ge [sflag:s29], $0x1  }
0xb7: {  	[sflag:s29] =	ssyncadd.s32 $0xFFFFFFFF  }
0xb8: {  	_ =	strace $0x9000004B  }
0xb9: {  	_ =	sfence  }
0xba: {  	s30 =	sld [smem:$0x0];
	_ =	sdelay $0x2  }
0xbb: {  	s31 =	sshll.u32 s1, $0xD;
	s1 =	sshrl.u32 s1, $0x2  }
0xbc: {  	s3 =	sand.u32 $0x4000, s31;
	s1 =	sadd.s32 s1, s30  }
0xbd: {  	s0 =	sor.u32 s3, s0;
	s1 =	sshll.u32 s1, $0x11  }
0xbe: {  	s0 =	sor.u32 s1, s0  }
0xbf: {  	s0 =	sadd.s32 $0x8F2B, s0  }
0xc0: {  	[sflag:s0] =	ssyncadd.remote.s32 $0x1  }
0xc1: {  	_ =	sfence.sel $0xFFFF  }
0xc2: {  	[dreg:$0x0] =	wrdreg $0xFFFFFFFF;
	(pc) =	sbr.abs _section_cstart, $3  }
0xc3: {  	[dreg:$0x1] =	wrdreg $0xFFFFFFFF  }
0xc4: {  	_ =	task.clear_ibuf [dreg:s8], $0x2FFFF;
	_ =	strace $0x9FFFFFFF  }
0xc5: {  	(tm) =	ssettm $0x7FFFFFFF  }
tec
execute0_lowered:
.L_overlay_start_1:
0x0: {  	(tag) =	ssettag $0x1  }
0x1: {  	s4 =	rddreg [dreg:$0x0]  }
0x2: {  	s0 =	rddreg [dreg:$0x1]  }
0x3: {  	s2 =	rddreg [dreg:$0x3]  }
0x4: {  	s3 =	simm.s32 $0x0;
	s5 =	srdreg.scid;
	s14 =	stileid.u32  }
0x5: {  	s28 =	simm.s32 $0x1C880;
	s29 =	simm.s32 $0x1C900;
	s30 =	simm.s32 $0x1C980  }
0x6: {  	[smem:$0x7FF] =	sst s3;
	s1 =	sadd.s32 $0x1009800, s4;
	s6 =	sand.u32 $0x1, s5  }
0x7: {  	s7 =	sadd.s32 $0x18A600, s4;
	s8 =	ssub.s32 $0x280, s14;
	s9 =	smul.u32 $0x18700, s14  }
0x8: {  	s18 =	sshll.u32 s14, $0x6;
	s19 =	sadd.s32 $0x16E900, s2;
	_ =	strace $0x8000004A  }
0x9: {  	s13 =	ssub.s32 $0x2, s6;
	s4 =	sshrl.u32 s8, $0x4;
	s16 =	smul.u32 $0x30D400, s6  }
0xa: {  	s10 =	sshll.u32 s6, $0x5;
	s6 =	sor.u32 $0x1C03, s18;
	[dreg:$0x1b] =	wrdreg s19  }
0xb: {  	s15 =	sshrl.u32 s13, $0x1;
	s17 =	sadd.s32 s9, s2;
	[dreg:$0x18] =	wrdreg s6  }
0xc: {  	s5 =	ssub.s32 s13, s15;
	[dreg:$0x17] =	wrdreg s17;
	s8 =	sshrl.u32 s16, $0x3  }
0xd: {  	s9 =	sadd.s32 s9, s16;
	s12 =	sadd.s32 s7, s8;
	s5 =	smax.u32 s5, $0x1  }
0xe: {  	s9 =	sshrl.u32 s9, $0x3;
	s8 =	sadd.s32 $0x2DD20, s12;
	[dreg:$0x1e] =	wrdreg s5  }
0xf: {  	s11 =	smul.u32 $0x28000, s14;
	s7 =	sadd.s32 s7, s9;
	[dreg:$0x1a] =	wrdreg s8  }
0x10: {  	s31 =	simm.s32 $0x1CA00;
	s21 =	sadd.s32 $0x5EA60, s12;
	[dreg:$0x19] =	wrdreg s7  }
0x11: {  	s8 =	sor.u32 s10, s11;
	s7 =	sadd.s32 $0x30D40, s7;
	[dreg:$0x1d] =	wrdreg s21  }
0x12: {  	p0 =	seq.s32 s14, $0xF;
	[dreg:$0x1c] =	wrdreg s7;
	s20 =	sadd.s32 $0x24000, s8  }
0x13: {  	s10 =	sadd.s32 $0x20000, s8;
	s7 =	smul.u32 $0xA0, s14;
	s24 =	sadd.s32 $0x1C000, s8  }
0x14: {  	s26 =	sadd.s32 $0x18000, s8;
	s11 =	sadd.s32 $0x14000, s8;
	s13 =	sadd.s32 $0x10000, s8  }
0x15: {  	s16 =	sadd.s32 $0xC000, s8;
	s17 =	sadd.s32 $0x8000, s8;
	s21 =	sshrl.u32 s8, $0x3  }
0x16: {  	s22 =	sshrl.u32 s20, $0x3;
	s10 =	sshrl.u32 s10, $0x3;
	s25 =	sshrl.u32 s24, $0x3  }
0x17: {  	s11 =	sshrl.u32 s11, $0x3;
	s15 =	sshrl.u32 s13, $0x3;
	s19 =	sshrl.u32 s17, $0x3  }
0x18: {  	s9 =	sadd.s32 s22, s1;
	s23 =	sadd.s32 s10, s1;
	s10 =	sshrl.u32 s26, $0x3  }
0x19: {  	s12 =	sadd.s32 s11, s1;
	s20 =	sadd.s32 s19, s1;
	[dreg:$0x5] =	wrdreg s9  }
0x1a: {  	s22 =	sadd.s32 s21, s1;
	s26 =	sadd.s32 $0x1C040, s8;
	[dreg:$0x6] =	wrdreg s23  }
0x1b: {  	s19 =	sadd.s32 $0x10040, s8;
	s0 =	sadd.s32 s7, s0;
	[dreg:$0x9] =	wrdreg s12  }
0x1c: {  	s9 =	sadd.s32 s25, s1;
	s10 =	sadd.s32 s10, s1;
	[dreg:$0xc] =	wrdreg s20  }
0x1d: {  	s23 =	sadd.s32 $0x24040, s8;
	[dreg:$0xd] =	wrdreg s22;
	s25 =	sadd.s32 $0x20040, s8  }
0x1e: {  	s13 =	sshrl.u32 s26, $0x3;
	s21 =	sshrl.u32 s19, $0x3;
	[dreg:$0x1f] =	wrdreg s0  }
0x1f: {  	s19 =	simm.s32 $0x18700;
	s0 =	simm.s32 $0x1CA80;
	[dreg:$0x7] =	wrdreg s9  }
0x20: {  	[dreg:$0x8] =	wrdreg s10;
	s9 =	sadd.s32 s15, s1;
	s10 =	sshrl.u32 s16, $0x3  }
0x21: {  	s24 =	sshrl.u32 s23, $0x3;
	s15 =	sadd.s32 s13, s1;
	s16 =	sadd.s32 $0x18040, s8  }
0x22: {  	s22 =	sadd.s32 s21, s1;
	s23 =	sadd.s32 $0xC040, s8;
	s13 =	smul.u32 $0x50000, s4  }
0x23: {  	s21 =	simm.s32 $0x1A700;
	s4 =	simm.s32 $0x1CB00;
	[dreg:$0xa] =	wrdreg s9  }
0x24: {  	s18 =	sadd.s32 s10, s1;
	s9 =	sadd.s32 s24, s1;
	[dreg:$0x10] =	wrdreg s15  }
0x25: {  	s10 =	sshrl.u32 s25, $0x3;
	s17 =	sshrl.u32 s16, $0x3;
	[dreg:$0x13] =	wrdreg s22  }
0x26: {  	s24 =	sshrl.u32 s23, $0x3;
	s25 =	sadd.s32 $0x8040, s8;
	s15 =	simm.s32 $0x3  }
0x27: {  	s16 =	simm.s32 $0x1C700;
	s22 =	simm.s32 $0x1B700;
	[dreg:$0xb] =	wrdreg s18  }
0x28: {  	s23 =	simm.s32 $0x1;
	[dreg:$0xe] =	wrdreg s9;
	s12 =	sadd.s32 s10, s1  }
0x29: {  	s18 =	sadd.s32 $0x14040, s8;
	s9 =	sadd.s32 s17, s1;
	s8 =	sor.u32 $0x40, s8  }
0x2a: {  	s17 =	simm.s32 $0x20;
	[dreg:$0xf] =	wrdreg s12;
	s10 =	sshrl.u32 s18, $0x3  }
0x2b: {  	[dreg:$0x11] =	wrdreg s9;
	s9 =	sadd.s32 s24, s1;
	s8 =	sshrl.u32 s8, $0x3  }
0x2c: {  	s18 =	simm.s32 $0x80;
	s24 =	simm.s32 $0x2;
	s20 =	sadd.s32 s10, s1  }
0x2d: {  	s10 =	sshrl.u32 s25, $0x3;
	[dreg:$0x14] =	wrdreg s9;
	s25 =	simm.s32 $0x1C780  }
0x2e: {  	[dreg:$0x12] =	wrdreg s20;
	s26 =	sadd.s32 s10, s1;
	s1 =	sadd.s32 s8, s1  }
0x2f: {  	s20 =	simm.s32 $0x19700;
	s8 =	simm.s32 $0x0;
	[dreg:$0x15] =	wrdreg s26  }
0x30: {  	[dreg:$0x16] =	wrdreg s1;
	s26 =	simm.s32 $0x1C800;
	s1 =	simm.s32 $0x1CB80  }
.LBB2_1:
0x31: {  	s5 =	rddreg [dreg:$0x17]  }
0x32: {  	s14 =	rddreg [dreg:$0x2];
	s9 =	sshrl.u32 s5, $0x3  }
0x33: {  	[spmem:s9], [sflag:s6] =	dma.local [hbm:s14], $0x30E0  }
0x34: {  	_ =	swait.ge [sflag:s15], $0x30E0  }
0x35: {  	[sflag:s15] =	ssyncset.done $0x0  }
0x36: {  	[sflag:s15] =	ssyncadd.s32 $0xFFFFCF20  }
0x37: {  	[bflag:$0x0] =	sbarrier.arrive $0xFFFF  }
0x38: {  	s10 =	rddreg [dreg:$0x1f]  }
0x39: {  	[tilespmem:s16], [sflag:$0x3] =	stream.linear.gather [hbm4b:s10+s3], $0x500, $0x38;
	[tilespmem:$0x1CC00] =	vst v63  }
0x3a: {  	_ =	swait.ge [sflag:s15], $0x500  }
0x3b: {  	s7 =	rddreg [dreg:$0xd];
	[sflag:s15] =	ssyncset.done $0x0  }
0x3c: {  	[sflag:s15] =	ssyncadd.s32 $0xFFFFFB00;
	s5 =	sadd.s32 $0x0, s7  }
0x3d: {  	[tilespmem:s19], [sflag:$0x1] =	stream.strided.gather [hbm4b:s5+s17], $0x1000, s18, s17, $0x38;
	[tilespmem:$0x1CC00] =	vst v63  }
0x3e: {  	s7 =	rddreg [dreg:$0xc];
	s5 =	sadd.s32 $0x800, s5  }
0x3f: {  	[tilespmem:s20], [sflag:$0x1] =	stream.strided.gather [hbm4b:s5+s17], $0x1000, s18, s17, $0x38;
	[tilespmem:$0x1CC00] =	vst v63  }
0x40: {  	s11 =	rddreg [dreg:$0xb];
	s7 =	sadd.s32 $0x0, s7  }
0x41: {  	[tilespmem:s21], [sflag:$0x1] =	stream.strided.gather [hbm4b:s7+s17], $0x1000, s18, s17, $0x38;
	[tilespmem:$0x1CC00] =	vst v63  }
0x42: {  	s5 =	sadd.s32 $0x0, s11  }
0x43: {  	[tilespmem:s22], [sflag:$0x1] =	stream.strided.gather [hbm4b:s5+s17], $0x1000, s18, s17, $0x38;
	[tilespmem:$0x1CC00] =	vst v63  }
0x44: {  	_ =	swait.ge [sflag:s23], $0x1000  }
0x45: {  	[sflag:s23] =	ssyncset.done $0x0  }
0x46: {  	[sflag:s23] =	ssyncadd.s32 $0xFFFFF000  }
0x47: {  	[spmem:s2] =	stream.indirect.scatter.add.f32 [tilespmem:s19], [sflag:$0x2], $0x20, s16, s18, $0xb8;
	[tilespmem:$0x1CC00] =	vst v63  }
0x48: {  	_ =	swait.ge [sflag:s24], $0x1000  }
0x49: {  	s12 =	rddreg [dreg:$0xa];
	[sflag:s24] =	ssyncset.done $0x0  }
0x4a: {  	[sflag:s24] =	ssyncadd.s32 $0xFFFFF000;
	s5 =	sadd.s32 $0x0, s12  }
0x4b: {  	[tilespmem:s19], [sflag:$0x1] =	stream.strided.gather [hbm4b:s5+s17], $0x1000, s18, s17, $0x38;
	[tilespmem:$0x1CC00] =	vst v63  }
0x4c: {  	_ =	swait.ge [sflag:s23], $0x1000  }
0x4d: {  	[sflag:s23] =	ssyncset.done $0x0  }
0x4e: {  	[sflag:s23] =	ssyncadd.s32 $0xFFFFF000  }
0x4f: {  	[spmem:s2] =	stream.indirect.scatter.add.f32 [tilespmem:s20], [sflag:$0x2], $0x20, s25, s18, $0xb8;
	[tilespmem:$0x1CC00] =	vst v63  }
0x50: {  	_ =	swait.ge [sflag:s24], $0x1000  }
0x51: {  	s14 =	rddreg [dreg:$0x9];
	[sflag:s24] =	ssyncset.done $0x0  }
0x52: {  	[sflag:s24] =	ssyncadd.s32 $0xFFFFF000;
	s5 =	sadd.s32 $0x0, s14  }
0x53: {  	[tilespmem:s20], [sflag:$0x1] =	stream.strided.gather [hbm4b:s5+s17], $0x1000, s18, s17, $0x38;
	[tilespmem:$0x1CC00] =	vst v63  }
0x54: {  	_ =	swait.ge [sflag:s23], $0x1000  }
0x55: {  	[sflag:s23] =	ssyncset.done $0x0  }
0x56: {  	[sflag:s23] =	ssyncadd.s32 $0xFFFFF000  }
0x57: {  	[spmem:s2] =	stream.indirect.scatter.add.f32 [tilespmem:s21], [sflag:$0x2], $0x20, s26, s18, $0xb8;
	[tilespmem:$0x1CC00] =	vst v63  }
0x58: {  	_ =	swait.ge [sflag:s24], $0x1000  }
0x59: {  	s7 =	rddreg [dreg:$0x8];
	[sflag:s24] =	ssyncset.done $0x0  }
0x5a: {  	[sflag:s24] =	ssyncadd.s32 $0xFFFFF000;
	s5 =	sadd.s32 $0x0, s7  }
0x5b: {  	[tilespmem:s21], [sflag:$0x1] =	stream.strided.gather [hbm4b:s5+s17], $0x1000, s18, s17, $0x38;
	[tilespmem:$0x1CC00] =	vst v63  }
0x5c: {  	_ =	swait.ge [sflag:s23], $0x1000  }
0x5d: {  	[sflag:s23] =	ssyncset.done $0x0  }
0x5e: {  	[sflag:s23] =	ssyncadd.s32 $0xFFFFF000  }
0x5f: {  	[spmem:s2] =	stream.indirect.scatter.add.f32 [tilespmem:s22], [sflag:$0x2], $0x20, s28, s18, $0xb8;
	[tilespmem:$0x1CC00] =	vst v63  }
0x60: {  	_ =	swait.ge [sflag:s24], $0x1000  }
0x61: {  	s11 =	rddreg [dreg:$0x7];
	[sflag:s24] =	ssyncset.done $0x0  }
0x62: {  	[sflag:s24] =	ssyncadd.s32 $0xFFFFF000;
	s5 =	sadd.s32 $0x0, s11  }
0x63: {  	[tilespmem:s22], [sflag:$0x1] =	stream.strided.gather [hbm4b:s5+s17], $0x1000, s18, s17, $0x38;
	[tilespmem:$0x1CC00] =	vst v63  }
0x64: {  	_ =	swait.ge [sflag:s23], $0x1000  }
0x65: {  	[sflag:s23] =	ssyncset.done $0x0  }
0x66: {  	[sflag:s23] =	ssyncadd.s32 $0xFFFFF000  }
0x67: {  	[spmem:s2] =	stream.indirect.scatter.add.f32 [tilespmem:s19], [sflag:$0x2], $0x20, s29, s18, $0xb8;
	[tilespmem:$0x1CC00] =	vst v63  }
0x68: {  	_ =	swait.ge [sflag:s24], $0x1000  }
0x69: {  	s12 =	rddreg [dreg:$0x6];
	[sflag:s24] =	ssyncset.done $0x0  }
0x6a: {  	[sflag:s24] =	ssyncadd.s32 $0xFFFFF000;
	s5 =	sadd.s32 $0x0, s12  }
0x6b: {  	[tilespmem:s19], [sflag:$0x1] =	stream.strided.gather [hbm4b:s5+s17], $0x1000, s18, s17, $0x38;
	[tilespmem:$0x1CC00] =	vst v63  }
0x6c: {  	_ =	swait.ge [sflag:s23], $0x1000  }
0x6d: {  	[sflag:s23] =	ssyncset.done $0x0  }
0x6e: {  	[sflag:s23] =	ssyncadd.s32 $0xFFFFF000  }
0x6f: {  	[spmem:s2] =	stream.indirect.scatter.add.f32 [tilespmem:s20], [sflag:$0x2], $0x20, s30, s18, $0xb8;
	[tilespmem:$0x1CC00] =	vst v63  }
0x70: {  	_ =	swait.ge [sflag:s24], $0x1000  }
0x71: {  	s14 =	rddreg [dreg:$0x5];
	[sflag:s24] =	ssyncset.done $0x0  }
0x72: {  	[sflag:s24] =	ssyncadd.s32 $0xFFFFF000;
	s5 =	sadd.s32 $0x0, s14  }
0x73: {  	[tilespmem:s20], [sflag:$0x1] =	stream.strided.gather [hbm4b:s5+s17], $0x1000, s18, s17, $0x38;
	[tilespmem:$0x1CC00] =	vst v63  }
0x74: {  	_ =	swait.ge [sflag:s23], $0x1000  }
0x75: {  	[sflag:s23] =	ssyncset.done $0x0  }
0x76: {  	[sflag:s23] =	ssyncadd.s32 $0xFFFFF000  }
0x77: {  	[spmem:s2] =	stream.indirect.scatter.add.f32 [tilespmem:s21], [sflag:$0x2], $0x20, s31, s18, $0xb8;
	[tilespmem:$0x1CC00] =	vst v63  }
0x78: {  	_ =	swait.ge [sflag:s23], $0x1000  }
0x79: {  	[sflag:s23] =	ssyncset.done $0x0  }
0x7a: {  	[sflag:s23] =	ssyncadd.s32 $0xFFFFF000  }
0x7b: {  	[spmem:s2] =	stream.indirect.scatter.add.f32 [tilespmem:s22], [sflag:$0x2], $0x20, s0, s18, $0xb8;
	[tilespmem:$0x1CC00] =	vst v63  }
0x7c: {  	_ =	swait.ge [sflag:s23], $0x1000  }
0x7d: {  	[sflag:s23] =	ssyncset.done $0x0  }
0x7e: {  	[sflag:s23] =	ssyncadd.s32 $0xFFFFF000  }
0x7f: {  	[spmem:s2] =	stream.indirect.scatter.add.f32 [tilespmem:s19], [sflag:$0x2], $0x20, s4, s18, $0xb8;
	[tilespmem:$0x1CC00] =	vst v63  }
0x80: {  	_ =	swait.ge [sflag:s23], $0x1000  }
0x81: {  	[sflag:s23] =	ssyncset.done $0x0  }
0x82: {  	[sflag:s23] =	ssyncadd.s32 $0xFFFFF000  }
0x83: {  	[spmem:s2] =	stream.indirect.scatter.add.f32 [tilespmem:s20], [sflag:$0x2], $0x20, s1, s18, $0xb8;
	[tilespmem:$0x1CC00] =	vst v63  }
0x84: {  	_ =	swait.ge [sflag:s24], $0x1000  }
0x85: {  	[sflag:s24] =	ssyncset.done $0x0  }
0x86: {  	[sflag:s24] =	ssyncadd.s32 $0xFFFFF000  }
0x87: {  	_ =	swait.ge [sflag:s24], $0x1000  }
0x88: {  	[sflag:s24] =	ssyncset.done $0x0  }
0x89: {  	p1 =	sne.s32 s13, $0x50000;
	[sflag:s24] =	ssyncadd.s32 $0xFFFFF000  }
.Ltmp0:
0x8a: {  	_ =	swait.ge [sflag:s24], $0x1000;
	(pc) =	sbr.rel @!p1 .LBB2_3-.Ltmp0, $4  }
0x8b: {  	[sflag:s24] =	ssyncset.done $0x0  }
0x8c: {  	[sflag:s24] =	ssyncadd.s32 $0xFFFFF000  }
0x8d: {  	_ =	swait.ge [sflag:s24], $0x1000  }
0x8e: {  	s7 =	simm.s32 $0x50000;
	[sflag:s24] =	ssyncset.done $0x0  }
.LBB2_2:
0x8f: {  	[sflag:s24] =	ssyncadd.s32 $0xFFFFF000;
	s10 =	sadd.s32 $0xA00, s10  }
0x90: {  	[tilespmem:s16], [sflag:$0x3] =	stream.linear.gather [hbm4b:s10+s3], $0x500, $0x38;
	[tilespmem:$0x1CC00] =	vst v63  }
0x91: {  	_ =	swait.ge [sflag:s15], $0x500  }
0x92: {  	s11 =	smov.u32 s7;
	s5 =	rddreg [dreg:$0xd];
	[sflag:s15] =	ssyncset.done $0x0  }
0x93: {  	[sflag:s15] =	ssyncadd.s32 $0xFFFFFB00;
	s5 =	sadd.s32 s11, s5  }
0x94: {  	[tilespmem:s19], [sflag:$0x1] =	stream.strided.gather [hbm4b:s5+s17], $0x1000, s18, s17, $0x38;
	[tilespmem:$0x1CC00] =	vst v63  }
0x95: {  	s12 =	rddreg [dreg:$0xc];
	s5 =	sadd.s32 $0x800, s5  }
0x96: {  	[tilespmem:s20], [sflag:$0x1] =	stream.strided.gather [hbm4b:s5+s17], $0x1000, s18, s17, $0x38;
	[tilespmem:$0x1CC00] =	vst v63  }
0x97: {  	s14 =	rddreg [dreg:$0xb];
	s12 =	sadd.s32 s11, s12  }
0x98: {  	[tilespmem:s21], [sflag:$0x1] =	stream.strided.gather [hbm4b:s12+s17], $0x1000, s18, s17, $0x38;
	[tilespmem:$0x1CC00] =	vst v63  }
0x99: {  	s14 =	sadd.s32 s11, s14  }
0x9a: {  	[tilespmem:s22], [sflag:$0x1] =	stream.strided.gather [hbm4b:s14+s17], $0x1000, s18, s17, $0x38;
	[tilespmem:$0x1CC00] =	vst v63  }
0x9b: {  	_ =	swait.ge [sflag:s23], $0x1000  }
0x9c: {  	[sflag:s23] =	ssyncset.done $0x0  }
0x9d: {  	[sflag:s23] =	ssyncadd.s32 $0xFFFFF000  }
0x9e: {  	[spmem:s2] =	stream.indirect.scatter.add.f32 [tilespmem:s19], [sflag:$0x2], $0x20, s16, s18, $0xb8;
	[tilespmem:$0x1CC00] =	vst v63  }
0x9f: {  	_ =	swait.ge [sflag:s24], $0x1000  }
0xa0: {  	s12 =	rddreg [dreg:$0xa];
	[sflag:s24] =	ssyncset.done $0x0  }
0xa1: {  	[sflag:s24] =	ssyncadd.s32 $0xFFFFF000;
	s5 =	sadd.s32 s11, s12  }
0xa2: {  	[tilespmem:s19], [sflag:$0x1] =	stream.strided.gather [hbm4b:s5+s17], $0x1000, s18, s17, $0x38;
	[tilespmem:$0x1CC00] =	vst v63  }
0xa3: {  	_ =	swait.ge [sflag:s23], $0x1000  }
0xa4: {  	[sflag:s23] =	ssyncset.done $0x0  }
0xa5: {  	[sflag:s23] =	ssyncadd.s32 $0xFFFFF000  }
0xa6: {  	[spmem:s2] =	stream.indirect.scatter.add.f32 [tilespmem:s20], [sflag:$0x2], $0x20, s25, s18, $0xb8;
	[tilespmem:$0x1CC00] =	vst v63  }
0xa7: {  	_ =	swait.ge [sflag:s24], $0x1000  }
0xa8: {  	s14 =	rddreg [dreg:$0x9];
	[sflag:s24] =	ssyncset.done $0x0  }
0xa9: {  	[sflag:s24] =	ssyncadd.s32 $0xFFFFF000;
	s5 =	sadd.s32 s11, s14  }
0xaa: {  	[tilespmem:s20], [sflag:$0x1] =	stream.strided.gather [hbm4b:s5+s17], $0x1000, s18, s17, $0x38;
	[tilespmem:$0x1CC00] =	vst v63  }
0xab: {  	_ =	swait.ge [sflag:s23], $0x1000  }
0xac: {  	[sflag:s23] =	ssyncset.done $0x0  }
0xad: {  	[sflag:s23] =	ssyncadd.s32 $0xFFFFF000  }
0xae: {  	[spmem:s2] =	stream.indirect.scatter.add.f32 [tilespmem:s21], [sflag:$0x2], $0x20, s26, s18, $0xb8;
	[tilespmem:$0x1CC00] =	vst v63  }
0xaf: {  	_ =	swait.ge [sflag:s24], $0x1000  }
0xb0: {  	s12 =	rddreg [dreg:$0x8];
	[sflag:s24] =	ssyncset.done $0x0  }
0xb1: {  	[sflag:s24] =	ssyncadd.s32 $0xFFFFF000;
	s5 =	sadd.s32 s11, s12  }
0xb2: {  	[tilespmem:s21], [sflag:$0x1] =	stream.strided.gather [hbm4b:s5+s17], $0x1000, s18, s17, $0x38;
	[tilespmem:$0x1CC00] =	vst v63  }
0xb3: {  	_ =	swait.ge [sflag:s23], $0x1000  }
0xb4: {  	[sflag:s23] =	ssyncset.done $0x0  }
0xb5: {  	[sflag:s23] =	ssyncadd.s32 $0xFFFFF000  }
0xb6: {  	[spmem:s2] =	stream.indirect.scatter.add.f32 [tilespmem:s22], [sflag:$0x2], $0x20, s28, s18, $0xb8;
	[tilespmem:$0x1CC00] =	vst v63  }
0xb7: {  	_ =	swait.ge [sflag:s24], $0x1000  }
0xb8: {  	s14 =	rddreg [dreg:$0x7];
	[sflag:s24] =	ssyncset.done $0x0  }
0xb9: {  	[sflag:s24] =	ssyncadd.s32 $0xFFFFF000;
	s5 =	sadd.s32 s11, s14  }
0xba: {  	[tilespmem:s22], [sflag:$0x1] =	stream.strided.gather [hbm4b:s5+s17], $0x1000, s18, s17, $0x38;
	[tilespmem:$0x1CC00] =	vst v63  }
0xbb: {  	_ =	swait.ge [sflag:s23], $0x1000  }
0xbc: {  	[sflag:s23] =	ssyncset.done $0x0  }
0xbd: {  	[sflag:s23] =	ssyncadd.s32 $0xFFFFF000  }
0xbe: {  	[spmem:s2] =	stream.indirect.scatter.add.f32 [tilespmem:s19], [sflag:$0x2], $0x20, s29, s18, $0xb8;
	[tilespmem:$0x1CC00] =	vst v63  }
0xbf: {  	_ =	swait.ge [sflag:s24], $0x1000  }
0xc0: {  	s12 =	rddreg [dreg:$0x6];
	[sflag:s24] =	ssyncset.done $0x0  }
0xc1: {  	[sflag:s24] =	ssyncadd.s32 $0xFFFFF000;
	s5 =	sadd.s32 s11, s12  }
0xc2: {  	[tilespmem:s19], [sflag:$0x1] =	stream.strided.gather [hbm4b:s5+s17], $0x1000, s18, s17, $0x38;
	[tilespmem:$0x1CC00] =	vst v63  }
0xc3: {  	_ =	swait.ge [sflag:s23], $0x1000  }
0xc4: {  	[sflag:s23] =	ssyncset.done $0x0  }
0xc5: {  	[sflag:s23] =	ssyncadd.s32 $0xFFFFF000  }
0xc6: {  	[spmem:s2] =	stream.indirect.scatter.add.f32 [tilespmem:s20], [sflag:$0x2], $0x20, s30, s18, $0xb8;
	[tilespmem:$0x1CC00] =	vst v63  }
0xc7: {  	_ =	swait.ge [sflag:s24], $0x1000  }
0xc8: {  	s14 =	rddreg [dreg:$0x5];
	[sflag:s24] =	ssyncset.done $0x0  }
0xc9: {  	[sflag:s24] =	ssyncadd.s32 $0xFFFFF000;
	s5 =	sadd.s32 s11, s14  }
0xca: {  	[tilespmem:s20], [sflag:$0x1] =	stream.strided.gather [hbm4b:s5+s17], $0x1000, s18, s17, $0x38;
	[tilespmem:$0x1CC00] =	vst v63  }
0xcb: {  	_ =	swait.ge [sflag:s23], $0x1000  }
0xcc: {  	[sflag:s23] =	ssyncset.done $0x0  }
0xcd: {  	[sflag:s23] =	ssyncadd.s32 $0xFFFFF000  }
0xce: {  	[spmem:s2] =	stream.indirect.scatter.add.f32 [tilespmem:s21], [sflag:$0x2], $0x20, s31, s18, $0xb8;
	[tilespmem:$0x1CC00] =	vst v63  }
0xcf: {  	_ =	swait.ge [sflag:s23], $0x1000  }
0xd0: {  	[sflag:s23] =	ssyncset.done $0x0  }
0xd1: {  	[sflag:s23] =	ssyncadd.s32 $0xFFFFF000  }
0xd2: {  	[spmem:s2] =	stream.indirect.scatter.add.f32 [tilespmem:s22], [sflag:$0x2], $0x20, s0, s18, $0xb8;
	[tilespmem:$0x1CC00] =	vst v63  }
0xd3: {  	_ =	swait.ge [sflag:s23], $0x1000  }
0xd4: {  	[sflag:s23] =	ssyncset.done $0x0  }
0xd5: {  	[sflag:s23] =	ssyncadd.s32 $0xFFFFF000  }
0xd6: {  	[spmem:s2] =	stream.indirect.scatter.add.f32 [tilespmem:s19], [sflag:$0x2], $0x20, s4, s18, $0xb8;
	[tilespmem:$0x1CC00] =	vst v63  }
0xd7: {  	_ =	swait.ge [sflag:s23], $0x1000  }
0xd8: {  	[sflag:s23] =	ssyncset.done $0x0  }
0xd9: {  	[sflag:s23] =	ssyncadd.s32 $0xFFFFF000  }
0xda: {  	[spmem:s2] =	stream.indirect.scatter.add.f32 [tilespmem:s20], [sflag:$0x2], $0x20, s1, s18, $0xb8;
	[tilespmem:$0x1CC00] =	vst v63  }
0xdb: {  	_ =	swait.ge [sflag:s24], $0x1000  }
0xdc: {  	[sflag:s24] =	ssyncset.done $0x0  }
0xdd: {  	[sflag:s24] =	ssyncadd.s32 $0xFFFFF000  }
0xde: {  	_ =	swait.ge [sflag:s24], $0x1000  }
0xdf: {  	s7 =	sadd.s32 $0x50000, s7;
	[sflag:s24] =	ssyncset.done $0x0  }
0xe0: {  	p1 =	sne.s32 s13, s7;
	[sflag:s24] =	ssyncadd.s32 $0xFFFFF000  }
.Ltmp1:
0xe1: {  	_ =	swait.ge [sflag:s24], $0x1000;
	(pc) =	sbr.rel @p1 .LBB2_2-.Ltmp1, $4  }
0xe2: {  	[sflag:s24] =	ssyncset.done $0x0  }
0xe3: {  	[sflag:s24] =	ssyncadd.s32 $0xFFFFF000  }
0xe4: {  	_ =	swait.ge [sflag:s24], $0x1000  }
0xe5: {  	[sflag:s24] =	ssyncset.done $0x0  }
.LBB2_3:
0xe6: {  	[sflag:s24] =	ssyncadd.s32 $0xFFFFF000  }
0xe7: {  	[bflag:$0x0] =	sbarrier.arrive $0xFFFF  }
0xe8: {  	s5 =	rddreg [dreg:$0x1b]  }
0xe9: {  	s7 =	sshrl.u32 @p0 s5, $0x3;
	s5 =	rddreg [dreg:$0x1a]  }
0xea: {  	s11 =	simm.s32 @p0 $0x3;
	[smem:$0x7FC] =	sst s7  }
0xeb: {  	[hbm:s5], [sflag:s6] =	dma.local @p0 [spmem:s7], $0x3020  }
0xec: {  	_ =	swait.ge @p0 [sflag:s11], $0x3020  }
0xed: {  	s5 =	rddreg [dreg:$0x17]  }
0xee: {  	[sflag:s11] =	ssyncset.done @p0 $0x0;
	s7 =	sshrl.u32 @!p0 s5, $0x3;
	s5 =	rddreg [dreg:$0x19]  }
0xef: {  	s10 =	simm.s32 @!p0 $0x3;
	[sflag:s11] =	ssyncadd.s32 @p0 $0xFFFFCFE0;
	[smem:$0x7FD] =	sst s7  }
0xf0: {  	[hbm:s5], [sflag:s6] =	dma.local @!p0 [spmem:s7], $0x30E0  }
0xf1: {  	_ =	swait.ge @!p0 [sflag:s10], $0x30E0  }
0xf2: {  	[sflag:s10] =	ssyncset.done @!p0 $0x0  }
0xf3: {  	[sflag:s10] =	ssyncadd.s32 @!p0 $0xFFFFCF20  }
0xf4: {  	s7 =	rddreg [dreg:$0x2]  }
0xf5: {  	[spmem:s9], [sflag:s6] =	dma.local [hbm:s7], $0x30E0  }
0xf6: {  	_ =	swait.ge [sflag:s15], $0x30E0  }
0xf7: {  	[sflag:s15] =	ssyncset.done $0x0  }
0xf8: {  	[sflag:s15] =	ssyncadd.s32 $0xFFFFCF20  }
0xf9: {  	[bflag:$0x0] =	sbarrier.arrive $0xFFFF  }
0xfa: {  	s14 =	rddreg [dreg:$0x1f]  }
0xfb: {  	[tilespmem:s16], [sflag:$0x3] =	stream.linear.gather [hbm4b:s14+s3], $0x500, $0x38;
	[tilespmem:$0x1CC00] =	vst v63  }
0xfc: {  	_ =	swait.ge [sflag:s15], $0x500  }
0xfd: {  	s12 =	rddreg [dreg:$0x16];
	[sflag:s15] =	ssyncset.done $0x0  }
0xfe: {  	[sflag:s15] =	ssyncadd.s32 $0xFFFFFB00;
	s5 =	sadd.s32 $0x0, s12  }
0xff: {  	[tilespmem:s19], [sflag:$0x1] =	stream.strided.gather [hbm4b:s5+s17], $0x1000, s18, s17, $0x38;
	[tilespmem:$0x1CC00] =	vst v63  }
0x100: {  	s6 =	rddreg [dreg:$0x15];
	s5 =	sadd.s32 $0x800, s5  }
0x101: {  	[tilespmem:s20], [sflag:$0x1] =	stream.strided.gather [hbm4b:s5+s17], $0x1000, s18, s17, $0x38;
	[tilespmem:$0x1CC00] =	vst v63  }
0x102: {  	s7 =	rddreg [dreg:$0x14];
	s9 =	sadd.s32 $0x0, s6  }
0x103: {  	[tilespmem:s21], [sflag:$0x1] =	stream.strided.gather [hbm4b:s9+s17], $0x1000, s18, s17, $0x38;
	[tilespmem:$0x1CC00] =	vst v63  }
0x104: {  	s5 =	sadd.s32 $0x0, s7  }
0x105: {  	[tilespmem:s22], [sflag:$0x1] =	stream.strided.gather [hbm4b:s5+s17], $0x1000, s18, s17, $0x38;
	[tilespmem:$0x1CC00] =	vst v63  }
0x106: {  	_ =	swait.ge [sflag:s23], $0x1000  }
0x107: {  	[sflag:s23] =	ssyncset.done $0x0  }
0x108: {  	[sflag:s23] =	ssyncadd.s32 $0xFFFFF000  }
0x109: {  	[spmem:s2] =	stream.indirect.scatter.add.f32 [tilespmem:s19], [sflag:$0x2], $0x20, s16, s18, $0xb8;
	[tilespmem:$0x1CC00] =	vst v63  }
0x10a: {  	_ =	swait.ge [sflag:s24], $0x1000  }
0x10b: {  	s9 =	rddreg [dreg:$0x13];
	[sflag:s24] =	ssyncset.done $0x0  }
0x10c: {  	[sflag:s24] =	ssyncadd.s32 $0xFFFFF000;
	s5 =	sadd.s32 $0x0, s9  }
0x10d: {  	[tilespmem:s19], [sflag:$0x1] =	stream.strided.gather [hbm4b:s5+s17], $0x1000, s18, s17, $0x38;
	[tilespmem:$0x1CC00] =	vst v63  }
0x10e: {  	_ =	swait.ge [sflag:s23], $0x1000  }
0x10f: {  	[sflag:s23] =	ssyncset.done $0x0  }
0x110: {  	[sflag:s23] =	ssyncadd.s32 $0xFFFFF000  }
0x111: {  	[spmem:s2] =	stream.indirect.scatter.add.f32 [tilespmem:s20], [sflag:$0x2], $0x20, s25, s18, $0xb8;
	[tilespmem:$0x1CC00] =	vst v63  }
0x112: {  	_ =	swait.ge [sflag:s24], $0x1000  }
0x113: {  	s12 =	rddreg [dreg:$0x12];
	[sflag:s24] =	ssyncset.done $0x0  }
0x114: {  	[sflag:s24] =	ssyncadd.s32 $0xFFFFF000;
	s5 =	sadd.s32 $0x0, s12  }
0x115: {  	[tilespmem:s20], [sflag:$0x1] =	stream.strided.gather [hbm4b:s5+s17], $0x1000, s18, s17, $0x38;
	[tilespmem:$0x1CC00] =	vst v63  }
0x116: {  	_ =	swait.ge [sflag:s23], $0x1000  }
0x117: {  	[sflag:s23] =	ssyncset.done $0x0  }
0x118: {  	[sflag:s23] =	ssyncadd.s32 $0xFFFFF000  }
0x119: {  	[spmem:s2] =	stream.indirect.scatter.add.f32 [tilespmem:s21], [sflag:$0x2], $0x20, s26, s18, $0xb8;
	[tilespmem:$0x1CC00] =	vst v63  }
0x11a: {  	_ =	swait.ge [sflag:s24], $0x1000  }
0x11b: {  	s6 =	rddreg [dreg:$0x11];
	[sflag:s24] =	ssyncset.done $0x0  }
0x11c: {  	[sflag:s24] =	ssyncadd.s32 $0xFFFFF000;
	s5 =	sadd.s32 $0x0, s6  }
0x11d: {  	[tilespmem:s21], [sflag:$0x1] =	stream.strided.gather [hbm4b:s5+s17], $0x1000, s18, s17, $0x38;
	[tilespmem:$0x1CC00] =	vst v63  }
0x11e: {  	_ =	swait.ge [sflag:s23], $0x1000  }
0x11f: {  	[sflag:s23] =	ssyncset.done $0x0  }
0x120: {  	[sflag:s23] =	ssyncadd.s32 $0xFFFFF000  }
0x121: {  	[spmem:s2] =	stream.indirect.scatter.add.f32 [tilespmem:s22], [sflag:$0x2], $0x20, s28, s18, $0xb8;
	[tilespmem:$0x1CC00] =	vst v63  }
0x122: {  	_ =	swait.ge [sflag:s24], $0x1000  }
0x123: {  	s7 =	rddreg [dreg:$0x10];
	[sflag:s24] =	ssyncset.done $0x0  }
0x124: {  	[sflag:s24] =	ssyncadd.s32 $0xFFFFF000;
	s5 =	sadd.s32 $0x0, s7  }
0x125: {  	[tilespmem:s22], [sflag:$0x1] =	stream.strided.gather [hbm4b:s5+s17], $0x1000, s18, s17, $0x38;
	[tilespmem:$0x1CC00] =	vst v63  }
0x126: {  	_ =	swait.ge [sflag:s23], $0x1000  }
0x127: {  	[sflag:s23] =	ssyncset.done $0x0  }
0x128: {  	[sflag:s23] =	ssyncadd.s32 $0xFFFFF000  }
0x129: {  	[spmem:s2] =	stream.indirect.scatter.add.f32 [tilespmem:s19], [sflag:$0x2], $0x20, s29, s18, $0xb8;
	[tilespmem:$0x1CC00] =	vst v63  }
0x12a: {  	_ =	swait.ge [sflag:s24], $0x1000  }
0x12b: {  	s9 =	rddreg [dreg:$0xf];
	[sflag:s24] =	ssyncset.done $0x0  }
0x12c: {  	[sflag:s24] =	ssyncadd.s32 $0xFFFFF000;
	s5 =	sadd.s32 $0x0, s9  }
0x12d: {  	[tilespmem:s19], [sflag:$0x1] =	stream.strided.gather [hbm4b:s5+s17], $0x1000, s18, s17, $0x38;
	[tilespmem:$0x1CC00] =	vst v63  }
0x12e: {  	_ =	swait.ge [sflag:s23], $0x1000  }
0x12f: {  	[sflag:s23] =	ssyncset.done $0x0  }
0x130: {  	[sflag:s23] =	ssyncadd.s32 $0xFFFFF000  }
0x131: {  	[spmem:s2] =	stream.indirect.scatter.add.f32 [tilespmem:s20], [sflag:$0x2], $0x20, s30, s18, $0xb8;
	[tilespmem:$0x1CC00] =	vst v63  }
0x132: {  	_ =	swait.ge [sflag:s24], $0x1000  }
0x133: {  	s12 =	rddreg [dreg:$0xe];
	[sflag:s24] =	ssyncset.done $0x0  }
0x134: {  	[sflag:s24] =	ssyncadd.s32 $0xFFFFF000;
	s5 =	sadd.s32 $0x0, s12  }
0x135: {  	[tilespmem:s20], [sflag:$0x1] =	stream.strided.gather [hbm4b:s5+s17], $0x1000, s18, s17, $0x38;
	[tilespmem:$0x1CC00] =	vst v63  }
0x136: {  	_ =	swait.ge [sflag:s23], $0x1000  }
0x137: {  	[sflag:s23] =	ssyncset.done $0x0  }
0x138: {  	[sflag:s23] =	ssyncadd.s32 $0xFFFFF000  }
0x139: {  	[spmem:s2] =	stream.indirect.scatter.add.f32 [tilespmem:s21], [sflag:$0x2], $0x20, s31, s18, $0xb8;
	[tilespmem:$0x1CC00] =	vst v63  }
0x13a: {  	_ =	swait.ge [sflag:s23], $0x1000  }
0x13b: {  	[sflag:s23] =	ssyncset.done $0x0  }
0x13c: {  	[sflag:s23] =	ssyncadd.s32 $0xFFFFF000  }
0x13d: {  	[spmem:s2] =	stream.indirect.scatter.add.f32 [tilespmem:s22], [sflag:$0x2], $0x20, s0, s18, $0xb8;
	[tilespmem:$0x1CC00] =	vst v63  }
0x13e: {  	_ =	swait.ge [sflag:s23], $0x1000  }
0x13f: {  	[sflag:s23] =	ssyncset.done $0x0  }
0x140: {  	[sflag:s23] =	ssyncadd.s32 $0xFFFFF000  }
0x141: {  	[spmem:s2] =	stream.indirect.scatter.add.f32 [tilespmem:s19], [sflag:$0x2], $0x20, s4, s18, $0xb8;
	[tilespmem:$0x1CC00] =	vst v63  }
0x142: {  	_ =	swait.ge [sflag:s23], $0x1000  }
0x143: {  	[sflag:s23] =	ssyncset.done $0x0  }
0x144: {  	[sflag:s23] =	ssyncadd.s32 $0xFFFFF000  }
0x145: {  	[spmem:s2] =	stream.indirect.scatter.add.f32 [tilespmem:s20], [sflag:$0x2], $0x20, s1, s18, $0xb8;
	[tilespmem:$0x1CC00] =	vst v63  }
0x146: {  	_ =	swait.ge [sflag:s24], $0x1000  }
0x147: {  	[sflag:s24] =	ssyncset.done $0x0  }
0x148: {  	[sflag:s24] =	ssyncadd.s32 $0xFFFFF000  }
0x149: {  	_ =	swait.ge [sflag:s24], $0x1000  }
0x14a: {  	[sflag:s24] =	ssyncset.done $0x0  }
0x14b: {  	p1 =	sne.s32 s13, $0x50000;
	[sflag:s24] =	ssyncadd.s32 $0xFFFFF000  }
.Ltmp2:
0x14c: {  	_ =	swait.ge [sflag:s24], $0x1000;
	(pc) =	sbr.rel @!p1 .LBB2_5-.Ltmp2, $4  }
0x14d: {  	[sflag:s24] =	ssyncset.done $0x0  }
0x14e: {  	[sflag:s24] =	ssyncadd.s32 $0xFFFFF000  }
0x14f: {  	_ =	swait.ge [sflag:s24], $0x1000  }
0x150: {  	s9 =	simm.s32 $0x50000;
	[sflag:s24] =	ssyncset.done $0x0  }
.LBB2_4:
0x151: {  	[sflag:s24] =	ssyncadd.s32 $0xFFFFF000;
	s14 =	sadd.s32 $0xA00, s14  }
0x152: {  	[tilespmem:s16], [sflag:$0x3] =	stream.linear.gather [hbm4b:s14+s3], $0x500, $0x38;
	[tilespmem:$0x1CC00] =	vst v63  }
0x153: {  	_ =	swait.ge [sflag:s15], $0x500  }
0x154: {  	s5 =	smov.u32 s9;
	s6 =	rddreg [dreg:$0x16];
	[sflag:s15] =	ssyncset.done $0x0  }
0x155: {  	[sflag:s15] =	ssyncadd.s32 $0xFFFFFB00;
	s6 =	sadd.s32 s5, s6  }
0x156: {  	[tilespmem:s19], [sflag:$0x1] =	stream.strided.gather [hbm4b:s6+s17], $0x1000, s18, s17, $0x38;
	[tilespmem:$0x1CC00] =	vst v63  }
0x157: {  	s7 =	rddreg [dreg:$0x15];
	s6 =	sadd.s32 $0x800, s6  }
0x158: {  	[tilespmem:s20], [sflag:$0x1] =	stream.strided.gather [hbm4b:s6+s17], $0x1000, s18, s17, $0x38;
	[tilespmem:$0x1CC00] =	vst v63  }
0x159: {  	s12 =	rddreg [dreg:$0x14];
	s7 =	sadd.s32 s5, s7  }
0x15a: {  	[tilespmem:s21], [sflag:$0x1] =	stream.strided.gather [hbm4b:s7+s17], $0x1000, s18, s17, $0x38;
	[tilespmem:$0x1CC00] =	vst v63  }
0x15b: {  	s12 =	sadd.s32 s5, s12  }
0x15c: {  	[tilespmem:s22], [sflag:$0x1] =	stream.strided.gather [hbm4b:s12+s17], $0x1000, s18, s17, $0x38;
	[tilespmem:$0x1CC00] =	vst v63  }
0x15d: {  	_ =	swait.ge [sflag:s23], $0x1000  }
0x15e: {  	[sflag:s23] =	ssyncset.done $0x0  }
0x15f: {  	[sflag:s23] =	ssyncadd.s32 $0xFFFFF000  }
0x160: {  	[spmem:s2] =	stream.indirect.scatter.add.f32 [tilespmem:s19], [sflag:$0x2], $0x20, s16, s18, $0xb8;
	[tilespmem:$0x1CC00] =	vst v63  }
0x161: {  	_ =	swait.ge [sflag:s24], $0x1000  }
0x162: {  	s7 =	rddreg [dreg:$0x13];
	[sflag:s24] =	ssyncset.done $0x0  }
0x163: {  	[sflag:s24] =	ssyncadd.s32 $0xFFFFF000;
	s6 =	sadd.s32 s5, s7  }
0x164: {  	[tilespmem:s19], [sflag:$0x1] =	stream.strided.gather [hbm4b:s6+s17], $0x1000, s18, s17, $0x38;
	[tilespmem:$0x1CC00] =	vst v63  }
0x165: {  	_ =	swait.ge [sflag:s23], $0x1000  }
0x166: {  	[sflag:s23] =	ssyncset.done $0x0  }
0x167: {  	[sflag:s23] =	ssyncadd.s32 $0xFFFFF000  }
0x168: {  	[spmem:s2] =	stream.indirect.scatter.add.f32 [tilespmem:s20], [sflag:$0x2], $0x20, s25, s18, $0xb8;
	[tilespmem:$0x1CC00] =	vst v63  }
0x169: {  	_ =	swait.ge [sflag:s24], $0x1000  }
0x16a: {  	s12 =	rddreg [dreg:$0x12];
	[sflag:s24] =	ssyncset.done $0x0  }
0x16b: {  	[sflag:s24] =	ssyncadd.s32 $0xFFFFF000;
	s6 =	sadd.s32 s5, s12  }
0x16c: {  	[tilespmem:s20], [sflag:$0x1] =	stream.strided.gather [hbm4b:s6+s17], $0x1000, s18, s17, $0x38;
	[tilespmem:$0x1CC00] =	vst v63  }
0x16d: {  	_ =	swait.ge [sflag:s23], $0x1000  }
0x16e: {  	[sflag:s23] =	ssyncset.done $0x0  }
0x16f: {  	[sflag:s23] =	ssyncadd.s32 $0xFFFFF000  }
0x170: {  	[spmem:s2] =	stream.indirect.scatter.add.f32 [tilespmem:s21], [sflag:$0x2], $0x20, s26, s18, $0xb8;
	[tilespmem:$0x1CC00] =	vst v63  }
0x171: {  	_ =	swait.ge [sflag:s24], $0x1000  }
0x172: {  	s7 =	rddreg [dreg:$0x11];
	[sflag:s24] =	ssyncset.done $0x0  }
0x173: {  	[sflag:s24] =	ssyncadd.s32 $0xFFFFF000;
	s6 =	sadd.s32 s5, s7  }
0x174: {  	[tilespmem:s21], [sflag:$0x1] =	stream.strided.gather [hbm4b:s6+s17], $0x1000, s18, s17, $0x38;
	[tilespmem:$0x1CC00] =	vst v63  }
0x175: {  	_ =	swait.ge [sflag:s23], $0x1000  }
0x176: {  	[sflag:s23] =	ssyncset.done $0x0  }
0x177: {  	[sflag:s23] =	ssyncadd.s32 $0xFFFFF000  }
0x178: {  	[spmem:s2] =	stream.indirect.scatter.add.f32 [tilespmem:s22], [sflag:$0x2], $0x20, s28, s18, $0xb8;
	[tilespmem:$0x1CC00] =	vst v63  }
0x179: {  	_ =	swait.ge [sflag:s24], $0x1000  }
0x17a: {  	s12 =	rddreg [dreg:$0x10];
	[sflag:s24] =	ssyncset.done $0x0  }
0x17b: {  	[sflag:s24] =	ssyncadd.s32 $0xFFFFF000;
	s6 =	sadd.s32 s5, s12  }
0x17c: {  	[tilespmem:s22], [sflag:$0x1] =	stream.strided.gather [hbm4b:s6+s17], $0x1000, s18, s17, $0x38;
	[tilespmem:$0x1CC00] =	vst v63  }
0x17d: {  	_ =	swait.ge [sflag:s23], $0x1000  }
0x17e: {  	[sflag:s23] =	ssyncset.done $0x0  }
0x17f: {  	[sflag:s23] =	ssyncadd.s32 $0xFFFFF000  }
0x180: {  	[spmem:s2] =	stream.indirect.scatter.add.f32 [tilespmem:s19], [sflag:$0x2], $0x20, s29, s18, $0xb8;
	[tilespmem:$0x1CC00] =	vst v63  }
0x181: {  	_ =	swait.ge [sflag:s24], $0x1000  }
0x182: {  	s7 =	rddreg [dreg:$0xf];
	[sflag:s24] =	ssyncset.done $0x0  }
0x183: {  	[sflag:s24] =	ssyncadd.s32 $0xFFFFF000;
	s6 =	sadd.s32 s5, s7  }
0x184: {  	[tilespmem:s19], [sflag:$0x1] =	stream.strided.gather [hbm4b:s6+s17], $0x1000, s18, s17, $0x38;
	[tilespmem:$0x1CC00] =	vst v63  }
0x185: {  	_ =	swait.ge [sflag:s23], $0x1000  }
0x186: {  	[sflag:s23] =	ssyncset.done $0x0  }
0x187: {  	[sflag:s23] =	ssyncadd.s32 $0xFFFFF000  }
0x188: {  	[spmem:s2] =	stream.indirect.scatter.add.f32 [tilespmem:s20], [sflag:$0x2], $0x20, s30, s18, $0xb8;
	[tilespmem:$0x1CC00] =	vst v63  }
0x189: {  	_ =	swait.ge [sflag:s24], $0x1000  }
0x18a: {  	s12 =	rddreg [dreg:$0xe];
	[sflag:s24] =	ssyncset.done $0x0  }
0x18b: {  	[sflag:s24] =	ssyncadd.s32 $0xFFFFF000;
	s5 =	sadd.s32 s5, s12  }
0x18c: {  	[tilespmem:s20], [sflag:$0x1] =	stream.strided.gather [hbm4b:s5+s17], $0x1000, s18, s17, $0x38;
	[tilespmem:$0x1CC00] =	vst v63  }
0x18d: {  	_ =	swait.ge [sflag:s23], $0x1000  }
0x18e: {  	[sflag:s23] =	ssyncset.done $0x0  }
0x18f: {  	[sflag:s23] =	ssyncadd.s32 $0xFFFFF000  }
0x190: {  	[spmem:s2] =	stream.indirect.scatter.add.f32 [tilespmem:s21], [sflag:$0x2], $0x20, s31, s18, $0xb8;
	[tilespmem:$0x1CC00] =	vst v63  }
0x191: {  	_ =	swait.ge [sflag:s23], $0x1000  }
0x192: {  	[sflag:s23] =	ssyncset.done $0x0  }
0x193: {  	[sflag:s23] =	ssyncadd.s32 $0xFFFFF000  }
0x194: {  	[spmem:s2] =	stream.indirect.scatter.add.f32 [tilespmem:s22], [sflag:$0x2], $0x20, s0, s18, $0xb8;
	[tilespmem:$0x1CC00] =	vst v63  }
0x195: {  	_ =	swait.ge [sflag:s23], $0x1000  }
0x196: {  	[sflag:s23] =	ssyncset.done $0x0  }
0x197: {  	[sflag:s23] =	ssyncadd.s32 $0xFFFFF000  }
0x198: {  	[spmem:s2] =	stream.indirect.scatter.add.f32 [tilespmem:s19], [sflag:$0x2], $0x20, s4, s18, $0xb8;
	[tilespmem:$0x1CC00] =	vst v63  }
0x199: {  	_ =	swait.ge [sflag:s23], $0x1000  }
0x19a: {  	[sflag:s23] =	ssyncset.done $0x0  }
0x19b: {  	[sflag:s23] =	ssyncadd.s32 $0xFFFFF000  }
0x19c: {  	[spmem:s2] =	stream.indirect.scatter.add.f32 [tilespmem:s20], [sflag:$0x2], $0x20, s1, s18, $0xb8;
	[tilespmem:$0x1CC00] =	vst v63  }
0x19d: {  	_ =	swait.ge [sflag:s24], $0x1000  }
0x19e: {  	[sflag:s24] =	ssyncset.done $0x0  }
0x19f: {  	[sflag:s24] =	ssyncadd.s32 $0xFFFFF000  }
0x1a0: {  	_ =	swait.ge [sflag:s24], $0x1000  }
0x1a1: {  	s9 =	sadd.s32 $0x50000, s9;
	[sflag:s24] =	ssyncset.done $0x0  }
0x1a2: {  	p1 =	sne.s32 s13, s9;
	[sflag:s24] =	ssyncadd.s32 $0xFFFFF000  }
.Ltmp3:
0x1a3: {  	_ =	swait.ge [sflag:s24], $0x1000;
	(pc) =	sbr.rel @p1 .LBB2_4-.Ltmp3, $4  }
0x1a4: {  	[sflag:s24] =	ssyncset.done $0x0  }
0x1a5: {  	[sflag:s24] =	ssyncadd.s32 $0xFFFFF000  }
0x1a6: {  	_ =	swait.ge [sflag:s24], $0x1000  }
0x1a7: {  	[sflag:s24] =	ssyncset.done $0x0  }
.LBB2_5:
0x1a8: {  	[sflag:s24] =	ssyncadd.s32 $0xFFFFF000  }
0x1a9: {  	[bflag:$0x0] =	sbarrier.arrive $0xFFFF  }
0x1aa: {  	s7 =	sld [smem:$0x7FC]  }
0x1ab: {  	s6 =	rddreg [dreg:$0x18]  }
0x1ac: {  	s5 =	rddreg [dreg:$0x1d]  }
0x1ad: {  	[hbm:s5], [sflag:s6] =	dma.local @p0 [spmem:s7], $0x3020  }
0x1ae: {  	_ =	swait.ge @p0 [sflag:s11], $0x3020  }
0x1af: {  	s7 =	sld [smem:$0x7FD]  }
0x1b0: {  	[sflag:s11] =	ssyncset.done @p0 $0x0  }
0x1b1: {  	s5 =	rddreg [dreg:$0x1c];
	[sflag:s11] =	ssyncadd.s32 @p0 $0xFFFFCFE0  }
0x1b2: {  	[hbm:s5], [sflag:s6] =	dma.local @!p0 [spmem:s7], $0x30E0  }
0x1b3: {  	_ =	swait.ge @!p0 [sflag:s10], $0x30E0  }
0x1b4: {  	s8 =	sadd.s32 $0x1, s8;
	s14 =	rddreg [dreg:$0x1e]  }
0x1b5: {  	p1 =	sne.s32 s8, s14  }
.Ltmp4:
0x1b6: {  	_ = 	snop;
	(pc) =	sbr.rel @p1 .LBB2_1-.Ltmp4, $3  }
0x1b7: {  	_ =	sdelay $0x1  }
0x1b8: {  	[sflag:s10] =	ssyncset.done @!p0 $0x0  }
0x1b9: {  	[sflag:s10] =	ssyncadd.s32 @!p0 $0xFFFFCF20  }
0x1ba: {  	_ =	sfence.sel $0x180000  }
0x1bb: {  	[bflag:$0x0] =	sbarrier.arrive $0xFFFF  }
0x1bc: {  	_ =	strace $0x9000004A  }
0x1bd: {  	s0 =	stileid.u32;
	[bflag:$0x2] =	sbarrier.arrive $0xFFFF  }
0x1be: {  	p0 =	sne.s32 s0, $0x0;
	s0 =	rddreg [dreg:$0x4]  }
0x1bf: {  	s0 =	sadd.s32 @!p0 $0x100000, s0  }
0x1c0: {  	[sflag:s0] =	ssyncadd.tile.s32 @!p0 $0x1;
	_ =	shalt  }
.Lfunc_end2:
_tile_overlayer_lowered:
.L_overlay_start_2:
0x1c1: {  	(tag) =	ssettag $0x2  }
0x1c2: {  	s0 =	rddreg [dreg:$0x0];
	s2 =	stileid.u32  }
0x1c3: {  	s1 =	rddreg [dreg:$0x1];
	p0 =	sne.s32 s2, $0x0  }
0x1c4: {  	s3 =	rddreg [dreg:$0x2];
	[bflag:$0x3] =	sbarrier.arrive $0xFFFF;
	s2 =	simm.s32 @!p0 $0x1C03  }
0x1c5: {  	[timem:s3], [sflag:s2] =	dma.local @!p0 [hbm:s0], s1  }
0x1c6: {  	s0 =	simm.s32 @!p0 $0x3  }
0x1c7: {  	_ =	swait.ge @!p0 [sflag:s0], s1  }
0x1c8: {  	s1 =	ssub.s32 @!p0 $0x0, s1;
	[sflag:s0] =	ssyncset.done @!p0 $0x0  }
0x1c9: {  	[sflag:s0] =	ssyncadd.s32 @!p0 s1  }
0x1ca: {  	[bflag:$0x3] =	sbarrier.arrive $0xFFFF  }
0x1cb: {  	_ =	shalt  }

// kernel: kernel.7.cloned.1.call-start
scs
__scs_entry_jumppad:
0x0: {  	(pc) =	sbr.rel $0x88, $3  }
0x1: {  	(tag) =	ssettag $0x0;
	lr =	simm.s32 $0x1  }
0x2: {  	[smem:$0x3F91] =	sst lr;
	_ =	strace $0xD0000000  }
0x3: {  	_ = 	snop  }
0x4: {  	_ = 	snop  }
0x5: {  	_ = 	snop  }
0x6: {  	_ = 	snop  }
0x7: {  	_ = 	snop  }
__scs_overlays_trampoline_lowered:
0x8: {  	[smem:$0x3FA0] =	sst s0  }
0x9: {  	[smem:$0x3FA1] =	sst s1  }
0xa: {  	[smem:$0x3FA2] =	sst s2  }
0xb: {  	[smem:$0x3FA3] =	sst s3  }
0xc: {  	[smem:$0x3FA4] =	sst s4  }
0xd: {  	[smem:$0x3FA5] =	sst s5  }
0xe: {  	[smem:$0x3FA6] =	sst s6  }
0xf: {  	[smem:$0x3FA7] =	sst s7  }
0x10: {  	[smem:$0x3FA8] =	sst s8  }
0x11: {  	[smem:$0x3FA9] =	sst s9;
	s0 =	simm.s32 @!p0 $0x0  }
0x12: {  	s1 =	sld [smem:$0x3F8F];
	s0 =	simm.s32 @p0 $0x1  }
0x13: {  	[smem:$0x3FAA] =	sst s0;
	s0 =	simm.s32 @!p1 $0x0  }
0x14: {  	s2 =	sld [smem:$0x3F8E];
	s0 =	simm.s32 @p1 $0x1  }
0x15: {  	[smem:$0x3FAB] =	sst s0;
	s0 =	simm.s32 @!p2 $0x0  }
0x16: {  	s3 =	sld [smem:$0x3FDB];
	s0 =	simm.s32 @p2 $0x1  }
0x17: {  	s4 =	simm.s32 $0x1BF5;
	[smem:$0x3FAD] =	sst s0  }
0x18: {  	s0 =	sld [smem:$0x3F90];
	_ =	swait.ge [sflag:s4], $0x0  }
0x19: {  	s7 =	sld [smem:$0x3F91]  }
0x1a: {  	s8 =	sadd.s32 $0xFFFFE003, lr  }
0x1b: {  	s9 =	sadd.s32 $0xFFFFFEF7, lr;
	s5 =	simm.s32 $0xFFFFFFFF;
	p2 =	slt.u32 s8, $0xFFFFF086  }
0x1c: {  	p1 =	slt.u32 s9, $0xF7A;
	s5 =	simm.s32 @!p2 $0x0  }
0x1d: {  	s5 =	simm.s32 @p1 $0x1;
	p0 =	seq.s32 s7, s2  }
0x1e: {  	s7 =	smul.u32 @!p0 $0xF7A, s2;
	p2 =	seq.s32 @!p0 s5, $0x0  }
0x1f: {  	s9 =	smul.u32 $0xF7A, s1;
	s8 =	simm.s32 @!p0 $0x1BF5;
	p2 =	por !p2, p0  }
0x20: {  	[sflag:s8] =	ssyncset.s32 @!p0 $0xFFFFF086;
	s6 =	sadd.s32 @!p0 s3, s7;
	s7 =	simm.s32 @!p0 $0x108  }
0x21: {  	s3 =	sadd.s32 s3, s9;
	s6 =	sadd.s32 @!p0 $0x88, s6;
	s7 =	simm.s32 @p2 $0x1082  }
0x22: {  	[simem:s7], [sflag:s8] =	dma.local @!p0 [hbm:s6], $0xF7A  }
0x23: {  	s9 =	sor.u32 $0xD0000000, s2;
	s6 =	simm.s32 $0x108;
	_ =	swait.ge @!p0 [sflag:s8], $0x0  }
0x24: {  	s3 =	sadd.s32 $0x88, s3;
	s6 =	simm.s32 @!p1 $0x1082;
	[sflag:s4] =	ssyncset.s32 $0xFFFFF086  }
0x25: {  	[simem:s6], [sflag:s4] =	dma.local [hbm:s3], $0xF7A  }
0x26: {  	[smem:$0x3F91] =	sst s1;
	(tag) =	ssettag s2;
	_ =	strace s9  }
0x27: {  	s1 =	sld [smem:$0x3FA1]  }
0x28: {  	s2 =	sld [smem:$0x3FA2]  }
0x29: {  	s4 =	sld [smem:$0x3FA4]  }
0x2a: {  	p0 =	seq.s32 s5, $0x0;
	s5 =	sld [smem:$0x3FA5]  }
0x2b: {  	s6 =	sld [smem:$0x3FA6]  }
0x2c: {  	s7 =	sld [smem:$0x3FA7]  }
0x2d: {  	s3 =	simm.s32 $0x108;
	s8 =	sld [smem:$0x3FA8]  }
0x2e: {  	s3 =	simm.s32 @!p0 $0x1082;
	s9 =	sld [smem:$0x3FA9]  }
0x2f: {  	lr =	sadd.s32 s0, s3;
	s0 =	sld [smem:$0x3FA0]  }
0x30: {  	s3 =	sld [smem:$0x3FA3]  }
0x31: {  	[smem:$0x3FAC] =	sst s10  }
0x32: {  	s10 =	sld [smem:$0x3FAA];
	_ =	sdelay $0x3  }
0x33: {  	p0 =	seq.s32 s10, $0x1;
	s10 =	sld [smem:$0x3FAC];
	_ =	sdelay $0x3  }
0x34: {  	[smem:$0x3FAC] =	sst s10  }
0x35: {  	s10 =	sld [smem:$0x3FAB];
	_ =	sdelay $0x3  }
0x36: {  	p1 =	seq.s32 s10, $0x1;
	s10 =	sld [smem:$0x3FAC];
	_ =	sdelay $0x3  }
0x37: {  	[smem:$0x3FAC] =	sst s10  }
0x38: {  	s10 =	sld [smem:$0x3FAD]  }
0x39: {  	_ = 	snop;
	(pc) =	sbr.ind lr, $3  }
0x3a: {  	_ = 	snop  }
0x3b: {  	_ = 	snop  }
0x3c: {  	p2 =	seq.s32 s10, $0x1;
	s10 =	sld [smem:$0x3FAC]  }
0x3d: {  	_ =	shalt  }
0x3e: {  	_ =	shalt  }
0x3f: {  	_ =	shalt  }
0x40: {  	_ =	shalt  }
0x41: {  	_ =	shalt  }
0x42: {  	_ =	shalt  }
0x43: {  	_ =	shalt  }
0x44: {  	_ =	shalt  }
0x45: {  	_ =	shalt  }
0x46: {  	_ =	shalt  }
0x47: {  	_ =	shalt  }
0x48: {  	_ =	shalt  }
0x49: {  	_ =	shalt  }
0x4a: {  	_ =	shalt  }
0x4b: {  	_ =	shalt  }
0x4c: {  	_ =	shalt  }
0x4d: {  	_ =	shalt  }
0x4e: {  	_ =	shalt  }
0x4f: {  	_ =	shalt  }
0x50: {  	_ =	shalt  }
0x51: {  	_ =	shalt  }
0x52: {  	_ =	shalt  }
0x53: {  	_ =	shalt  }
0x54: {  	_ =	shalt  }
0x55: {  	_ =	shalt  }
0x56: {  	_ =	shalt  }
0x57: {  	_ =	shalt  }
0x58: {  	_ =	shalt  }
0x59: {  	_ =	shalt  }
0x5a: {  	_ =	shalt  }
0x5b: {  	_ =	shalt  }
0x5c: {  	_ =	shalt  }
0x5d: {  	_ =	shalt  }
0x5e: {  	_ =	shalt  }
0x5f: {  	_ =	shalt  }
0x60: {  	_ =	shalt  }
0x61: {  	_ =	shalt  }
0x62: {  	_ =	shalt  }
0x63: {  	_ =	shalt  }
0x64: {  	_ =	shalt  }
0x65: {  	_ =	shalt  }
0x66: {  	_ =	shalt  }
0x67: {  	_ =	shalt  }
0x68: {  	_ =	shalt  }
0x69: {  	_ =	shalt  }
0x6a: {  	_ =	shalt  }
0x6b: {  	_ =	shalt  }
0x6c: {  	_ =	shalt  }
0x6d: {  	_ =	shalt  }
0x6e: {  	_ =	shalt  }
0x6f: {  	_ =	shalt  }
0x70: {  	_ =	shalt  }
0x71: {  	_ =	shalt  }
0x72: {  	_ =	shalt  }
0x73: {  	_ =	shalt  }
0x74: {  	_ =	shalt  }
0x75: {  	_ =	shalt  }
0x76: {  	_ =	shalt  }
0x77: {  	_ =	shalt  }
0x78: {  	_ =	shalt  }
0x79: {  	_ =	shalt  }
0x7a: {  	_ =	shalt  }
0x7b: {  	_ =	shalt  }
0x7c: {  	_ =	shalt  }
0x7d: {  	_ =	shalt  }
0x7e: {  	_ =	shalt  }
0x7f: {  	_ =	shalt  }
0x80: {  	_ =	shalt  }
0x81: {  	_ =	shalt  }
0x82: {  	_ =	shalt  }
0x83: {  	_ =	shalt  }
0x84: {  	_ =	shalt  }
0x85: {  	_ =	shalt  }
0x86: {  	_ =	shalt  }
0x87: {  	_ =	shalt  }
.Lfunc_end0:
.L_simem_size_0:
called_computation_lowered:
.L_overlay_start_0:
0x88: {  	s2 =	sld [smem:$0x3FD9]  }
0x89: {  	s3 =	sld [smem:$0x3FFE];
	_ =	sdelay $0x1  }
0x8a: {  	s1 =	srdreg.scid  }
0x8b: {  	s0 =	sand.u32 $0x1, s1  }
0x8c: {  	s17 =	sshll.u32 s0, $0xA;
	s2 =	sadd.s32 s3, s2  }
0x8d: {  	s2 =	sadd.s32 s2, s17  }
0x8e: {  	[smem:$0x3FB8] =	sst s2  }
0x8f: {  	_ = 	snop  }
0x90: {  	s2 =	sld [smem:$0x3FC6]  }
0x91: {  	s18 =	sld [smem:$0x3FD0];
	(tm) =	ssettm $0x1  }
0x92: {  	s4 =	sld [smem:$0x3FFB];
	_ =	sdelay $0x3  }
0x93: {  	_ =	strace s4  }
0x94: {  	s4 =	sld [smem:$0x3FFC];
	_ =	sdelay $0x3  }
0x95: {  	_ =	strace s4  }
0x96: {  	s4 =	sld [smem:$0x3FFD];
	_ =	sdelay $0x3  }
0x97: {  	_ =	strace s4  }
0x98: {  	_ =	strace $0x8FFFFFFF  }
0x99: {  	s19 =	sld [smem:$0x3FDB];
	_ =	sdelay $0x1  }
0x9a: {  	s5 =	simm.s32 $_scs_section_size  }
0x9b: {  	s6 =	simm.s32 $_size__tile_overlayer_lowered;
	s7 =	simm.s32 $_tile_overlayer_lowered  }
0x9c: {  	s22 =	simm.s32 $0x1BFF;
	s21 =	sshll.u32 s7, $0x1;
	s4 =	sadd.s32 s5, s19  }
0x9d: {  	s8 =	simm.s32 $0x0;
	s20 =	sshll.u32 s6, $0x1;
	s6 =	sadd.s32 s21, s4  }
0x9e: {  	[timem:s8], [sflag:s22] =	dma.local [hbm:s6], s20  }
0x9f: {  	_ =	swait.ge [sflag:s22], s20  }
0xa0: {  	s5 =	ssub.s32 $0x0, s20;
	[sflag:s22] =	ssyncset.done $0x0  }
0xa1: {  	[sflag:s22] =	ssyncadd.s32 s5;
	_ =	sdelay $0x1  }
0xa2: {  	s23 =	simm.s32 $0x1B8B  }
0xa3: {  	_ =	swait.ge [sflag:s23], $0x1  }
0xa4: {  	[sflag:s23] =	ssyncset.done $0x0  }
0xa5: {  	s25 =	simm.s32 $0x1B8E;
	s24 =	sld [smem:$0x3FFE];
	[sflag:s23] =	ssyncadd.s32 $0xFFFFFFFF  }
0xa6: {  	s26 =	simm.s32 $execute0_lowered;
	[smem:$0x3FD2] =	sst s25  }
0xa7: {  	s6 =	sshll.u32 s26, $0x1;
	_ =	strace $0x80000046;
	[dreg:$0x1] =	wrdreg $0xFFFFFFFF  }
0xa8: {  	s28 =	simm.s32 $_size_execute0_lowered;
	s4 =	sadd.s32 s4, s6;
	[dreg:$0x0] =	wrdreg $0x0  }
0xa9: {  	s6 =	sshll.u32 s28, $0x1;
	[dreg:$0x2] =	wrdreg s4  }
0xaa: {  	[dreg:$0x3] =	wrdreg s6  }
0xab: {  	[dreg:$0x4] =	wrdreg $0xC0  }
0xac: {  	_ =	task [dreg:s8], $0x5FFFF  }
0xad: {  	[dreg:$0x1] =	wrdreg $0xFFFFFFFF  }
0xae: {  	[dreg:$0x0] =	wrdreg $0x60  }
0xaf: {  	[dreg:$0x2] =	wrdreg s18  }
0xb0: {  	[dreg:$0x3] =	wrdreg s2  }
0xb1: {  	[dreg:$0x4] =	wrdreg s24  }
0xb2: {  	[dreg:$0x5] =	wrdreg $0x0  }
0xb3: {  	[dreg:$0x6] =	wrdreg $0x9  }
0xb4: {  	_ =	task.clear_ibuf [dreg:s8], $0x7FFFF;
	_ =	strace $0x90000046  }
0xb5: {  	s29 =	simm.s32 $0x9;
	_ =	strace $0x80000048  }
0xb6: {  	_ =	swait.ge [sflag:s29], $0x1  }
0xb7: {  	[sflag:s29] =	ssyncadd.s32 $0xFFFFFFFF  }
0xb8: {  	_ =	strace $0x90000048  }
0xb9: {  	_ =	sfence  }
0xba: {  	s30 =	sld [smem:$0x0];
	_ =	sdelay $0x2  }
0xbb: {  	s31 =	sshll.u32 s1, $0xD;
	s1 =	sshrl.u32 s1, $0x2  }
0xbc: {  	s3 =	sand.u32 $0x4000, s31;
	s1 =	sadd.s32 s1, s30  }
0xbd: {  	s0 =	sor.u32 s3, s0;
	s1 =	sshll.u32 s1, $0x11  }
0xbe: {  	s0 =	sor.u32 s1, s0  }
0xbf: {  	s0 =	sadd.s32 $0x8F2B, s0  }
0xc0: {  	[sflag:s0] =	ssyncadd.remote.s32 $0x1  }
0xc1: {  	_ =	sfence.sel $0xFFFF  }
0xc2: {  	[dreg:$0x0] =	wrdreg $0xFFFFFFFF;
	(pc) =	sbr.abs _section_cstart, $3  }
0xc3: {  	[dreg:$0x1] =	wrdreg $0xFFFFFFFF  }
0xc4: {  	_ =	task.clear_ibuf [dreg:s8], $0x2FFFF;
	_ =	strace $0x9FFFFFFF  }
0xc5: {  	(tm) =	ssettm $0x7FFFFFFF  }
tec
execute0_lowered:
.L_overlay_start_1:
0x0: {  	(tag) =	ssettag $0x1  }
0x1: {  	s6 =	rddreg [dreg:$0x0]  }
0x2: {  	s0 =	rddreg [dreg:$0x1]  }
0x3: {  	s7 =	rddreg [dreg:$0x2]  }
0x4: {  	s2 =	rddreg [dreg:$0x3]  }
0x5: {  	s4 =	srdreg.scid;
	s3 =	simm.s32 $0x0;
	s1 =	stileid.u32  }
0x6: {  	s28 =	simm.s32 $0x18720;
	s29 =	simm.s32 $0x187A0;
	s30 =	simm.s32 $0x18820  }
0x7: {  	s31 =	simm.s32 $0x188A0;
	s17 =	simm.s32 $0x18920;
	[dreg:$0x5] =	wrdreg s0  }
0x8: {  	s18 =	simm.s32 $0x189A0;
	s0 =	rddreg [dreg:$0x4];
	s8 =	sand.u32 $0x1, s4  }
0x9: {  	[smem:$0x7FF] =	sst s3;
	s4 =	sadd.s32 $0x3D4800, s7;
	s7 =	sadd.s32 $0x3D5000, s7  }
0xa: {  	s19 =	simm.s32 $0x18A20;
	_ =	strace $0x80000047;
	[dreg:$0x6] =	wrdreg s7  }
0xb: {  	s20 =	simm.s32 $0x18AA0;
	s21 =	simm.s32 $0x18B20;
	[dreg:$0x7] =	wrdreg s28  }
0xc: {  	s9 =	smul.u32 $0x18700, s1;
	s11 =	sshll.u32 s1, $0x1;
	[dreg:$0x8] =	wrdreg s29  }
0xd: {  	s25 =	smul.u32 $0xA00, s1;
	s12 =	sadd.s32 $0x16E900, s2;
	[dreg:$0x9] =	wrdreg s30  }
0xe: {  	s14 =	smul.u32 $0x50000, s1;
	p0 =	seq.s32 s1, $0xF;
	[dreg:$0xa] =	wrdreg s31  }
0xf: {  	s5 =	ssub.s32 $0x2, s8;
	s15 =	smul.u32 $0x28000, s8;
	[dreg:$0xb] =	wrdreg s17  }
0x10: {  	s11 =	sor.u32 s11, s8;
	s16 =	smul.u32 $0x500, s8;
	[dreg:$0xc] =	wrdreg s18  }
0x11: {  	s17 =	simm.s32 $0x18BA0;
	s18 =	simm.s32 $0x19BA0;
	[dreg:$0xd] =	wrdreg s19  }
0x12: {  	s19 =	simm.s32 $0x1;
	[dreg:$0xe] =	wrdreg s20;
	s20 =	simm.s32 $0x20  }
0x13: {  	[dreg:$0xf] =	wrdreg s21;
	s21 =	simm.s32 $0x0;
	s10 =	sshrl.u32 s5, $0x1  }
0x14: {  	s24 =	sshrl.u32 s9, $0x3;
	s13 =	sadd.s32 s9, s2;
	s11 =	ssub.s32 $0x290, s11  }
0x15: {  	s10 =	ssub.s32 s5, s10;
	s5 =	sadd.s32 s6, s24;
	s6 =	sadd.s32 $0x2DD20, s6  }
0x16: {  	s8 =	sshrl.u32 s11, $0x5;
	s26 =	sadd.s32 s15, s14;
	s9 =	sadd.s32 s16, s25  }
0x17: {  	s11 =	sshrl.u32 @p0 s12, $0x3;
	s12 =	sshll.u32 @!p0 s1, $0x6;
	s13 =	sshrl.u32 @!p0 s13, $0x3  }
0x18: {  	s14 =	simm.s32 $0x186A0;
	s15 =	simm.s32 $0x2;
	s16 =	simm.s32 $0x80  }
0x19: {  	s7 =	smax.u32 s10, $0x1;
	s10 =	sadd.s32 $0x24000, s26;
	s12 =	sor.u32 @!p0 $0x1C02, s12  }
.LBB2_1:
0x1a: {  	s22 =	simm.s32 @p0 $0x1FC2  }
0x1b: {  	[spmem:s11], [sflag:s22] =	dma.local @p0 [hbm:s6], $0x3020  }
0x1c: {  	s22 =	simm.s32 @p0 $0x2  }
0x1d: {  	_ =	swait.ge @p0 [sflag:s22], $0x3020  }
0x1e: {  	[sflag:s22] =	ssyncset.done @p0 $0x0  }
0x1f: {  	p2 =	sne.s32 s8, $0x1;
	[sflag:s22] =	ssyncadd.s32 @p0 $0xFFFFCFE0;
	s22 =	simm.s32 @!p0 $0x2  }
0x20: {  	[spmem:s13], [sflag:s12] =	dma.local @!p0 [hbm:s5], $0x30E0  }
.Ltmp0:
0x21: {  	_ =	swait.ge @!p0 [sflag:s22], $0x30E0;
	(pc) =	sbr.rel @!p2 .LBB2_2-.Ltmp0, $4  }
0x22: {  	[sflag:s22] =	ssyncset.done @!p0 $0x0  }
0x23: {  	[sflag:s22] =	ssyncadd.s32 @!p0 $0xFFFFCF20  }
0x24: {  	[bflag:$0x0] =	sbarrier.arrive $0xFFFF  }
0x25: {  	p1 =	por $0x0, $0x0;
	s22 =	sadd.s32 $0xFFFFFFFF, s8;
	s25 =	rddreg [dreg:$0x5]  }
0x26: {  	s23 =	sshrl.u32 s9, $0x3  }
0x27: {  	s23 =	sadd.s32 s25, s23  }
0x28: {  	[tilespmem:s14], [sflag:$0x2] =	stream.linear.gather [hbm4b:s23+s3], $0x500, $0x38;
	[tilespmem:$0x1ABA0] =	vst v63  }
0x29: {  	_ =	swait.ge [sflag:s15], $0x500  }
0x2a: {  	[sflag:s15] =	ssyncset.done $0x0  }
0x2b: {  	[sflag:s15] =	ssyncadd.s32 $0xFFFFFB00  }
0x2c: {  	[tilespmem:s17], [sflag:$0x1] =	stream.indirect.gather [spmem:s2], $0x20, s14, s16, $0xb8;
	[tilespmem:$0x1ABA0] =	vst v63  }
0x2d: {  	s26 =	rddreg [dreg:$0x7]  }
0x2e: {  	[tilespmem:s18], [sflag:$0x1] =	stream.indirect.gather [spmem:s2], $0x20, s26, s16, $0xb8;
	[tilespmem:$0x1ABA0] =	vst v63  }
0x2f: {  	s28 =	sadd.s32 $0xFFFDC000, s10;
	_ =	swait.ge [sflag:s19], $0x1000  }
0x30: {  	s23 =	sshrl.u32 s28, $0x3;
	[sflag:s19] =	ssyncset.done $0x0  }
0x31: {  	s24 =	sadd.s32 s4, s23;
	[sflag:s19] =	ssyncadd.s32 $0xFFFFF000  }
0x32: {  	[hbm4b:s24+s20] =	stream.strided.scatter [tilespmem:s17], [sflag:$0x2], $0x1000, s16, s20, $0x38;
	[tilespmem:$0x1ABA0] =	vst v63  }
0x33: {  	_ =	swait.ge [sflag:s15], $0x1000  }
0x34: {  	[sflag:s15] =	ssyncset.done $0x0  }
0x35: {  	s29 =	rddreg [dreg:$0x8];
	[sflag:s15] =	ssyncadd.s32 $0xFFFFF000  }
0x36: {  	[tilespmem:s17], [sflag:$0x1] =	stream.indirect.gather [spmem:s2], $0x20, s29, s16, $0xb8;
	[tilespmem:$0x1ABA0] =	vst v63  }
0x37: {  	_ =	swait.ge [sflag:s19], $0x1000  }
0x38: {  	s30 =	rddreg [dreg:$0x6];
	[sflag:s19] =	ssyncset.done $0x0  }
0x39: {  	[sflag:s19] =	ssyncadd.s32 $0xFFFFF000;
	s23 =	sadd.s32 s23, s30  }
0x3a: {  	[hbm4b:s23+s20] =	stream.strided.scatter [tilespmem:s18], [sflag:$0x2], $0x1000, s16, s20, $0x38;
	[tilespmem:$0x1ABA0] =	vst v63  }
0x3b: {  	_ =	swait.ge [sflag:s15], $0x1000  }
0x3c: {  	[sflag:s15] =	ssyncset.done $0x0  }
0x3d: {  	s31 =	rddreg [dreg:$0x9];
	[sflag:s15] =	ssyncadd.s32 $0xFFFFF000  }
0x3e: {  	[tilespmem:s18], [sflag:$0x1] =	stream.indirect.gather [spmem:s2], $0x20, s31, s16, $0xb8;
	[tilespmem:$0x1ABA0] =	vst v63  }
0x3f: {  	s24 =	sadd.s32 $0xFFFE4000, s10;
	_ =	swait.ge [sflag:s19], $0x1000  }
0x40: {  	s23 =	sshrl.u32 s24, $0x3;
	[sflag:s19] =	ssyncset.done $0x0  }
0x41: {  	s23 =	sadd.s32 s4, s23;
	[sflag:s19] =	ssyncadd.s32 $0xFFFFF000  }
0x42: {  	[hbm4b:s23+s20] =	stream.strided.scatter [tilespmem:s17], [sflag:$0x2], $0x1000, s16, s20, $0x38;
	[tilespmem:$0x1ABA0] =	vst v63  }
0x43: {  	_ =	swait.ge [sflag:s15], $0x1000  }
0x44: {  	[sflag:s15] =	ssyncset.done $0x0  }
0x45: {  	s25 =	rddreg [dreg:$0xa];
	[sflag:s15] =	ssyncadd.s32 $0xFFFFF000  }
0x46: {  	[tilespmem:s17], [sflag:$0x1] =	stream.indirect.gather [spmem:s2], $0x20, s25, s16, $0xb8;
	[tilespmem:$0x1ABA0] =	vst v63  }
0x47: {  	s26 =	sadd.s32 $0xFFFE8000, s10;
	_ =	swait.ge [sflag:s19], $0x1000  }
0x48: {  	s23 =	sshrl.u32 s26, $0x3;
	[sflag:s19] =	ssyncset.done $0x0  }
0x49: {  	s23 =	sadd.s32 s4, s23;
	[sflag:s19] =	ssyncadd.s32 $0xFFFFF000  }
0x4a: {  	[hbm4b:s23+s20] =	stream.strided.scatter [tilespmem:s18], [sflag:$0x2], $0x1000, s16, s20, $0x38;
	[tilespmem:$0x1ABA0] =	vst v63  }
0x4b: {  	_ =	swait.ge [sflag:s15], $0x1000  }
0x4c: {  	[sflag:s15] =	ssyncset.done $0x0  }
0x4d: {  	s28 =	rddreg [dreg:$0xb];
	[sflag:s15] =	ssyncadd.s32 $0xFFFFF000  }
0x4e: {  	[tilespmem:s18], [sflag:$0x1] =	stream.indirect.gather [spmem:s2], $0x20, s28, s16, $0xb8;
	[tilespmem:$0x1ABA0] =	vst v63  }
0x4f: {  	s29 =	sadd.s32 $0xFFFEC000, s10;
	_ =	swait.ge [sflag:s19], $0x1000  }
0x50: {  	s23 =	sshrl.u32 s29, $0x3;
	[sflag:s19] =	ssyncset.done $0x0  }
0x51: {  	s23 =	sadd.s32 s4, s23;
	[sflag:s19] =	ssyncadd.s32 $0xFFFFF000  }
0x52: {  	[hbm4b:s23+s20] =	stream.strided.scatter [tilespmem:s17], [sflag:$0x2], $0x1000, s16, s20, $0x38;
	[tilespmem:$0x1ABA0] =	vst v63  }
0x53: {  	_ =	swait.ge [sflag:s15], $0x1000  }
0x54: {  	[sflag:s15] =	ssyncset.done $0x0  }
0x55: {  	s30 =	rddreg [dreg:$0xc];
	[sflag:s15] =	ssyncadd.s32 $0xFFFFF000  }
0x56: {  	[tilespmem:s17], [sflag:$0x1] =	stream.indirect.gather [spmem:s2], $0x20, s30, s16, $0xb8;
	[tilespmem:$0x1ABA0] =	vst v63  }
0x57: {  	s31 =	sadd.s32 $0xFFFF0000, s10;
	_ =	swait.ge [sflag:s19], $0x1000  }
0x58: {  	s23 =	sshrl.u32 s31, $0x3;
	[sflag:s19] =	ssyncset.done $0x0  }
0x59: {  	s23 =	sadd.s32 s4, s23;
	[sflag:s19] =	ssyncadd.s32 $0xFFFFF000  }
0x5a: {  	[hbm4b:s23+s20] =	stream.strided.scatter [tilespmem:s18], [sflag:$0x2], $0x1000, s16, s20, $0x38;
	[tilespmem:$0x1ABA0] =	vst v63  }
0x5b: {  	_ =	swait.ge [sflag:s15], $0x1000  }
0x5c: {  	[sflag:s15] =	ssyncset.done $0x0  }
0x5d: {  	s24 =	rddreg [dreg:$0xd];
	[sflag:s15] =	ssyncadd.s32 $0xFFFFF000  }
0x5e: {  	[tilespmem:s18], [sflag:$0x1] =	stream.indirect.gather [spmem:s2], $0x20, s24, s16, $0xb8;
	[tilespmem:$0x1ABA0] =	vst v63  }
0x5f: {  	s25 =	sadd.s32 $0xFFFF4000, s10;
	_ =	swait.ge [sflag:s19], $0x1000  }
0x60: {  	s23 =	sshrl.u32 s25, $0x3;
	[sflag:s19] =	ssyncset.done $0x0  }
0x61: {  	s23 =	sadd.s32 s4, s23;
	[sflag:s19] =	ssyncadd.s32 $0xFFFFF000  }
0x62: {  	[hbm4b:s23+s20] =	stream.strided.scatter [tilespmem:s17], [sflag:$0x2], $0x1000, s16, s20, $0x38;
	[tilespmem:$0x1ABA0] =	vst v63  }
0x63: {  	_ =	swait.ge [sflag:s15], $0x1000  }
0x64: {  	[sflag:s15] =	ssyncset.done $0x0  }
0x65: {  	s26 =	rddreg [dreg:$0xe];
	[sflag:s15] =	ssyncadd.s32 $0xFFFFF000  }
0x66: {  	[tilespmem:s17], [sflag:$0x1] =	stream.indirect.gather [spmem:s2], $0x20, s26, s16, $0xb8;
	[tilespmem:$0x1ABA0] =	vst v63  }
0x67: {  	s28 =	sadd.s32 $0xFFFF8000, s10;
	_ =	swait.ge [sflag:s19], $0x1000  }
0x68: {  	s23 =	sshrl.u32 s28, $0x3;
	[sflag:s19] =	ssyncset.done $0x0  }
0x69: {  	s23 =	sadd.s32 s4, s23;
	[sflag:s19] =	ssyncadd.s32 $0xFFFFF000  }
0x6a: {  	[hbm4b:s23+s20] =	stream.strided.scatter [tilespmem:s18], [sflag:$0x2], $0x1000, s16, s20, $0x38;
	[tilespmem:$0x1ABA0] =	vst v63  }
0x6b: {  	_ =	swait.ge [sflag:s15], $0x1000  }
0x6c: {  	[sflag:s15] =	ssyncset.done $0x0  }
0x6d: {  	s29 =	rddreg [dreg:$0xf];
	[sflag:s15] =	ssyncadd.s32 $0xFFFFF000  }
0x6e: {  	[tilespmem:s18], [sflag:$0x1] =	stream.indirect.gather [spmem:s2], $0x20, s29, s16, $0xb8;
	[tilespmem:$0x1ABA0] =	vst v63  }
0x6f: {  	s30 =	sadd.s32 $0xFFFFC000, s10;
	_ =	swait.ge [sflag:s19], $0x1000  }
0x70: {  	s23 =	sshrl.u32 s30, $0x3;
	[sflag:s19] =	ssyncset.done $0x0  }
0x71: {  	s23 =	sadd.s32 s4, s23;
	[sflag:s19] =	ssyncadd.s32 $0xFFFFF000  }
0x72: {  	[hbm4b:s23+s20] =	stream.strided.scatter [tilespmem:s17], [sflag:$0x2], $0x1000, s16, s20, $0x38;
	[tilespmem:$0x1ABA0] =	vst v63  }
0x73: {  	_ =	swait.ge [sflag:s15], $0x1000  }
0x74: {  	[sflag:s15] =	ssyncset.done $0x0  }
0x75: {  	[sflag:s15] =	ssyncadd.s32 $0xFFFFF000  }
0x76: {  	p2 =	sne.s32 s22, $0x1;
	_ =	swait.ge [sflag:s19], $0x1000  }
.Ltmp1:
0x77: {  	s31 =	sshrl.u32 s10, $0x3;
	[sflag:s19] =	ssyncset.done $0x0;
	(pc) =	sbr.rel @!p2 .LBB2_4-.Ltmp1, $4  }
0x78: {  	p1 =	por $0x1, $0x1;
	s23 =	sadd.s32 s4, s31;
	[sflag:s19] =	ssyncadd.s32 $0xFFFFF000  }
0x79: {  	[hbm4b:s23+s20] =	stream.strided.scatter [tilespmem:s18], [sflag:$0x2], $0x1000, s16, s20, $0x38;
	[tilespmem:$0x1ABA0] =	vst v63  }
0x7a: {  	s24 =	sadd.s32 $0xFFFFFFFF, s22;
	s22 =	smov.u32 s10;
	_ =	swait.ge [sflag:s15], $0x1000  }
0x7b: {  	s23 =	smov.u32 s9;
	s25 =	rddreg [dreg:$0x5];
	[sflag:s15] =	ssyncset.done $0x0  }
.LBB2_5:
0x7c: {  	s23 =	sadd.s32 $0xA000, s23  }
0x7d: {  	s26 =	sshrl.u32 s23, $0x3  }
0x7e: {  	[sflag:s15] =	ssyncadd.s32 $0xFFFFF000;
	s25 =	sadd.s32 s25, s26  }
0x7f: {  	[tilespmem:s14], [sflag:$0x2] =	stream.linear.gather [hbm4b:s25+s3], $0x500, $0x38;
	[tilespmem:$0x1ABA0] =	vst v63  }
0x80: {  	_ =	swait.ge [sflag:s15], $0x500  }
0x81: {  	[sflag:s15] =	ssyncset.done $0x0  }
0x82: {  	[sflag:s15] =	ssyncadd.s32 $0xFFFFFB00  }
0x83: {  	[tilespmem:s17], [sflag:$0x1] =	stream.indirect.gather [spmem:s2], $0x20, s14, s16, $0xb8;
	[tilespmem:$0x1ABA0] =	vst v63  }
0x84: {  	s22 =	sadd.s32 $0x500000, s22;
	s26 =	rddreg [dreg:$0x7]  }
0x85: {  	[tilespmem:s18], [sflag:$0x1] =	stream.indirect.gather [spmem:s2], $0x20, s26, s16, $0xb8;
	[tilespmem:$0x1ABA0] =	vst v63  }
0x86: {  	s28 =	sadd.s32 $0xFFFDC000, s22;
	_ =	swait.ge [sflag:s19], $0x1000  }
0x87: {  	s25 =	sshrl.u32 s28, $0x3;
	[sflag:s19] =	ssyncset.done $0x0  }
0x88: {  	s29 =	sadd.s32 s4, s25;
	[sflag:s19] =	ssyncadd.s32 $0xFFFFF000  }
0x89: {  	[hbm4b:s29+s20] =	stream.strided.scatter [tilespmem:s17], [sflag:$0x2], $0x1000, s16, s20, $0x38;
	[tilespmem:$0x1ABA0] =	vst v63  }
0x8a: {  	_ =	swait.ge [sflag:s15], $0x1000  }
0x8b: {  	[sflag:s15] =	ssyncset.done $0x0  }
0x8c: {  	s30 =	rddreg [dreg:$0x8];
	[sflag:s15] =	ssyncadd.s32 $0xFFFFF000  }
0x8d: {  	[tilespmem:s17], [sflag:$0x1] =	stream.indirect.gather [spmem:s2], $0x20, s30, s16, $0xb8;
	[tilespmem:$0x1ABA0] =	vst v63  }
0x8e: {  	_ =	swait.ge [sflag:s19], $0x1000  }
0x8f: {  	s31 =	rddreg [dreg:$0x6];
	[sflag:s19] =	ssyncset.done $0x0  }
0x90: {  	[sflag:s19] =	ssyncadd.s32 $0xFFFFF000;
	s25 =	sadd.s32 s25, s31  }
0x91: {  	[hbm4b:s25+s20] =	stream.strided.scatter [tilespmem:s18], [sflag:$0x2], $0x1000, s16, s20, $0x38;
	[tilespmem:$0x1ABA0] =	vst v63  }
0x92: {  	_ =	swait.ge [sflag:s15], $0x1000  }
0x93: {  	[sflag:s15] =	ssyncset.done $0x0  }
0x94: {  	s26 =	rddreg [dreg:$0x9];
	[sflag:s15] =	ssyncadd.s32 $0xFFFFF000  }
0x95: {  	[tilespmem:s18], [sflag:$0x1] =	stream.indirect.gather [spmem:s2], $0x20, s26, s16, $0xb8;
	[tilespmem:$0x1ABA0] =	vst v63  }
0x96: {  	s28 =	sadd.s32 $0xFFFE4000, s22;
	_ =	swait.ge [sflag:s19], $0x1000  }
0x97: {  	s25 =	sshrl.u32 s28, $0x3;
	[sflag:s19] =	ssyncset.done $0x0  }
0x98: {  	s25 =	sadd.s32 s4, s25;
	[sflag:s19] =	ssyncadd.s32 $0xFFFFF000  }
0x99: {  	[hbm4b:s25+s20] =	stream.strided.scatter [tilespmem:s17], [sflag:$0x2], $0x1000, s16, s20, $0x38;
	[tilespmem:$0x1ABA0] =	vst v63  }
0x9a: {  	_ =	swait.ge [sflag:s15], $0x1000  }
0x9b: {  	[sflag:s15] =	ssyncset.done $0x0  }
0x9c: {  	s29 =	rddreg [dreg:$0xa];
	[sflag:s15] =	ssyncadd.s32 $0xFFFFF000  }
0x9d: {  	[tilespmem:s17], [sflag:$0x1] =	stream.indirect.gather [spmem:s2], $0x20, s29, s16, $0xb8;
	[tilespmem:$0x1ABA0] =	vst v63  }
0x9e: {  	s30 =	sadd.s32 $0xFFFE8000, s22;
	_ =	swait.ge [sflag:s19], $0x1000  }
0x9f: {  	s25 =	sshrl.u32 s30, $0x3;
	[sflag:s19] =	ssyncset.done $0x0  }
0xa0: {  	s25 =	sadd.s32 s4, s25;
	[sflag:s19] =	ssyncadd.s32 $0xFFFFF000  }
0xa1: {  	[hbm4b:s25+s20] =	stream.strided.scatter [tilespmem:s18], [sflag:$0x2], $0x1000, s16, s20, $0x38;
	[tilespmem:$0x1ABA0] =	vst v63  }
0xa2: {  	_ =	swait.ge [sflag:s15], $0x1000  }
0xa3: {  	[sflag:s15] =	ssyncset.done $0x0  }
0xa4: {  	s31 =	rddreg [dreg:$0xb];
	[sflag:s15] =	ssyncadd.s32 $0xFFFFF000  }
0xa5: {  	[tilespmem:s18], [sflag:$0x1] =	stream.indirect.gather [spmem:s2], $0x20, s31, s16, $0xb8;
	[tilespmem:$0x1ABA0] =	vst v63  }
0xa6: {  	s26 =	sadd.s32 $0xFFFEC000, s22;
	_ =	swait.ge [sflag:s19], $0x1000  }
0xa7: {  	s25 =	sshrl.u32 s26, $0x3;
	[sflag:s19] =	ssyncset.done $0x0  }
0xa8: {  	s25 =	sadd.s32 s4, s25;
	[sflag:s19] =	ssyncadd.s32 $0xFFFFF000  }
0xa9: {  	[hbm4b:s25+s20] =	stream.strided.scatter [tilespmem:s17], [sflag:$0x2], $0x1000, s16, s20, $0x38;
	[tilespmem:$0x1ABA0] =	vst v63  }
0xaa: {  	_ =	swait.ge [sflag:s15], $0x1000  }
0xab: {  	[sflag:s15] =	ssyncset.done $0x0  }
0xac: {  	s28 =	rddreg [dreg:$0xc];
	[sflag:s15] =	ssyncadd.s32 $0xFFFFF000  }
0xad: {  	[tilespmem:s17], [sflag:$0x1] =	stream.indirect.gather [spmem:s2], $0x20, s28, s16, $0xb8;
	[tilespmem:$0x1ABA0] =	vst v63  }
0xae: {  	s29 =	sadd.s32 $0xFFFF0000, s22;
	_ =	swait.ge [sflag:s19], $0x1000  }
0xaf: {  	s25 =	sshrl.u32 s29, $0x3;
	[sflag:s19] =	ssyncset.done $0x0  }
0xb0: {  	s25 =	sadd.s32 s4, s25;
	[sflag:s19] =	ssyncadd.s32 $0xFFFFF000  }
0xb1: {  	[hbm4b:s25+s20] =	stream.strided.scatter [tilespmem:s18], [sflag:$0x2], $0x1000, s16, s20, $0x38;
	[tilespmem:$0x1ABA0] =	vst v63  }
0xb2: {  	_ =	swait.ge [sflag:s15], $0x1000  }
0xb3: {  	[sflag:s15] =	ssyncset.done $0x0  }
0xb4: {  	s30 =	rddreg [dreg:$0xd];
	[sflag:s15] =	ssyncadd.s32 $0xFFFFF000  }
0xb5: {  	[tilespmem:s18], [sflag:$0x1] =	stream.indirect.gather [spmem:s2], $0x20, s30, s16, $0xb8;
	[tilespmem:$0x1ABA0] =	vst v63  }
0xb6: {  	s31 =	sadd.s32 $0xFFFF4000, s22;
	_ =	swait.ge [sflag:s19], $0x1000  }
0xb7: {  	s25 =	sshrl.u32 s31, $0x3;
	[sflag:s19] =	ssyncset.done $0x0  }
0xb8: {  	s25 =	sadd.s32 s4, s25;
	[sflag:s19] =	ssyncadd.s32 $0xFFFFF000  }
0xb9: {  	[hbm4b:s25+s20] =	stream.strided.scatter [tilespmem:s17], [sflag:$0x2], $0x1000, s16, s20, $0x38;
	[tilespmem:$0x1ABA0] =	vst v63  }
0xba: {  	_ =	swait.ge [sflag:s15], $0x1000  }
0xbb: {  	[sflag:s15] =	ssyncset.done $0x0  }
0xbc: {  	s26 =	rddreg [dreg:$0xe];
	[sflag:s15] =	ssyncadd.s32 $0xFFFFF000  }
0xbd: {  	[tilespmem:s17], [sflag:$0x1] =	stream.indirect.gather [spmem:s2], $0x20, s26, s16, $0xb8;
	[tilespmem:$0x1ABA0] =	vst v63  }
0xbe: {  	s28 =	sadd.s32 $0xFFFF8000, s22;
	_ =	swait.ge [sflag:s19], $0x1000  }
0xbf: {  	s25 =	sshrl.u32 s28, $0x3;
	[sflag:s19] =	ssyncset.done $0x0  }
0xc0: {  	s25 =	sadd.s32 s4, s25;
	[sflag:s19] =	ssyncadd.s32 $0xFFFFF000  }
0xc1: {  	[hbm4b:s25+s20] =	stream.strided.scatter [tilespmem:s18], [sflag:$0x2], $0x1000, s16, s20, $0x38;
	[tilespmem:$0x1ABA0] =	vst v63  }
0xc2: {  	_ =	swait.ge [sflag:s15], $0x1000  }
0xc3: {  	[sflag:s15] =	ssyncset.done $0x0  }
0xc4: {  	s29 =	rddreg [dreg:$0xf];
	[sflag:s15] =	ssyncadd.s32 $0xFFFFF000  }
0xc5: {  	[tilespmem:s18], [sflag:$0x1] =	stream.indirect.gather [spmem:s2], $0x20, s29, s16, $0xb8;
	[tilespmem:$0x1ABA0] =	vst v63  }
0xc6: {  	s30 =	sadd.s32 $0xFFFFC000, s22;
	_ =	swait.ge [sflag:s19], $0x1000  }
0xc7: {  	s25 =	sshrl.u32 s30, $0x3;
	[sflag:s19] =	ssyncset.done $0x0  }
0xc8: {  	s25 =	sadd.s32 s4, s25;
	[sflag:s19] =	ssyncadd.s32 $0xFFFFF000  }
0xc9: {  	[hbm4b:s25+s20] =	stream.strided.scatter [tilespmem:s17], [sflag:$0x2], $0x1000, s16, s20, $0x38;
	[tilespmem:$0x1ABA0] =	vst v63  }
0xca: {  	_ =	swait.ge [sflag:s15], $0x1000  }
0xcb: {  	[sflag:s15] =	ssyncset.done $0x0  }
0xcc: {  	[sflag:s15] =	ssyncadd.s32 $0xFFFFF000  }
0xcd: {  	p2 =	sne.s32 s24, $0x1;
	_ =	swait.ge [sflag:s19], $0x1000  }
.Ltmp2:
0xce: {  	s31 =	sshrl.u32 s22, $0x3;
	[sflag:s19] =	ssyncset.done $0x0;
	(pc) =	sbr.rel @p2 .LBB2_5-.Ltmp2, $4  }
0xcf: {  	s25 =	sadd.s32 s4, s31;
	[sflag:s19] =	ssyncadd.s32 $0xFFFFF000  }
0xd0: {  	[hbm4b:s25+s20] =	stream.strided.scatter [tilespmem:s18], [sflag:$0x2], $0x1000, s16, s20, $0x38;
	[tilespmem:$0x1ABA0] =	vst v63  }
0xd1: {  	_ =	swait.ge [sflag:s15], $0x1000  }
0xd2: {  	s24 =	sadd.s32 $0xFFFFFFFF, s24;
	s25 =	rddreg [dreg:$0x5];
	[sflag:s15] =	ssyncset.done $0x0  }
.LBB2_6:
0xd3: {  	s23 =	sadd.s32 @p1 $0xA000, s23;
	s24 =	smov.u32 s9  }
0xd4: {  	s24 =	smov.u32 @p1 s23  }
0xd5: {  	s23 =	sshrl.u32 s24, $0x3  }
0xd6: {  	[sflag:s15] =	ssyncadd.s32 @p1 $0xFFFFF000;
	s23 =	sadd.s32 s25, s23  }
0xd7: {  	[tilespmem:s14], [sflag:$0x2] =	stream.linear.gather [hbm4b:s23+s3], $0x500, $0x38;
	[tilespmem:$0x1ABA0] =	vst v63  }
0xd8: {  	_ =	swait.ge [sflag:s15], $0x500  }
0xd9: {  	[sflag:s15] =	ssyncset.done $0x0  }
0xda: {  	s24 =	sadd.s32 @p1 $0x500000, s22;
	s22 =	smov.u32 s10;
	[sflag:s15] =	ssyncadd.s32 $0xFFFFFB00  }
0xdb: {  	[tilespmem:s17], [sflag:$0x1] =	stream.indirect.gather [spmem:s2], $0x20, s14, s16, $0xb8;
	[tilespmem:$0x1ABA0] =	vst v63  }
0xdc: {  	s22 =	smov.u32 @p1 s24;
	s26 =	rddreg [dreg:$0x7]  }
0xdd: {  	[tilespmem:s18], [sflag:$0x1] =	stream.indirect.gather [spmem:s2], $0x20, s26, s16, $0xb8;
	[tilespmem:$0x1ABA0] =	vst v63  }
0xde: {  	s28 =	sadd.s32 $0xFFFDC000, s22;
	_ =	swait.ge [sflag:s19], $0x1000  }
0xdf: {  	s23 =	sshrl.u32 s28, $0x3;
	[sflag:s19] =	ssyncset.done $0x0  }
0xe0: {  	s29 =	sadd.s32 s4, s23;
	[sflag:s19] =	ssyncadd.s32 $0xFFFFF000  }
0xe1: {  	[hbm4b:s29+s20] =	stream.strided.scatter [tilespmem:s17], [sflag:$0x2], $0x1000, s16, s20, $0x38;
	[tilespmem:$0x1ABA0] =	vst v63  }
0xe2: {  	_ =	swait.ge [sflag:s15], $0x1000  }
0xe3: {  	[sflag:s15] =	ssyncset.done $0x0  }
0xe4: {  	s30 =	rddreg [dreg:$0x8];
	[sflag:s15] =	ssyncadd.s32 $0xFFFFF000  }
0xe5: {  	[tilespmem:s17], [sflag:$0x1] =	stream.indirect.gather [spmem:s2], $0x20, s30, s16, $0xb8;
	[tilespmem:$0x1ABA0] =	vst v63  }
0xe6: {  	_ =	swait.ge [sflag:s19], $0x1000  }
0xe7: {  	s31 =	rddreg [dreg:$0x6];
	[sflag:s19] =	ssyncset.done $0x0  }
0xe8: {  	[sflag:s19] =	ssyncadd.s32 $0xFFFFF000;
	s23 =	sadd.s32 s23, s31  }
0xe9: {  	[hbm4b:s23+s20] =	stream.strided.scatter [tilespmem:s18], [sflag:$0x2], $0x1000, s16, s20, $0x38;
	[tilespmem:$0x1ABA0] =	vst v63  }
0xea: {  	_ =	swait.ge [sflag:s15], $0x1000  }
0xeb: {  	[sflag:s15] =	ssyncset.done $0x0  }
0xec: {  	s24 =	rddreg [dreg:$0x9];
	[sflag:s15] =	ssyncadd.s32 $0xFFFFF000  }
0xed: {  	[tilespmem:s18], [sflag:$0x1] =	stream.indirect.gather [spmem:s2], $0x20, s24, s16, $0xb8;
	[tilespmem:$0x1ABA0] =	vst v63  }
0xee: {  	s25 =	sadd.s32 $0xFFFE4000, s22;
	_ =	swait.ge [sflag:s19], $0x1000  }
0xef: {  	s23 =	sshrl.u32 s25, $0x3;
	[sflag:s19] =	ssyncset.done $0x0  }
0xf0: {  	s23 =	sadd.s32 s4, s23;
	[sflag:s19] =	ssyncadd.s32 $0xFFFFF000  }
0xf1: {  	[hbm4b:s23+s20] =	stream.strided.scatter [tilespmem:s17], [sflag:$0x2], $0x1000, s16, s20, $0x38;
	[tilespmem:$0x1ABA0] =	vst v63  }
0xf2: {  	_ =	swait.ge [sflag:s15], $0x1000  }
0xf3: {  	[sflag:s15] =	ssyncset.done $0x0  }
0xf4: {  	s26 =	rddreg [dreg:$0xa];
	[sflag:s15] =	ssyncadd.s32 $0xFFFFF000  }
0xf5: {  	[tilespmem:s17], [sflag:$0x1] =	stream.indirect.gather [spmem:s2], $0x20, s26, s16, $0xb8;
	[tilespmem:$0x1ABA0] =	vst v63  }
0xf6: {  	s28 =	sadd.s32 $0xFFFE8000, s22;
	_ =	swait.ge [sflag:s19], $0x1000  }
0xf7: {  	s23 =	sshrl.u32 s28, $0x3;
	[sflag:s19] =	ssyncset.done $0x0  }
0xf8: {  	s23 =	sadd.s32 s4, s23;
	[sflag:s19] =	ssyncadd.s32 $0xFFFFF000  }
0xf9: {  	[hbm4b:s23+s20] =	stream.strided.scatter [tilespmem:s18], [sflag:$0x2], $0x1000, s16, s20, $0x38;
	[tilespmem:$0x1ABA0] =	vst v63  }
0xfa: {  	_ =	swait.ge [sflag:s15], $0x1000  }
0xfb: {  	[sflag:s15] =	ssyncset.done $0x0  }
0xfc: {  	s29 =	rddreg [dreg:$0xb];
	[sflag:s15] =	ssyncadd.s32 $0xFFFFF000  }
0xfd: {  	[tilespmem:s18], [sflag:$0x1] =	stream.indirect.gather [spmem:s2], $0x20, s29, s16, $0xb8;
	[tilespmem:$0x1ABA0] =	vst v63  }
0xfe: {  	s30 =	sadd.s32 $0xFFFEC000, s22;
	_ =	swait.ge [sflag:s19], $0x1000  }
0xff: {  	s23 =	sshrl.u32 s30, $0x3;
	[sflag:s19] =	ssyncset.done $0x0  }
0x100: {  	s23 =	sadd.s32 s4, s23;
	[sflag:s19] =	ssyncadd.s32 $0xFFFFF000  }
0x101: {  	[hbm4b:s23+s20] =	stream.strided.scatter [tilespmem:s17], [sflag:$0x2], $0x1000, s16, s20, $0x38;
	[tilespmem:$0x1ABA0] =	vst v63  }
0x102: {  	_ =	swait.ge [sflag:s15], $0x1000  }
0x103: {  	[sflag:s15] =	ssyncset.done $0x0  }
0x104: {  	s31 =	rddreg [dreg:$0xc];
	[sflag:s15] =	ssyncadd.s32 $0xFFFFF000  }
0x105: {  	[tilespmem:s17], [sflag:$0x1] =	stream.indirect.gather [spmem:s2], $0x20, s31, s16, $0xb8;
	[tilespmem:$0x1ABA0] =	vst v63  }
0x106: {  	s24 =	sadd.s32 $0xFFFF0000, s22;
	_ =	swait.ge [sflag:s19], $0x1000  }
0x107: {  	s23 =	sshrl.u32 s24, $0x3;
	[sflag:s19] =	ssyncset.done $0x0  }
0x108: {  	s23 =	sadd.s32 s4, s23;
	[sflag:s19] =	ssyncadd.s32 $0xFFFFF000  }
0x109: {  	[hbm4b:s23+s20] =	stream.strided.scatter [tilespmem:s18], [sflag:$0x2], $0x1000, s16, s20, $0x38;
	[tilespmem:$0x1ABA0] =	vst v63  }
0x10a: {  	_ =	swait.ge [sflag:s15], $0x1000  }
0x10b: {  	[sflag:s15] =	ssyncset.done $0x0  }
0x10c: {  	s25 =	rddreg [dreg:$0xd];
	[sflag:s15] =	ssyncadd.s32 $0xFFFFF000  }
0x10d: {  	[tilespmem:s18], [sflag:$0x1] =	stream.indirect.gather [spmem:s2], $0x20, s25, s16, $0xb8;
	[tilespmem:$0x1ABA0] =	vst v63  }
0x10e: {  	s26 =	sadd.s32 $0xFFFF4000, s22;
	_ =	swait.ge [sflag:s19], $0x1000  }
0x10f: {  	s23 =	sshrl.u32 s26, $0x3;
	[sflag:s19] =	ssyncset.done $0x0  }
0x110: {  	s23 =	sadd.s32 s4, s23;
	[sflag:s19] =	ssyncadd.s32 $0xFFFFF000  }
0x111: {  	[hbm4b:s23+s20] =	stream.strided.scatter [tilespmem:s17], [sflag:$0x2], $0x1000, s16, s20, $0x38;
	[tilespmem:$0x1ABA0] =	vst v63  }
0x112: {  	_ =	swait.ge [sflag:s15], $0x1000  }
0x113: {  	[sflag:s15] =	ssyncset.done $0x0  }
0x114: {  	s28 =	rddreg [dreg:$0xe];
	[sflag:s15] =	ssyncadd.s32 $0xFFFFF000  }
0x115: {  	[tilespmem:s17], [sflag:$0x1] =	stream.indirect.gather [spmem:s2], $0x20, s28, s16, $0xb8;
	[tilespmem:$0x1ABA0] =	vst v63  }
0x116: {  	s29 =	sadd.s32 $0xFFFF8000, s22;
	_ =	swait.ge [sflag:s19], $0x1000  }
0x117: {  	s23 =	sshrl.u32 s29, $0x3;
	[sflag:s19] =	ssyncset.done $0x0  }
0x118: {  	s23 =	sadd.s32 s4, s23;
	[sflag:s19] =	ssyncadd.s32 $0xFFFFF000  }
0x119: {  	[hbm4b:s23+s20] =	stream.strided.scatter [tilespmem:s18], [sflag:$0x2], $0x1000, s16, s20, $0x38;
	[tilespmem:$0x1ABA0] =	vst v63  }
0x11a: {  	_ =	swait.ge [sflag:s15], $0x1000  }
0x11b: {  	[sflag:s15] =	ssyncset.done $0x0  }
0x11c: {  	s30 =	rddreg [dreg:$0xf];
	[sflag:s15] =	ssyncadd.s32 $0xFFFFF000  }
0x11d: {  	[tilespmem:s18], [sflag:$0x1] =	stream.indirect.gather [spmem:s2], $0x20, s30, s16, $0xb8;
	[tilespmem:$0x1ABA0] =	vst v63  }
0x11e: {  	s31 =	sadd.s32 $0xFFFFC000, s22;
	_ =	swait.ge [sflag:s19], $0x1000  }
0x11f: {  	s23 =	sshrl.u32 s31, $0x3;
	[sflag:s19] =	ssyncset.done $0x0  }
0x120: {  	s23 =	sadd.s32 s4, s23;
	[sflag:s19] =	ssyncadd.s32 $0xFFFFF000  }
0x121: {  	[hbm4b:s23+s20] =	stream.strided.scatter [tilespmem:s17], [sflag:$0x2], $0x1000, s16, s20, $0x38;
	[tilespmem:$0x1ABA0] =	vst v63  }
0x122: {  	_ =	swait.ge [sflag:s15], $0x1000  }
0x123: {  	[sflag:s15] =	ssyncset.done $0x0  }
0x124: {  	[sflag:s15] =	ssyncadd.s32 $0xFFFFF000  }
0x125: {  	_ =	swait.ge [sflag:s19], $0x1000  }
0x126: {  	s21 =	sadd.s32 $0x1, s21;
	s22 =	sshrl.u32 s22, $0x3;
	[sflag:s19] =	ssyncset.done $0x0  }
0x127: {  	p1 =	sne.s32 s21, s7;
	s22 =	sadd.s32 s4, s22;
	[sflag:s19] =	ssyncadd.s32 $0xFFFFF000  }
0x128: {  	[hbm4b:s22+s20] =	stream.strided.scatter [tilespmem:s18], [sflag:$0x2], $0x1000, s16, s20, $0x38;
	[tilespmem:$0x1ABA0] =	vst v63  }
.Ltmp3:
0x129: {  	_ = 	snop;
	(pc) =	sbr.rel @p1 .LBB2_1-.Ltmp3, $4  }
.Ltmp4:
0x12a: {  	_ = 	snop;
	(pc) =	sbr.rel @!p1 .LBB2_7-.Ltmp4, $4  }
0x12b: {  	_ =	swait.ge [sflag:s15], $0x1000  }
0x12c: {  	[sflag:s15] =	ssyncset.done $0x0  }
0x12d: {  	[sflag:s15] =	ssyncadd.s32 $0xFFFFF000  }
0x12e: {  	_ = 	snop  }
.LBB2_2:
.Ltmp5:
0x12f: {  	(pc) =	sbr.rel .LBB2_6-.Ltmp5, $2  }
0x130: {  	_ =	sdelay $0x2  }
0x131: {  	s23 =	smov.u32 s9;
	s22 =	smov.u32 s10  }
.LBB2_4:
.Ltmp6:
0x132: {  	(pc) =	sbr.rel .LBB2_6-.Ltmp6, $2  }
0x133: {  	_ =	sdelay $0x2  }
0x134: {  	s23 =	smov.u32 s9;
	s22 =	smov.u32 s10  }
.LBB2_7:
0x135: {  	_ =	sfence.sel $0x180000  }
0x136: {  	[bflag:$0x0] =	sbarrier.arrive $0xFFFF  }
0x137: {  	p0 =	sne.s32 s1, $0x0;
	_ =	strace $0x90000047  }
0x138: {  	s0 =	sadd.s32 @!p0 $0x100000, s0;
	[bflag:$0x2] =	sbarrier.arrive $0xFFFF  }
0x139: {  	[sflag:s0] =	ssyncadd.tile.s32 @!p0 $0x1;
	_ =	shalt  }
.Lfunc_end2:
_tile_overlayer_lowered:
.L_overlay_start_2:
0x13a: {  	(tag) =	ssettag $0x2  }
0x13b: {  	s0 =	rddreg [dreg:$0x0];
	s2 =	stileid.u32  }
0x13c: {  	s1 =	rddreg [dreg:$0x1];
	p0 =	sne.s32 s2, $0x0  }
0x13d: {  	s3 =	rddreg [dreg:$0x2];
	[bflag:$0x3] =	sbarrier.arrive $0xFFFF;
	s2 =	simm.s32 @!p0 $0x1C02  }
0x13e: {  	[timem:s3], [sflag:s2] =	dma.local @!p0 [hbm:s0], s1  }
0x13f: {  	s0 =	simm.s32 @!p0 $0x2  }
0x140: {  	_ =	swait.ge @!p0 [sflag:s0], s1  }
0x141: {  	s1 =	ssub.s32 @!p0 $0x0, s1;
	[sflag:s0] =	ssyncset.done @!p0 $0x0  }
0x142: {  	[sflag:s0] =	ssyncadd.s32 @!p0 s1  }
0x143: {  	[bflag:$0x3] =	sbarrier.arrive $0xFFFF  }
0x144: {  	_ =	shalt  }

</sc_bundles>
